<compile_context>
chip_gen: v7x
topology: tpu7x:2x2x1
jax: 0.10.2.dev20260603
libtpu: 0.0.44.dev20260713+nightly
codegen_flags: <defaults>
</compile_context>

<pallas_src>
import jax
import jax.numpy as jnp
from jax import lax
from jax.experimental import pallas as pl
from jax.experimental.pallas import tpu as pltpu
from jax.experimental.pallas import tpu_sc as plsc

_INFO = plsc.get_sparse_core_info()
_NC, _NS, _L = _INFO.num_cores, _INFO.num_subcores, _INFO.num_lanes
_NW = _NC * _NS

_B = 16384
_D = 64
_V = 1000000
_CW = 1024
_NCH = 61
_VMAIN = 16 * _NCH * _CW
_TAILW = 640
_PITCH = 1029
_LCAP = 1664
_CCAP = 64
_DUMP = _B
_BPW = _B // _NW

_MESH = plsc.VectorSubcoreMesh(core_axis_name="c", subcore_axis_name="s")


def _prefilter(idx_hbm, idx_vm, lidx, lpos, lo, hi, iota16):
    def init_body(v, c):
        lidx[pl.ds(v * _L, _L)] = jnp.full((_L,), -1, jnp.int32)
        lpos[pl.ds(v * _L, _L)] = _DUMP + iota16
        return c

    lax.fori_loop(0, _LCAP // _L, init_body, 0, unroll=8)

    off = 0
    for p in range(4):
        pltpu.sync_copy(idx_hbm.at[pl.ds(p * (_B // 4), _B // 4)], idx_vm)

        def scan_body(v, off, _p=p):
            iv = idx_vm[pl.ds(v * _L, _L)]
            pv = iota16 + (_p * (_B // 4) + v * _L)
            m = (iv >= lo) & (iv < hi)
            plsc.store_compressed(lidx.at[pl.ds(off, _L)], iv, mask=m)
            plsc.store_compressed(lpos.at[pl.ds(off, _L)], pv, mask=m)
            return off + plsc.all_reduce_population_count(m)[0]

        off = lax.fori_loop(0, _B // 4 // _L, scan_body, off, unroll=8)
    return off


def _rescan(lidx, lpos, c0, c1, crm, cpos, iota16, nlv):
    def init_body(v, c):
        crm[pl.ds(v * _L, _L)] = jnp.zeros((_L,), jnp.int32)
        cpos[pl.ds(v * _L, _L)] = _DUMP + iota16
        return c

    lax.fori_loop(0, _CCAP // _L, init_body, 0, unroll=4)

    def scan_body(v, off):
        iv = lidx[pl.ds(v * _L, _L)]
        pv = lpos[pl.ds(v * _L, _L)]
        m = (iv >= c0) & (iv < c1)
        plsc.store_compressed(crm.at[pl.ds(off, _L)], iv - c0, mask=m)
        plsc.store_compressed(cpos.at[pl.ds(off, _L)], pv, mask=m)
        return off + plsc.all_reduce_population_count(m)[0]

    return lax.fori_loop(0, nlv, scan_body, 0)


def _scan_table(idx_hbm, tabT_hbm, tail_hbm, stage_hbm, s, scale,
                idx_vm, w_v, stage, lidx, lpos, crm, cpos, obuf, opos,
                sem, osem, iota16):
    lo = s * (_NCH * _CW)
    hi = jnp.where(s == _NS - 1, _V, lo + _NCH * _CW)

    nl = _prefilter(idx_hbm, idx_vm, lidx, lpos, lo, hi, iota16)
    nlv = (nl + _L - 1) // _L

    def fire(f):
        c = f // 2
        h = f % 2
        is_tail = (s == _NS - 1) & (c == _NCH)
        col0 = lo + c * _CW

        @pl.when(c < _NCH)
        def _():
            pltpu.async_copy(
                tabT_hbm.at[pl.ds(32 * h, 32), pl.ds(col0, _CW)],
                stage.at[h, :, pl.ds(0, _CW)], sem)

        @pl.when(is_tail)
        def _():
            pltpu.async_copy(tail_hbm.at[pl.ds(32 * h, 32), :],
                             stage.at[h, :, pl.ds(0, _TAILW)], sem)

    def drain(f):
        c = f // 2
        h = f % 2
        is_tail = (s == _NS - 1) & (c == _NCH)

        @pl.when(c < _NCH)
        def _():
            pltpu.make_async_copy(
                tabT_hbm.at[pl.ds(0, 32), pl.ds(0, _CW)],
                stage.at[h, :, pl.ds(0, _CW)], sem).wait()

        @pl.when(is_tail)
        def _():
            pltpu.make_async_copy(
                tail_hbm.at[pl.ds(0, 32), :],
                stage.at[h, :, pl.ds(0, _TAILW)], sem).wait()

    fire(0)

    def half_body(f, nc):
        c = f // 2
        h = f % 2
        sslot = lax.rem(c, 2)
        is_tail = (s == _NS - 1) & (c == _NCH)
        active = (c < _NCH) | is_tail

        fire(f + 1)
        drain(f)

        c0 = jnp.where(is_tail, _VMAIN, lo + c * _CW)
        c1 = jnp.where(is_tail, _V, c0 + _CW)

        def on_h0(nc_):
            @pl.when(c >= 2)
            def _():
                pltpu.make_async_copy(
                    obuf.at[sslot], stage_hbm.at[opos.at[sslot]], osem).wait()

            return _rescan(lidx, lpos, c0, c1, crm, cpos, iota16, nlv)

        nc = lax.cond(active & (h == 0), on_h0, lambda x: x, nc)

        @pl.when(active)
        def _():
            h32 = h * 32
            wc = [w_v[pl.ds(h32 + cil * _L, _L)] for cil in range(2)]

            def elem_body(e, c2):
                rm = crm[pl.ds(e, _L)][0]
                for cil in range(2):
                    rows = iota16 + cil * _L
                    col = jnp.full((_L,), 0, jnp.int32) + rm
                    vals = plsc.load_gather(stage.at[h], [rows, col])
                    if scale:
                        vals = vals * wc[cil]
                    obuf[sslot, e, pl.ds(h32 + cil * _L, _L)] = vals
                return c2

            lax.fori_loop(0, nc, elem_body, 0)

        @pl.when(active & (h == 1))
        def _():
            for v in range(_CCAP // _L):
                opos[sslot, pl.ds(v * _L, _L)] = cpos[pl.ds(v * _L, _L)]
            pltpu.async_copy(obuf.at[sslot], stage_hbm.at[opos.at[sslot]],
                             osem)

        return nc

    lax.fori_loop(0, 2 * (_NCH + 1), half_body, 0)
    for slot in range(2):
        pltpu.make_async_copy(obuf.at[slot], stage_hbm.at[opos.at[slot]],
                              osem).wait()


def _scan_body(uidx_hbm, iidx_hbm, utabT_hbm, itabT_hbm, tailu_hbm,
               taili_hbm, w_hbm,
               ustage_hbm, istage_hbm,
               idx_vm, w_v, stage, lidx, lpos, crm, cpos, obuf, opos,
               sem, osem):
    sc = lax.axis_index("c")
    s = lax.axis_index("s")
    iota16 = lax.iota(jnp.int32, _L)
    pltpu.sync_copy(w_hbm, w_v)

    @pl.when(sc == 0)
    def _():
        _scan_table(uidx_hbm, utabT_hbm, tailu_hbm, ustage_hbm, s, True,
                    idx_vm, w_v, stage, lidx, lpos, crm, cpos, obuf, opos,
                    sem, osem, iota16)

    @pl.when(sc == 1)
    def _():
        _scan_table(iidx_hbm, itabT_hbm, taili_hbm, istage_hbm, s, False,
                    idx_vm, w_v, stage, lidx, lpos, crm, cpos, obuf, opos,
                    sem, osem, iota16)


def _combine_body(ustage_hbm, istage_hbm, b_hbm, out_hbm,
                  ubuf, ibuf, b_v, accbuf, outbuf, sem):
    wid = lax.axis_index("s") * _NC + lax.axis_index("c")
    base = wid * _BPW
    iota16 = lax.iota(jnp.int32, _L)
    pltpu.sync_copy(b_hbm, b_v)
    bias = b_v[...]

    def quarter_body(q, carry):
        rb = base + q * 128
        pltpu.sync_copy(ustage_hbm.at[pl.ds(rb, 128)], ubuf)
        pltpu.sync_copy(istage_hbm.at[pl.ds(rb, 128)], ibuf)

        def row_body(k, c2):
            acc = (ubuf[k, pl.ds(0, _L)] * ibuf[k, pl.ds(0, _L)]
                   + ubuf[k, pl.ds(_L, _L)] * ibuf[k, pl.ds(_L, _L)]
                   + ubuf[k, pl.ds(2 * _L, _L)] * ibuf[k, pl.ds(2 * _L, _L)]
                   + ubuf[k, pl.ds(3 * _L, _L)] * ibuf[k, pl.ds(3 * _L, _L)])
            accbuf[pl.ds((q * 128 + k) * 17, _L)] = acc
            return c2

        lax.fori_loop(0, 128, row_body, 0, unroll=4)
        return carry

    lax.fori_loop(0, _BPW // 128, quarter_body, 0)

    def grp_body(g, carry):
        flat = iota16 * 17 + g * (_L * 17)
        acc = bias
        for l in range(_L):
            acc = acc + plsc.load_gather(accbuf, [flat + l])
        outbuf[pl.ds(g * _L, _L)] = 1.0 / (1.0 + jnp.exp(-acc))
        return carry

    lax.fori_loop(0, _BPW // _L, grp_body, 0)
    pltpu.sync_copy(outbuf, out_hbm.at[pl.ds(base, _BPW)])


@jax.jit
def _gmf_call(uidx, iidx, utabT, itabT, tailu, taili, w_flat, b_vec):
    ustage, istage = pl.kernel(
        _scan_body,
        mesh=_MESH,
        out_type=(jax.ShapeDtypeStruct((_B + _L, 128), jnp.float32),
                  jax.ShapeDtypeStruct((_B + _L, 128), jnp.float32)),
        scratch_types=[
            pltpu.VMEM((_B // 4,), jnp.int32),
            pltpu.VMEM((_D,), jnp.float32),
            pltpu.VMEM((2, 32, _PITCH), jnp.float32),
            pltpu.VMEM((_LCAP,), jnp.int32),
            pltpu.VMEM((_LCAP,), jnp.int32),
            pltpu.VMEM((_CCAP + _L,), jnp.int32),
            pltpu.VMEM((_CCAP + _L,), jnp.int32),
            pltpu.VMEM((2, _CCAP, 128), jnp.float32),
            pltpu.VMEM((2, _CCAP), jnp.int32),
            pltpu.SemaphoreType.DMA,
            pltpu.SemaphoreType.DMA,
        ],
        compiler_params=pltpu.CompilerParams(needs_layout_passes=False),
    )(uidx, iidx, utabT, itabT, tailu, taili, w_flat)

    out = pl.kernel(
        _combine_body,
        mesh=_MESH,
        out_type=jax.ShapeDtypeStruct((_B,), jnp.float32),
        scratch_types=[
            pltpu.VMEM((128, 128), jnp.float32),
            pltpu.VMEM((128, 128), jnp.float32),
            pltpu.VMEM((_L,), jnp.float32),
            pltpu.VMEM((_BPW * 17,), jnp.float32),
            pltpu.VMEM((_BPW,), jnp.float32),
            pltpu.SemaphoreType.DMA,
        ],
        compiler_params=pltpu.CompilerParams(needs_layout_passes=False),
    )(ustage, istage, b_vec)
    return out


def kernel(user_indices, item_indices, user_table, item_table, affine_w,
           affine_b):
    uidx = user_indices.astype(jnp.int32)
    iidx = item_indices.astype(jnp.int32)
    utabT = user_table.T
    itabT = item_table.T
    tailu = jnp.pad(utabT[:, _VMAIN:], ((0, 0), (0, _TAILW - (_V - _VMAIN))))
    taili = jnp.pad(itabT[:, _VMAIN:], ((0, 0), (0, _TAILW - (_V - _VMAIN))))
    w_flat = affine_w.reshape(_D)
    b_vec = jnp.broadcast_to(affine_b.reshape(()), (_L,))
    out = _gmf_call(uidx, iidx, utabT, itabT, tailu, taili, w_flat, b_vec)
    return out.reshape(_B, 1)

# --- scband reference (transcript-rebuilt; emitter-appended) ---
"""Pipeline reference for scband-gmfmodel-45672682226333 (READ-ONLY COPY).

The authoritative reference and input builder live on the scoring server;
editing this copy changes nothing except your own understanding.
"""

import jax, jax.numpy as jnp
import numpy as np

NUM_USERS = 1000000
NUM_ITEMS = 1000000
LATENT_DIM = 64
BATCH = 16384

def setup_inputs(seed: int = 0) -> dict:
    key = jax.random.key(seed)
    k1, k2, k3, k4, k5, k6 = jax.random.split(key, 6)
    user_indices = jax.random.randint(k1, (BATCH,), 0, NUM_USERS, dtype=jnp.int64 if jax.config.read('jax_enable_x64') else jnp.int32)
    item_indices = jax.random.randint(k2, (BATCH,), 0, NUM_ITEMS, dtype=jnp.int64 if jax.config.read('jax_enable_x64') else jnp.int32)
    user_table = jax.random.normal(k3, (NUM_USERS, LATENT_DIM), dtype=jnp.float32)
    item_table = jax.random.normal(k4, (NUM_ITEMS, LATENT_DIM), dtype=jnp.float32)
    # affine_output: Linear(latent_dim -> 1), torch default init ~ U(-1/sqrt(fan_in), 1/sqrt(fan_in))
    bound = 1.0 / np.sqrt(LATENT_DIM)
    affine_w = jax.random.uniform(k5, (LATENT_DIM, 1), minval=-bound, maxval=bound, dtype=jnp.float32)
    affine_b = jax.random.uniform(k6, (1,), minval=-bound, maxval=bound, dtype=jnp.float32)
    return {
        'user_indices': user_indices,
        'item_indices': item_indices,
        'user_table': user_table,
        'item_table': item_table,
        'affine_w': affine_w,
        'affine_b': affine_b,
    }

def reference(user_indices, item_indices, user_table, item_table, affine_w, affine_b):
    user_embedding = jnp.take(user_table, user_indices, axis=0)   # [B, D]
    item_embedding = jnp.take(item_table, item_indices, axis=0)   # [B, D]
    element_product = user_embedding * item_embedding             # [B, D]
    logits = element_product @ affine_w + affine_b                # [B, 1]
    rating = jax.nn.sigmoid(logits)
    return rating

if __name__ == "__main__":
    import jax
    _d = setup_inputs()
    print(jax.jit(kernel)(*tuple(_d.values())))

</pallas_src>

<mosaic_0001>
#map = affine_map<(d0, d1) -> (0)>
#map1 = affine_map<(d0, d1) -> (0, 0)>
module attributes {stable_mosaic.version = 14 : i64} {
  func.func @_scan_body(%arg0: i32, %arg1: i32, %arg2: memref<16384xi32, #tpu.memory_space<hbm>>, %arg3: memref<16384xi32, #tpu.memory_space<hbm>>, %arg4: memref<64x1000000xf32, #tpu.memory_space<hbm>>, %arg5: memref<64x1000000xf32, #tpu.memory_space<hbm>>, %arg6: memref<64x640xf32, #tpu.memory_space<hbm>>, %arg7: memref<64x640xf32, #tpu.memory_space<hbm>>, %arg8: memref<64xf32, #tpu.memory_space<hbm>>, %arg9: memref<16400x128xf32, #tpu.memory_space<hbm>>, %arg10: memref<16400x128xf32, #tpu.memory_space<hbm>>, %arg11: memref<4096xi32, #tpu.memory_space<vmem>>, %arg12: memref<64xf32, #tpu.memory_space<vmem>>, %arg13: memref<2x32x1029xf32, #tpu.memory_space<vmem>>, %arg14: memref<1664xi32, #tpu.memory_space<vmem>>, %arg15: memref<1664xi32, #tpu.memory_space<vmem>>, %arg16: memref<80xi32, #tpu.memory_space<vmem>>, %arg17: memref<80xi32, #tpu.memory_space<vmem>>, %arg18: memref<2x64x128xf32, #tpu.memory_space<vmem>>, %arg19: memref<2x64xi32, #tpu.memory_space<vmem>>, %arg20: memref<!tpu.dma_semaphore, #tpu.memory_space<semaphore_mem>>, %arg21: memref<!tpu.dma_semaphore, #tpu.memory_space<semaphore_mem>>) attributes {dimension_semantics = [#tpu.dimension_semantics<core_parallel>, #tpu.dimension_semantics<subcore_parallel>], iteration_bounds = array<i64: 2, 16>, scalar_prefetch = 0 : i64, scratch_operands = 11 : i64, tpu.core_type = #tpu.core_type<sc_vector_subcore>, window_params = [{transform_indices = #map}, {transform_indices = #map}, {transform_indices = #map1}, {transform_indices = #map1}, {transform_indices = #map1}, {transform_indices = #map1}, {transform_indices = #map}, {transform_indices = #map1}, {transform_indices = #map1}]} {
    %iota3A = tpu.iota {dimensions = array<i32: 0>} : vector<16xi32>
    "tpu.region"() ({
      %run_scoped3A = tpu.sem_alloc : memref<!tpu.dma_semaphore, #tpu.memory_space<semaphore_mem>>
      tpu.enqueue_dma source(%arg8 : memref<64xf32, #tpu.memory_space<hbm>>) target(%arg12 : memref<64xf32, #tpu.memory_space<vmem>>) target_semaphore(%run_scoped3A : memref<!tpu.dma_semaphore, #tpu.memory_space<semaphore_mem>>)
      tpu.wait_dma2 semaphore(%run_scoped3A : memref<!tpu.dma_semaphore, #tpu.memory_space<semaphore_mem>>) src(%arg8 : memref<64xf32, #tpu.memory_space<hbm>>) dst(%arg12 : memref<64xf32, #tpu.memory_space<vmem>>)
      tpu.yield
    }) : () -> ()
    %eq3A = arith.constant 0 : i32
    %eq3A_0 = arith.cmpi eq, %arg0, %eq3A : i32
    %convert_element_type3A = arith.extui %eq3A_0 : i1 to i32
    %cond3A = arith.constant 0 : i32
    %cond3A_1 = arith.cmpi ne, %convert_element_type3A, %cond3A : i32
    scf.if %cond3A_1 {
      %mul3A = arith.constant 62464 : i32
      %mul3A_7 = arith.muli %arg1, %mul3A : i32
      %eq3A_8 = arith.constant 15 : i32
      %eq3A_9 = arith.cmpi eq, %arg1, %eq3A_8 : i32
      %add3A = arith.constant 62464 : i32
      %add3A_10 = arith.addi %mul3A_7, %add3A : i32
      %jit3A = arith.constant 1000000 : i32
      %select_n3A = arith.select %eq3A_9, %jit3A, %add3A_10 : i32
      %scan3A = arith.constant 0 : i32
      %scan3A_11 = arith.constant 0 : i32
      %scan3A_12 = arith.constant 104 : i32
      %scan3A_13 = arith.addi %scan3A_11, %scan3A_12 : i32
      %scan3A_14 = arith.constant 8 : i32
      scf.for %scan3A_114 = %scan3A_11 to %scan3A_13 step %scan3A_14  : i32 {
        %broadcast_in_dim3A = arith.constant -1 : i32
        %broadcast_in_dim3A_115 = vector.broadcast %broadcast_in_dim3A : i32 to vector<16xi32>
        %mul3A_116 = arith.constant 16 : i32
        %mul3A_117 = arith.muli %scan3A_114, %mul3A_116 : i32
        %swap3A = arith.index_cast %mul3A_117 : i32 to index
        %swap3A_118 = tpu.vector_load %arg14[%swap3A] {strides = array<i32>} : memref<1664xi32, #tpu.memory_space<vmem>>, vector<16xi32>,
        tpu.vector_store %arg14[%swap3A], %broadcast_in_dim3A_115 {strides = array<i32>} : memref<1664xi32, #tpu.memory_space<vmem>>, vector<16xi32>,
        %add3A_119 = arith.constant 16384 : i32
        %add3A_120 = vector.broadcast %add3A_119 : i32 to vector<16xi32>
        %add3A_121 = arith.addi %add3A_120, %iota3A : vector<16xi32>
        %mul3A_122 = arith.constant 16 : i32
        %mul3A_123 = arith.muli %scan3A_114, %mul3A_122 : i32
        %swap3A_124 = arith.index_cast %mul3A_123 : i32 to index
        %swap3A_125 = tpu.vector_load %arg15[%swap3A_124] {strides = array<i32>} : memref<1664xi32, #tpu.memory_space<vmem>>, vector<16xi32>,
        tpu.vector_store %arg15[%swap3A_124], %add3A_121 {strides = array<i32>} : memref<1664xi32, #tpu.memory_space<vmem>>, vector<16xi32>,
        %scan3A_126 = arith.constant 1 : i32
        %scan3A_127 = arith.addi %scan3A_114, %scan3A_126 : i32
        %broadcast_in_dim3A_128 = arith.constant -1 : i32
        %broadcast_in_dim3A_129 = vector.broadcast %broadcast_in_dim3A_128 : i32 to vector<16xi32>
        %mul3A_130 = arith.constant 16 : i32
        %mul3A_131 = arith.muli %scan3A_127, %mul3A_130 : i32
        %swap3A_132 = arith.index_cast %mul3A_131 : i32 to index
        %swap3A_133 = tpu.vector_load %arg14[%swap3A_132] {strides = array<i32>} : memref<1664xi32, #tpu.memory_space<vmem>>, vector<16xi32>,
        tpu.vector_store %arg14[%swap3A_132], %broadcast_in_dim3A_129 {strides = array<i32>} : memref<1664xi32, #tpu.memory_space<vmem>>, vector<16xi32>,
        %add3A_134 = arith.constant 16384 : i32
        %add3A_135 = vector.broadcast %add3A_134 : i32 to vector<16xi32>
        %add3A_136 = arith.addi %add3A_135, %iota3A : vector<16xi32>
        %mul3A_137 = arith.constant 16 : i32
        %mul3A_138 = arith.muli %scan3A_127, %mul3A_137 : i32
        %swap3A_139 = arith.index_cast %mul3A_138 : i32 to index
        %swap3A_140 = tpu.vector_load %arg15[%swap3A_139] {strides = array<i32>} : memref<1664xi32, #tpu.memory_space<vmem>>, vector<16xi32>,
        tpu.vector_store %arg15[%swap3A_139], %add3A_136 {strides = array<i32>} : memref<1664xi32, #tpu.memory_space<vmem>>, vector<16xi32>,
        %scan3A_141 = arith.constant 2 : i32
        %scan3A_142 = arith.addi %scan3A_114, %scan3A_141 : i32
        %broadcast_in_dim3A_143 = arith.constant -1 : i32
        %broadcast_in_dim3A_144 = vector.broadcast %broadcast_in_dim3A_143 : i32 to vector<16xi32>
        %mul3A_145 = arith.constant 16 : i32
        %mul3A_146 = arith.muli %scan3A_142, %mul3A_145 : i32
        %swap3A_147 = arith.index_cast %mul3A_146 : i32 to index
        %swap3A_148 = tpu.vector_load %arg14[%swap3A_147] {strides = array<i32>} : memref<1664xi32, #tpu.memory_space<vmem>>, vector<16xi32>,
        tpu.vector_store %arg14[%swap3A_147], %broadcast_in_dim3A_144 {strides = array<i32>} : memref<1664xi32, #tpu.memory_space<vmem>>, vector<16xi32>,
        %add3A_149 = arith.constant 16384 : i32
        %add3A_150 = vector.broadcast %add3A_149 : i32 to vector<16xi32>
        %add3A_151 = arith.addi %add3A_150, %iota3A : vector<16xi32>
        %mul3A_152 = arith.constant 16 : i32
        %mul3A_153 = arith.muli %scan3A_142, %mul3A_152 : i32
        %swap3A_154 = arith.index_cast %mul3A_153 : i32 to index
        %swap3A_155 = tpu.vector_load %arg15[%swap3A_154] {strides = array<i32>} : memref<1664xi32, #tpu.memory_space<vmem>>, vector<16xi32>,
        tpu.vector_store %arg15[%swap3A_154], %add3A_151 {strides = array<i32>} : memref<1664xi32, #tpu.memory_space<vmem>>, vector<16xi32>,
        %scan3A_156 = arith.constant 3 : i32
        %scan3A_157 = arith.addi %scan3A_114, %scan3A_156 : i32
        %broadcast_in_dim3A_158 = arith.constant -1 : i32
        %broadcast_in_dim3A_159 = vector.broadcast %broadcast_in_dim3A_158 : i32 to vector<16xi32>
        %mul3A_160 = arith.constant 16 : i32
        %mul3A_161 = arith.muli %scan3A_157, %mul3A_160 : i32
        %swap3A_162 = arith.index_cast %mul3A_161 : i32 to index
        %swap3A_163 = tpu.vector_load %arg14[%swap3A_162] {strides = array<i32>} : memref<1664xi32, #tpu.memory_space<vmem>>, vector<16xi32>,
        tpu.vector_store %arg14[%swap3A_162], %broadcast_in_dim3A_159 {strides = array<i32>} : memref<1664xi32, #tpu.memory_space<vmem>>, vector<16xi32>,
        %add3A_164 = arith.constant 16384 : i32
        %add3A_165 = vector.broadcast %add3A_164 : i32 to vector<16xi32>
        %add3A_166 = arith.addi %add3A_165, %iota3A : vector<16xi32>
        %mul3A_167 = arith.constant 16 : i32
        %mul3A_168 = arith.muli %scan3A_157, %mul3A_167 : i32
        %swap3A_169 = arith.index_cast %mul3A_168 : i32 to index
        %swap3A_170 = tpu.vector_load %arg15[%swap3A_169] {strides = array<i32>} : memref<1664xi32, #tpu.memory_space<vmem>>, vector<16xi32>,
        tpu.vector_store %arg15[%swap3A_169], %add3A_166 {strides = array<i32>} : memref<1664xi32, #tpu.memory_space<vmem>>, vector<16xi32>,
        %scan3A_171 = arith.constant 4 : i32
        %scan3A_172 = arith.addi %scan3A_114, %scan3A_171 : i32
        %broadcast_in_dim3A_173 = arith.constant -1 : i32
        %broadcast_in_dim3A_174 = vector.broadcast %broadcast_in_dim3A_173 : i32 to vector<16xi32>
        %mul3A_175 = arith.constant 16 : i32
        %mul3A_176 = arith.muli %scan3A_172, %mul3A_175 : i32
        %swap3A_177 = arith.index_cast %mul3A_176 : i32 to index
        %swap3A_178 = tpu.vector_load %arg14[%swap3A_177] {strides = array<i32>} : memref<1664xi32, #tpu.memory_space<vmem>>, vector<16xi32>,
        tpu.vector_store %arg14[%swap3A_177], %broadcast_in_dim3A_174 {strides = array<i32>} : memref<1664xi32, #tpu.memory_space<vmem>>, vector<16xi32>,
        %add3A_179 = arith.constant 16384 : i32
        %add3A_180 = vector.broadcast %add3A_179 : i32 to vector<16xi32>
        %add3A_181 = arith.addi %add3A_180, %iota3A : vector<16xi32>
        %mul3A_182 = arith.constant 16 : i32
        %mul3A_183 = arith.muli %scan3A_172, %mul3A_182 : i32
        %swap3A_184 = arith.index_cast %mul3A_183 : i32 to index
        %swap3A_185 = tpu.vector_load %arg15[%swap3A_184] {strides = array<i32>} : memref<1664xi32, #tpu.memory_space<vmem>>, vector<16xi32>,
        tpu.vector_store %arg15[%swap3A_184], %add3A_181 {strides = array<i32>} : memref<1664xi32, #tpu.memory_space<vmem>>, vector<16xi32>,
        %scan3A_186 = arith.constant 5 : i32
        %scan3A_187 = arith.addi %scan3A_114, %scan3A_186 : i32
        %broadcast_in_dim3A_188 = arith.constant -1 : i32
        %broadcast_in_dim3A_189 = vector.broadcast %broadcast_in_dim3A_188 : i32 to vector<16xi32>
        %mul3A_190 = arith.constant 16 : i32
        %mul3A_191 = arith.muli %scan3A_187, %mul3A_190 : i32
        %swap3A_192 = arith.index_cast %mul3A_191 : i32 to index
        %swap3A_193 = tpu.vector_load %arg14[%swap3A_192] {strides = array<i32>} : memref<1664xi32, #tpu.memory_space<vmem>>, vector<16xi32>,
        tpu.vector_store %arg14[%swap3A_192], %broadcast_in_dim3A_189 {strides = array<i32>} : memref<1664xi32, #tpu.memory_space<vmem>>, vector<16xi32>,
        %add3A_194 = arith.constant 16384 : i32
        %add3A_195 = vector.broadcast %add3A_194 : i32 to vector<16xi32>
        %add3A_196 = arith.addi %add3A_195, %iota3A : vector<16xi32>
        %mul3A_197 = arith.constant 16 : i32
        %mul3A_198 = arith.muli %scan3A_187, %mul3A_197 : i32
        %swap3A_199 = arith.index_cast %mul3A_198 : i32 to index
        %swap3A_200 = tpu.vector_load %arg15[%swap3A_199] {strides = array<i32>} : memref<1664xi32, #tpu.memory_space<vmem>>, vector<16xi32>,
        tpu.vector_store %arg15[%swap3A_199], %add3A_196 {strides = array<i32>} : memref<1664xi32, #tpu.memory_space<vmem>>, vector<16xi32>,
        %scan3A_201 = arith.constant 6 : i32
        %scan3A_202 = arith.addi %scan3A_114, %scan3A_201 : i32
        %broadcast_in_dim3A_203 = arith.constant -1 : i32
        %broadcast_in_dim3A_204 = vector.broadcast %broadcast_in_dim3A_203 : i32 to vector<16xi32>
        %mul3A_205 = arith.constant 16 : i32
        %mul3A_206 = arith.muli %scan3A_202, %mul3A_205 : i32
        %swap3A_207 = arith.index_cast %mul3A_206 : i32 to index
        %swap3A_208 = tpu.vector_load %arg14[%swap3A_207] {strides = array<i32>} : memref<1664xi32, #tpu.memory_space<vmem>>, vector<16xi32>,
        tpu.vector_store %arg14[%swap3A_207], %broadcast_in_dim3A_204 {strides = array<i32>} : memref<1664xi32, #tpu.memory_space<vmem>>, vector<16xi32>,
        %add3A_209 = arith.constant 16384 : i32
        %add3A_210 = vector.broadcast %add3A_209 : i32 to vector<16xi32>
        %add3A_211 = arith.addi %add3A_210, %iota3A : vector<16xi32>
        %mul3A_212 = arith.constant 16 : i32
        %mul3A_213 = arith.muli %scan3A_202, %mul3A_212 : i32
        %swap3A_214 = arith.index_cast %mul3A_213 : i32 to index
        %swap3A_215 = tpu.vector_load %arg15[%swap3A_214] {strides = array<i32>} : memref<1664xi32, #tpu.memory_space<vmem>>, vector<16xi32>,
        tpu.vector_store %arg15[%swap3A_214], %add3A_211 {strides = array<i32>} : memref<1664xi32, #tpu.memory_space<vmem>>, vector<16xi32>,
        %scan3A_216 = arith.constant 7 : i32
        %scan3A_217 = arith.addi %scan3A_114, %scan3A_216 : i32
        %broadcast_in_dim3A_218 = arith.constant -1 : i32
        %broadcast_in_dim3A_219 = vector.broadcast %broadcast_in_dim3A_218 : i32 to vector<16xi32>
        %mul3A_220 = arith.constant 16 : i32
        %mul3A_221 = arith.muli %scan3A_217, %mul3A_220 : i32
        %swap3A_222 = arith.index_cast %mul3A_221 : i32 to index
        %swap3A_223 = tpu.vector_load %arg14[%swap3A_222] {strides = array<i32>} : memref<1664xi32, #tpu.memory_space<vmem>>, vector<16xi32>,
        tpu.vector_store %arg14[%swap3A_222], %broadcast_in_dim3A_219 {strides = array<i32>} : memref<1664xi32, #tpu.memory_space<vmem>>, vector<16xi32>,
        %add3A_224 = arith.constant 16384 : i32
        %add3A_225 = vector.broadcast %add3A_224 : i32 to vector<16xi32>
        %add3A_226 = arith.addi %add3A_225, %iota3A : vector<16xi32>
        %mul3A_227 = arith.constant 16 : i32
        %mul3A_228 = arith.muli %scan3A_217, %mul3A_227 : i32
        %swap3A_229 = arith.index_cast %mul3A_228 : i32 to index
        %swap3A_230 = tpu.vector_load %arg15[%swap3A_229] {strides = array<i32>} : memref<1664xi32, #tpu.memory_space<vmem>>, vector<16xi32>,
        tpu.vector_store %arg15[%swap3A_229], %add3A_226 {strides = array<i32>} : memref<1664xi32, #tpu.memory_space<vmem>>, vector<16xi32>,
      }
      %scan3A_15 = arith.constant 104 : i32
      "tpu.region"() ({
        %run_scoped3A = tpu.sem_alloc : memref<!tpu.dma_semaphore, #tpu.memory_space<semaphore_mem>>
        %dma_start3A_114 = arith.constant 0 : i32
        %dma_start3A_115 = tpu.memref_slice %arg2[%dma_start3A_114] : memref<16384xi32, #tpu.memory_space<hbm>> -> memref<4096xi32, #tpu.memory_space<hbm>>
        %dma_start3A_116 = arith.constant 0 : i32
        %dma_start3A_117 = tpu.memref_slice %arg2[%dma_start3A_116] : memref<16384xi32, #tpu.memory_space<hbm>> -> memref<4096xi32, #tpu.memory_space<hbm>>
        tpu.enqueue_dma source(%dma_start3A_117 : memref<4096xi32, #tpu.memory_space<hbm>>) target(%arg11 : memref<4096xi32, #tpu.memory_space<vmem>>) target_semaphore(%run_scoped3A : memref<!tpu.dma_semaphore, #tpu.memory_space<semaphore_mem>>)
        %dma_wait3A_118 = arith.constant 0 : i32
        %dma_wait3A_119 = tpu.memref_slice %arg2[%dma_wait3A_118] : memref<16384xi32, #tpu.memory_space<hbm>> -> memref<4096xi32, #tpu.memory_space<hbm>>
        %dma_wait3A_120 = arith.constant 0 : i32
        %dma_wait3A_121 = tpu.memref_slice %arg2[%dma_wait3A_120] : memref<16384xi32, #tpu.memory_space<hbm>> -> memref<4096xi32, #tpu.memory_space<hbm>>
        tpu.wait_dma2 semaphore(%run_scoped3A : memref<!tpu.dma_semaphore, #tpu.memory_space<semaphore_mem>>) src(%dma_wait3A_121 : memref<4096xi32, #tpu.memory_space<hbm>>) dst(%arg11 : memref<4096xi32, #tpu.memory_space<vmem>>)
        tpu.yield
      }) : () -> ()
      %scan3A_16 = arith.constant 0 : i32
      %scan3A_17 = arith.constant 0 : i32
      %scan3A_18 = arith.constant 256 : i32
      %scan3A_19 = arith.addi %scan3A_17, %scan3A_18 : i32
      %scan3A_20 = arith.constant 8 : i32
      %scan3A_21 = scf.for %scan3A_114 = %scan3A_17 to %scan3A_19 step %scan3A_20 iter_args(%scan3A_115 = %scan3A_16) -> (i32)  : i32 {
        %mul3A_116 = arith.constant 16 : i32
        %mul3A_117 = arith.muli %scan3A_114, %mul3A_116 : i32
        %get3A = arith.index_cast %mul3A_117 : i32 to index
        %get3A_118 = tpu.vector_load %arg11[%get3A] {strides = array<i32>} : memref<4096xi32, #tpu.memory_space<vmem>>, vector<16xi32>,
        %mul3A_119 = arith.constant 16 : i32
        %mul3A_120 = arith.muli %scan3A_114, %mul3A_119 : i32
        %add3A_121 = arith.constant 0 : i32
        %add3A_122 = arith.addi %add3A_121, %mul3A_120 : i32
        %add3A_123 = vector.broadcast %add3A_122 : i32 to vector<16xi32>
        %add3A_124 = arith.addi %iota3A, %add3A_123 : vector<16xi32>
        %ge3A = vector.broadcast %mul3A_7 : i32 to vector<16xi32>
        %ge3A_125 = arith.cmpi sge, %get3A_118, %ge3A : vector<16xi32>
        %lt3A = vector.broadcast %select_n3A : i32 to vector<16xi32>
        %lt3A_126 = arith.cmpi slt, %get3A_118, %lt3A : vector<16xi32>
        %and3A_127 = arith.andi %ge3A_125, %lt3A_126 : vector<16xi1>
        %swap3A = arith.index_cast %scan3A_115 : i32 to index
        %swap3A_128 = tpu.vector_load %arg14[%swap3A] masked %and3A_127 {strides = array<i32>} : memref<1664xi32, #tpu.memory_space<vmem>>, vector<16xi32>, vector<16xi1>
        tpu.vector_store %arg14[%swap3A], %get3A_118 masked %and3A_127 {strides = array<i32>} : memref<1664xi32, #tpu.memory_space<vmem>>, vector<16xi32>, vector<16xi1>
        %swap3A_129 = arith.index_cast %scan3A_115 : i32 to index
        %swap3A_130 = tpu.vector_load %arg15[%swap3A_129] masked %and3A_127 {strides = array<i32>} : memref<1664xi32, #tpu.memory_space<vmem>>, vector<16xi32>, vector<16xi1>
        tpu.vector_store %arg15[%swap3A_129], %add3A_124 masked %and3A_127 {strides = array<i32>} : memref<1664xi32, #tpu.memory_space<vmem>>, vector<16xi32>, vector<16xi1>
        %all_reduce_population_count3A = tpu.all_reduce %and3A_127 {dim = 0 : i64, kind = #tpu.reduction_kind<sum>} : vector<16xi1> -> vector<16xi32>
        %slice3A = vector.extract_strided_slice %all_reduce_population_count3A {offsets = [0], sizes = [1], strides = [1]} : vector<16xi32> to vector<1xi32>
        %squeeze3A = vector.extract %slice3A[0] : i32 from vector<1xi32>
        %add3A_131 = arith.addi %scan3A_115, %squeeze3A : i32
        %scan3A_132 = arith.constant 1 : i32
        %scan3A_133 = arith.addi %scan3A_114, %scan3A_132 : i32
        %mul3A_134 = arith.constant 16 : i32
        %mul3A_135 = arith.muli %scan3A_133, %mul3A_134 : i32
        %get3A_136 = arith.index_cast %mul3A_135 : i32 to index
        %get3A_137 = tpu.vector_load %arg11[%get3A_136] {strides = array<i32>} : memref<4096xi32, #tpu.memory_space<vmem>>, vector<16xi32>,
        %mul3A_138 = arith.constant 16 : i32
        %mul3A_139 = arith.muli %scan3A_133, %mul3A_138 : i32
        %add3A_140 = arith.constant 0 : i32
        %add3A_141 = arith.addi %add3A_140, %mul3A_139 : i32
        %add3A_142 = vector.broadcast %add3A_141 : i32 to vector<16xi32>
        %add3A_143 = arith.addi %iota3A, %add3A_142 : vector<16xi32>
        %ge3A_144 = vector.broadcast %mul3A_7 : i32 to vector<16xi32>
        %ge3A_145 = arith.cmpi sge, %get3A_137, %ge3A_144 : vector<16xi32>
        %lt3A_146 = vector.broadcast %select_n3A : i32 to vector<16xi32>
        %lt3A_147 = arith.cmpi slt, %get3A_137, %lt3A_146 : vector<16xi32>
        %and3A_148 = arith.andi %ge3A_145, %lt3A_147 : vector<16xi1>
        %swap3A_149 = arith.index_cast %add3A_131 : i32 to index
        %swap3A_150 = tpu.vector_load %arg14[%swap3A_149] masked %and3A_148 {strides = array<i32>} : memref<1664xi32, #tpu.memory_space<vmem>>, vector<16xi32>, vector<16xi1>
        tpu.vector_store %arg14[%swap3A_149], %get3A_137 masked %and3A_148 {strides = array<i32>} : memref<1664xi32, #tpu.memory_space<vmem>>, vector<16xi32>, vector<16xi1>
        %swap3A_151 = arith.index_cast %add3A_131 : i32 to index
        %swap3A_152 = tpu.vector_load %arg15[%swap3A_151] masked %and3A_148 {strides = array<i32>} : memref<1664xi32, #tpu.memory_space<vmem>>, vector<16xi32>, vector<16xi1>
        tpu.vector_store %arg15[%swap3A_151], %add3A_143 masked %and3A_148 {strides = array<i32>} : memref<1664xi32, #tpu.memory_space<vmem>>, vector<16xi32>, vector<16xi1>
        %all_reduce_population_count3A_153 = tpu.all_reduce %and3A_148 {dim = 0 : i64, kind = #tpu.reduction_kind<sum>} : vector<16xi1> -> vector<16xi32>
        %slice3A_154 = vector.extract_strided_slice %all_reduce_population_count3A_153 {offsets = [0], sizes = [1], strides = [1]} : vector<16xi32> to vector<1xi32>
        %squeeze3A_155 = vector.extract %slice3A_154[0] : i32 from vector<1xi32>
        %add3A_156 = arith.addi %add3A_131, %squeeze3A_155 : i32
        %scan3A_157 = arith.constant 2 : i32
        %scan3A_158 = arith.addi %scan3A_114, %scan3A_157 : i32
        %mul3A_159 = arith.constant 16 : i32
        %mul3A_160 = arith.muli %scan3A_158, %mul3A_159 : i32
        %get3A_161 = arith.index_cast %mul3A_160 : i32 to index
        %get3A_162 = tpu.vector_load %arg11[%get3A_161] {strides = array<i32>} : memref<4096xi32, #tpu.memory_space<vmem>>, vector<16xi32>,
        %mul3A_163 = arith.constant 16 : i32
        %mul3A_164 = arith.muli %scan3A_158, %mul3A_163 : i32
        %add3A_165 = arith.constant 0 : i32
        %add3A_166 = arith.addi %add3A_165, %mul3A_164 : i32
        %add3A_167 = vector.broadcast %add3A_166 : i32 to vector<16xi32>
        %add3A_168 = arith.addi %iota3A, %add3A_167 : vector<16xi32>
        %ge3A_169 = vector.broadcast %mul3A_7 : i32 to vector<16xi32>
        %ge3A_170 = arith.cmpi sge, %get3A_162, %ge3A_169 : vector<16xi32>
        %lt3A_171 = vector.broadcast %select_n3A : i32 to vector<16xi32>
        %lt3A_172 = arith.cmpi slt, %get3A_162, %lt3A_171 : vector<16xi32>
        %and3A_173 = arith.andi %ge3A_170, %lt3A_172 : vector<16xi1>
        %swap3A_174 = arith.index_cast %add3A_156 : i32 to index
        %swap3A_175 = tpu.vector_load %arg14[%swap3A_174] masked %and3A_173 {strides = array<i32>} : memref<1664xi32, #tpu.memory_space<vmem>>, vector<16xi32>, vector<16xi1>
        tpu.vector_store %arg14[%swap3A_174], %get3A_162 masked %and3A_173 {strides = array<i32>} : memref<1664xi32, #tpu.memory_space<vmem>>, vector<16xi32>, vector<16xi1>
        %swap3A_176 = arith.index_cast %add3A_156 : i32 to index
        %swap3A_177 = tpu.vector_load %arg15[%swap3A_176] masked %and3A_173 {strides = array<i32>} : memref<1664xi32, #tpu.memory_space<vmem>>, vector<16xi32>, vector<16xi1>
        tpu.vector_store %arg15[%swap3A_176], %add3A_168 masked %and3A_173 {strides = array<i32>} : memref<1664xi32, #tpu.memory_space<vmem>>, vector<16xi32>, vector<16xi1>
        %all_reduce_population_count3A_178 = tpu.all_reduce %and3A_173 {dim = 0 : i64, kind = #tpu.reduction_kind<sum>} : vector<16xi1> -> vector<16xi32>
        %slice3A_179 = vector.extract_strided_slice %all_reduce_population_count3A_178 {offsets = [0], sizes = [1], strides = [1]} : vector<16xi32> to vector<1xi32>
        %squeeze3A_180 = vector.extract %slice3A_179[0] : i32 from vector<1xi32>
        %add3A_181 = arith.addi %add3A_156, %squeeze3A_180 : i32
        %scan3A_182 = arith.constant 3 : i32
        %scan3A_183 = arith.addi %scan3A_114, %scan3A_182 : i32
        %mul3A_184 = arith.constant 16 : i32
        %mul3A_185 = arith.muli %scan3A_183, %mul3A_184 : i32
        %get3A_186 = arith.index_cast %mul3A_185 : i32 to index
        %get3A_187 = tpu.vector_load %arg11[%get3A_186] {strides = array<i32>} : memref<4096xi32, #tpu.memory_space<vmem>>, vector<16xi32>,
        %mul3A_188 = arith.constant 16 : i32
        %mul3A_189 = arith.muli %scan3A_183, %mul3A_188 : i32
        %add3A_190 = arith.constant 0 : i32
        %add3A_191 = arith.addi %add3A_190, %mul3A_189 : i32
        %add3A_192 = vector.broadcast %add3A_191 : i32 to vector<16xi32>
        %add3A_193 = arith.addi %iota3A, %add3A_192 : vector<16xi32>
        %ge3A_194 = vector.broadcast %mul3A_7 : i32 to vector<16xi32>
        %ge3A_195 = arith.cmpi sge, %get3A_187, %ge3A_194 : vector<16xi32>
        %lt3A_196 = vector.broadcast %select_n3A : i32 to vector<16xi32>
        %lt3A_197 = arith.cmpi slt, %get3A_187, %lt3A_196 : vector<16xi32>
        %and3A_198 = arith.andi %ge3A_195, %lt3A_197 : vector<16xi1>
        %swap3A_199 = arith.index_cast %add3A_181 : i32 to index
        %swap3A_200 = tpu.vector_load %arg14[%swap3A_199] masked %and3A_198 {strides = array<i32>} : memref<1664xi32, #tpu.memory_space<vmem>>, vector<16xi32>, vector<16xi1>
        tpu.vector_store %arg14[%swap3A_199], %get3A_187 masked %and3A_198 {strides = array<i32>} : memref<1664xi32, #tpu.memory_space<vmem>>, vector<16xi32>, vector<16xi1>
        %swap3A_201 = arith.index_cast %add3A_181 : i32 to index
        %swap3A_202 = tpu.vector_load %arg15[%swap3A_201] masked %and3A_198 {strides = array<i32>} : memref<1664xi32, #tpu.memory_space<vmem>>, vector<16xi32>, vector<16xi1>
        tpu.vector_store %arg15[%swap3A_201], %add3A_193 masked %and3A_198 {strides = array<i32>} : memref<1664xi32, #tpu.memory_space<vmem>>, vector<16xi32>, vector<16xi1>
        %all_reduce_population_count3A_203 = tpu.all_reduce %and3A_198 {dim = 0 : i64, kind = #tpu.reduction_kind<sum>} : vector<16xi1> -> vector<16xi32>
        %slice3A_204 = vector.extract_strided_slice %all_reduce_population_count3A_203 {offsets = [0], sizes = [1], strides = [1]} : vector<16xi32> to vector<1xi32>
        %squeeze3A_205 = vector.extract %slice3A_204[0] : i32 from vector<1xi32>
        %add3A_206 = arith.addi %add3A_181, %squeeze3A_205 : i32
        %scan3A_207 = arith.constant 4 : i32
        %scan3A_208 = arith.addi %scan3A_114, %scan3A_207 : i32
        %mul3A_209 = arith.constant 16 : i32
        %mul3A_210 = arith.muli %scan3A_208, %mul3A_209 : i32
        %get3A_211 = arith.index_cast %mul3A_210 : i32 to index
        %get3A_212 = tpu.vector_load %arg11[%get3A_211] {strides = array<i32>} : memref<4096xi32, #tpu.memory_space<vmem>>, vector<16xi32>,
        %mul3A_213 = arith.constant 16 : i32
        %mul3A_214 = arith.muli %scan3A_208, %mul3A_213 : i32
        %add3A_215 = arith.constant 0 : i32
        %add3A_216 = arith.addi %add3A_215, %mul3A_214 : i32
        %add3A_217 = vector.broadcast %add3A_216 : i32 to vector<16xi32>
        %add3A_218 = arith.addi %iota3A, %add3A_217 : vector<16xi32>
        %ge3A_219 = vector.broadcast %mul3A_7 : i32 to vector<16xi32>
        %ge3A_220 = arith.cmpi sge, %get3A_212, %ge3A_219 : vector<16xi32>
        %lt3A_221 = vector.broadcast %select_n3A : i32 to vector<16xi32>
        %lt3A_222 = arith.cmpi slt, %get3A_212, %lt3A_221 : vector<16xi32>
        %and3A_223 = arith.andi %ge3A_220, %lt3A_222 : vector<16xi1>
        %swap3A_224 = arith.index_cast %add3A_206 : i32 to index
        %swap3A_225 = tpu.vector_load %arg14[%swap3A_224] masked %and3A_223 {strides = array<i32>} : memref<1664xi32, #tpu.memory_space<vmem>>, vector<16xi32>, vector<16xi1>
        tpu.vector_store %arg14[%swap3A_224], %get3A_212 masked %and3A_223 {strides = array<i32>} : memref<1664xi32, #tpu.memory_space<vmem>>, vector<16xi32>, vector<16xi1>
        %swap3A_226 = arith.index_cast %add3A_206 : i32 to index
        %swap3A_227 = tpu.vector_load %arg15[%swap3A_226] masked %and3A_223 {strides = array<i32>} : memref<1664xi32, #tpu.memory_space<vmem>>, vector<16xi32>, vector<16xi1>
        tpu.vector_store %arg15[%swap3A_226], %add3A_218 masked %and3A_223 {strides = array<i32>} : memref<1664xi32, #tpu.memory_space<vmem>>, vector<16xi32>, vector<16xi1>
        %all_reduce_population_count3A_228 = tpu.all_reduce %and3A_223 {dim = 0 : i64, kind = #tpu.reduction_kind<sum>} : vector<16xi1> -> vector<16xi32>
        %slice3A_229 = vector.extract_strided_slice %all_reduce_population_count3A_228 {offsets = [0], sizes = [1], strides = [1]} : vector<16xi32> to vector<1xi32>
        %squeeze3A_230 = vector.extract %slice3A_229[0] : i32 from vector<1xi32>
        %add3A_231 = arith.addi %add3A_206, %squeeze3A_230 : i32
        %scan3A_232 = arith.constant 5 : i32
        %scan3A_233 = arith.addi %scan3A_114, %scan3A_232 : i32
        %mul3A_234 = arith.constant 16 : i32
        %mul3A_235 = arith.muli %scan3A_233, %mul3A_234 : i32
        %get3A_236 = arith.index_cast %mul3A_235 : i32 to index
        %get3A_237 = tpu.vector_load %arg11[%get3A_236] {strides = array<i32>} : memref<4096xi32, #tpu.memory_space<vmem>>, vector<16xi32>,
        %mul3A_238 = arith.constant 16 : i32
        %mul3A_239 = arith.muli %scan3A_233, %mul3A_238 : i32
        %add3A_240 = arith.constant 0 : i32
        %add3A_241 = arith.addi %add3A_240, %mul3A_239 : i32
        %add3A_242 = vector.broadcast %add3A_241 : i32 to vector<16xi32>
        %add3A_243 = arith.addi %iota3A, %add3A_242 : vector<16xi32>
        %ge3A_244 = vector.broadcast %mul3A_7 : i32 to vector<16xi32>
        %ge3A_245 = arith.cmpi sge, %get3A_237, %ge3A_244 : vector<16xi32>
        %lt3A_246 = vector.broadcast %select_n3A : i32 to vector<16xi32>
        %lt3A_247 = arith.cmpi slt, %get3A_237, %lt3A_246 : vector<16xi32>
        %and3A_248 = arith.andi %ge3A_245, %lt3A_247 : vector<16xi1>
        %swap3A_249 = arith.index_cast %add3A_231 : i32 to index
        %swap3A_250 = tpu.vector_load %arg14[%swap3A_249] masked %and3A_248 {strides = array<i32>} : memref<1664xi32, #tpu.memory_space<vmem>>, vector<16xi32>, vector<16xi1>
        tpu.vector_store %arg14[%swap3A_249], %get3A_237 masked %and3A_248 {strides = array<i32>} : memref<1664xi32, #tpu.memory_space<vmem>>, vector<16xi32>, vector<16xi1>
        %swap3A_251 = arith.index_cast %add3A_231 : i32 to index
        %swap3A_252 = tpu.vector_load %arg15[%swap3A_251] masked %and3A_248 {strides = array<i32>} : memref<1664xi32, #tpu.memory_space<vmem>>, vector<16xi32>, vector<16xi1>
        tpu.vector_store %arg15[%swap3A_251], %add3A_243 masked %and3A_248 {strides = array<i32>} : memref<1664xi32, #tpu.memory_space<vmem>>, vector<16xi32>, vector<16xi1>
        %all_reduce_population_count3A_253 = tpu.all_reduce %and3A_248 {dim = 0 : i64, kind = #tpu.reduction_kind<sum>} : vector<16xi1> -> vector<16xi32>
        %slice3A_254 = vector.extract_strided_slice %all_reduce_population_count3A_253 {offsets = [0], sizes = [1], strides = [1]} : vector<16xi32> to vector<1xi32>
        %squeeze3A_255 = vector.extract %slice3A_254[0] : i32 from vector<1xi32>
        %add3A_256 = arith.addi %add3A_231, %squeeze3A_255 : i32
        %scan3A_257 = arith.constant 6 : i32
        %scan3A_258 = arith.addi %scan3A_114, %scan3A_257 : i32
        %mul3A_259 = arith.constant 16 : i32
        %mul3A_260 = arith.muli %scan3A_258, %mul3A_259 : i32
        %get3A_261 = arith.index_cast %mul3A_260 : i32 to index
        %get3A_262 = tpu.vector_load %arg11[%get3A_261] {strides = array<i32>} : memref<4096xi32, #tpu.memory_space<vmem>>, vector<16xi32>,
        %mul3A_263 = arith.constant 16 : i32
        %mul3A_264 = arith.muli %scan3A_258, %mul3A_263 : i32
        %add3A_265 = arith.constant 0 : i32
        %add3A_266 = arith.addi %add3A_265, %mul3A_264 : i32
        %add3A_267 = vector.broadcast %add3A_266 : i32 to vector<16xi32>
        %add3A_268 = arith.addi %iota3A, %add3A_267 : vector<16xi32>
        %ge3A_269 = vector.broadcast %mul3A_7 : i32 to vector<16xi32>
        %ge3A_270 = arith.cmpi sge, %get3A_262, %ge3A_269 : vector<16xi32>
        %lt3A_271 = vector.broadcast %select_n3A : i32 to vector<16xi32>
        %lt3A_272 = arith.cmpi slt, %get3A_262, %lt3A_271 : vector<16xi32>
        %and3A_273 = arith.andi %ge3A_270, %lt3A_272 : vector<16xi1>
        %swap3A_274 = arith.index_cast %add3A_256 : i32 to index
        %swap3A_275 = tpu.vector_load %arg14[%swap3A_274] masked %and3A_273 {strides = array<i32>} : memref<1664xi32, #tpu.memory_space<vmem>>, vector<16xi32>, vector<16xi1>
        tpu.vector_store %arg14[%swap3A_274], %get3A_262 masked %and3A_273 {strides = array<i32>} : memref<1664xi32, #tpu.memory_space<vmem>>, vector<16xi32>, vector<16xi1>
        %swap3A_276 = arith.index_cast %add3A_256 : i32 to index
        %swap3A_277 = tpu.vector_load %arg15[%swap3A_276] masked %and3A_273 {strides = array<i32>} : memref<1664xi32, #tpu.memory_space<vmem>>, vector<16xi32>, vector<16xi1>
        tpu.vector_store %arg15[%swap3A_276], %add3A_268 masked %and3A_273 {strides = array<i32>} : memref<1664xi32, #tpu.memory_space<vmem>>, vector<16xi32>, vector<16xi1>
        %all_reduce_population_count3A_278 = tpu.all_reduce %and3A_273 {dim = 0 : i64, kind = #tpu.reduction_kind<sum>} : vector<16xi1> -> vector<16xi32>
        %slice3A_279 = vector.extract_strided_slice %all_reduce_population_count3A_278 {offsets = [0], sizes = [1], strides = [1]} : vector<16xi32> to vector<1xi32>
        %squeeze3A_280 = vector.extract %slice3A_279[0] : i32 from vector<1xi32>
        %add3A_281 = arith.addi %add3A_256, %squeeze3A_280 : i32
        %scan3A_282 = arith.constant 7 : i32
        %scan3A_283 = arith.addi %scan3A_114, %scan3A_282 : i32
        %mul3A_284 = arith.constant 16 : i32
        %mul3A_285 = arith.muli %scan3A_283, %mul3A_284 : i32
        %get3A_286 = arith.index_cast %mul3A_285 : i32 to index
        %get3A_287 = tpu.vector_load %arg11[%get3A_286] {strides = array<i32>} : memref<4096xi32, #tpu.memory_space<vmem>>, vector<16xi32>,
        %mul3A_288 = arith.constant 16 : i32
        %mul3A_289 = arith.muli %scan3A_283, %mul3A_288 : i32
        %add3A_290 = arith.constant 0 : i32
        %add3A_291 = arith.addi %add3A_290, %mul3A_289 : i32
        %add3A_292 = vector.broadcast %add3A_291 : i32 to vector<16xi32>
        %add3A_293 = arith.addi %iota3A, %add3A_292 : vector<16xi32>
        %ge3A_294 = vector.broadcast %mul3A_7 : i32 to vector<16xi32>
        %ge3A_295 = arith.cmpi sge, %get3A_287, %ge3A_294 : vector<16xi32>
        %lt3A_296 = vector.broadcast %select_n3A : i32 to vector<16xi32>
        %lt3A_297 = arith.cmpi slt, %get3A_287, %lt3A_296 : vector<16xi32>
        %and3A_298 = arith.andi %ge3A_295, %lt3A_297 : vector<16xi1>
        %swap3A_299 = arith.index_cast %add3A_281 : i32 to index
        %swap3A_300 = tpu.vector_load %arg14[%swap3A_299] masked %and3A_298 {strides = array<i32>} : memref<1664xi32, #tpu.memory_space<vmem>>, vector<16xi32>, vector<16xi1>
        tpu.vector_store %arg14[%swap3A_299], %get3A_287 masked %and3A_298 {strides = array<i32>} : memref<1664xi32, #tpu.memory_space<vmem>>, vector<16xi32>, vector<16xi1>
        %swap3A_301 = arith.index_cast %add3A_281 : i32 to index
        %swap3A_302 = tpu.vector_load %arg15[%swap3A_301] masked %and3A_298 {strides = array<i32>} : memref<1664xi32, #tpu.memory_space<vmem>>, vector<16xi32>, vector<16xi1>
        tpu.vector_store %arg15[%swap3A_301], %add3A_293 masked %and3A_298 {strides = array<i32>} : memref<1664xi32, #tpu.memory_space<vmem>>, vector<16xi32>, vector<16xi1>
        %all_reduce_population_count3A_303 = tpu.all_reduce %and3A_298 {dim = 0 : i64, kind = #tpu.reduction_kind<sum>} : vector<16xi1> -> vector<16xi32>
        %slice3A_304 = vector.extract_strided_slice %all_reduce_population_count3A_303 {offsets = [0], sizes = [1], strides = [1]} : vector<16xi32> to vector<1xi32>
        %squeeze3A_305 = vector.extract %slice3A_304[0] : i32 from vector<1xi32>
        %add3A_306 = arith.addi %add3A_281, %squeeze3A_305 : i32
        scf.yield %add3A_306 : i32
      }
      %scan3A_22 = arith.constant 256 : i32
      "tpu.region"() ({
        %run_scoped3A = tpu.sem_alloc : memref<!tpu.dma_semaphore, #tpu.memory_space<semaphore_mem>>
        %dma_start3A_114 = arith.constant 4096 : i32
        %dma_start3A_115 = tpu.memref_slice %arg2[%dma_start3A_114] : memref<16384xi32, #tpu.memory_space<hbm>> -> memref<4096xi32, #tpu.memory_space<hbm>>
        %dma_start3A_116 = arith.constant 4096 : i32
        %dma_start3A_117 = tpu.memref_slice %arg2[%dma_start3A_116] : memref<16384xi32, #tpu.memory_space<hbm>> -> memref<4096xi32, #tpu.memory_space<hbm>>
        tpu.enqueue_dma source(%dma_start3A_117 : memref<4096xi32, #tpu.memory_space<hbm>>) target(%arg11 : memref<4096xi32, #tpu.memory_space<vmem>>) target_semaphore(%run_scoped3A : memref<!tpu.dma_semaphore, #tpu.memory_space<semaphore_mem>>)
        %dma_wait3A_118 = arith.constant 4096 : i32
        %dma_wait3A_119 = tpu.memref_slice %arg2[%dma_wait3A_118] : memref<16384xi32, #tpu.memory_space<hbm>> -> memref<4096xi32, #tpu.memory_space<hbm>>
        %dma_wait3A_120 = arith.constant 4096 : i32
        %dma_wait3A_121 = tpu.memref_slice %arg2[%dma_wait3A_120] : memref<16384xi32, #tpu.memory_space<hbm>> -> memref<4096xi32, #tpu.memory_space<hbm>>
        tpu.wait_dma2 semaphore(%run_scoped3A : memref<!tpu.dma_semaphore, #tpu.memory_space<semaphore_mem>>) src(%dma_wait3A_121 : memref<4096xi32, #tpu.memory_space<hbm>>) dst(%arg11 : memref<4096xi32, #tpu.memory_space<vmem>>)
        tpu.yield
      }) : () -> ()
      %scan3A_23 = arith.constant 0 : i32
      %scan3A_24 = arith.constant 256 : i32
      %scan3A_25 = arith.addi %scan3A_23, %scan3A_24 : i32
      %scan3A_26 = arith.constant 8 : i32
      %scan3A_27 = scf.for %scan3A_114 = %scan3A_23 to %scan3A_25 step %scan3A_26 iter_args(%scan3A_115 = %scan3A_21) -> (i32)  : i32 {
        %mul3A_116 = arith.constant 16 : i32
        %mul3A_117 = arith.muli %scan3A_114, %mul3A_116 : i32
        %get3A = arith.index_cast %mul3A_117 : i32 to index
        %get3A_118 = tpu.vector_load %arg11[%get3A] {strides = array<i32>} : memref<4096xi32, #tpu.memory_space<vmem>>, vector<16xi32>,
        %mul3A_119 = arith.constant 16 : i32
        %mul3A_120 = arith.muli %scan3A_114, %mul3A_119 : i32
        %add3A_121 = arith.constant 4096 : i32
        %add3A_122 = arith.addi %add3A_121, %mul3A_120 : i32
        %add3A_123 = vector.broadcast %add3A_122 : i32 to vector<16xi32>
        %add3A_124 = arith.addi %iota3A, %add3A_123 : vector<16xi32>
        %ge3A = vector.broadcast %mul3A_7 : i32 to vector<16xi32>
        %ge3A_125 = arith.cmpi sge, %get3A_118, %ge3A : vector<16xi32>
        %lt3A = vector.broadcast %select_n3A : i32 to vector<16xi32>
        %lt3A_126 = arith.cmpi slt, %get3A_118, %lt3A : vector<16xi32>
        %and3A_127 = arith.andi %ge3A_125, %lt3A_126 : vector<16xi1>
        %swap3A = arith.index_cast %scan3A_115 : i32 to index
        %swap3A_128 = tpu.vector_load %arg14[%swap3A] masked %and3A_127 {strides = array<i32>} : memref<1664xi32, #tpu.memory_space<vmem>>, vector<16xi32>, vector<16xi1>
        tpu.vector_store %arg14[%swap3A], %get3A_118 masked %and3A_127 {strides = array<i32>} : memref<1664xi32, #tpu.memory_space<vmem>>, vector<16xi32>, vector<16xi1>
        %swap3A_129 = arith.index_cast %scan3A_115 : i32 to index
        %swap3A_130 = tpu.vector_load %arg15[%swap3A_129] masked %and3A_127 {strides = array<i32>} : memref<1664xi32, #tpu.memory_space<vmem>>, vector<16xi32>, vector<16xi1>
        tpu.vector_store %arg15[%swap3A_129], %add3A_124 masked %and3A_127 {strides = array<i32>} : memref<1664xi32, #tpu.memory_space<vmem>>, vector<16xi32>, vector<16xi1>
        %all_reduce_population_count3A = tpu.all_reduce %and3A_127 {dim = 0 : i64, kind = #tpu.reduction_kind<sum>} : vector<16xi1> -> vector<16xi32>
        %slice3A = vector.extract_strided_slice %all_reduce_population_count3A {offsets = [0], sizes = [1], strides = [1]} : vector<16xi32> to vector<1xi32>
        %squeeze3A = vector.extract %slice3A[0] : i32 from vector<1xi32>
        %add3A_131 = arith.addi %scan3A_115, %squeeze3A : i32
        %scan3A_132 = arith.constant 1 : i32
        %scan3A_133 = arith.addi %scan3A_114, %scan3A_132 : i32
        %mul3A_134 = arith.constant 16 : i32
        %mul3A_135 = arith.muli %scan3A_133, %mul3A_134 : i32
        %get3A_136 = arith.index_cast %mul3A_135 : i32 to index
        %get3A_137 = tpu.vector_load %arg11[%get3A_136] {strides = array<i32>} : memref<4096xi32, #tpu.memory_space<vmem>>, vector<16xi32>,
        %mul3A_138 = arith.constant 16 : i32
        %mul3A_139 = arith.muli %scan3A_133, %mul3A_138 : i32
        %add3A_140 = arith.constant 4096 : i32
        %add3A_141 = arith.addi %add3A_140, %mul3A_139 : i32
        %add3A_142 = vector.broadcast %add3A_141 : i32 to vector<16xi32>
        %add3A_143 = arith.addi %iota3A, %add3A_142 : vector<16xi32>
        %ge3A_144 = vector.broadcast %mul3A_7 : i32 to vector<16xi32>
        %ge3A_145 = arith.cmpi sge, %get3A_137, %ge3A_144 : vector<16xi32>
        %lt3A_146 = vector.broadcast %select_n3A : i32 to vector<16xi32>
        %lt3A_147 = arith.cmpi slt, %get3A_137, %lt3A_146 : vector<16xi32>
        %and3A_148 = arith.andi %ge3A_145, %lt3A_147 : vector<16xi1>
        %swap3A_149 = arith.index_cast %add3A_131 : i32 to index
        %swap3A_150 = tpu.vector_load %arg14[%swap3A_149] masked %and3A_148 {strides = array<i32>} : memref<1664xi32, #tpu.memory_space<vmem>>, vector<16xi32>, vector<16xi1>
        tpu.vector_store %arg14[%swap3A_149], %get3A_137 masked %and3A_148 {strides = array<i32>} : memref<1664xi32, #tpu.memory_space<vmem>>, vector<16xi32>, vector<16xi1>
        %swap3A_151 = arith.index_cast %add3A_131 : i32 to index
        %swap3A_152 = tpu.vector_load %arg15[%swap3A_151] masked %and3A_148 {strides = array<i32>} : memref<1664xi32, #tpu.memory_space<vmem>>, vector<16xi32>, vector<16xi1>
        tpu.vector_store %arg15[%swap3A_151], %add3A_143 masked %and3A_148 {strides = array<i32>} : memref<1664xi32, #tpu.memory_space<vmem>>, vector<16xi32>, vector<16xi1>
        %all_reduce_population_count3A_153 = tpu.all_reduce %and3A_148 {dim = 0 : i64, kind = #tpu.reduction_kind<sum>} : vector<16xi1> -> vector<16xi32>
        %slice3A_154 = vector.extract_strided_slice %all_reduce_population_count3A_153 {offsets = [0], sizes = [1], strides = [1]} : vector<16xi32> to vector<1xi32>
        %squeeze3A_155 = vector.extract %slice3A_154[0] : i32 from vector<1xi32>
        %add3A_156 = arith.addi %add3A_131, %squeeze3A_155 : i32
        %scan3A_157 = arith.constant 2 : i32
        %scan3A_158 = arith.addi %scan3A_114, %scan3A_157 : i32
        %mul3A_159 = arith.constant 16 : i32
        %mul3A_160 = arith.muli %scan3A_158, %mul3A_159 : i32
        %get3A_161 = arith.index_cast %mul3A_160 : i32 to index
        %get3A_162 = tpu.vector_load %arg11[%get3A_161] {strides = array<i32>} : memref<4096xi32, #tpu.memory_space<vmem>>, vector<16xi32>,
        %mul3A_163 = arith.constant 16 : i32
        %mul3A_164 = arith.muli %scan3A_158, %mul3A_163 : i32
        %add3A_165 = arith.constant 4096 : i32
        %add3A_166 = arith.addi %add3A_165, %mul3A_164 : i32
        %add3A_167 = vector.broadcast %add3A_166 : i32 to vector<16xi32>
        %add3A_168 = arith.addi %iota3A, %add3A_167 : vector<16xi32>
        %ge3A_169 = vector.broadcast %mul3A_7 : i32 to vector<16xi32>
        %ge3A_170 = arith.cmpi sge, %get3A_162, %ge3A_169 : vector<16xi32>
        %lt3A_171 = vector.broadcast %select_n3A : i32 to vector<16xi32>
        %lt3A_172 = arith.cmpi slt, %get3A_162, %lt3A_171 : vector<16xi32>
        %and3A_173 = arith.andi %ge3A_170, %lt3A_172 : vector<16xi1>
        %swap3A_174 = arith.index_cast %add3A_156 : i32 to index
        %swap3A_175 = tpu.vector_load %arg14[%swap3A_174] masked %and3A_173 {strides = array<i32>} : memref<1664xi32, #tpu.memory_space<vmem>>, vector<16xi32>, vector<16xi1>
        tpu.vector_store %arg14[%swap3A_174], %get3A_162 masked %and3A_173 {strides = array<i32>} : memref<1664xi32, #tpu.memory_space<vmem>>, vector<16xi32>, vector<16xi1>
        %swap3A_176 = arith.index_cast %add3A_156 : i32 to index
        %swap3A_177 = tpu.vector_load %arg15[%swap3A_176] masked %and3A_173 {strides = array<i32>} : memref<1664xi32, #tpu.memory_space<vmem>>, vector<16xi32>, vector<16xi1>
        tpu.vector_store %arg15[%swap3A_176], %add3A_168 masked %and3A_173 {strides = array<i32>} : memref<1664xi32, #tpu.memory_space<vmem>>, vector<16xi32>, vector<16xi1>
        %all_reduce_population_count3A_178 = tpu.all_reduce %and3A_173 {dim = 0 : i64, kind = #tpu.reduction_kind<sum>} : vector<16xi1> -> vector<16xi32>
        %slice3A_179 = vector.extract_strided_slice %all_reduce_population_count3A_178 {offsets = [0], sizes = [1], strides = [1]} : vector<16xi32> to vector<1xi32>
        %squeeze3A_180 = vector.extract %slice3A_179[0] : i32 from vector<1xi32>
        %add3A_181 = arith.addi %add3A_156, %squeeze3A_180 : i32
        %scan3A_182 = arith.constant 3 : i32
        %scan3A_183 = arith.addi %scan3A_114, %scan3A_182 : i32
        %mul3A_184 = arith.constant 16 : i32
        %mul3A_185 = arith.muli %scan3A_183, %mul3A_184 : i32
        %get3A_186 = arith.index_cast %mul3A_185 : i32 to index
        %get3A_187 = tpu.vector_load %arg11[%get3A_186] {strides = array<i32>} : memref<4096xi32, #tpu.memory_space<vmem>>, vector<16xi32>,
        %mul3A_188 = arith.constant 16 : i32
        %mul3A_189 = arith.muli %scan3A_183, %mul3A_188 : i32
        %add3A_190 = arith.constant 4096 : i32
        %add3A_191 = arith.addi %add3A_190, %mul3A_189 : i32
        %add3A_192 = vector.broadcast %add3A_191 : i32 to vector<16xi32>
        %add3A_193 = arith.addi %iota3A, %add3A_192 : vector<16xi32>
        %ge3A_194 = vector.broadcast %mul3A_7 : i32 to vector<16xi32>
        %ge3A_195 = arith.cmpi sge, %get3A_187, %ge3A_194 : vector<16xi32>
        %lt3A_196 = vector.broadcast %select_n3A : i32 to vector<16xi32>
        %lt3A_197 = arith.cmpi slt, %get3A_187, %lt3A_196 : vector<16xi32>
        %and3A_198 = arith.andi %ge3A_195, %lt3A_197 : vector<16xi1>
        %swap3A_199 = arith.index_cast %add3A_181 : i32 to index
        %swap3A_200 = tpu.vector_load %arg14[%swap3A_199] masked %and3A_198 {strides = array<i32>} : memref<1664xi32, #tpu.memory_space<vmem>>, vector<16xi32>, vector<16xi1>
        tpu.vector_store %arg14[%swap3A_199], %get3A_187 masked %and3A_198 {strides = array<i32>} : memref<1664xi32, #tpu.memory_space<vmem>>, vector<16xi32>, vector<16xi1>
        %swap3A_201 = arith.index_cast %add3A_181 : i32 to index
        %swap3A_202 = tpu.vector_load %arg15[%swap3A_201] masked %and3A_198 {strides = array<i32>} : memref<1664xi32, #tpu.memory_space<vmem>>, vector<16xi32>, vector<16xi1>
        tpu.vector_store %arg15[%swap3A_201], %add3A_193 masked %and3A_198 {strides = array<i32>} : memref<1664xi32, #tpu.memory_space<vmem>>, vector<16xi32>, vector<16xi1>
        %all_reduce_population_count3A_203 = tpu.all_reduce %and3A_198 {dim = 0 : i64, kind = #tpu.reduction_kind<sum>} : vector<16xi1> -> vector<16xi32>
        %slice3A_204 = vector.extract_strided_slice %all_reduce_population_count3A_203 {offsets = [0], sizes = [1], strides = [1]} : vector<16xi32> to vector<1xi32>
        %squeeze3A_205 = vector.extract %slice3A_204[0] : i32 from vector<1xi32>
        %add3A_206 = arith.addi %add3A_181, %squeeze3A_205 : i32
        %scan3A_207 = arith.constant 4 : i32
        %scan3A_208 = arith.addi %scan3A_114, %scan3A_207 : i32
        %mul3A_209 = arith.constant 16 : i32
        %mul3A_210 = arith.muli %scan3A_208, %mul3A_209 : i32
        %get3A_211 = arith.index_cast %mul3A_210 : i32 to index
        %get3A_212 = tpu.vector_load %arg11[%get3A_211] {strides = array<i32>} : memref<4096xi32, #tpu.memory_space<vmem>>, vector<16xi32>,
        %mul3A_213 = arith.constant 16 : i32
        %mul3A_214 = arith.muli %scan3A_208, %mul3A_213 : i32
        %add3A_215 = arith.constant 4096 : i32
        %add3A_216 = arith.addi %add3A_215, %mul3A_214 : i32
        %add3A_217 = vector.broadcast %add3A_216 : i32 to vector<16xi32>
        %add3A_218 = arith.addi %iota3A, %add3A_217 : vector<16xi32>
        %ge3A_219 = vector.broadcast %mul3A_7 : i32 to vector<16xi32>
        %ge3A_220 = arith.cmpi sge, %get3A_212, %ge3A_219 : vector<16xi32>
        %lt3A_221 = vector.broadcast %select_n3A : i32 to vector<16xi32>
        %lt3A_222 = arith.cmpi slt, %get3A_212, %lt3A_221 : vector<16xi32>
        %and3A_223 = arith.andi %ge3A_220, %lt3A_222 : vector<16xi1>
        %swap3A_224 = arith.index_cast %add3A_206 : i32 to index
        %swap3A_225 = tpu.vector_load %arg14[%swap3A_224] masked %and3A_223 {strides = array<i32>} : memref<1664xi32, #tpu.memory_space<vmem>>, vector<16xi32>, vector<16xi1>
        tpu.vector_store %arg14[%swap3A_224], %get3A_212 masked %and3A_223 {strides = array<i32>} : memref<1664xi32, #tpu.memory_space<vmem>>, vector<16xi32>, vector<16xi1>
        %swap3A_226 = arith.index_cast %add3A_206 : i32 to index
        %swap3A_227 = tpu.vector_load %arg15[%swap3A_226] masked %and3A_223 {strides = array<i32>} : memref<1664xi32, #tpu.memory_space<vmem>>, vector<16xi32>, vector<16xi1>
        tpu.vector_store %arg15[%swap3A_226], %add3A_218 masked %and3A_223 {strides = array<i32>} : memref<1664xi32, #tpu.memory_space<vmem>>, vector<16xi32>, vector<16xi1>
        %all_reduce_population_count3A_228 = tpu.all_reduce %and3A_223 {dim = 0 : i64, kind = #tpu.reduction_kind<sum>} : vector<16xi1> -> vector<16xi32>
        %slice3A_229 = vector.extract_strided_slice %all_reduce_population_count3A_228 {offsets = [0], sizes = [1], strides = [1]} : vector<16xi32> to vector<1xi32>
        %squeeze3A_230 = vector.extract %slice3A_229[0] : i32 from vector<1xi32>
        %add3A_231 = arith.addi %add3A_206, %squeeze3A_230 : i32
        %scan3A_232 = arith.constant 5 : i32
        %scan3A_233 = arith.addi %scan3A_114, %scan3A_232 : i32
        %mul3A_234 = arith.constant 16 : i32
        %mul3A_235 = arith.muli %scan3A_233, %mul3A_234 : i32
        %get3A_236 = arith.index_cast %mul3A_235 : i32 to index
        %get3A_237 = tpu.vector_load %arg11[%get3A_236] {strides = array<i32>} : memref<4096xi32, #tpu.memory_space<vmem>>, vector<16xi32>,
        %mul3A_238 = arith.constant 16 : i32
        %mul3A_239 = arith.muli %scan3A_233, %mul3A_238 : i32
        %add3A_240 = arith.constant 4096 : i32
        %add3A_241 = arith.addi %add3A_240, %mul3A_239 : i32
        %add3A_242 = vector.broadcast %add3A_241 : i32 to vector<16xi32>
        %add3A_243 = arith.addi %iota3A, %add3A_242 : vector<16xi32>
        %ge3A_244 = vector.broadcast %mul3A_7 : i32 to vector<16xi32>
        %ge3A_245 = arith.cmpi sge, %get3A_237, %ge3A_244 : vector<16xi32>
        %lt3A_246 = vector.broadcast %select_n3A : i32 to vector<16xi32>
        %lt3A_247 = arith.cmpi slt, %get3A_237, %lt3A_246 : vector<16xi32>
        %and3A_248 = arith.andi %ge3A_245, %lt3A_247 : vector<16xi1>
        %swap3A_249 = arith.index_cast %add3A_231 : i32 to index
        %swap3A_250 = tpu.vector_load %arg14[%swap3A_249] masked %and3A_248 {strides = array<i32>} : memref<1664xi32, #tpu.memory_space<vmem>>, vector<16xi32>, vector<16xi1>
        tpu.vector_store %arg14[%swap3A_249], %get3A_237 masked %and3A_248 {strides = array<i32>} : memref<1664xi32, #tpu.memory_space<vmem>>, vector<16xi32>, vector<16xi1>
        %swap3A_251 = arith.index_cast %add3A_231 : i32 to index
        %swap3A_252 = tpu.vector_load %arg15[%swap3A_251] masked %and3A_248 {strides = array<i32>} : memref<1664xi32, #tpu.memory_space<vmem>>, vector<16xi32>, vector<16xi1>
        tpu.vector_store %arg15[%swap3A_251], %add3A_243 masked %and3A_248 {strides = array<i32>} : memref<1664xi32, #tpu.memory_space<vmem>>, vector<16xi32>, vector<16xi1>
        %all_reduce_population_count3A_253 = tpu.all_reduce %and3A_248 {dim = 0 : i64, kind = #tpu.reduction_kind<sum>} : vector<16xi1> -> vector<16xi32>
        %slice3A_254 = vector.extract_strided_slice %all_reduce_population_count3A_253 {offsets = [0], sizes = [1], strides = [1]} : vector<16xi32> to vector<1xi32>
        %squeeze3A_255 = vector.extract %slice3A_254[0] : i32 from vector<1xi32>
        %add3A_256 = arith.addi %add3A_231, %squeeze3A_255 : i32
        %scan3A_257 = arith.constant 6 : i32
        %scan3A_258 = arith.addi %scan3A_114, %scan3A_257 : i32
        %mul3A_259 = arith.constant 16 : i32
        %mul3A_260 = arith.muli %scan3A_258, %mul3A_259 : i32
        %get3A_261 = arith.index_cast %mul3A_260 : i32 to index
        %get3A_262 = tpu.vector_load %arg11[%get3A_261] {strides = array<i32>} : memref<4096xi32, #tpu.memory_space<vmem>>, vector<16xi32>,
        %mul3A_263 = arith.constant 16 : i32
        %mul3A_264 = arith.muli %scan3A_258, %mul3A_263 : i32
        %add3A_265 = arith.constant 4096 : i32
        %add3A_266 = arith.addi %add3A_265, %mul3A_264 : i32
        %add3A_267 = vector.broadcast %add3A_266 : i32 to vector<16xi32>
        %add3A_268 = arith.addi %iota3A, %add3A_267 : vector<16xi32>
        %ge3A_269 = vector.broadcast %mul3A_7 : i32 to vector<16xi32>
        %ge3A_270 = arith.cmpi sge, %get3A_262, %ge3A_269 : vector<16xi32>
        %lt3A_271 = vector.broadcast %select_n3A : i32 to vector<16xi32>
        %lt3A_272 = arith.cmpi slt, %get3A_262, %lt3A_271 : vector<16xi32>
        %and3A_273 = arith.andi %ge3A_270, %lt3A_272 : vector<16xi1>
        %swap3A_274 = arith.index_cast %add3A_256 : i32 to index
        %swap3A_275 = tpu.vector_load %arg14[%swap3A_274] masked %and3A_273 {strides = array<i32>} : memref<1664xi32, #tpu.memory_space<vmem>>, vector<16xi32>, vector<16xi1>
        tpu.vector_store %arg14[%swap3A_274], %get3A_262 masked %and3A_273 {strides = array<i32>} : memref<1664xi32, #tpu.memory_space<vmem>>, vector<16xi32>, vector<16xi1>
        %swap3A_276 = arith.index_cast %add3A_256 : i32 to index
        %swap3A_277 = tpu.vector_load %arg15[%swap3A_276] masked %and3A_273 {strides = array<i32>} : memref<1664xi32, #tpu.memory_space<vmem>>, vector<16xi32>, vector<16xi1>
        tpu.vector_store %arg15[%swap3A_276], %add3A_268 masked %and3A_273 {strides = array<i32>} : memref<1664xi32, #tpu.memory_space<vmem>>, vector<16xi32>, vector<16xi1>
        %all_reduce_population_count3A_278 = tpu.all_reduce %and3A_273 {dim = 0 : i64, kind = #tpu.reduction_kind<sum>} : vector<16xi1> -> vector<16xi32>
        %slice3A_279 = vector.extract_strided_slice %all_reduce_population_count3A_278 {offsets = [0], sizes = [1], strides = [1]} : vector<16xi32> to vector<1xi32>
        %squeeze3A_280 = vector.extract %slice3A_279[0] : i32 from vector<1xi32>
        %add3A_281 = arith.addi %add3A_256, %squeeze3A_280 : i32
        %scan3A_282 = arith.constant 7 : i32
        %scan3A_283 = arith.addi %scan3A_114, %scan3A_282 : i32
        %mul3A_284 = arith.constant 16 : i32
        %mul3A_285 = arith.muli %scan3A_283, %mul3A_284 : i32
        %get3A_286 = arith.index_cast %mul3A_285 : i32 to index
        %get3A_287 = tpu.vector_load %arg11[%get3A_286] {strides = array<i32>} : memref<4096xi32, #tpu.memory_space<vmem>>, vector<16xi32>,
        %mul3A_288 = arith.constant 16 : i32
        %mul3A_289 = arith.muli %scan3A_283, %mul3A_288 : i32
        %add3A_290 = arith.constant 4096 : i32
        %add3A_291 = arith.addi %add3A_290, %mul3A_289 : i32
        %add3A_292 = vector.broadcast %add3A_291 : i32 to vector<16xi32>
        %add3A_293 = arith.addi %iota3A, %add3A_292 : vector<16xi32>
        %ge3A_294 = vector.broadcast %mul3A_7 : i32 to vector<16xi32>
        %ge3A_295 = arith.cmpi sge, %get3A_287, %ge3A_294 : vector<16xi32>
        %lt3A_296 = vector.broadcast %select_n3A : i32 to vector<16xi32>
        %lt3A_297 = arith.cmpi slt, %get3A_287, %lt3A_296 : vector<16xi32>
        %and3A_298 = arith.andi %ge3A_295, %lt3A_297 : vector<16xi1>
        %swap3A_299 = arith.index_cast %add3A_281 : i32 to index
        %swap3A_300 = tpu.vector_load %arg14[%swap3A_299] masked %and3A_298 {strides = array<i32>} : memref<1664xi32, #tpu.memory_space<vmem>>, vector<16xi32>, vector<16xi1>
        tpu.vector_store %arg14[%swap3A_299], %get3A_287 masked %and3A_298 {strides = array<i32>} : memref<1664xi32, #tpu.memory_space<vmem>>, vector<16xi32>, vector<16xi1>
        %swap3A_301 = arith.index_cast %add3A_281 : i32 to index
        %swap3A_302 = tpu.vector_load %arg15[%swap3A_301] masked %and3A_298 {strides = array<i32>} : memref<1664xi32, #tpu.memory_space<vmem>>, vector<16xi32>, vector<16xi1>
        tpu.vector_store %arg15[%swap3A_301], %add3A_293 masked %and3A_298 {strides = array<i32>} : memref<1664xi32, #tpu.memory_space<vmem>>, vector<16xi32>, vector<16xi1>
        %all_reduce_population_count3A_303 = tpu.all_reduce %and3A_298 {dim = 0 : i64, kind = #tpu.reduction_kind<sum>} : vector<16xi1> -> vector<16xi32>
        %slice3A_304 = vector.extract_strided_slice %all_reduce_population_count3A_303 {offsets = [0], sizes = [1], strides = [1]} : vector<16xi32> to vector<1xi32>
        %squeeze3A_305 = vector.extract %slice3A_304[0] : i32 from vector<1xi32>
        %add3A_306 = arith.addi %add3A_281, %squeeze3A_305 : i32
        scf.yield %add3A_306 : i32
      }
      %scan3A_28 = arith.constant 256 : i32
      "tpu.region"() ({
        %run_scoped3A = tpu.sem_alloc : memref<!tpu.dma_semaphore, #tpu.memory_space<semaphore_mem>>
        %dma_start3A_114 = arith.constant 8192 : i32
        %dma_start3A_115 = tpu.memref_slice %arg2[%dma_start3A_114] : memref<16384xi32, #tpu.memory_space<hbm>> -> memref<4096xi32, #tpu.memory_space<hbm>>
        %dma_start3A_116 = arith.constant 8192 : i32
        %dma_start3A_117 = tpu.memref_slice %arg2[%dma_start3A_116] : memref<16384xi32, #tpu.memory_space<hbm>> -> memref<4096xi32, #tpu.memory_space<hbm>>
        tpu.enqueue_dma source(%dma_start3A_117 : memref<4096xi32, #tpu.memory_space<hbm>>) target(%arg11 : memref<4096xi32, #tpu.memory_space<vmem>>) target_semaphore(%run_scoped3A : memref<!tpu.dma_semaphore, #tpu.memory_space<semaphore_mem>>)
        %dma_wait3A_118 = arith.constant 8192 : i32
        %dma_wait3A_119 = tpu.memref_slice %arg2[%dma_wait3A_118] : memref<16384xi32, #tpu.memory_space<hbm>> -> memref<4096xi32, #tpu.memory_space<hbm>>
        %dma_wait3A_120 = arith.constant 8192 : i32
        %dma_wait3A_121 = tpu.memref_slice %arg2[%dma_wait3A_120] : memref<16384xi32, #tpu.memory_space<hbm>> -> memref<4096xi32, #tpu.memory_space<hbm>>
        tpu.wait_dma2 semaphore(%run_scoped3A : memref<!tpu.dma_semaphore, #tpu.memory_space<semaphore_mem>>) src(%dma_wait3A_121 : memref<4096xi32, #tpu.memory_space<hbm>>) dst(%arg11 : memref<4096xi32, #tpu.memory_space<vmem>>)
        tpu.yield
      }) : () -> ()
      %scan3A_29 = arith.constant 0 : i32
      %scan3A_30 = arith.constant 256 : i32
      %scan3A_31 = arith.addi %scan3A_29, %scan3A_30 : i32
      %scan3A_32 = arith.constant 8 : i32
      %scan3A_33 = scf.for %scan3A_114 = %scan3A_29 to %scan3A_31 step %scan3A_32 iter_args(%scan3A_115 = %scan3A_27) -> (i32)  : i32 {
        %mul3A_116 = arith.constant 16 : i32
        %mul3A_117 = arith.muli %scan3A_114, %mul3A_116 : i32
        %get3A = arith.index_cast %mul3A_117 : i32 to index
        %get3A_118 = tpu.vector_load %arg11[%get3A] {strides = array<i32>} : memref<4096xi32, #tpu.memory_space<vmem>>, vector<16xi32>,
        %mul3A_119 = arith.constant 16 : i32
        %mul3A_120 = arith.muli %scan3A_114, %mul3A_119 : i32
        %add3A_121 = arith.constant 8192 : i32
        %add3A_122 = arith.addi %add3A_121, %mul3A_120 : i32
        %add3A_123 = vector.broadcast %add3A_122 : i32 to vector<16xi32>
        %add3A_124 = arith.addi %iota3A, %add3A_123 : vector<16xi32>
        %ge3A = vector.broadcast %mul3A_7 : i32 to vector<16xi32>
        %ge3A_125 = arith.cmpi sge, %get3A_118, %ge3A : vector<16xi32>
        %lt3A = vector.broadcast %select_n3A : i32 to vector<16xi32>
        %lt3A_126 = arith.cmpi slt, %get3A_118, %lt3A : vector<16xi32>
        %and3A_127 = arith.andi %ge3A_125, %lt3A_126 : vector<16xi1>
        %swap3A = arith.index_cast %scan3A_115 : i32 to index
        %swap3A_128 = tpu.vector_load %arg14[%swap3A] masked %and3A_127 {strides = array<i32>} : memref<1664xi32, #tpu.memory_space<vmem>>, vector<16xi32>, vector<16xi1>
        tpu.vector_store %arg14[%swap3A], %get3A_118 masked %and3A_127 {strides = array<i32>} : memref<1664xi32, #tpu.memory_space<vmem>>, vector<16xi32>, vector<16xi1>
        %swap3A_129 = arith.index_cast %scan3A_115 : i32 to index
        %swap3A_130 = tpu.vector_load %arg15[%swap3A_129] masked %and3A_127 {strides = array<i32>} : memref<1664xi32, #tpu.memory_space<vmem>>, vector<16xi32>, vector<16xi1>
        tpu.vector_store %arg15[%swap3A_129], %add3A_124 masked %and3A_127 {strides = array<i32>} : memref<1664xi32, #tpu.memory_space<vmem>>, vector<16xi32>, vector<16xi1>
        %all_reduce_population_count3A = tpu.all_reduce %and3A_127 {dim = 0 : i64, kind = #tpu.reduction_kind<sum>} : vector<16xi1> -> vector<16xi32>
        %slice3A = vector.extract_strided_slice %all_reduce_population_count3A {offsets = [0], sizes = [1], strides = [1]} : vector<16xi32> to vector<1xi32>
        %squeeze3A = vector.extract %slice3A[0] : i32 from vector<1xi32>
        %add3A_131 = arith.addi %scan3A_115, %squeeze3A : i32
        %scan3A_132 = arith.constant 1 : i32
        %scan3A_133 = arith.addi %scan3A_114, %scan3A_132 : i32
        %mul3A_134 = arith.constant 16 : i32
        %mul3A_135 = arith.muli %scan3A_133, %mul3A_134 : i32
        %get3A_136 = arith.index_cast %mul3A_135 : i32 to index
        %get3A_137 = tpu.vector_load %arg11[%get3A_136] {strides = array<i32>} : memref<4096xi32, #tpu.memory_space<vmem>>, vector<16xi32>,
        %mul3A_138 = arith.constant 16 : i32
        %mul3A_139 = arith.muli %scan3A_133, %mul3A_138 : i32
        %add3A_140 = arith.constant 8192 : i32
        %add3A_141 = arith.addi %add3A_140, %mul3A_139 : i32
        %add3A_142 = vector.broadcast %add3A_141 : i32 to vector<16xi32>
        %add3A_143 = arith.addi %iota3A, %add3A_142 : vector<16xi32>
        %ge3A_144 = vector.broadcast %mul3A_7 : i32 to vector<16xi32>
        %ge3A_145 = arith.cmpi sge, %get3A_137, %ge3A_144 : vector<16xi32>
        %lt3A_146 = vector.broadcast %select_n3A : i32 to vector<16xi32>
        %lt3A_147 = arith.cmpi slt, %get3A_137, %lt3A_146 : vector<16xi32>
        %and3A_148 = arith.andi %ge3A_145, %lt3A_147 : vector<16xi1>
        %swap3A_149 = arith.index_cast %add3A_131 : i32 to index
        %swap3A_150 = tpu.vector_load %arg14[%swap3A_149] masked %and3A_148 {strides = array<i32>} : memref<1664xi32, #tpu.memory_space<vmem>>, vector<16xi32>, vector<16xi1>
        tpu.vector_store %arg14[%swap3A_149], %get3A_137 masked %and3A_148 {strides = array<i32>} : memref<1664xi32, #tpu.memory_space<vmem>>, vector<16xi32>, vector<16xi1>
        %swap3A_151 = arith.index_cast %add3A_131 : i32 to index
        %swap3A_152 = tpu.vector_load %arg15[%swap3A_151] masked %and3A_148 {strides = array<i32>} : memref<1664xi32, #tpu.memory_space<vmem>>, vector<16xi32>, vector<16xi1>
        tpu.vector_store %arg15[%swap3A_151], %add3A_143 masked %and3A_148 {strides = array<i32>} : memref<1664xi32, #tpu.memory_space<vmem>>, vector<16xi32>, vector<16xi1>
        %all_reduce_population_count3A_153 = tpu.all_reduce %and3A_148 {dim = 0 : i64, kind = #tpu.reduction_kind<sum>} : vector<16xi1> -> vector<16xi32>
        %slice3A_154 = vector.extract_strided_slice %all_reduce_population_count3A_153 {offsets = [0], sizes = [1], strides = [1]} : vector<16xi32> to vector<1xi32>
        %squeeze3A_155 = vector.extract %slice3A_154[0] : i32 from vector<1xi32>
        %add3A_156 = arith.addi %add3A_131, %squeeze3A_155 : i32
        %scan3A_157 = arith.constant 2 : i32
        %scan3A_158 = arith.addi %scan3A_114, %scan3A_157 : i32
        %mul3A_159 = arith.constant 16 : i32
        %mul3A_160 = arith.muli %scan3A_158, %mul3A_159 : i32
        %get3A_161 = arith.index_cast %mul3A_160 : i32 to index
        %get3A_162 = tpu.vector_load %arg11[%get3A_161] {strides = array<i32>} : memref<4096xi32, #tpu.memory_space<vmem>>, vector<16xi32>,
        %mul3A_163 = arith.constant 16 : i32
        %mul3A_164 = arith.muli %scan3A_158, %mul3A_163 : i32
        %add3A_165 = arith.constant 8192 : i32
        %add3A_166 = arith.addi %add3A_165, %mul3A_164 : i32
        %add3A_167 = vector.broadcast %add3A_166 : i32 to vector<16xi32>
        %add3A_168 = arith.addi %iota3A, %add3A_167 : vector<16xi32>
        %ge3A_169 = vector.broadcast %mul3A_7 : i32 to vector<16xi32>
        %ge3A_170 = arith.cmpi sge, %get3A_162, %ge3A_169 : vector<16xi32>
        %lt3A_171 = vector.broadcast %select_n3A : i32 to vector<16xi32>
        %lt3A_172 = arith.cmpi slt, %get3A_162, %lt3A_171 : vector<16xi32>
        %and3A_173 = arith.andi %ge3A_170, %lt3A_172 : vector<16xi1>
        %swap3A_174 = arith.index_cast %add3A_156 : i32 to index
        %swap3A_175 = tpu.vector_load %arg14[%swap3A_174] masked %and3A_173 {strides = array<i32>} : memref<1664xi32, #tpu.memory_space<vmem>>, vector<16xi32>, vector<16xi1>
        tpu.vector_store %arg14[%swap3A_174], %get3A_162 masked %and3A_173 {strides = array<i32>} : memref<1664xi32, #tpu.memory_space<vmem>>, vector<16xi32>, vector<16xi1>
        %swap3A_176 = arith.index_cast %add3A_156 : i32 to index
        %swap3A_177 = tpu.vector_load %arg15[%swap3A_176] masked %and3A_173 {strides = array<i32>} : memref<1664xi32, #tpu.memory_space<vmem>>, vector<16xi32>, vector<16xi1>
        tpu.vector_store %arg15[%swap3A_176], %add3A_168 masked %and3A_173 {strides = array<i32>} : memref<1664xi32, #tpu.memory_space<vmem>>, vector<16xi32>, vector<16xi1>
        %all_reduce_population_count3A_178 = tpu.all_reduce %and3A_173 {dim = 0 : i64, kind = #tpu.reduction_kind<sum>} : vector<16xi1> -> vector<16xi32>
        %slice3A_179 = vector.extract_strided_slice %all_reduce_population_count3A_178 {offsets = [0], sizes = [1], strides = [1]} : vector<16xi32> to vector<1xi32>
        %squeeze3A_180 = vector.extract %slice3A_179[0] : i32 from vector<1xi32>
        %add3A_181 = arith.addi %add3A_156, %squeeze3A_180 : i32
        %scan3A_182 = arith.constant 3 : i32
        %scan3A_183 = arith.addi %scan3A_114, %scan3A_182 : i32
        %mul3A_184 = arith.constant 16 : i32
        %mul3A_185 = arith.muli %scan3A_183, %mul3A_184 : i32
        %get3A_186 = arith.index_cast %mul3A_185 : i32 to index
        %get3A_187 = tpu.vector_load %arg11[%get3A_186] {strides = array<i32>} : memref<4096xi32, #tpu.memory_space<vmem>>, vector<16xi32>,
        %mul3A_188 = arith.constant 16 : i32
        %mul3A_189 = arith.muli %scan3A_183, %mul3A_188 : i32
        %add3A_190 = arith.constant 8192 : i32
        %add3A_191 = arith.addi %add3A_190, %mul3A_189 : i32
        %add3A_192 = vector.broadcast %add3A_191 : i32 to vector<16xi32>
        %add3A_193 = arith.addi %iota3A, %add3A_192 : vector<16xi32>
        %ge3A_194 = vector.broadcast %mul3A_7 : i32 to vector<16xi32>
        %ge3A_195 = arith.cmpi sge, %get3A_187, %ge3A_194 : vector<16xi32>
        %lt3A_196 = vector.broadcast %select_n3A : i32 to vector<16xi32>
        %lt3A_197 = arith.cmpi slt, %get3A_187, %lt3A_196 : vector<16xi32>
        %and3A_198 = arith.andi %ge3A_195, %lt3A_197 : vector<16xi1>
        %swap3A_199 = arith.index_cast %add3A_181 : i32 to index
        %swap3A_200 = tpu.vector_load %arg14[%swap3A_199] masked %and3A_198 {strides = array<i32>} : memref<1664xi32, #tpu.memory_space<vmem>>, vector<16xi32>, vector<16xi1>
        tpu.vector_store %arg14[%swap3A_199], %get3A_187 masked %and3A_198 {strides = array<i32>} : memref<1664xi32, #tpu.memory_space<vmem>>, vector<16xi32>, vector<16xi1>
        %swap3A_201 = arith.index_cast %add3A_181 : i32 to index
        %swap3A_202 = tpu.vector_load %arg15[%swap3A_201] masked %and3A_198 {strides = array<i32>} : memref<1664xi32, #tpu.memory_space<vmem>>, vector<16xi32>, vector<16xi1>
        tpu.vector_store %arg15[%swap3A_201], %add3A_193 masked %and3A_198 {strides = array<i32>} : memref<1664xi32, #tpu.memory_space<vmem>>, vector<16xi32>, vector<16xi1>
        %all_reduce_population_count3A_203 = tpu.all_reduce %and3A_198 {dim = 0 : i64, kind = #tpu.reduction_kind<sum>} : vector<16xi1> -> vector<16xi32>
        %slice3A_204 = vector.extract_strided_slice %all_reduce_population_count3A_203 {offsets = [0], sizes = [1], strides = [1]} : vector<16xi32> to vector<1xi32>
        %squeeze3A_205 = vector.extract %slice3A_204[0] : i32 from vector<1xi32>
        %add3A_206 = arith.addi %add3A_181, %squeeze3A_205 : i32
        %scan3A_207 = arith.constant 4 : i32
        %scan3A_208 = arith.addi %scan3A_114, %scan3A_207 : i32
        %mul3A_209 = arith.constant 16 : i32
        %mul3A_210 = arith.muli %scan3A_208, %mul3A_209 : i32
        %get3A_211 = arith.index_cast %mul3A_210 : i32 to index
        %get3A_212 = tpu.vector_load %arg11[%get3A_211] {strides = array<i32>} : memref<4096xi32, #tpu.memory_space<vmem>>, vector<16xi32>,
        %mul3A_213 = arith.constant 16 : i32
        %mul3A_214 = arith.muli %scan3A_208, %mul3A_213 : i32
        %add3A_215 = arith.constant 8192 : i32
        %add3A_216 = arith.addi %add3A_215, %mul3A_214 : i32
        %add3A_217 = vector.broadcast %add3A_216 : i32 to vector<16xi32>
        %add3A_218 = arith.addi %iota3A, %add3A_217 : vector<16xi32>
        %ge3A_219 = vector.broadcast %mul3A_7 : i32 to vector<16xi32>
        %ge3A_220 = arith.cmpi sge, %get3A_212, %ge3A_219 : vector<16xi32>
        %lt3A_221 = vector.broadcast %select_n3A : i32 to vector<16xi32>
        %lt3A_222 = arith.cmpi slt, %get3A_212, %lt3A_221 : vector<16xi32>
        %and3A_223 = arith.andi %ge3A_220, %lt3A_222 : vector<16xi1>
        %swap3A_224 = arith.index_cast %add3A_206 : i32 to index
        %swap3A_225 = tpu.vector_load %arg14[%swap3A_224] masked %and3A_223 {strides = array<i32>} : memref<1664xi32, #tpu.memory_space<vmem>>, vector<16xi32>, vector<16xi1>
        tpu.vector_store %arg14[%swap3A_224], %get3A_212 masked %and3A_223 {strides = array<i32>} : memref<1664xi32, #tpu.memory_space<vmem>>, vector<16xi32>, vector<16xi1>
        %swap3A_226 = arith.index_cast %add3A_206 : i32 to index
        %swap3A_227 = tpu.vector_load %arg15[%swap3A_226] masked %and3A_223 {strides = array<i32>} : memref<1664xi32, #tpu.memory_space<vmem>>, vector<16xi32>, vector<16xi1>
        tpu.vector_store %arg15[%swap3A_226], %add3A_218 masked %and3A_223 {strides = array<i32>} : memref<1664xi32, #tpu.memory_space<vmem>>, vector<16xi32>, vector<16xi1>
        %all_reduce_population_count3A_228 = tpu.all_reduce %and3A_223 {dim = 0 : i64, kind = #tpu.reduction_kind<sum>} : vector<16xi1> -> vector<16xi32>
        %slice3A_229 = vector.extract_strided_slice %all_reduce_population_count3A_228 {offsets = [0], sizes = [1], strides = [1]} : vector<16xi32> to vector<1xi32>
        %squeeze3A_230 = vector.extract %slice3A_229[0] : i32 from vector<1xi32>
        %add3A_231 = arith.addi %add3A_206, %squeeze3A_230 : i32
        %scan3A_232 = arith.constant 5 : i32
        %scan3A_233 = arith.addi %scan3A_114, %scan3A_232 : i32
        %mul3A_234 = arith.constant 16 : i32
        %mul3A_235 = arith.muli %scan3A_233, %mul3A_234 : i32
        %get3A_236 = arith.index_cast %mul3A_235 : i32 to index
        %get3A_237 = tpu.vector_load %arg11[%get3A_236] {strides = array<i32>} : memref<4096xi32, #tpu.memory_space<vmem>>, vector<16xi32>,
        %mul3A_238 = arith.constant 16 : i32
        %mul3A_239 = arith.muli %scan3A_233, %mul3A_238 : i32
        %add3A_240 = arith.constant 8192 : i32
        %add3A_241 = arith.addi %add3A_240, %mul3A_239 : i32
        %add3A_242 = vector.broadcast %add3A_241 : i32 to vector<16xi32>
        %add3A_243 = arith.addi %iota3A, %add3A_242 : vector<16xi32>
        %ge3A_244 = vector.broadcast %mul3A_7 : i32 to vector<16xi32>
        %ge3A_245 = arith.cmpi sge, %get3A_237, %ge3A_244 : vector<16xi32>
        %lt3A_246 = vector.broadcast %select_n3A : i32 to vector<16xi32>
        %lt3A_247 = arith.cmpi slt, %get3A_237, %lt3A_246 : vector<16xi32>
        %and3A_248 = arith.andi %ge3A_245, %lt3A_247 : vector<16xi1>
        %swap3A_249 = arith.index_cast %add3A_231 : i32 to index
        %swap3A_250 = tpu.vector_load %arg14[%swap3A_249] masked %and3A_248 {strides = array<i32>} : memref<1664xi32, #tpu.memory_space<vmem>>, vector<16xi32>, vector<16xi1>
        tpu.vector_store %arg14[%swap3A_249], %get3A_237 masked %and3A_248 {strides = array<i32>} : memref<1664xi32, #tpu.memory_space<vmem>>, vector<16xi32>, vector<16xi1>
        %swap3A_251 = arith.index_cast %add3A_231 : i32 to index
        %swap3A_252 = tpu.vector_load %arg15[%swap3A_251] masked %and3A_248 {strides = array<i32>} : memref<1664xi32, #tpu.memory_space<vmem>>, vector<16xi32>, vector<16xi1>
        tpu.vector_store %arg15[%swap3A_251], %add3A_243 masked %and3A_248 {strides = array<i32>} : memref<1664xi32, #tpu.memory_space<vmem>>, vector<16xi32>, vector<16xi1>
        %all_reduce_population_count3A_253 = tpu.all_reduce %and3A_248 {dim = 0 : i64, kind = #tpu.reduction_kind<sum>} : vector<16xi1> -> vector<16xi32>
        %slice3A_254 = vector.extract_strided_slice %all_reduce_population_count3A_253 {offsets = [0], sizes = [1], strides = [1]} : vector<16xi32> to vector<1xi32>
        %squeeze3A_255 = vector.extract %slice3A_254[0] : i32 from vector<1xi32>
        %add3A_256 = arith.addi %add3A_231, %squeeze3A_255 : i32
        %scan3A_257 = arith.constant 6 : i32
        %scan3A_258 = arith.addi %scan3A_114, %scan3A_257 : i32
        %mul3A_259 = arith.constant 16 : i32
        %mul3A_260 = arith.muli %scan3A_258, %mul3A_259 : i32
        %get3A_261 = arith.index_cast %mul3A_260 : i32 to index
        %get3A_262 = tpu.vector_load %arg11[%get3A_261] {strides = array<i32>} : memref<4096xi32, #tpu.memory_space<vmem>>, vector<16xi32>,
        %mul3A_263 = arith.constant 16 : i32
        %mul3A_264 = arith.muli %scan3A_258, %mul3A_263 : i32
        %add3A_265 = arith.constant 8192 : i32
        %add3A_266 = arith.addi %add3A_265, %mul3A_264 : i32
        %add3A_267 = vector.broadcast %add3A_266 : i32 to vector<16xi32>
        %add3A_268 = arith.addi %iota3A, %add3A_267 : vector<16xi32>
        %ge3A_269 = vector.broadcast %mul3A_7 : i32 to vector<16xi32>
        %ge3A_270 = arith.cmpi sge, %get3A_262, %ge3A_269 : vector<16xi32>
        %lt3A_271 = vector.broadcast %select_n3A : i32 to vector<16xi32>
        %lt3A_272 = arith.cmpi slt, %get3A_262, %lt3A_271 : vector<16xi32>
        %and3A_273 = arith.andi %ge3A_270, %lt3A_272 : vector<16xi1>
        %swap3A_274 = arith.index_cast %add3A_256 : i32 to index
        %swap3A_275 = tpu.vector_load %arg14[%swap3A_274] masked %and3A_273 {strides = array<i32>} : memref<1664xi32, #tpu.memory_space<vmem>>, vector<16xi32>, vector<16xi1>
        tpu.vector_store %arg14[%swap3A_274], %get3A_262 masked %and3A_273 {strides = array<i32>} : memref<1664xi32, #tpu.memory_space<vmem>>, vector<16xi32>, vector<16xi1>
        %swap3A_276 = arith.index_cast %add3A_256 : i32 to index
        %swap3A_277 = tpu.vector_load %arg15[%swap3A_276] masked %and3A_273 {strides = array<i32>} : memref<1664xi32, #tpu.memory_space<vmem>>, vector<16xi32>, vector<16xi1>
        tpu.vector_store %arg15[%swap3A_276], %add3A_268 masked %and3A_273 {strides = array<i32>} : memref<1664xi32, #tpu.memory_space<vmem>>, vector<16xi32>, vector<16xi1>
        %all_reduce_population_count3A_278 = tpu.all_reduce %and3A_273 {dim = 0 : i64, kind = #tpu.reduction_kind<sum>} : vector<16xi1> -> vector<16xi32>
        %slice3A_279 = vector.extract_strided_slice %all_reduce_population_count3A_278 {offsets = [0], sizes = [1], strides = [1]} : vector<16xi32> to vector<1xi32>
        %squeeze3A_280 = vector.extract %slice3A_279[0] : i32 from vector<1xi32>
        %add3A_281 = arith.addi %add3A_256, %squeeze3A_280 : i32
        %scan3A_282 = arith.constant 7 : i32
        %scan3A_283 = arith.addi %scan3A_114, %scan3A_282 : i32
        %mul3A_284 = arith.constant 16 : i32
        %mul3A_285 = arith.muli %scan3A_283, %mul3A_284 : i32
        %get3A_286 = arith.index_cast %mul3A_285 : i32 to index
        %get3A_287 = tpu.vector_load %arg11[%get3A_286] {strides = array<i32>} : memref<4096xi32, #tpu.memory_space<vmem>>, vector<16xi32>,
        %mul3A_288 = arith.constant 16 : i32
        %mul3A_289 = arith.muli %scan3A_283, %mul3A_288 : i32
        %add3A_290 = arith.constant 8192 : i32
        %add3A_291 = arith.addi %add3A_290, %mul3A_289 : i32
        %add3A_292 = vector.broadcast %add3A_291 : i32 to vector<16xi32>
        %add3A_293 = arith.addi %iota3A, %add3A_292 : vector<16xi32>
        %ge3A_294 = vector.broadcast %mul3A_7 : i32 to vector<16xi32>
        %ge3A_295 = arith.cmpi sge, %get3A_287, %ge3A_294 : vector<16xi32>
        %lt3A_296 = vector.broadcast %select_n3A : i32 to vector<16xi32>
        %lt3A_297 = arith.cmpi slt, %get3A_287, %lt3A_296 : vector<16xi32>
        %and3A_298 = arith.andi %ge3A_295, %lt3A_297 : vector<16xi1>
        %swap3A_299 = arith.index_cast %add3A_281 : i32 to index
        %swap3A_300 = tpu.vector_load %arg14[%swap3A_299] masked %and3A_298 {strides = array<i32>} : memref<1664xi32, #tpu.memory_space<vmem>>, vector<16xi32>, vector<16xi1>
        tpu.vector_store %arg14[%swap3A_299], %get3A_287 masked %and3A_298 {strides = array<i32>} : memref<1664xi32, #tpu.memory_space<vmem>>, vector<16xi32>, vector<16xi1>
        %swap3A_301 = arith.index_cast %add3A_281 : i32 to index
        %swap3A_302 = tpu.vector_load %arg15[%swap3A_301] masked %and3A_298 {strides = array<i32>} : memref<1664xi32, #tpu.memory_space<vmem>>, vector<16xi32>, vector<16xi1>
        tpu.vector_store %arg15[%swap3A_301], %add3A_293 masked %and3A_298 {strides = array<i32>} : memref<1664xi32, #tpu.memory_space<vmem>>, vector<16xi32>, vector<16xi1>
        %all_reduce_population_count3A_303 = tpu.all_reduce %and3A_298 {dim = 0 : i64, kind = #tpu.reduction_kind<sum>} : vector<16xi1> -> vector<16xi32>
        %slice3A_304 = vector.extract_strided_slice %all_reduce_population_count3A_303 {offsets = [0], sizes = [1], strides = [1]} : vector<16xi32> to vector<1xi32>
        %squeeze3A_305 = vector.extract %slice3A_304[0] : i32 from vector<1xi32>
        %add3A_306 = arith.addi %add3A_281, %squeeze3A_305 : i32
        scf.yield %add3A_306 : i32
      }
      %scan3A_34 = arith.constant 256 : i32
      "tpu.region"() ({
        %run_scoped3A = tpu.sem_alloc : memref<!tpu.dma_semaphore, #tpu.memory_space<semaphore_mem>>
        %dma_start3A_114 = arith.constant 12288 : i32
        %dma_start3A_115 = tpu.memref_slice %arg2[%dma_start3A_114] : memref<16384xi32, #tpu.memory_space<hbm>> -> memref<4096xi32, #tpu.memory_space<hbm>>
        %dma_start3A_116 = arith.constant 12288 : i32
        %dma_start3A_117 = tpu.memref_slice %arg2[%dma_start3A_116] : memref<16384xi32, #tpu.memory_space<hbm>> -> memref<4096xi32, #tpu.memory_space<hbm>>
        tpu.enqueue_dma source(%dma_start3A_117 : memref<4096xi32, #tpu.memory_space<hbm>>) target(%arg11 : memref<4096xi32, #tpu.memory_space<vmem>>) target_semaphore(%run_scoped3A : memref<!tpu.dma_semaphore, #tpu.memory_space<semaphore_mem>>)
        %dma_wait3A_118 = arith.constant 12288 : i32
        %dma_wait3A_119 = tpu.memref_slice %arg2[%dma_wait3A_118] : memref<16384xi32, #tpu.memory_space<hbm>> -> memref<4096xi32, #tpu.memory_space<hbm>>
        %dma_wait3A_120 = arith.constant 12288 : i32
        %dma_wait3A_121 = tpu.memref_slice %arg2[%dma_wait3A_120] : memref<16384xi32, #tpu.memory_space<hbm>> -> memref<4096xi32, #tpu.memory_space<hbm>>
        tpu.wait_dma2 semaphore(%run_scoped3A : memref<!tpu.dma_semaphore, #tpu.memory_space<semaphore_mem>>) src(%dma_wait3A_121 : memref<4096xi32, #tpu.memory_space<hbm>>) dst(%arg11 : memref<4096xi32, #tpu.memory_space<vmem>>)
        tpu.yield
      }) : () -> ()
      %scan3A_35 = arith.constant 0 : i32
      %scan3A_36 = arith.constant 256 : i32
      %scan3A_37 = arith.addi %scan3A_35, %scan3A_36 : i32
      %scan3A_38 = arith.constant 8 : i32
      %scan3A_39 = scf.for %scan3A_114 = %scan3A_35 to %scan3A_37 step %scan3A_38 iter_args(%scan3A_115 = %scan3A_33) -> (i32)  : i32 {
        %mul3A_116 = arith.constant 16 : i32
        %mul3A_117 = arith.muli %scan3A_114, %mul3A_116 : i32
        %get3A = arith.index_cast %mul3A_117 : i32 to index
        %get3A_118 = tpu.vector_load %arg11[%get3A] {strides = array<i32>} : memref<4096xi32, #tpu.memory_space<vmem>>, vector<16xi32>,
        %mul3A_119 = arith.constant 16 : i32
        %mul3A_120 = arith.muli %scan3A_114, %mul3A_119 : i32
        %add3A_121 = arith.constant 12288 : i32
        %add3A_122 = arith.addi %add3A_121, %mul3A_120 : i32
        %add3A_123 = vector.broadcast %add3A_122 : i32 to vector<16xi32>
        %add3A_124 = arith.addi %iota3A, %add3A_123 : vector<16xi32>
        %ge3A = vector.broadcast %mul3A_7 : i32 to vector<16xi32>
        %ge3A_125 = arith.cmpi sge, %get3A_118, %ge3A : vector<16xi32>
        %lt3A = vector.broadcast %select_n3A : i32 to vector<16xi32>
        %lt3A_126 = arith.cmpi slt, %get3A_118, %lt3A : vector<16xi32>
        %and3A_127 = arith.andi %ge3A_125, %lt3A_126 : vector<16xi1>
        %swap3A = arith.index_cast %scan3A_115 : i32 to index
        %swap3A_128 = tpu.vector_load %arg14[%swap3A] masked %and3A_127 {strides = array<i32>} : memref<1664xi32, #tpu.memory_space<vmem>>, vector<16xi32>, vector<16xi1>
        tpu.vector_store %arg14[%swap3A], %get3A_118 masked %and3A_127 {strides = array<i32>} : memref<1664xi32, #tpu.memory_space<vmem>>, vector<16xi32>, vector<16xi1>
        %swap3A_129 = arith.index_cast %scan3A_115 : i32 to index
        %swap3A_130 = tpu.vector_load %arg15[%swap3A_129] masked %and3A_127 {strides = array<i32>} : memref<1664xi32, #tpu.memory_space<vmem>>, vector<16xi32>, vector<16xi1>
        tpu.vector_store %arg15[%swap3A_129], %add3A_124 masked %and3A_127 {strides = array<i32>} : memref<1664xi32, #tpu.memory_space<vmem>>, vector<16xi32>, vector<16xi1>
        %all_reduce_population_count3A = tpu.all_reduce %and3A_127 {dim = 0 : i64, kind = #tpu.reduction_kind<sum>} : vector<16xi1> -> vector<16xi32>
        %slice3A = vector.extract_strided_slice %all_reduce_population_count3A {offsets = [0], sizes = [1], strides = [1]} : vector<16xi32> to vector<1xi32>
        %squeeze3A = vector.extract %slice3A[0] : i32 from vector<1xi32>
        %add3A_131 = arith.addi %scan3A_115, %squeeze3A : i32
        %scan3A_132 = arith.constant 1 : i32
        %scan3A_133 = arith.addi %scan3A_114, %scan3A_132 : i32
        %mul3A_134 = arith.constant 16 : i32
        %mul3A_135 = arith.muli %scan3A_133, %mul3A_134 : i32
        %get3A_136 = arith.index_cast %mul3A_135 : i32 to index
        %get3A_137 = tpu.vector_load %arg11[%get3A_136] {strides = array<i32>} : memref<4096xi32, #tpu.memory_space<vmem>>, vector<16xi32>,
        %mul3A_138 = arith.constant 16 : i32
        %mul3A_139 = arith.muli %scan3A_133, %mul3A_138 : i32
        %add3A_140 = arith.constant 12288 : i32
        %add3A_141 = arith.addi %add3A_140, %mul3A_139 : i32
        %add3A_142 = vector.broadcast %add3A_141 : i32 to vector<16xi32>
        %add3A_143 = arith.addi %iota3A, %add3A_142 : vector<16xi32>
        %ge3A_144 = vector.broadcast %mul3A_7 : i32 to vector<16xi32>
        %ge3A_145 = arith.cmpi sge, %get3A_137, %ge3A_144 : vector<16xi32>
        %lt3A_146 = vector.broadcast %select_n3A : i32 to vector<16xi32>
        %lt3A_147 = arith.cmpi slt, %get3A_137, %lt3A_146 : vector<16xi32>
        %and3A_148 = arith.andi %ge3A_145, %lt3A_147 : vector<16xi1>
        %swap3A_149 = arith.index_cast %add3A_131 : i32 to index
        %swap3A_150 = tpu.vector_load %arg14[%swap3A_149] masked %and3A_148 {strides = array<i32>} : memref<1664xi32, #tpu.memory_space<vmem>>, vector<16xi32>, vector<16xi1>
        tpu.vector_store %arg14[%swap3A_149], %get3A_137 masked %and3A_148 {strides = array<i32>} : memref<1664xi32, #tpu.memory_space<vmem>>, vector<16xi32>, vector<16xi1>
        %swap3A_151 = arith.index_cast %add3A_131 : i32 to index
        %swap3A_152 = tpu.vector_load %arg15[%swap3A_151] masked %and3A_148 {strides = array<i32>} : memref<1664xi32, #tpu.memory_space<vmem>>, vector<16xi32>, vector<16xi1>
        tpu.vector_store %arg15[%swap3A_151], %add3A_143 masked %and3A_148 {strides = array<i32>} : memref<1664xi32, #tpu.memory_space<vmem>>, vector<16xi32>, vector<16xi1>
        %all_reduce_population_count3A_153 = tpu.all_reduce %and3A_148 {dim = 0 : i64, kind = #tpu.reduction_kind<sum>} : vector<16xi1> -> vector<16xi32>
        %slice3A_154 = vector.extract_strided_slice %all_reduce_population_count3A_153 {offsets = [0], sizes = [1], strides = [1]} : vector<16xi32> to vector<1xi32>
        %squeeze3A_155 = vector.extract %slice3A_154[0] : i32 from vector<1xi32>
        %add3A_156 = arith.addi %add3A_131, %squeeze3A_155 : i32
        %scan3A_157 = arith.constant 2 : i32
        %scan3A_158 = arith.addi %scan3A_114, %scan3A_157 : i32
        %mul3A_159 = arith.constant 16 : i32
        %mul3A_160 = arith.muli %scan3A_158, %mul3A_159 : i32
        %get3A_161 = arith.index_cast %mul3A_160 : i32 to index
        %get3A_162 = tpu.vector_load %arg11[%get3A_161] {strides = array<i32>} : memref<4096xi32, #tpu.memory_space<vmem>>, vector<16xi32>,
        %mul3A_163 = arith.constant 16 : i32
        %mul3A_164 = arith.muli %scan3A_158, %mul3A_163 : i32
        %add3A_165 = arith.constant 12288 : i32
        %add3A_166 = arith.addi %add3A_165, %mul3A_164 : i32
        %add3A_167 = vector.broadcast %add3A_166 : i32 to vector<16xi32>
        %add3A_168 = arith.addi %iota3A, %add3A_167 : vector<16xi32>
        %ge3A_169 = vector.broadcast %mul3A_7 : i32 to vector<16xi32>
        %ge3A_170 = arith.cmpi sge, %get3A_162, %ge3A_169 : vector<16xi32>
        %lt3A_171 = vector.broadcast %select_n3A : i32 to vector<16xi32>
        %lt3A_172 = arith.cmpi slt, %get3A_162, %lt3A_171 : vector<16xi32>
        %and3A_173 = arith.andi %ge3A_170, %lt3A_172 : vector<16xi1>
        %swap3A_174 = arith.index_cast %add3A_156 : i32 to index
        %swap3A_175 = tpu.vector_load %arg14[%swap3A_174] masked %and3A_173 {strides = array<i32>} : memref<1664xi32, #tpu.memory_space<vmem>>, vector<16xi32>, vector<16xi1>
        tpu.vector_store %arg14[%swap3A_174], %get3A_162 masked %and3A_173 {strides = array<i32>} : memref<1664xi32, #tpu.memory_space<vmem>>, vector<16xi32>, vector<16xi1>
        %swap3A_176 = arith.index_cast %add3A_156 : i32 to index
        %swap3A_177 = tpu.vector_load %arg15[%swap3A_176] masked %and3A_173 {strides = array<i32>} : memref<1664xi32, #tpu.memory_space<vmem>>, vector<16xi32>, vector<16xi1>
        tpu.vector_store %arg15[%swap3A_176], %add3A_168 masked %and3A_173 {strides = array<i32>} : memref<1664xi32, #tpu.memory_space<vmem>>, vector<16xi32>, vector<16xi1>
        %all_reduce_population_count3A_178 = tpu.all_reduce %and3A_173 {dim = 0 : i64, kind = #tpu.reduction_kind<sum>} : vector<16xi1> -> vector<16xi32>
        %slice3A_179 = vector.extract_strided_slice %all_reduce_population_count3A_178 {offsets = [0], sizes = [1], strides = [1]} : vector<16xi32> to vector<1xi32>
        %squeeze3A_180 = vector.extract %slice3A_179[0] : i32 from vector<1xi32>
        %add3A_181 = arith.addi %add3A_156, %squeeze3A_180 : i32
        %scan3A_182 = arith.constant 3 : i32
        %scan3A_183 = arith.addi %scan3A_114, %scan3A_182 : i32
        %mul3A_184 = arith.constant 16 : i32
        %mul3A_185 = arith.muli %scan3A_183, %mul3A_184 : i32
        %get3A_186 = arith.index_cast %mul3A_185 : i32 to index
        %get3A_187 = tpu.vector_load %arg11[%get3A_186] {strides = array<i32>} : memref<4096xi32, #tpu.memory_space<vmem>>, vector<16xi32>,
        %mul3A_188 = arith.constant 16 : i32
        %mul3A_189 = arith.muli %scan3A_183, %mul3A_188 : i32
        %add3A_190 = arith.constant 12288 : i32
        %add3A_191 = arith.addi %add3A_190, %mul3A_189 : i32
        %add3A_192 = vector.broadcast %add3A_191 : i32 to vector<16xi32>
        %add3A_193 = arith.addi %iota3A, %add3A_192 : vector<16xi32>
        %ge3A_194 = vector.broadcast %mul3A_7 : i32 to vector<16xi32>
        %ge3A_195 = arith.cmpi sge, %get3A_187, %ge3A_194 : vector<16xi32>
        %lt3A_196 = vector.broadcast %select_n3A : i32 to vector<16xi32>
        %lt3A_197 = arith.cmpi slt, %get3A_187, %lt3A_196 : vector<16xi32>
        %and3A_198 = arith.andi %ge3A_195, %lt3A_197 : vector<16xi1>
        %swap3A_199 = arith.index_cast %add3A_181 : i32 to index
        %swap3A_200 = tpu.vector_load %arg14[%swap3A_199] masked %and3A_198 {strides = array<i32>} : memref<1664xi32, #tpu.memory_space<vmem>>, vector<16xi32>, vector<16xi1>
        tpu.vector_store %arg14[%swap3A_199], %get3A_187 masked %and3A_198 {strides = array<i32>} : memref<1664xi32, #tpu.memory_space<vmem>>, vector<16xi32>, vector<16xi1>
        %swap3A_201 = arith.index_cast %add3A_181 : i32 to index
        %swap3A_202 = tpu.vector_load %arg15[%swap3A_201] masked %and3A_198 {strides = array<i32>} : memref<1664xi32, #tpu.memory_space<vmem>>, vector<16xi32>, vector<16xi1>
        tpu.vector_store %arg15[%swap3A_201], %add3A_193 masked %and3A_198 {strides = array<i32>} : memref<1664xi32, #tpu.memory_space<vmem>>, vector<16xi32>, vector<16xi1>
        %all_reduce_population_count3A_203 = tpu.all_reduce %and3A_198 {dim = 0 : i64, kind = #tpu.reduction_kind<sum>} : vector<16xi1> -> vector<16xi32>
        %slice3A_204 = vector.extract_strided_slice %all_reduce_population_count3A_203 {offsets = [0], sizes = [1], strides = [1]} : vector<16xi32> to vector<1xi32>
        %squeeze3A_205 = vector.extract %slice3A_204[0] : i32 from vector<1xi32>
        %add3A_206 = arith.addi %add3A_181, %squeeze3A_205 : i32
        %scan3A_207 = arith.constant 4 : i32
        %scan3A_208 = arith.addi %scan3A_114, %scan3A_207 : i32
        %mul3A_209 = arith.constant 16 : i32
        %mul3A_210 = arith.muli %scan3A_208, %mul3A_209 : i32
        %get3A_211 = arith.index_cast %mul3A_210 : i32 to index
        %get3A_212 = tpu.vector_load %arg11[%get3A_211] {strides = array<i32>} : memref<4096xi32, #tpu.memory_space<vmem>>, vector<16xi32>,
        %mul3A_213 = arith.constant 16 : i32
        %mul3A_214 = arith.muli %scan3A_208, %mul3A_213 : i32
        %add3A_215 = arith.constant 12288 : i32
        %add3A_216 = arith.addi %add3A_215, %mul3A_214 : i32
        %add3A_217 = vector.broadcast %add3A_216 : i32 to vector<16xi32>
        %add3A_218 = arith.addi %iota3A, %add3A_217 : vector<16xi32>
        %ge3A_219 = vector.broadcast %mul3A_7 : i32 to vector<16xi32>
        %ge3A_220 = arith.cmpi sge, %get3A_212, %ge3A_219 : vector<16xi32>
        %lt3A_221 = vector.broadcast %select_n3A : i32 to vector<16xi32>
        %lt3A_222 = arith.cmpi slt, %get3A_212, %lt3A_221 : vector<16xi32>
        %and3A_223 = arith.andi %ge3A_220, %lt3A_222 : vector<16xi1>
        %swap3A_224 = arith.index_cast %add3A_206 : i32 to index
        %swap3A_225 = tpu.vector_load %arg14[%swap3A_224] masked %and3A_223 {strides = array<i32>} : memref<1664xi32, #tpu.memory_space<vmem>>, vector<16xi32>, vector<16xi1>
        tpu.vector_store %arg14[%swap3A_224], %get3A_212 masked %and3A_223 {strides = array<i32>} : memref<1664xi32, #tpu.memory_space<vmem>>, vector<16xi32>, vector<16xi1>
        %swap3A_226 = arith.index_cast %add3A_206 : i32 to index
        %swap3A_227 = tpu.vector_load %arg15[%swap3A_226] masked %and3A_223 {strides = array<i32>} : memref<1664xi32, #tpu.memory_space<vmem>>, vector<16xi32>, vector<16xi1>
        tpu.vector_store %arg15[%swap3A_226], %add3A_218 masked %and3A_223 {strides = array<i32>} : memref<1664xi32, #tpu.memory_space<vmem>>, vector<16xi32>, vector<16xi1>
        %all_reduce_population_count3A_228 = tpu.all_reduce %and3A_223 {dim = 0 : i64, kind = #tpu.reduction_kind<sum>} : vector<16xi1> -> vector<16xi32>
        %slice3A_229 = vector.extract_strided_slice %all_reduce_population_count3A_228 {offsets = [0], sizes = [1], strides = [1]} : vector<16xi32> to vector<1xi32>
        %squeeze3A_230 = vector.extract %slice3A_229[0] : i32 from vector<1xi32>
        %add3A_231 = arith.addi %add3A_206, %squeeze3A_230 : i32
        %scan3A_232 = arith.constant 5 : i32
        %scan3A_233 = arith.addi %scan3A_114, %scan3A_232 : i32
        %mul3A_234 = arith.constant 16 : i32
        %mul3A_235 = arith.muli %scan3A_233, %mul3A_234 : i32
        %get3A_236 = arith.index_cast %mul3A_235 : i32 to index
        %get3A_237 = tpu.vector_load %arg11[%get3A_236] {strides = array<i32>} : memref<4096xi32, #tpu.memory_space<vmem>>, vector<16xi32>,
        %mul3A_238 = arith.constant 16 : i32
        %mul3A_239 = arith.muli %scan3A_233, %mul3A_238 : i32
        %add3A_240 = arith.constant 12288 : i32
        %add3A_241 = arith.addi %add3A_240, %mul3A_239 : i32
        %add3A_242 = vector.broadcast %add3A_241 : i32 to vector<16xi32>
        %add3A_243 = arith.addi %iota3A, %add3A_242 : vector<16xi32>
        %ge3A_244 = vector.broadcast %mul3A_7 : i32 to vector<16xi32>
        %ge3A_245 = arith.cmpi sge, %get3A_237, %ge3A_244 : vector<16xi32>
        %lt3A_246 = vector.broadcast %select_n3A : i32 to vector<16xi32>
        %lt3A_247 = arith.cmpi slt, %get3A_237, %lt3A_246 : vector<16xi32>
        %and3A_248 = arith.andi %ge3A_245, %lt3A_247 : vector<16xi1>
        %swap3A_249 = arith.index_cast %add3A_231 : i32 to index
        %swap3A_250 = tpu.vector_load %arg14[%swap3A_249] masked %and3A_248 {strides = array<i32>} : memref<1664xi32, #tpu.memory_space<vmem>>, vector<16xi32>, vector<16xi1>
        tpu.vector_store %arg14[%swap3A_249], %get3A_237 masked %and3A_248 {strides = array<i32>} : memref<1664xi32, #tpu.memory_space<vmem>>, vector<16xi32>, vector<16xi1>
        %swap3A_251 = arith.index_cast %add3A_231 : i32 to index
        %swap3A_252 = tpu.vector_load %arg15[%swap3A_251] masked %and3A_248 {strides = array<i32>} : memref<1664xi32, #tpu.memory_space<vmem>>, vector<16xi32>, vector<16xi1>
        tpu.vector_store %arg15[%swap3A_251], %add3A_243 masked %and3A_248 {strides = array<i32>} : memref<1664xi32, #tpu.memory_space<vmem>>, vector<16xi32>, vector<16xi1>
        %all_reduce_population_count3A_253 = tpu.all_reduce %and3A_248 {dim = 0 : i64, kind = #tpu.reduction_kind<sum>} : vector<16xi1> -> vector<16xi32>
        %slice3A_254 = vector.extract_strided_slice %all_reduce_population_count3A_253 {offsets = [0], sizes = [1], strides = [1]} : vector<16xi32> to vector<1xi32>
        %squeeze3A_255 = vector.extract %slice3A_254[0] : i32 from vector<1xi32>
        %add3A_256 = arith.addi %add3A_231, %squeeze3A_255 : i32
        %scan3A_257 = arith.constant 6 : i32
        %scan3A_258 = arith.addi %scan3A_114, %scan3A_257 : i32
        %mul3A_259 = arith.constant 16 : i32
        %mul3A_260 = arith.muli %scan3A_258, %mul3A_259 : i32
        %get3A_261 = arith.index_cast %mul3A_260 : i32 to index
        %get3A_262 = tpu.vector_load %arg11[%get3A_261] {strides = array<i32>} : memref<4096xi32, #tpu.memory_space<vmem>>, vector<16xi32>,
        %mul3A_263 = arith.constant 16 : i32
        %mul3A_264 = arith.muli %scan3A_258, %mul3A_263 : i32
        %add3A_265 = arith.constant 12288 : i32
        %add3A_266 = arith.addi %add3A_265, %mul3A_264 : i32
        %add3A_267 = vector.broadcast %add3A_266 : i32 to vector<16xi32>
        %add3A_268 = arith.addi %iota3A, %add3A_267 : vector<16xi32>
        %ge3A_269 = vector.broadcast %mul3A_7 : i32 to vector<16xi32>
        %ge3A_270 = arith.cmpi sge, %get3A_262, %ge3A_269 : vector<16xi32>
        %lt3A_271 = vector.broadcast %select_n3A : i32 to vector<16xi32>
        %lt3A_272 = arith.cmpi slt, %get3A_262, %lt3A_271 : vector<16xi32>
        %and3A_273 = arith.andi %ge3A_270, %lt3A_272 : vector<16xi1>
        %swap3A_274 = arith.index_cast %add3A_256 : i32 to index
        %swap3A_275 = tpu.vector_load %arg14[%swap3A_274] masked %and3A_273 {strides = array<i32>} : memref<1664xi32, #tpu.memory_space<vmem>>, vector<16xi32>, vector<16xi1>
        tpu.vector_store %arg14[%swap3A_274], %get3A_262 masked %and3A_273 {strides = array<i32>} : memref<1664xi32, #tpu.memory_space<vmem>>, vector<16xi32>, vector<16xi1>
        %swap3A_276 = arith.index_cast %add3A_256 : i32 to index
        %swap3A_277 = tpu.vector_load %arg15[%swap3A_276] masked %and3A_273 {strides = array<i32>} : memref<1664xi32, #tpu.memory_space<vmem>>, vector<16xi32>, vector<16xi1>
        tpu.vector_store %arg15[%swap3A_276], %add3A_268 masked %and3A_273 {strides = array<i32>} : memref<1664xi32, #tpu.memory_space<vmem>>, vector<16xi32>, vector<16xi1>
        %all_reduce_population_count3A_278 = tpu.all_reduce %and3A_273 {dim = 0 : i64, kind = #tpu.reduction_kind<sum>} : vector<16xi1> -> vector<16xi32>
        %slice3A_279 = vector.extract_strided_slice %all_reduce_population_count3A_278 {offsets = [0], sizes = [1], strides = [1]} : vector<16xi32> to vector<1xi32>
        %squeeze3A_280 = vector.extract %slice3A_279[0] : i32 from vector<1xi32>
        %add3A_281 = arith.addi %add3A_256, %squeeze3A_280 : i32
        %scan3A_282 = arith.constant 7 : i32
        %scan3A_283 = arith.addi %scan3A_114, %scan3A_282 : i32
        %mul3A_284 = arith.constant 16 : i32
        %mul3A_285 = arith.muli %scan3A_283, %mul3A_284 : i32
        %get3A_286 = arith.index_cast %mul3A_285 : i32 to index
        %get3A_287 = tpu.vector_load %arg11[%get3A_286] {strides = array<i32>} : memref<4096xi32, #tpu.memory_space<vmem>>, vector<16xi32>,
        %mul3A_288 = arith.constant 16 : i32
        %mul3A_289 = arith.muli %scan3A_283, %mul3A_288 : i32
        %add3A_290 = arith.constant 12288 : i32
        %add3A_291 = arith.addi %add3A_290, %mul3A_289 : i32
        %add3A_292 = vector.broadcast %add3A_291 : i32 to vector<16xi32>
        %add3A_293 = arith.addi %iota3A, %add3A_292 : vector<16xi32>
        %ge3A_294 = vector.broadcast %mul3A_7 : i32 to vector<16xi32>
        %ge3A_295 = arith.cmpi sge, %get3A_287, %ge3A_294 : vector<16xi32>
        %lt3A_296 = vector.broadcast %select_n3A : i32 to vector<16xi32>
        %lt3A_297 = arith.cmpi slt, %get3A_287, %lt3A_296 : vector<16xi32>
        %and3A_298 = arith.andi %ge3A_295, %lt3A_297 : vector<16xi1>
        %swap3A_299 = arith.index_cast %add3A_281 : i32 to index
        %swap3A_300 = tpu.vector_load %arg14[%swap3A_299] masked %and3A_298 {strides = array<i32>} : memref<1664xi32, #tpu.memory_space<vmem>>, vector<16xi32>, vector<16xi1>
        tpu.vector_store %arg14[%swap3A_299], %get3A_287 masked %and3A_298 {strides = array<i32>} : memref<1664xi32, #tpu.memory_space<vmem>>, vector<16xi32>, vector<16xi1>
        %swap3A_301 = arith.index_cast %add3A_281 : i32 to index
        %swap3A_302 = tpu.vector_load %arg15[%swap3A_301] masked %and3A_298 {strides = array<i32>} : memref<1664xi32, #tpu.memory_space<vmem>>, vector<16xi32>, vector<16xi1>
        tpu.vector_store %arg15[%swap3A_301], %add3A_293 masked %and3A_298 {strides = array<i32>} : memref<1664xi32, #tpu.memory_space<vmem>>, vector<16xi32>, vector<16xi1>
        %all_reduce_population_count3A_303 = tpu.all_reduce %and3A_298 {dim = 0 : i64, kind = #tpu.reduction_kind<sum>} : vector<16xi1> -> vector<16xi32>
        %slice3A_304 = vector.extract_strided_slice %all_reduce_population_count3A_303 {offsets = [0], sizes = [1], strides = [1]} : vector<16xi32> to vector<1xi32>
        %squeeze3A_305 = vector.extract %slice3A_304[0] : i32 from vector<1xi32>
        %add3A_306 = arith.addi %add3A_281, %squeeze3A_305 : i32
        scf.yield %add3A_306 : i32
      }
      %scan3A_40 = arith.constant 256 : i32
      %add3A_41 = arith.constant 16 : i32
      %add3A_42 = arith.addi %scan3A_39, %add3A_41 : i32
      %sub3A = arith.constant 1 : i32
      %sub3A_43 = arith.subi %add3A_42, %sub3A : i32
      %jit3A_44 = arith.constant 16 : i32
      %div3A = arith.divsi %sub3A_43, %jit3A_44 : i32
      %sign3A = arith.constant 0 : i32
      %sign3A_45 = arith.cmpi sgt, %sub3A_43, %sign3A : i32
      %sign3A_46 = arith.extui %sign3A_45 : i1 to i32
      %sign3A_47 = arith.constant 0 : i32
      %sign3A_48 = arith.cmpi slt, %sub3A_43, %sign3A_47 : i32
      %sign3A_49 = arith.extui %sign3A_48 : i1 to i32
      %sign3A_50 = arith.subi %sign3A_46, %sign3A_49 : i32
      %sign3A_51 = arith.constant 0 : i32
      %sign3A_52 = arith.cmpi sgt, %jit3A_44, %sign3A_51 : i32
      %sign3A_53 = arith.extui %sign3A_52 : i1 to i32
      %sign3A_54 = arith.constant 0 : i32
      %sign3A_55 = arith.cmpi slt, %jit3A_44, %sign3A_54 : i32
      %sign3A_56 = arith.extui %sign3A_55 : i1 to i32
      %sign3A_57 = arith.subi %sign3A_53, %sign3A_56 : i32
      %ne3A = arith.cmpi ne, %sign3A_50, %sign3A_57 : i32
      %rem3A = arith.remsi %sub3A_43, %jit3A_44 : i32
      %ne3A_58 = arith.constant 0 : i32
      %ne3A_59 = arith.cmpi ne, %rem3A, %ne3A_58 : i32
      %and3A = arith.andi %ne3A, %ne3A_59 : i1
      %sub3A_60 = arith.constant 1 : i32
      %sub3A_61 = arith.subi %div3A, %sub3A_60 : i32
      %select_n3A_62 = arith.select %and3A, %sub3A_61, %div3A : i32
      %eq3A_63 = arith.constant 15 : i32
      %eq3A_64 = arith.cmpi eq, %arg1, %eq3A_63 : i32
      %and3A_65 = arith.constant false
      %and3A_66 = arith.andi %eq3A_64, %and3A_65 : i1
      %add3A_67 = arith.constant 0 : i32
      %add3A_68 = arith.addi %mul3A_7, %add3A_67 : i32
      %dma_start3A = arith.constant 0 : i32
      %dma_start3A_69 = arith.constant 0 : i32
      %dma_start3A_70 = arith.constant 0 : i32
      %dma_start3A_71 = tpu.memref_slice %arg13[%dma_start3A, %dma_start3A_69, %dma_start3A_70] : memref<2x32x1029xf32, #tpu.memory_space<vmem>> -> memref<1x32x1024xf32, #tpu.memory_space<vmem>>
      %dma_start3A_72 = tpu.memref_squeeze %dma_start3A_71 : memref<1x32x1024xf32, #tpu.memory_space<vmem>> -> memref<32x1024xf32, #tpu.memory_space<vmem>>
      %dma_start3A_73 = arith.constant 0 : i32
      %dma_start3A_74 = tpu.memref_slice %arg4[%dma_start3A_73, %add3A_68] : memref<64x1000000xf32, #tpu.memory_space<hbm>> -> memref<32x1024xf32, #tpu.memory_space<hbm>>
      %dma_start3A_75 = arith.constant 0 : i32
      %dma_start3A_76 = arith.constant 0 : i32
      %dma_start3A_77 = tpu.memref_slice %arg13[%dma_start3A, %dma_start3A_75, %dma_start3A_76] : memref<2x32x1029xf32, #tpu.memory_space<vmem>> -> memref<1x32x1024xf32, #tpu.memory_space<vmem>>
      %dma_start3A_78 = tpu.memref_squeeze %dma_start3A_77 : memref<1x32x1024xf32, #tpu.memory_space<vmem>> -> memref<32x1024xf32, #tpu.memory_space<vmem>>
      %dma_start3A_79 = arith.constant 0 : i32
      %dma_start3A_80 = tpu.memref_slice %arg4[%dma_start3A_79, %add3A_68] : memref<64x1000000xf32, #tpu.memory_space<hbm>> -> memref<32x1024xf32, #tpu.memory_space<hbm>>
      tpu.enqueue_dma source(%dma_start3A_80 : memref<32x1024xf32, #tpu.memory_space<hbm>>) target(%dma_start3A_78 : memref<32x1024xf32, #tpu.memory_space<vmem>>) target_semaphore(%arg20 : memref<!tpu.dma_semaphore, #tpu.memory_space<semaphore_mem>>)
      %convert_element_type3A_81 = arith.extui %and3A_66 : i1 to i32
      %cond3A_82 = arith.constant 0 : i32
      %cond3A_83 = arith.cmpi ne, %convert_element_type3A_81, %cond3A_82 : i32
      scf.if %cond3A_83 {
        %dma_start3A_114 = arith.constant 0 : i32
        %dma_start3A_115 = arith.constant 0 : i32
        %dma_start3A_116 = arith.constant 0 : i32
        %dma_start3A_117 = tpu.memref_slice %arg13[%dma_start3A_114, %dma_start3A_115, %dma_start3A_116] : memref<2x32x1029xf32, #tpu.memory_space<vmem>> -> memref<1x32x640xf32, #tpu.memory_space<vmem>>
        %dma_start3A_118 = tpu.memref_squeeze %dma_start3A_117 : memref<1x32x640xf32, #tpu.memory_space<vmem>> -> memref<32x640xf32, #tpu.memory_space<vmem>>
        %dma_start3A_119 = arith.constant 0 : i32
        %dma_start3A_120 = arith.constant 0 : i32
        %dma_start3A_121 = tpu.memref_slice %arg6[%dma_start3A_119, %dma_start3A_120] : memref<64x640xf32, #tpu.memory_space<hbm>> -> memref<32x640xf32, #tpu.memory_space<hbm>>
        %dma_start3A_122 = arith.constant 0 : i32
        %dma_start3A_123 = arith.constant 0 : i32
        %dma_start3A_124 = tpu.memref_slice %arg13[%dma_start3A_114, %dma_start3A_122, %dma_start3A_123] : memref<2x32x1029xf32, #tpu.memory_space<vmem>> -> memref<1x32x640xf32, #tpu.memory_space<vmem>>
        %dma_start3A_125 = tpu.memref_squeeze %dma_start3A_124 : memref<1x32x640xf32, #tpu.memory_space<vmem>> -> memref<32x640xf32, #tpu.memory_space<vmem>>
        %dma_start3A_126 = arith.constant 0 : i32
        %dma_start3A_127 = arith.constant 0 : i32
        %dma_start3A_128 = tpu.memref_slice %arg6[%dma_start3A_126, %dma_start3A_127] : memref<64x640xf32, #tpu.memory_space<hbm>> -> memref<32x640xf32, #tpu.memory_space<hbm>>
        tpu.enqueue_dma source(%dma_start3A_128 : memref<32x640xf32, #tpu.memory_space<hbm>>) target(%dma_start3A_125 : memref<32x640xf32, #tpu.memory_space<vmem>>) target_semaphore(%arg20 : memref<!tpu.dma_semaphore, #tpu.memory_space<semaphore_mem>>)
      } else {
      }
      %scan3A_84 = arith.constant 0 : i32
      %scan3A_85 = arith.constant 0 : i32
      %scan3A_86 = arith.constant 124 : i32
      %scan3A_87 = arith.addi %scan3A_85, %scan3A_86 : i32
      %scan3A_88 = arith.constant 1 : i32
      %scan3A_89 = scf.for %scan3A_114 = %scan3A_85 to %scan3A_87 step %scan3A_88 iter_args(%scan3A_115 = %scan3A_84) -> (i32)  : i32 {
        %jit3A_116 = arith.constant 2 : i32
        %div3A_117 = arith.divsi %scan3A_114, %jit3A_116 : i32
        %sign3A_118 = arith.constant 0 : i32
        %sign3A_119 = arith.cmpi sgt, %scan3A_114, %sign3A_118 : i32
        %sign3A_120 = arith.extui %sign3A_119 : i1 to i32
        %sign3A_121 = arith.constant 0 : i32
        %sign3A_122 = arith.cmpi slt, %scan3A_114, %sign3A_121 : i32
        %sign3A_123 = arith.extui %sign3A_122 : i1 to i32
        %sign3A_124 = arith.subi %sign3A_120, %sign3A_123 : i32
        %sign3A_125 = arith.constant 0 : i32
        %sign3A_126 = arith.cmpi sgt, %jit3A_116, %sign3A_125 : i32
        %sign3A_127 = arith.extui %sign3A_126 : i1 to i32
        %sign3A_128 = arith.constant 0 : i32
        %sign3A_129 = arith.cmpi slt, %jit3A_116, %sign3A_128 : i32
        %sign3A_130 = arith.extui %sign3A_129 : i1 to i32
        %sign3A_131 = arith.subi %sign3A_127, %sign3A_130 : i32
        %ne3A_132 = arith.cmpi ne, %sign3A_124, %sign3A_131 : i32
        %rem3A_133 = arith.remsi %scan3A_114, %jit3A_116 : i32
        %ne3A_134 = arith.constant 0 : i32
        %ne3A_135 = arith.cmpi ne, %rem3A_133, %ne3A_134 : i32
        %and3A_136 = arith.andi %ne3A_132, %ne3A_135 : i1
        %sub3A_137 = arith.constant 1 : i32
        %sub3A_138 = arith.subi %div3A_117, %sub3A_137 : i32
        %select_n3A_139 = arith.select %and3A_136, %sub3A_138, %div3A_117 : i32
        %jit3A_140 = arith.constant 2 : i32
        %eq3A_141 = arith.constant 0 : i32
        %eq3A_142 = arith.cmpi eq, %jit3A_140, %eq3A_141 : i32
        %jit3A_143 = arith.constant 1 : i32
        %select_n3A_144 = arith.select %eq3A_142, %jit3A_143, %jit3A_140 : i32
        %rem3A_145 = arith.remsi %scan3A_114, %select_n3A_144 : i32
        %ne3A_146 = arith.constant 0 : i32
        %ne3A_147 = arith.cmpi ne, %rem3A_145, %ne3A_146 : i32
        %lt3A = arith.constant 0 : i32
        %lt3A_148 = arith.cmpi slt, %rem3A_145, %lt3A : i32
        %lt3A_149 = arith.constant 0 : i32
        %lt3A_150 = arith.cmpi slt, %select_n3A_144, %lt3A_149 : i32
        %ne3A_151 = arith.xori %lt3A_148, %lt3A_150 : i1
        %and3A_152 = arith.andi %ne3A_151, %ne3A_147 : i1
        %add3A_153 = arith.addi %rem3A_145, %select_n3A_144 : i32
        %select_n3A_154 = arith.select %and3A_152, %add3A_153, %rem3A_145 : i32
        %rem3A_155 = arith.constant 2 : i32
        %rem3A_156 = arith.remsi %select_n3A_139, %rem3A_155 : i32
        %eq3A_157 = arith.constant 15 : i32
        %eq3A_158 = arith.cmpi eq, %arg1, %eq3A_157 : i32
        %eq3A_159 = arith.constant 61 : i32
        %eq3A_160 = arith.cmpi eq, %select_n3A_139, %eq3A_159 : i32
        %and3A_161 = arith.andi %eq3A_158, %eq3A_160 : i1
        %lt3A_162 = arith.constant 61 : i32
        %lt3A_163 = arith.cmpi slt, %select_n3A_139, %lt3A_162 : i32
        %or3A = arith.ori %lt3A_163, %and3A_161 : i1
        %add3A_164 = arith.constant 1 : i32
        %add3A_165 = arith.addi %scan3A_114, %add3A_164 : i32
        %jit3A_166 = arith.constant 2 : i32
        %div3A_167 = arith.divsi %add3A_165, %jit3A_166 : i32
        %sign3A_168 = arith.constant 0 : i32
        %sign3A_169 = arith.cmpi sgt, %add3A_165, %sign3A_168 : i32
        %sign3A_170 = arith.extui %sign3A_169 : i1 to i32
        %sign3A_171 = arith.constant 0 : i32
        %sign3A_172 = arith.cmpi slt, %add3A_165, %sign3A_171 : i32
        %sign3A_173 = arith.extui %sign3A_172 : i1 to i32
        %sign3A_174 = arith.subi %sign3A_170, %sign3A_173 : i32
        %sign3A_175 = arith.constant 0 : i32
        %sign3A_176 = arith.cmpi sgt, %jit3A_166, %sign3A_175 : i32
        %sign3A_177 = arith.extui %sign3A_176 : i1 to i32
        %sign3A_178 = arith.constant 0 : i32
        %sign3A_179 = arith.cmpi slt, %jit3A_166, %sign3A_178 : i32
        %sign3A_180 = arith.extui %sign3A_179 : i1 to i32
        %sign3A_181 = arith.subi %sign3A_177, %sign3A_180 : i32
        %ne3A_182 = arith.cmpi ne, %sign3A_174, %sign3A_181 : i32
        %rem3A_183 = arith.remsi %add3A_165, %jit3A_166 : i32
        %ne3A_184 = arith.constant 0 : i32
        %ne3A_185 = arith.cmpi ne, %rem3A_183, %ne3A_184 : i32
        %and3A_186 = arith.andi %ne3A_182, %ne3A_185 : i1
        %sub3A_187 = arith.constant 1 : i32
        %sub3A_188 = arith.subi %div3A_167, %sub3A_187 : i32
        %select_n3A_189 = arith.select %and3A_186, %sub3A_188, %div3A_167 : i32
        %jit3A_190 = arith.constant 2 : i32
        %eq3A_191 = arith.constant 0 : i32
        %eq3A_192 = arith.cmpi eq, %jit3A_190, %eq3A_191 : i32
        %jit3A_193 = arith.constant 1 : i32
        %select_n3A_194 = arith.select %eq3A_192, %jit3A_193, %jit3A_190 : i32
        %rem3A_195 = arith.remsi %add3A_165, %select_n3A_194 : i32
        %ne3A_196 = arith.constant 0 : i32
        %ne3A_197 = arith.cmpi ne, %rem3A_195, %ne3A_196 : i32
        %lt3A_198 = arith.constant 0 : i32
        %lt3A_199 = arith.cmpi slt, %rem3A_195, %lt3A_198 : i32
        %lt3A_200 = arith.constant 0 : i32
        %lt3A_201 = arith.cmpi slt, %select_n3A_194, %lt3A_200 : i32
        %ne3A_202 = arith.xori %lt3A_199, %lt3A_201 : i1
        %and3A_203 = arith.andi %ne3A_202, %ne3A_197 : i1
        %add3A_204 = arith.addi %rem3A_195, %select_n3A_194 : i32
        %select_n3A_205 = arith.select %and3A_203, %add3A_204, %rem3A_195 : i32
        %eq3A_206 = arith.constant 15 : i32
        %eq3A_207 = arith.cmpi eq, %arg1, %eq3A_206 : i32
        %eq3A_208 = arith.constant 61 : i32
        %eq3A_209 = arith.cmpi eq, %select_n3A_189, %eq3A_208 : i32
        %and3A_210 = arith.andi %eq3A_207, %eq3A_209 : i1
        %mul3A_211 = arith.constant 1024 : i32
        %mul3A_212 = arith.muli %select_n3A_189, %mul3A_211 : i32
        %add3A_213 = arith.addi %mul3A_7, %mul3A_212 : i32
        %lt3A_214 = arith.constant 61 : i32
        %lt3A_215 = arith.cmpi slt, %select_n3A_189, %lt3A_214 : i32
        %convert_element_type3A_216 = arith.extui %lt3A_215 : i1 to i32
        %cond3A_217 = arith.constant 0 : i32
        %cond3A_218 = arith.cmpi ne, %convert_element_type3A_216, %cond3A_217 : i32
        scf.if %cond3A_218 {
          %mul3A_300 = arith.constant 32 : i32
          %mul3A_301 = arith.muli %mul3A_300, %select_n3A_205 : i32
          %dma_start3A_302 = arith.constant 0 : i32
          %dma_start3A_303 = arith.constant 0 : i32
          %dma_start3A_304 = tpu.memref_slice %arg13[%select_n3A_205, %dma_start3A_302, %dma_start3A_303] : memref<2x32x1029xf32, #tpu.memory_space<vmem>> -> memref<1x32x1024xf32, #tpu.memory_space<vmem>>
          %dma_start3A_305 = tpu.memref_squeeze %dma_start3A_304 : memref<1x32x1024xf32, #tpu.memory_space<vmem>> -> memref<32x1024xf32, #tpu.memory_space<vmem>>
          %dma_start3A_306 = tpu.memref_slice %arg4[%mul3A_301, %add3A_213] : memref<64x1000000xf32, #tpu.memory_space<hbm>> -> memref<32x1024xf32, #tpu.memory_space<hbm>>
          %dma_start3A_307 = arith.constant 0 : i32
          %dma_start3A_308 = arith.constant 0 : i32
          %dma_start3A_309 = tpu.memref_slice %arg13[%select_n3A_205, %dma_start3A_307, %dma_start3A_308] : memref<2x32x1029xf32, #tpu.memory_space<vmem>> -> memref<1x32x1024xf32, #tpu.memory_space<vmem>>
          %dma_start3A_310 = tpu.memref_squeeze %dma_start3A_309 : memref<1x32x1024xf32, #tpu.memory_space<vmem>> -> memref<32x1024xf32, #tpu.memory_space<vmem>>
          %dma_start3A_311 = tpu.memref_slice %arg4[%mul3A_301, %add3A_213] : memref<64x1000000xf32, #tpu.memory_space<hbm>> -> memref<32x1024xf32, #tpu.memory_space<hbm>>
          tpu.enqueue_dma source(%dma_start3A_311 : memref<32x1024xf32, #tpu.memory_space<hbm>>) target(%dma_start3A_310 : memref<32x1024xf32, #tpu.memory_space<vmem>>) target_semaphore(%arg20 : memref<!tpu.dma_semaphore, #tpu.memory_space<semaphore_mem>>)
        } else {
        }
        %convert_element_type3A_219 = arith.extui %and3A_210 : i1 to i32
        %cond3A_220 = arith.constant 0 : i32
        %cond3A_221 = arith.cmpi ne, %convert_element_type3A_219, %cond3A_220 : i32
        scf.if %cond3A_221 {
          %mul3A_300 = arith.constant 32 : i32
          %mul3A_301 = arith.muli %mul3A_300, %select_n3A_205 : i32
          %dma_start3A_302 = arith.constant 0 : i32
          %dma_start3A_303 = arith.constant 0 : i32
          %dma_start3A_304 = tpu.memref_slice %arg13[%select_n3A_205, %dma_start3A_302, %dma_start3A_303] : memref<2x32x1029xf32, #tpu.memory_space<vmem>> -> memref<1x32x640xf32, #tpu.memory_space<vmem>>
          %dma_start3A_305 = tpu.memref_squeeze %dma_start3A_304 : memref<1x32x640xf32, #tpu.memory_space<vmem>> -> memref<32x640xf32, #tpu.memory_space<vmem>>
          %dma_start3A_306 = arith.constant 0 : i32
          %dma_start3A_307 = tpu.memref_slice %arg6[%mul3A_301, %dma_start3A_306] : memref<64x640xf32, #tpu.memory_space<hbm>> -> memref<32x640xf32, #tpu.memory_space<hbm>>
          %dma_start3A_308 = arith.constant 0 : i32
          %dma_start3A_309 = arith.constant 0 : i32
          %dma_start3A_310 = tpu.memref_slice %arg13[%select_n3A_205, %dma_start3A_308, %dma_start3A_309] : memref<2x32x1029xf32, #tpu.memory_space<vmem>> -> memref<1x32x640xf32, #tpu.memory_space<vmem>>
          %dma_start3A_311 = tpu.memref_squeeze %dma_start3A_310 : memref<1x32x640xf32, #tpu.memory_space<vmem>> -> memref<32x640xf32, #tpu.memory_space<vmem>>
          %dma_start3A_312 = arith.constant 0 : i32
          %dma_start3A_313 = tpu.memref_slice %arg6[%mul3A_301, %dma_start3A_312] : memref<64x640xf32, #tpu.memory_space<hbm>> -> memref<32x640xf32, #tpu.memory_space<hbm>>
          tpu.enqueue_dma source(%dma_start3A_313 : memref<32x640xf32, #tpu.memory_space<hbm>>) target(%dma_start3A_311 : memref<32x640xf32, #tpu.memory_space<vmem>>) target_semaphore(%arg20 : memref<!tpu.dma_semaphore, #tpu.memory_space<semaphore_mem>>)
        } else {
        }
        %jit3A_222 = arith.constant 2 : i32
        %div3A_223 = arith.divsi %scan3A_114, %jit3A_222 : i32
        %sign3A_224 = arith.constant 0 : i32
        %sign3A_225 = arith.cmpi sgt, %scan3A_114, %sign3A_224 : i32
        %sign3A_226 = arith.extui %sign3A_225 : i1 to i32
        %sign3A_227 = arith.constant 0 : i32
        %sign3A_228 = arith.cmpi slt, %scan3A_114, %sign3A_227 : i32
        %sign3A_229 = arith.extui %sign3A_228 : i1 to i32
        %sign3A_230 = arith.subi %sign3A_226, %sign3A_229 : i32
        %sign3A_231 = arith.constant 0 : i32
        %sign3A_232 = arith.cmpi sgt, %jit3A_222, %sign3A_231 : i32
        %sign3A_233 = arith.extui %sign3A_232 : i1 to i32
        %sign3A_234 = arith.constant 0 : i32
        %sign3A_235 = arith.cmpi slt, %jit3A_222, %sign3A_234 : i32
        %sign3A_236 = arith.extui %sign3A_235 : i1 to i32
        %sign3A_237 = arith.subi %sign3A_233, %sign3A_236 : i32
        %ne3A_238 = arith.cmpi ne, %sign3A_230, %sign3A_237 : i32
        %rem3A_239 = arith.remsi %scan3A_114, %jit3A_222 : i32
        %ne3A_240 = arith.constant 0 : i32
        %ne3A_241 = arith.cmpi ne, %rem3A_239, %ne3A_240 : i32
        %and3A_242 = arith.andi %ne3A_238, %ne3A_241 : i1
        %sub3A_243 = arith.constant 1 : i32
        %sub3A_244 = arith.subi %div3A_223, %sub3A_243 : i32
        %select_n3A_245 = arith.select %and3A_242, %sub3A_244, %div3A_223 : i32
        %jit3A_246 = arith.constant 2 : i32
        %eq3A_247 = arith.constant 0 : i32
        %eq3A_248 = arith.cmpi eq, %jit3A_246, %eq3A_247 : i32
        %jit3A_249 = arith.constant 1 : i32
        %select_n3A_250 = arith.select %eq3A_248, %jit3A_249, %jit3A_246 : i32
        %rem3A_251 = arith.remsi %scan3A_114, %select_n3A_250 : i32
        %ne3A_252 = arith.constant 0 : i32
        %ne3A_253 = arith.cmpi ne, %rem3A_251, %ne3A_252 : i32
        %lt3A_254 = arith.constant 0 : i32
        %lt3A_255 = arith.cmpi slt, %rem3A_251, %lt3A_254 : i32
        %lt3A_256 = arith.constant 0 : i32
        %lt3A_257 = arith.cmpi slt, %select_n3A_250, %lt3A_256 : i32
        %ne3A_258 = arith.xori %lt3A_255, %lt3A_257 : i1
        %and3A_259 = arith.andi %ne3A_258, %ne3A_253 : i1
        %add3A_260 = arith.addi %rem3A_251, %select_n3A_250 : i32
        %select_n3A_261 = arith.select %and3A_259, %add3A_260, %rem3A_251 : i32
        %eq3A_262 = arith.constant 15 : i32
        %eq3A_263 = arith.cmpi eq, %arg1, %eq3A_262 : i32
        %eq3A_264 = arith.constant 61 : i32
        %eq3A_265 = arith.cmpi eq, %select_n3A_245, %eq3A_264 : i32
        %and3A_266 = arith.andi %eq3A_263, %eq3A_265 : i1
        %lt3A_267 = arith.constant 61 : i32
        %lt3A_268 = arith.cmpi slt, %select_n3A_245, %lt3A_267 : i32
        %convert_element_type3A_269 = arith.extui %lt3A_268 : i1 to i32
        %cond3A_270 = arith.constant 0 : i32
        %cond3A_271 = arith.cmpi ne, %convert_element_type3A_269, %cond3A_270 : i32
        scf.if %cond3A_271 {
          %dma_wait3A_300 = arith.constant 0 : i32
          %dma_wait3A_301 = arith.constant 0 : i32
          %dma_wait3A_302 = tpu.memref_slice %arg13[%select_n3A_261, %dma_wait3A_300, %dma_wait3A_301] : memref<2x32x1029xf32, #tpu.memory_space<vmem>> -> memref<1x32x1024xf32, #tpu.memory_space<vmem>>
          %dma_wait3A_303 = tpu.memref_squeeze %dma_wait3A_302 : memref<1x32x1024xf32, #tpu.memory_space<vmem>> -> memref<32x1024xf32, #tpu.memory_space<vmem>>
          %dma_wait3A_304 = arith.constant 0 : i32
          %dma_wait3A_305 = arith.constant 0 : i32
          %dma_wait3A_306 = tpu.memref_slice %arg4[%dma_wait3A_304, %dma_wait3A_305] : memref<64x1000000xf32, #tpu.memory_space<hbm>> -> memref<32x1024xf32, #tpu.memory_space<hbm>>
          %dma_wait3A_307 = arith.constant 0 : i32
          %dma_wait3A_308 = arith.constant 0 : i32
          %dma_wait3A_309 = tpu.memref_slice %arg13[%select_n3A_261, %dma_wait3A_307, %dma_wait3A_308] : memref<2x32x1029xf32, #tpu.memory_space<vmem>> -> memref<1x32x1024xf32, #tpu.memory_space<vmem>>
          %dma_wait3A_310 = tpu.memref_squeeze %dma_wait3A_309 : memref<1x32x1024xf32, #tpu.memory_space<vmem>> -> memref<32x1024xf32, #tpu.memory_space<vmem>>
          %dma_wait3A_311 = arith.constant 0 : i32
          %dma_wait3A_312 = arith.constant 0 : i32
          %dma_wait3A_313 = tpu.memref_slice %arg4[%dma_wait3A_311, %dma_wait3A_312] : memref<64x1000000xf32, #tpu.memory_space<hbm>> -> memref<32x1024xf32, #tpu.memory_space<hbm>>
          tpu.wait_dma2 semaphore(%arg20 : memref<!tpu.dma_semaphore, #tpu.memory_space<semaphore_mem>>) src(%dma_wait3A_313 : memref<32x1024xf32, #tpu.memory_space<hbm>>) dst(%dma_wait3A_310 : memref<32x1024xf32, #tpu.memory_space<vmem>>)
        } else {
        }
        %convert_element_type3A_272 = arith.extui %and3A_266 : i1 to i32
        %cond3A_273 = arith.constant 0 : i32
        %cond3A_274 = arith.cmpi ne, %convert_element_type3A_272, %cond3A_273 : i32
        scf.if %cond3A_274 {
          %dma_wait3A_300 = arith.constant 0 : i32
          %dma_wait3A_301 = arith.constant 0 : i32
          %dma_wait3A_302 = tpu.memref_slice %arg13[%select_n3A_261, %dma_wait3A_300, %dma_wait3A_301] : memref<2x32x1029xf32, #tpu.memory_space<vmem>> -> memref<1x32x640xf32, #tpu.memory_space<vmem>>
          %dma_wait3A_303 = tpu.memref_squeeze %dma_wait3A_302 : memref<1x32x640xf32, #tpu.memory_space<vmem>> -> memref<32x640xf32, #tpu.memory_space<vmem>>
          %dma_wait3A_304 = arith.constant 0 : i32
          %dma_wait3A_305 = arith.constant 0 : i32
          %dma_wait3A_306 = tpu.memref_slice %arg6[%dma_wait3A_304, %dma_wait3A_305] : memref<64x640xf32, #tpu.memory_space<hbm>> -> memref<32x640xf32, #tpu.memory_space<hbm>>
          %dma_wait3A_307 = arith.constant 0 : i32
          %dma_wait3A_308 = arith.constant 0 : i32
          %dma_wait3A_309 = tpu.memref_slice %arg13[%select_n3A_261, %dma_wait3A_307, %dma_wait3A_308] : memref<2x32x1029xf32, #tpu.memory_space<vmem>> -> memref<1x32x640xf32, #tpu.memory_space<vmem>>
          %dma_wait3A_310 = tpu.memref_squeeze %dma_wait3A_309 : memref<1x32x640xf32, #tpu.memory_space<vmem>> -> memref<32x640xf32, #tpu.memory_space<vmem>>
          %dma_wait3A_311 = arith.constant 0 : i32
          %dma_wait3A_312 = arith.constant 0 : i32
          %dma_wait3A_313 = tpu.memref_slice %arg6[%dma_wait3A_311, %dma_wait3A_312] : memref<64x640xf32, #tpu.memory_space<hbm>> -> memref<32x640xf32, #tpu.memory_space<hbm>>
          tpu.wait_dma2 semaphore(%arg20 : memref<!tpu.dma_semaphore, #tpu.memory_space<semaphore_mem>>) src(%dma_wait3A_313 : memref<32x640xf32, #tpu.memory_space<hbm>>) dst(%dma_wait3A_310 : memref<32x640xf32, #tpu.memory_space<vmem>>)
        } else {
        }
        %mul3A_275 = arith.constant 1024 : i32
        %mul3A_276 = arith.muli %select_n3A_139, %mul3A_275 : i32
        %add3A_277 = arith.addi %mul3A_7, %mul3A_276 : i32
        %jit3A_278 = arith.constant 999424 : i32
        %select_n3A_279 = arith.select %and3A_161, %jit3A_278, %add3A_277 : i32
        %add3A_280 = arith.constant 1024 : i32
        %add3A_281 = arith.addi %select_n3A_279, %add3A_280 : i32
        %jit3A_282 = arith.constant 1000000 : i32
        %select_n3A_283 = arith.select %and3A_161, %jit3A_282, %add3A_281 : i32
        %eq3A_284 = arith.constant 0 : i32
        %eq3A_285 = arith.cmpi eq, %select_n3A_154, %eq3A_284 : i32
        %and3A_286 = arith.andi %or3A, %eq3A_285 : i1
        %convert_element_type3A_287 = arith.extui %and3A_286 : i1 to i32
        %cond3A_288 = arith.constant 0 : i32
        %cond3A_289 = arith.cmpi ne, %convert_element_type3A_287, %cond3A_288 : i32
        %cond3A_290 = scf.if %cond3A_289 -> (i32) {
          %ge3A = arith.constant 2 : i32
          %ge3A_300 = arith.cmpi sge, %select_n3A_139, %ge3A : i32
          %convert_element_type3A_301 = arith.extui %ge3A_300 : i1 to i32
          %cond3A_302 = arith.constant 0 : i32
          %cond3A_303 = arith.cmpi ne, %convert_element_type3A_301, %cond3A_302 : i32
          scf.if %cond3A_303 {
            %dma_wait3A_371 = arith.constant 0 : i32
            %dma_wait3A_372 = arith.constant 0 : i32
            %dma_wait3A_373 = tpu.memref_slice %arg18[%rem3A_156, %dma_wait3A_371, %dma_wait3A_372] : memref<2x64x128xf32, #tpu.memory_space<vmem>> -> memref<1x64x128xf32, #tpu.memory_space<vmem>>
            %dma_wait3A_374 = tpu.memref_squeeze %dma_wait3A_373 : memref<1x64x128xf32, #tpu.memory_space<vmem>> -> memref<64x128xf32, #tpu.memory_space<vmem>>
            %dma_wait3A_375 = arith.constant 0 : i32
            %dma_wait3A_376 = tpu.memref_slice %arg19[%rem3A_156, %dma_wait3A_375] : memref<2x64xi32, #tpu.memory_space<vmem>> -> memref<1x64xi32, #tpu.memory_space<vmem>>
            %dma_wait3A_377 = tpu.memref_squeeze %dma_wait3A_376 : memref<1x64xi32, #tpu.memory_space<vmem>> -> memref<64xi32, #tpu.memory_space<vmem>>
            %dma_wait3A_378 = arith.constant 0 : i32
            %dma_wait3A_379 = arith.constant 0 : i32
            %dma_wait3A_380 = tpu.memref_slice %arg9[%dma_wait3A_378, %dma_wait3A_379] : memref<16400x128xf32, #tpu.memory_space<hbm>> -> memref<16400x128xf32, #tpu.memory_space<hbm>>
            tpu.wait_indirect_dma semaphore(%arg21 : memref<!tpu.dma_semaphore, #tpu.memory_space<semaphore_mem>>) src(%dma_wait3A_374 : memref<64x128xf32, #tpu.memory_space<vmem>>) dst(%dma_wait3A_380 : memref<16400x128xf32, #tpu.memory_space<hbm>>)
          } else {
          }
          %scan3A_304 = arith.constant 0 : i32
          %scan3A_305 = arith.constant 0 : i32
          %broadcast_in_dim3A = arith.constant 0 : i32
          %broadcast_in_dim3A_306 = vector.broadcast %broadcast_in_dim3A : i32 to vector<16xi32>
          %mul3A_307 = arith.constant 16 : i32
          %mul3A_308 = arith.muli %scan3A_305, %mul3A_307 : i32
          %swap3A = arith.index_cast %mul3A_308 : i32 to index
          %swap3A_309 = tpu.vector_load %arg16[%swap3A] {strides = array<i32>} : memref<80xi32, #tpu.memory_space<vmem>>, vector<16xi32>,
          tpu.vector_store %arg16[%swap3A], %broadcast_in_dim3A_306 {strides = array<i32>} : memref<80xi32, #tpu.memory_space<vmem>>, vector<16xi32>,
          %add3A_310 = arith.constant 16384 : i32
          %add3A_311 = vector.broadcast %add3A_310 : i32 to vector<16xi32>
          %add3A_312 = arith.addi %add3A_311, %iota3A : vector<16xi32>
          %mul3A_313 = arith.constant 16 : i32
          %mul3A_314 = arith.muli %scan3A_305, %mul3A_313 : i32
          %swap3A_315 = arith.index_cast %mul3A_314 : i32 to index
          %swap3A_316 = tpu.vector_load %arg17[%swap3A_315] {strides = array<i32>} : memref<80xi32, #tpu.memory_space<vmem>>, vector<16xi32>,
          tpu.vector_store %arg17[%swap3A_315], %add3A_312 {strides = array<i32>} : memref<80xi32, #tpu.memory_space<vmem>>, vector<16xi32>,
          %scan3A_317 = arith.constant 1 : i32
          %broadcast_in_dim3A_318 = arith.constant 0 : i32
          %broadcast_in_dim3A_319 = vector.broadcast %broadcast_in_dim3A_318 : i32 to vector<16xi32>
          %mul3A_320 = arith.constant 16 : i32
          %mul3A_321 = arith.muli %scan3A_317, %mul3A_320 : i32
          %swap3A_322 = arith.index_cast %mul3A_321 : i32 to index
          %swap3A_323 = tpu.vector_load %arg16[%swap3A_322] {strides = array<i32>} : memref<80xi32, #tpu.memory_space<vmem>>, vector<16xi32>,
          tpu.vector_store %arg16[%swap3A_322], %broadcast_in_dim3A_319 {strides = array<i32>} : memref<80xi32, #tpu.memory_space<vmem>>, vector<16xi32>,
          %add3A_324 = arith.constant 16384 : i32
          %add3A_325 = vector.broadcast %add3A_324 : i32 to vector<16xi32>
          %add3A_326 = arith.addi %add3A_325, %iota3A : vector<16xi32>
          %mul3A_327 = arith.constant 16 : i32
          %mul3A_328 = arith.muli %scan3A_317, %mul3A_327 : i32
          %swap3A_329 = arith.index_cast %mul3A_328 : i32 to index
          %swap3A_330 = tpu.vector_load %arg17[%swap3A_329] {strides = array<i32>} : memref<80xi32, #tpu.memory_space<vmem>>, vector<16xi32>,
          tpu.vector_store %arg17[%swap3A_329], %add3A_326 {strides = array<i32>} : memref<80xi32, #tpu.memory_space<vmem>>, vector<16xi32>,
          %scan3A_331 = arith.constant 2 : i32
          %broadcast_in_dim3A_332 = arith.constant 0 : i32
          %broadcast_in_dim3A_333 = vector.broadcast %broadcast_in_dim3A_332 : i32 to vector<16xi32>
          %mul3A_334 = arith.constant 16 : i32
          %mul3A_335 = arith.muli %scan3A_331, %mul3A_334 : i32
          %swap3A_336 = arith.index_cast %mul3A_335 : i32 to index
          %swap3A_337 = tpu.vector_load %arg16[%swap3A_336] {strides = array<i32>} : memref<80xi32, #tpu.memory_space<vmem>>, vector<16xi32>,
          tpu.vector_store %arg16[%swap3A_336], %broadcast_in_dim3A_333 {strides = array<i32>} : memref<80xi32, #tpu.memory_space<vmem>>, vector<16xi32>,
          %add3A_338 = arith.constant 16384 : i32
          %add3A_339 = vector.broadcast %add3A_338 : i32 to vector<16xi32>
          %add3A_340 = arith.addi %add3A_339, %iota3A : vector<16xi32>
          %mul3A_341 = arith.constant 16 : i32
          %mul3A_342 = arith.muli %scan3A_331, %mul3A_341 : i32
          %swap3A_343 = arith.index_cast %mul3A_342 : i32 to index
          %swap3A_344 = tpu.vector_load %arg17[%swap3A_343] {strides = array<i32>} : memref<80xi32, #tpu.memory_space<vmem>>, vector<16xi32>,
          tpu.vector_store %arg17[%swap3A_343], %add3A_340 {strides = array<i32>} : memref<80xi32, #tpu.memory_space<vmem>>, vector<16xi32>,
          %scan3A_345 = arith.constant 3 : i32
          %broadcast_in_dim3A_346 = arith.constant 0 : i32
          %broadcast_in_dim3A_347 = vector.broadcast %broadcast_in_dim3A_346 : i32 to vector<16xi32>
          %mul3A_348 = arith.constant 16 : i32
          %mul3A_349 = arith.muli %scan3A_345, %mul3A_348 : i32
          %swap3A_350 = arith.index_cast %mul3A_349 : i32 to index
          %swap3A_351 = tpu.vector_load %arg16[%swap3A_350] {strides = array<i32>} : memref<80xi32, #tpu.memory_space<vmem>>, vector<16xi32>,
          tpu.vector_store %arg16[%swap3A_350], %broadcast_in_dim3A_347 {strides = array<i32>} : memref<80xi32, #tpu.memory_space<vmem>>, vector<16xi32>,
          %add3A_352 = arith.constant 16384 : i32
          %add3A_353 = vector.broadcast %add3A_352 : i32 to vector<16xi32>
          %add3A_354 = arith.addi %add3A_353, %iota3A : vector<16xi32>
          %mul3A_355 = arith.constant 16 : i32
          %mul3A_356 = arith.muli %scan3A_345, %mul3A_355 : i32
          %swap3A_357 = arith.index_cast %mul3A_356 : i32 to index
          %swap3A_358 = tpu.vector_load %arg17[%swap3A_357] {strides = array<i32>} : memref<80xi32, #tpu.memory_space<vmem>>, vector<16xi32>,
          tpu.vector_store %arg17[%swap3A_357], %add3A_354 {strides = array<i32>} : memref<80xi32, #tpu.memory_space<vmem>>, vector<16xi32>,
          %scan3A_359 = arith.constant 4 : i32
          %while3A = arith.constant 0 : i32
          %while3A_360 = arith.constant 0 : i32
          %while3A_361 = arith.subi %select_n3A_62, %while3A : i32
          %while3A_362 = arith.addi %while3A, %while3A_361 : i32
          %while3A_363 = arith.constant 1 : i32
          %while3A_364 = arith.divsi %while3A_361, %while3A_363 : i32
          %while3A_365 = arith.muli %while3A_364, %while3A_363 : i32
          %while3A_366 = arith.addi %while3A, %while3A_365 : i32
          %while3A_367 = arith.constant 1 : i32
          %while3A_368 = scf.for %while3A_371 = %while3A to %while3A_366 step %while3A_367 iter_args(%while3A_372 = %while3A_360) -> (i32)  : i32 {
            %mul3A_373 = arith.constant 16 : i32
            %mul3A_374 = arith.muli %while3A_371, %mul3A_373 : i32
            %get3A = arith.index_cast %mul3A_374 : i32 to index
            %get3A_375 = tpu.vector_load %arg14[%get3A] {strides = array<i32>} : memref<1664xi32, #tpu.memory_space<vmem>>, vector<16xi32>,
            %mul3A_376 = arith.constant 16 : i32
            %mul3A_377 = arith.muli %while3A_371, %mul3A_376 : i32
            %get3A_378 = arith.index_cast %mul3A_377 : i32 to index
            %get3A_379 = tpu.vector_load %arg15[%get3A_378] {strides = array<i32>} : memref<1664xi32, #tpu.memory_space<vmem>>, vector<16xi32>,
            %ge3A_380 = vector.broadcast %select_n3A_279 : i32 to vector<16xi32>
            %ge3A_381 = arith.cmpi sge, %get3A_375, %ge3A_380 : vector<16xi32>
            %lt3A_382 = vector.broadcast %select_n3A_283 : i32 to vector<16xi32>
            %lt3A_383 = arith.cmpi slt, %get3A_375, %lt3A_382 : vector<16xi32>
            %and3A_384 = arith.andi %ge3A_381, %lt3A_383 : vector<16xi1>
            %sub3A_385 = vector.broadcast %select_n3A_279 : i32 to vector<16xi32>
            %sub3A_386 = arith.subi %get3A_375, %sub3A_385 : vector<16xi32>
            %swap3A_387 = arith.index_cast %while3A_372 : i32 to index
            %swap3A_388 = tpu.vector_load %arg16[%swap3A_387] masked %and3A_384 {strides = array<i32>} : memref<80xi32, #tpu.memory_space<vmem>>, vector<16xi32>, vector<16xi1>
            tpu.vector_store %arg16[%swap3A_387], %sub3A_386 masked %and3A_384 {strides = array<i32>} : memref<80xi32, #tpu.memory_space<vmem>>, vector<16xi32>, vector<16xi1>
            %swap3A_389 = arith.index_cast %while3A_372 : i32 to index
            %swap3A_390 = tpu.vector_load %arg17[%swap3A_389] masked %and3A_384 {strides = array<i32>} : memref<80xi32, #tpu.memory_space<vmem>>, vector<16xi32>, vector<16xi1>
            tpu.vector_store %arg17[%swap3A_389], %get3A_379 masked %and3A_384 {strides = array<i32>} : memref<80xi32, #tpu.memory_space<vmem>>, vector<16xi32>, vector<16xi1>
            %all_reduce_population_count3A = tpu.all_reduce %and3A_384 {dim = 0 : i64, kind = #tpu.reduction_kind<sum>} : vector<16xi1> -> vector<16xi32>
            %slice3A = vector.extract_strided_slice %all_reduce_population_count3A {offsets = [0], sizes = [1], strides = [1]} : vector<16xi32> to vector<1xi32>
            %squeeze3A = vector.extract %slice3A[0] : i32 from vector<1xi32>
            %add3A_391 = arith.addi %while3A_372, %squeeze3A : i32
            scf.yield %add3A_391 : i32
          }
          %while3A_369 = arith.constant 1 : i32
          %while3A_370 = scf.for %while3A_371 = %while3A_366 to %while3A_362 step %while3A_369 iter_args(%while3A_372 = %while3A_368) -> (i32)  : i32 {
            %mul3A_373 = arith.constant 16 : i32
            %mul3A_374 = arith.muli %while3A_371, %mul3A_373 : i32
            %get3A = arith.index_cast %mul3A_374 : i32 to index
            %get3A_375 = tpu.vector_load %arg14[%get3A] {strides = array<i32>} : memref<1664xi32, #tpu.memory_space<vmem>>, vector<16xi32>,
            %mul3A_376 = arith.constant 16 : i32
            %mul3A_377 = arith.muli %while3A_371, %mul3A_376 : i32
            %get3A_378 = arith.index_cast %mul3A_377 : i32 to index
            %get3A_379 = tpu.vector_load %arg15[%get3A_378] {strides = array<i32>} : memref<1664xi32, #tpu.memory_space<vmem>>, vector<16xi32>,
            %ge3A_380 = vector.broadcast %select_n3A_279 : i32 to vector<16xi32>
            %ge3A_381 = arith.cmpi sge, %get3A_375, %ge3A_380 : vector<16xi32>
            %lt3A_382 = vector.broadcast %select_n3A_283 : i32 to vector<16xi32>
            %lt3A_383 = arith.cmpi slt, %get3A_375, %lt3A_382 : vector<16xi32>
            %and3A_384 = arith.andi %ge3A_381, %lt3A_383 : vector<16xi1>
            %sub3A_385 = vector.broadcast %select_n3A_279 : i32 to vector<16xi32>
            %sub3A_386 = arith.subi %get3A_375, %sub3A_385 : vector<16xi32>
            %swap3A_387 = arith.index_cast %while3A_372 : i32 to index
            %swap3A_388 = tpu.vector_load %arg16[%swap3A_387] masked %and3A_384 {strides = array<i32>} : memref<80xi32, #tpu.memory_space<vmem>>, vector<16xi32>, vector<16xi1>
            tpu.vector_store %arg16[%swap3A_387], %sub3A_386 masked %and3A_384 {strides = array<i32>} : memref<80xi32, #tpu.memory_space<vmem>>, vector<16xi32>, vector<16xi1>
            %swap3A_389 = arith.index_cast %while3A_372 : i32 to index
            %swap3A_390 = tpu.vector_load %arg17[%swap3A_389] masked %and3A_384 {strides = array<i32>} : memref<80xi32, #tpu.memory_space<vmem>>, vector<16xi32>, vector<16xi1>
            tpu.vector_store %arg17[%swap3A_389], %get3A_379 masked %and3A_384 {strides = array<i32>} : memref<80xi32, #tpu.memory_space<vmem>>, vector<16xi32>, vector<16xi1>
            %all_reduce_population_count3A = tpu.all_reduce %and3A_384 {dim = 0 : i64, kind = #tpu.reduction_kind<sum>} : vector<16xi1> -> vector<16xi32>
            %slice3A = vector.extract_strided_slice %all_reduce_population_count3A {offsets = [0], sizes = [1], strides = [1]} : vector<16xi32> to vector<1xi32>
            %squeeze3A = vector.extract %slice3A[0] : i32 from vector<1xi32>
            %add3A_391 = arith.addi %while3A_372, %squeeze3A : i32
            scf.yield %add3A_391 : i32
          }
          scf.yield %while3A_370 : i32
        } else {
          scf.yield %scan3A_115 : i32
        }
        %convert_element_type3A_291 = arith.extui %or3A : i1 to i32
        %cond3A_292 = arith.constant 0 : i32
        %cond3A_293 = arith.cmpi ne, %convert_element_type3A_291, %cond3A_292 : i32
        scf.if %cond3A_293 {
          %mul3A_300 = arith.constant 32 : i32
          %mul3A_301 = arith.muli %select_n3A_154, %mul3A_300 : i32
          %add3A_302 = arith.constant 0 : i32
          %add3A_303 = arith.addi %mul3A_301, %add3A_302 : i32
          %get3A = arith.index_cast %add3A_303 : i32 to index
          %get3A_304 = tpu.vector_load %arg12[%get3A] {strides = array<i32>} : memref<64xf32, #tpu.memory_space<vmem>>, vector<16xf32>,
          %add3A_305 = arith.constant 16 : i32
          %add3A_306 = arith.addi %mul3A_301, %add3A_305 : i32
          %get3A_307 = arith.index_cast %add3A_306 : i32 to index
          %get3A_308 = tpu.vector_load %arg12[%get3A_307] {strides = array<i32>} : memref<64xf32, #tpu.memory_space<vmem>>, vector<16xf32>,
          %while3A = arith.constant 0 : i32
          %while3A_309 = arith.constant 0 : i32
          %while3A_310 = arith.subi %cond3A_290, %while3A_309 : i32
          %while3A_311 = arith.addi %while3A_309, %while3A_310 : i32
          %while3A_312 = arith.constant 1 : i32
          %while3A_313 = arith.divsi %while3A_310, %while3A_312 : i32
          %while3A_314 = arith.muli %while3A_313, %while3A_312 : i32
          %while3A_315 = arith.addi %while3A_309, %while3A_314 : i32
          %while3A_316 = arith.constant 1 : i32
          scf.for %while3A_318 = %while3A_309 to %while3A_315 step %while3A_316  : i32 {
            %get3A_319 = arith.index_cast %while3A_318 : i32 to index
            %get3A_320 = tpu.vector_load %arg16[%get3A_319] {strides = array<i32>} : memref<80xi32, #tpu.memory_space<vmem>>, vector<16xi32>,
            %slice3A = vector.extract_strided_slice %get3A_320 {offsets = [0], sizes = [1], strides = [1]} : vector<16xi32> to vector<1xi32>
            %squeeze3A = vector.extract %slice3A[0] : i32 from vector<1xi32>
            %add3A_321 = arith.constant 0 : i32
            %add3A_322 = vector.broadcast %add3A_321 : i32 to vector<16xi32>
            %add3A_323 = arith.addi %iota3A, %add3A_322 : vector<16xi32>
            %broadcast_in_dim3A = arith.constant 0 : i32
            %broadcast_in_dim3A_324 = vector.broadcast %broadcast_in_dim3A : i32 to vector<16xi32>
            %add3A_325 = vector.broadcast %squeeze3A : i32 to vector<16xi32>
            %add3A_326 = arith.addi %broadcast_in_dim3A_324, %add3A_325 : vector<16xi32>
            %gather3A = arith.constant 0 : i32
            %gather3A_327 = arith.constant 0 : i32
            %gather3A_328 = tpu.memref_slice %arg13[%select_n3A_154, %gather3A, %gather3A_327] : memref<2x32x1029xf32, #tpu.memory_space<vmem>> -> memref<1x32x1029xf32, #tpu.memory_space<vmem>>
            %gather3A_329 = tpu.memref_squeeze %gather3A_328 : memref<1x32x1029xf32, #tpu.memory_space<vmem>> -> memref<32x1029xf32, #tpu.memory_space<vmem>>
            %gather3A_330 = tpu.vector_load_idx %gather3A_329[%add3A_323, %add3A_326] : memref<32x1029xf32, #tpu.memory_space<vmem>>[vector<16xi32>, vector<16xi32>], vector<16xf32>,
            %mul3A_331 = arith.mulf %gather3A_330, %get3A_304 : vector<16xf32>
            %add3A_332 = arith.constant 0 : i32
            %add3A_333 = arith.addi %mul3A_301, %add3A_332 : i32
            %swap3A = arith.index_cast %rem3A_156 : i32 to index
            %swap3A_334 = arith.index_cast %while3A_318 : i32 to index
            %swap3A_335 = arith.index_cast %add3A_333 : i32 to index
            %swap3A_336 = tpu.vector_load %arg18[%swap3A, %swap3A_334, %swap3A_335] {strides = array<i32>} : memref<2x64x128xf32, #tpu.memory_space<vmem>>, vector<16xf32>,
            tpu.vector_store %arg18[%swap3A, %swap3A_334, %swap3A_335], %mul3A_331 {strides = array<i32>} : memref<2x64x128xf32, #tpu.memory_space<vmem>>, vector<16xf32>,
            %add3A_337 = arith.constant 16 : i32
            %add3A_338 = vector.broadcast %add3A_337 : i32 to vector<16xi32>
            %add3A_339 = arith.addi %iota3A, %add3A_338 : vector<16xi32>
            %broadcast_in_dim3A_340 = arith.constant 0 : i32
            %broadcast_in_dim3A_341 = vector.broadcast %broadcast_in_dim3A_340 : i32 to vector<16xi32>
            %add3A_342 = vector.broadcast %squeeze3A : i32 to vector<16xi32>
            %add3A_343 = arith.addi %broadcast_in_dim3A_341, %add3A_342 : vector<16xi32>
            %gather3A_344 = arith.constant 0 : i32
            %gather3A_345 = arith.constant 0 : i32
            %gather3A_346 = tpu.memref_slice %arg13[%select_n3A_154, %gather3A_344, %gather3A_345] : memref<2x32x1029xf32, #tpu.memory_space<vmem>> -> memref<1x32x1029xf32, #tpu.memory_space<vmem>>
            %gather3A_347 = tpu.memref_squeeze %gather3A_346 : memref<1x32x1029xf32, #tpu.memory_space<vmem>> -> memref<32x1029xf32, #tpu.memory_space<vmem>>
            %gather3A_348 = tpu.vector_load_idx %gather3A_347[%add3A_339, %add3A_343] : memref<32x1029xf32, #tpu.memory_space<vmem>>[vector<16xi32>, vector<16xi32>], vector<16xf32>,
            %mul3A_349 = arith.mulf %gather3A_348, %get3A_308 : vector<16xf32>
            %add3A_350 = arith.constant 16 : i32
            %add3A_351 = arith.addi %mul3A_301, %add3A_350 : i32
            %swap3A_352 = arith.index_cast %rem3A_156 : i32 to index
            %swap3A_353 = arith.index_cast %while3A_318 : i32 to index
            %swap3A_354 = arith.index_cast %add3A_351 : i32 to index
            %swap3A_355 = tpu.vector_load %arg18[%swap3A_352, %swap3A_353, %swap3A_354] {strides = array<i32>} : memref<2x64x128xf32, #tpu.memory_space<vmem>>, vector<16xf32>,
            tpu.vector_store %arg18[%swap3A_352, %swap3A_353, %swap3A_354], %mul3A_349 {strides = array<i32>} : memref<2x64x128xf32, #tpu.memory_space<vmem>>, vector<16xf32>,
          }
          %while3A_317 = arith.constant 1 : i32
          scf.for %while3A_318 = %while3A_315 to %while3A_311 step %while3A_317  : i32 {
            %get3A_319 = arith.index_cast %while3A_318 : i32 to index
            %get3A_320 = tpu.vector_load %arg16[%get3A_319] {strides = array<i32>} : memref<80xi32, #tpu.memory_space<vmem>>, vector<16xi32>,
            %slice3A = vector.extract_strided_slice %get3A_320 {offsets = [0], sizes = [1], strides = [1]} : vector<16xi32> to vector<1xi32>
            %squeeze3A = vector.extract %slice3A[0] : i32 from vector<1xi32>
            %add3A_321 = arith.constant 0 : i32
            %add3A_322 = vector.broadcast %add3A_321 : i32 to vector<16xi32>
            %add3A_323 = arith.addi %iota3A, %add3A_322 : vector<16xi32>
            %broadcast_in_dim3A = arith.constant 0 : i32
            %broadcast_in_dim3A_324 = vector.broadcast %broadcast_in_dim3A : i32 to vector<16xi32>
            %add3A_325 = vector.broadcast %squeeze3A : i32 to vector<16xi32>
            %add3A_326 = arith.addi %broadcast_in_dim3A_324, %add3A_325 : vector<16xi32>
            %gather3A = arith.constant 0 : i32
            %gather3A_327 = arith.constant 0 : i32
            %gather3A_328 = tpu.memref_slice %arg13[%select_n3A_154, %gather3A, %gather3A_327] : memref<2x32x1029xf32, #tpu.memory_space<vmem>> -> memref<1x32x1029xf32, #tpu.memory_space<vmem>>
            %gather3A_329 = tpu.memref_squeeze %gather3A_328 : memref<1x32x1029xf32, #tpu.memory_space<vmem>> -> memref<32x1029xf32, #tpu.memory_space<vmem>>
            %gather3A_330 = tpu.vector_load_idx %gather3A_329[%add3A_323, %add3A_326] : memref<32x1029xf32, #tpu.memory_space<vmem>>[vector<16xi32>, vector<16xi32>], vector<16xf32>,
            %mul3A_331 = arith.mulf %gather3A_330, %get3A_304 : vector<16xf32>
            %add3A_332 = arith.constant 0 : i32
            %add3A_333 = arith.addi %mul3A_301, %add3A_332 : i32
            %swap3A = arith.index_cast %rem3A_156 : i32 to index
            %swap3A_334 = arith.index_cast %while3A_318 : i32 to index
            %swap3A_335 = arith.index_cast %add3A_333 : i32 to index
            %swap3A_336 = tpu.vector_load %arg18[%swap3A, %swap3A_334, %swap3A_335] {strides = array<i32>} : memref<2x64x128xf32, #tpu.memory_space<vmem>>, vector<16xf32>,
            tpu.vector_store %arg18[%swap3A, %swap3A_334, %swap3A_335], %mul3A_331 {strides = array<i32>} : memref<2x64x128xf32, #tpu.memory_space<vmem>>, vector<16xf32>,
            %add3A_337 = arith.constant 16 : i32
            %add3A_338 = vector.broadcast %add3A_337 : i32 to vector<16xi32>
            %add3A_339 = arith.addi %iota3A, %add3A_338 : vector<16xi32>
            %broadcast_in_dim3A_340 = arith.constant 0 : i32
            %broadcast_in_dim3A_341 = vector.broadcast %broadcast_in_dim3A_340 : i32 to vector<16xi32>
            %add3A_342 = vector.broadcast %squeeze3A : i32 to vector<16xi32>
            %add3A_343 = arith.addi %broadcast_in_dim3A_341, %add3A_342 : vector<16xi32>
            %gather3A_344 = arith.constant 0 : i32
            %gather3A_345 = arith.constant 0 : i32
            %gather3A_346 = tpu.memref_slice %arg13[%select_n3A_154, %gather3A_344, %gather3A_345] : memref<2x32x1029xf32, #tpu.memory_space<vmem>> -> memref<1x32x1029xf32, #tpu.memory_space<vmem>>
            %gather3A_347 = tpu.memref_squeeze %gather3A_346 : memref<1x32x1029xf32, #tpu.memory_space<vmem>> -> memref<32x1029xf32, #tpu.memory_space<vmem>>
            %gather3A_348 = tpu.vector_load_idx %gather3A_347[%add3A_339, %add3A_343] : memref<32x1029xf32, #tpu.memory_space<vmem>>[vector<16xi32>, vector<16xi32>], vector<16xf32>,
            %mul3A_349 = arith.mulf %gather3A_348, %get3A_308 : vector<16xf32>
            %add3A_350 = arith.constant 16 : i32
            %add3A_351 = arith.addi %mul3A_301, %add3A_350 : i32
            %swap3A_352 = arith.index_cast %rem3A_156 : i32 to index
            %swap3A_353 = arith.index_cast %while3A_318 : i32 to index
            %swap3A_354 = arith.index_cast %add3A_351 : i32 to index
            %swap3A_355 = tpu.vector_load %arg18[%swap3A_352, %swap3A_353, %swap3A_354] {strides = array<i32>} : memref<2x64x128xf32, #tpu.memory_space<vmem>>, vector<16xf32>,
            tpu.vector_store %arg18[%swap3A_352, %swap3A_353, %swap3A_354], %mul3A_349 {strides = array<i32>} : memref<2x64x128xf32, #tpu.memory_space<vmem>>, vector<16xf32>,
          }
        } else {
        }
        %eq3A_294 = arith.constant 1 : i32
        %eq3A_295 = arith.cmpi eq, %select_n3A_154, %eq3A_294 : i32
        %and3A_296 = arith.andi %or3A, %eq3A_295 : i1
        %convert_element_type3A_297 = arith.extui %and3A_296 : i1 to i32
        %cond3A_298 = arith.constant 0 : i32
        %cond3A_299 = arith.cmpi ne, %convert_element_type3A_297, %cond3A_298 : i32
        scf.if %cond3A_299 {
          %get3A = arith.constant 0 : index
          %get3A_300 = tpu.vector_load %arg17[%get3A] {strides = array<i32>} : memref<80xi32, #tpu.memory_space<vmem>>, vector<16xi32>,
          %swap3A = arith.index_cast %rem3A_156 : i32 to index
          %swap3A_301 = arith.constant 0 : index
          %swap3A_302 = tpu.vector_load %arg19[%swap3A, %swap3A_301] {strides = array<i32>} : memref<2x64xi32, #tpu.memory_space<vmem>>, vector<16xi32>,
          tpu.vector_store %arg19[%swap3A, %swap3A_301], %get3A_300 {strides = array<i32>} : memref<2x64xi32, #tpu.memory_space<vmem>>, vector<16xi32>,
          %get3A_303 = arith.constant 16 : index
          %get3A_304 = tpu.vector_load %arg17[%get3A_303] {strides = array<i32>} : memref<80xi32, #tpu.memory_space<vmem>>, vector<16xi32>,
          %swap3A_305 = arith.index_cast %rem3A_156 : i32 to index
          %swap3A_306 = arith.constant 16 : index
          %swap3A_307 = tpu.vector_load %arg19[%swap3A_305, %swap3A_306] {strides = array<i32>} : memref<2x64xi32, #tpu.memory_space<vmem>>, vector<16xi32>,
          tpu.vector_store %arg19[%swap3A_305, %swap3A_306], %get3A_304 {strides = array<i32>} : memref<2x64xi32, #tpu.memory_space<vmem>>, vector<16xi32>,
          %get3A_308 = arith.constant 32 : index
          %get3A_309 = tpu.vector_load %arg17[%get3A_308] {strides = array<i32>} : memref<80xi32, #tpu.memory_space<vmem>>, vector<16xi32>,
          %swap3A_310 = arith.index_cast %rem3A_156 : i32 to index
          %swap3A_311 = arith.constant 32 : index
          %swap3A_312 = tpu.vector_load %arg19[%swap3A_310, %swap3A_311] {strides = array<i32>} : memref<2x64xi32, #tpu.memory_space<vmem>>, vector<16xi32>,
          tpu.vector_store %arg19[%swap3A_310, %swap3A_311], %get3A_309 {strides = array<i32>} : memref<2x64xi32, #tpu.memory_space<vmem>>, vector<16xi32>,
          %get3A_313 = arith.constant 48 : index
          %get3A_314 = tpu.vector_load %arg17[%get3A_313] {strides = array<i32>} : memref<80xi32, #tpu.memory_space<vmem>>, vector<16xi32>,
          %swap3A_315 = arith.index_cast %rem3A_156 : i32 to index
          %swap3A_316 = arith.constant 48 : index
          %swap3A_317 = tpu.vector_load %arg19[%swap3A_315, %swap3A_316] {strides = array<i32>} : memref<2x64xi32, #tpu.memory_space<vmem>>, vector<16xi32>,
          tpu.vector_store %arg19[%swap3A_315, %swap3A_316], %get3A_314 {strides = array<i32>} : memref<2x64xi32, #tpu.memory_space<vmem>>, vector<16xi32>,
          %dma_start3A_318 = arith.constant 0 : i32
          %dma_start3A_319 = arith.constant 0 : i32
          %dma_start3A_320 = tpu.memref_slice %arg18[%rem3A_156, %dma_start3A_318, %dma_start3A_319] : memref<2x64x128xf32, #tpu.memory_space<vmem>> -> memref<1x64x128xf32, #tpu.memory_space<vmem>>
          %dma_start3A_321 = tpu.memref_squeeze %dma_start3A_320 : memref<1x64x128xf32, #tpu.memory_space<vmem>> -> memref<64x128xf32, #tpu.memory_space<vmem>>
          %dma_start3A_322 = arith.constant 0 : i32
          %dma_start3A_323 = tpu.memref_slice %arg19[%rem3A_156, %dma_start3A_322] : memref<2x64xi32, #tpu.memory_space<vmem>> -> memref<1x64xi32, #tpu.memory_space<vmem>>
          %dma_start3A_324 = tpu.memref_squeeze %dma_start3A_323 : memref<1x64xi32, #tpu.memory_space<vmem>> -> memref<64xi32, #tpu.memory_space<vmem>>
          %dma_start3A_325 = arith.constant 0 : i32
          %dma_start3A_326 = arith.constant 0 : i32
          %dma_start3A_327 = tpu.memref_slice %arg9[%dma_start3A_325, %dma_start3A_326] : memref<16400x128xf32, #tpu.memory_space<hbm>> -> memref<16400x128xf32, #tpu.memory_space<hbm>>
          tpu.enqueue_indirect_dma source(%dma_start3A_321 : memref<64x128xf32, #tpu.memory_space<vmem>>) target(%dma_start3A_327 : memref<16400x128xf32, #tpu.memory_space<hbm>>) offsets(%dma_start3A_324 : memref<64xi32, #tpu.memory_space<vmem>>) semaphore(%arg21 : memref<!tpu.dma_semaphore, #tpu.memory_space<semaphore_mem>>)
        } else {
        }
        scf.yield %cond3A_290 : i32
      }
      %scan3A_90 = arith.constant 124 : i32
      %dma_wait3A = arith.constant 0 : i32
      %dma_wait3A_91 = arith.constant 0 : i32
      %dma_wait3A_92 = arith.constant 0 : i32
      %dma_wait3A_93 = arith.constant 0 : i32
      %dma_wait3A_94 = tpu.memref_slice %arg18[%dma_wait3A, %dma_wait3A_92, %dma_wait3A_93] : memref<2x64x128xf32, #tpu.memory_space<vmem>> -> memref<1x64x128xf32, #tpu.memory_space<vmem>>
      %dma_wait3A_95 = tpu.memref_squeeze %dma_wait3A_94 : memref<1x64x128xf32, #tpu.memory_space<vmem>> -> memref<64x128xf32, #tpu.memory_space<vmem>>
      %dma_wait3A_96 = arith.constant 0 : i32
      %dma_wait3A_97 = tpu.memref_slice %arg19[%dma_wait3A_91, %dma_wait3A_96] : memref<2x64xi32, #tpu.memory_space<vmem>> -> memref<1x64xi32, #tpu.memory_space<vmem>>
      %dma_wait3A_98 = tpu.memref_squeeze %dma_wait3A_97 : memref<1x64xi32, #tpu.memory_space<vmem>> -> memref<64xi32, #tpu.memory_space<vmem>>
      %dma_wait3A_99 = arith.constant 0 : i32
      %dma_wait3A_100 = arith.constant 0 : i32
      %dma_wait3A_101 = tpu.memref_slice %arg9[%dma_wait3A_99, %dma_wait3A_100] : memref<16400x128xf32, #tpu.memory_space<hbm>> -> memref<16400x128xf32, #tpu.memory_space<hbm>>
      tpu.wait_indirect_dma semaphore(%arg21 : memref<!tpu.dma_semaphore, #tpu.memory_space<semaphore_mem>>) src(%dma_wait3A_95 : memref<64x128xf32, #tpu.memory_space<vmem>>) dst(%dma_wait3A_101 : memref<16400x128xf32, #tpu.memory_space<hbm>>)
      %dma_wait3A_102 = arith.constant 1 : i32
      %dma_wait3A_103 = arith.constant 1 : i32
      %dma_wait3A_104 = arith.constant 0 : i32
      %dma_wait3A_105 = arith.constant 0 : i32
      %dma_wait3A_106 = tpu.memref_slice %arg18[%dma_wait3A_102, %dma_wait3A_104, %dma_wait3A_105] : memref<2x64x128xf32, #tpu.memory_space<vmem>> -> memref<1x64x128xf32, #tpu.memory_space<vmem>>
      %dma_wait3A_107 = tpu.memref_squeeze %dma_wait3A_106 : memref<1x64x128xf32, #tpu.memory_space<vmem>> -> memref<64x128xf32, #tpu.memory_space<vmem>>
      %dma_wait3A_108 = arith.constant 0 : i32
      %dma_wait3A_109 = tpu.memref_slice %arg19[%dma_wait3A_103, %dma_wait3A_108] : memref<2x64xi32, #tpu.memory_space<vmem>> -> memref<1x64xi32, #tpu.memory_space<vmem>>
      %dma_wait3A_110 = tpu.memref_squeeze %dma_wait3A_109 : memref<1x64xi32, #tpu.memory_space<vmem>> -> memref<64xi32, #tpu.memory_space<vmem>>
      %dma_wait3A_111 = arith.constant 0 : i32
      %dma_wait3A_112 = arith.constant 0 : i32
      %dma_wait3A_113 = tpu.memref_slice %arg9[%dma_wait3A_111, %dma_wait3A_112] : memref<16400x128xf32, #tpu.memory_space<hbm>> -> memref<16400x128xf32, #tpu.memory_space<hbm>>
      tpu.wait_indirect_dma semaphore(%arg21 : memref<!tpu.dma_semaphore, #tpu.memory_space<semaphore_mem>>) src(%dma_wait3A_107 : memref<64x128xf32, #tpu.memory_space<vmem>>) dst(%dma_wait3A_113 : memref<16400x128xf32, #tpu.memory_space<hbm>>)
    } else {
    }
    %eq3A_2 = arith.constant 1 : i32
    %eq3A_3 = arith.cmpi eq, %arg0, %eq3A_2 : i32
    %convert_element_type3A_4 = arith.extui %eq3A_3 : i1 to i32
    %cond3A_5 = arith.constant 0 : i32
    %cond3A_6 = arith.cmpi ne, %convert_element_type3A_4, %cond3A_5 : i32
    scf.if %cond3A_6 {
      %mul3A = arith.constant 62464 : i32
      %mul3A_7 = arith.muli %arg1, %mul3A : i32
      %eq3A_8 = arith.constant 15 : i32
      %eq3A_9 = arith.cmpi eq, %arg1, %eq3A_8 : i32
      %add3A = arith.constant 62464 : i32
      %add3A_10 = arith.addi %mul3A_7, %add3A : i32
      %jit3A = arith.constant 1000000 : i32
      %select_n3A = arith.select %eq3A_9, %jit3A, %add3A_10 : i32
      %scan3A = arith.constant 0 : i32
      %scan3A_11 = arith.constant 0 : i32
      %scan3A_12 = arith.constant 104 : i32
      %scan3A_13 = arith.addi %scan3A_11, %scan3A_12 : i32
      %scan3A_14 = arith.constant 8 : i32
      scf.for %scan3A_114 = %scan3A_11 to %scan3A_13 step %scan3A_14  : i32 {
        %broadcast_in_dim3A = arith.constant -1 : i32
        %broadcast_in_dim3A_115 = vector.broadcast %broadcast_in_dim3A : i32 to vector<16xi32>
        %mul3A_116 = arith.constant 16 : i32
        %mul3A_117 = arith.muli %scan3A_114, %mul3A_116 : i32
        %swap3A = arith.index_cast %mul3A_117 : i32 to index
        %swap3A_118 = tpu.vector_load %arg14[%swap3A] {strides = array<i32>} : memref<1664xi32, #tpu.memory_space<vmem>>, vector<16xi32>,
        tpu.vector_store %arg14[%swap3A], %broadcast_in_dim3A_115 {strides = array<i32>} : memref<1664xi32, #tpu.memory_space<vmem>>, vector<16xi32>,
        %add3A_119 = arith.constant 16384 : i32
        %add3A_120 = vector.broadcast %add3A_119 : i32 to vector<16xi32>
        %add3A_121 = arith.addi %add3A_120, %iota3A : vector<16xi32>
        %mul3A_122 = arith.constant 16 : i32
        %mul3A_123 = arith.muli %scan3A_114, %mul3A_122 : i32
        %swap3A_124 = arith.index_cast %mul3A_123 : i32 to index
        %swap3A_125 = tpu.vector_load %arg15[%swap3A_124] {strides = array<i32>} : memref<1664xi32, #tpu.memory_space<vmem>>, vector<16xi32>,
        tpu.vector_store %arg15[%swap3A_124], %add3A_121 {strides = array<i32>} : memref<1664xi32, #tpu.memory_space<vmem>>, vector<16xi32>,
        %scan3A_126 = arith.constant 1 : i32
        %scan3A_127 = arith.addi %scan3A_114, %scan3A_126 : i32
        %broadcast_in_dim3A_128 = arith.constant -1 : i32
        %broadcast_in_dim3A_129 = vector.broadcast %broadcast_in_dim3A_128 : i32 to vector<16xi32>
        %mul3A_130 = arith.constant 16 : i32
        %mul3A_131 = arith.muli %scan3A_127, %mul3A_130 : i32
        %swap3A_132 = arith.index_cast %mul3A_131 : i32 to index
        %swap3A_133 = tpu.vector_load %arg14[%swap3A_132] {strides = array<i32>} : memref<1664xi32, #tpu.memory_space<vmem>>, vector<16xi32>,
        tpu.vector_store %arg14[%swap3A_132], %broadcast_in_dim3A_129 {strides = array<i32>} : memref<1664xi32, #tpu.memory_space<vmem>>, vector<16xi32>,
        %add3A_134 = arith.constant 16384 : i32
        %add3A_135 = vector.broadcast %add3A_134 : i32 to vector<16xi32>
        %add3A_136 = arith.addi %add3A_135, %iota3A : vector<16xi32>
        %mul3A_137 = arith.constant 16 : i32
        %mul3A_138 = arith.muli %scan3A_127, %mul3A_137 : i32
        %swap3A_139 = arith.index_cast %mul3A_138 : i32 to index
        %swap3A_140 = tpu.vector_load %arg15[%swap3A_139] {strides = array<i32>} : memref<1664xi32, #tpu.memory_space<vmem>>, vector<16xi32>,
        tpu.vector_store %arg15[%swap3A_139], %add3A_136 {strides = array<i32>} : memref<1664xi32, #tpu.memory_space<vmem>>, vector<16xi32>,
        %scan3A_141 = arith.constant 2 : i32
        %scan3A_142 = arith.addi %scan3A_114, %scan3A_141 : i32
        %broadcast_in_dim3A_143 = arith.constant -1 : i32
        %broadcast_in_dim3A_144 = vector.broadcast %broadcast_in_dim3A_143 : i32 to vector<16xi32>
        %mul3A_145 = arith.constant 16 : i32
        %mul3A_146 = arith.muli %scan3A_142, %mul3A_145 : i32
        %swap3A_147 = arith.index_cast %mul3A_146 : i32 to index
        %swap3A_148 = tpu.vector_load %arg14[%swap3A_147] {strides = array<i32>} : memref<1664xi32, #tpu.memory_space<vmem>>, vector<16xi32>,
        tpu.vector_store %arg14[%swap3A_147], %broadcast_in_dim3A_144 {strides = array<i32>} : memref<1664xi32, #tpu.memory_space<vmem>>, vector<16xi32>,
        %add3A_149 = arith.constant 16384 : i32
        %add3A_150 = vector.broadcast %add3A_149 : i32 to vector<16xi32>
        %add3A_151 = arith.addi %add3A_150, %iota3A : vector<16xi32>
        %mul3A_152 = arith.constant 16 : i32
        %mul3A_153 = arith.muli %scan3A_142, %mul3A_152 : i32
        %swap3A_154 = arith.index_cast %mul3A_153 : i32 to index
        %swap3A_155 = tpu.vector_load %arg15[%swap3A_154] {strides = array<i32>} : memref<1664xi32, #tpu.memory_space<vmem>>, vector<16xi32>,
        tpu.vector_store %arg15[%swap3A_154], %add3A_151 {strides = array<i32>} : memref<1664xi32, #tpu.memory_space<vmem>>, vector<16xi32>,
        %scan3A_156 = arith.constant 3 : i32
        %scan3A_157 = arith.addi %scan3A_114, %scan3A_156 : i32
        %broadcast_in_dim3A_158 = arith.constant -1 : i32
        %broadcast_in_dim3A_159 = vector.broadcast %broadcast_in_dim3A_158 : i32 to vector<16xi32>
        %mul3A_160 = arith.constant 16 : i32
        %mul3A_161 = arith.muli %scan3A_157, %mul3A_160 : i32
        %swap3A_162 = arith.index_cast %mul3A_161 : i32 to index
        %swap3A_163 = tpu.vector_load %arg14[%swap3A_162] {strides = array<i32>} : memref<1664xi32, #tpu.memory_space<vmem>>, vector<16xi32>,
        tpu.vector_store %arg14[%swap3A_162], %broadcast_in_dim3A_159 {strides = array<i32>} : memref<1664xi32, #tpu.memory_space<vmem>>, vector<16xi32>,
        %add3A_164 = arith.constant 16384 : i32
        %add3A_165 = vector.broadcast %add3A_164 : i32 to vector<16xi32>
        %add3A_166 = arith.addi %add3A_165, %iota3A : vector<16xi32>
        %mul3A_167 = arith.constant 16 : i32
        %mul3A_168 = arith.muli %scan3A_157, %mul3A_167 : i32
        %swap3A_169 = arith.index_cast %mul3A_168 : i32 to index
        %swap3A_170 = tpu.vector_load %arg15[%swap3A_169] {strides = array<i32>} : memref<1664xi32, #tpu.memory_space<vmem>>, vector<16xi32>,
        tpu.vector_store %arg15[%swap3A_169], %add3A_166 {strides = array<i32>} : memref<1664xi32, #tpu.memory_space<vmem>>, vector<16xi32>,
        %scan3A_171 = arith.constant 4 : i32
        %scan3A_172 = arith.addi %scan3A_114, %scan3A_171 : i32
        %broadcast_in_dim3A_173 = arith.constant -1 : i32
        %broadcast_in_dim3A_174 = vector.broadcast %broadcast_in_dim3A_173 : i32 to vector<16xi32>
        %mul3A_175 = arith.constant 16 : i32
        %mul3A_176 = arith.muli %scan3A_172, %mul3A_175 : i32
        %swap3A_177 = arith.index_cast %mul3A_176 : i32 to index
        %swap3A_178 = tpu.vector_load %arg14[%swap3A_177] {strides = array<i32>} : memref<1664xi32, #tpu.memory_space<vmem>>, vector<16xi32>,
        tpu.vector_store %arg14[%swap3A_177], %broadcast_in_dim3A_174 {strides = array<i32>} : memref<1664xi32, #tpu.memory_space<vmem>>, vector<16xi32>,
        %add3A_179 = arith.constant 16384 : i32
        %add3A_180 = vector.broadcast %add3A_179 : i32 to vector<16xi32>
        %add3A_181 = arith.addi %add3A_180, %iota3A : vector<16xi32>
        %mul3A_182 = arith.constant 16 : i32
        %mul3A_183 = arith.muli %scan3A_172, %mul3A_182 : i32
        %swap3A_184 = arith.index_cast %mul3A_183 : i32 to index
        %swap3A_185 = tpu.vector_load %arg15[%swap3A_184] {strides = array<i32>} : memref<1664xi32, #tpu.memory_space<vmem>>, vector<16xi32>,
        tpu.vector_store %arg15[%swap3A_184], %add3A_181 {strides = array<i32>} : memref<1664xi32, #tpu.memory_space<vmem>>, vector<16xi32>,
        %scan3A_186 = arith.constant 5 : i32
        %scan3A_187 = arith.addi %scan3A_114, %scan3A_186 : i32
        %broadcast_in_dim3A_188 = arith.constant -1 : i32
        %broadcast_in_dim3A_189 = vector.broadcast %broadcast_in_dim3A_188 : i32 to vector<16xi32>
        %mul3A_190 = arith.constant 16 : i32
        %mul3A_191 = arith.muli %scan3A_187, %mul3A_190 : i32
        %swap3A_192 = arith.index_cast %mul3A_191 : i32 to index
        %swap3A_193 = tpu.vector_load %arg14[%swap3A_192] {strides = array<i32>} : memref<1664xi32, #tpu.memory_space<vmem>>, vector<16xi32>,
        tpu.vector_store %arg14[%swap3A_192], %broadcast_in_dim3A_189 {strides = array<i32>} : memref<1664xi32, #tpu.memory_space<vmem>>, vector<16xi32>,
        %add3A_194 = arith.constant 16384 : i32
        %add3A_195 = vector.broadcast %add3A_194 : i32 to vector<16xi32>
        %add3A_196 = arith.addi %add3A_195, %iota3A : vector<16xi32>
        %mul3A_197 = arith.constant 16 : i32
        %mul3A_198 = arith.muli %scan3A_187, %mul3A_197 : i32
        %swap3A_199 = arith.index_cast %mul3A_198 : i32 to index
        %swap3A_200 = tpu.vector_load %arg15[%swap3A_199] {strides = array<i32>} : memref<1664xi32, #tpu.memory_space<vmem>>, vector<16xi32>,
        tpu.vector_store %arg15[%swap3A_199], %add3A_196 {strides = array<i32>} : memref<1664xi32, #tpu.memory_space<vmem>>, vector<16xi32>,
        %scan3A_201 = arith.constant 6 : i32
        %scan3A_202 = arith.addi %scan3A_114, %scan3A_201 : i32
        %broadcast_in_dim3A_203 = arith.constant -1 : i32
        %broadcast_in_dim3A_204 = vector.broadcast %broadcast_in_dim3A_203 : i32 to vector<16xi32>
        %mul3A_205 = arith.constant 16 : i32
        %mul3A_206 = arith.muli %scan3A_202, %mul3A_205 : i32
        %swap3A_207 = arith.index_cast %mul3A_206 : i32 to index
        %swap3A_208 = tpu.vector_load %arg14[%swap3A_207] {strides = array<i32>} : memref<1664xi32, #tpu.memory_space<vmem>>, vector<16xi32>,
        tpu.vector_store %arg14[%swap3A_207], %broadcast_in_dim3A_204 {strides = array<i32>} : memref<1664xi32, #tpu.memory_space<vmem>>, vector<16xi32>,
        %add3A_209 = arith.constant 16384 : i32
        %add3A_210 = vector.broadcast %add3A_209 : i32 to vector<16xi32>
        %add3A_211 = arith.addi %add3A_210, %iota3A : vector<16xi32>
        %mul3A_212 = arith.constant 16 : i32
        %mul3A_213 = arith.muli %scan3A_202, %mul3A_212 : i32
        %swap3A_214 = arith.index_cast %mul3A_213 : i32 to index
        %swap3A_215 = tpu.vector_load %arg15[%swap3A_214] {strides = array<i32>} : memref<1664xi32, #tpu.memory_space<vmem>>, vector<16xi32>,
        tpu.vector_store %arg15[%swap3A_214], %add3A_211 {strides = array<i32>} : memref<1664xi32, #tpu.memory_space<vmem>>, vector<16xi32>,
        %scan3A_216 = arith.constant 7 : i32
        %scan3A_217 = arith.addi %scan3A_114, %scan3A_216 : i32
        %broadcast_in_dim3A_218 = arith.constant -1 : i32
        %broadcast_in_dim3A_219 = vector.broadcast %broadcast_in_dim3A_218 : i32 to vector<16xi32>
        %mul3A_220 = arith.constant 16 : i32
        %mul3A_221 = arith.muli %scan3A_217, %mul3A_220 : i32
        %swap3A_222 = arith.index_cast %mul3A_221 : i32 to index
        %swap3A_223 = tpu.vector_load %arg14[%swap3A_222] {strides = array<i32>} : memref<1664xi32, #tpu.memory_space<vmem>>, vector<16xi32>,
        tpu.vector_store %arg14[%swap3A_222], %broadcast_in_dim3A_219 {strides = array<i32>} : memref<1664xi32, #tpu.memory_space<vmem>>, vector<16xi32>,
        %add3A_224 = arith.constant 16384 : i32
        %add3A_225 = vector.broadcast %add3A_224 : i32 to vector<16xi32>
        %add3A_226 = arith.addi %add3A_225, %iota3A : vector<16xi32>
        %mul3A_227 = arith.constant 16 : i32
        %mul3A_228 = arith.muli %scan3A_217, %mul3A_227 : i32
        %swap3A_229 = arith.index_cast %mul3A_228 : i32 to index
        %swap3A_230 = tpu.vector_load %arg15[%swap3A_229] {strides = array<i32>} : memref<1664xi32, #tpu.memory_space<vmem>>, vector<16xi32>,
        tpu.vector_store %arg15[%swap3A_229], %add3A_226 {strides = array<i32>} : memref<1664xi32, #tpu.memory_space<vmem>>, vector<16xi32>,
      }
      %scan3A_15 = arith.constant 104 : i32
      "tpu.region"() ({
        %run_scoped3A = tpu.sem_alloc : memref<!tpu.dma_semaphore, #tpu.memory_space<semaphore_mem>>
        %dma_start3A_114 = arith.constant 0 : i32
        %dma_start3A_115 = tpu.memref_slice %arg3[%dma_start3A_114] : memref<16384xi32, #tpu.memory_space<hbm>> -> memref<4096xi32, #tpu.memory_space<hbm>>
        %dma_start3A_116 = arith.constant 0 : i32
        %dma_start3A_117 = tpu.memref_slice %arg3[%dma_start3A_116] : memref<16384xi32, #tpu.memory_space<hbm>> -> memref<4096xi32, #tpu.memory_space<hbm>>
        tpu.enqueue_dma source(%dma_start3A_117 : memref<4096xi32, #tpu.memory_space<hbm>>) target(%arg11 : memref<4096xi32, #tpu.memory_space<vmem>>) target_semaphore(%run_scoped3A : memref<!tpu.dma_semaphore, #tpu.memory_space<semaphore_mem>>)
        %dma_wait3A_118 = arith.constant 0 : i32
        %dma_wait3A_119 = tpu.memref_slice %arg3[%dma_wait3A_118] : memref<16384xi32, #tpu.memory_space<hbm>> -> memref<4096xi32, #tpu.memory_space<hbm>>
        %dma_wait3A_120 = arith.constant 0 : i32
        %dma_wait3A_121 = tpu.memref_slice %arg3[%dma_wait3A_120] : memref<16384xi32, #tpu.memory_space<hbm>> -> memref<4096xi32, #tpu.memory_space<hbm>>
        tpu.wait_dma2 semaphore(%run_scoped3A : memref<!tpu.dma_semaphore, #tpu.memory_space<semaphore_mem>>) src(%dma_wait3A_121 : memref<4096xi32, #tpu.memory_space<hbm>>) dst(%arg11 : memref<4096xi32, #tpu.memory_space<vmem>>)
        tpu.yield
      }) : () -> ()
      %scan3A_16 = arith.constant 0 : i32
      %scan3A_17 = arith.constant 0 : i32
      %scan3A_18 = arith.constant 256 : i32
      %scan3A_19 = arith.addi %scan3A_17, %scan3A_18 : i32
      %scan3A_20 = arith.constant 8 : i32
      %scan3A_21 = scf.for %scan3A_114 = %scan3A_17 to %scan3A_19 step %scan3A_20 iter_args(%scan3A_115 = %scan3A_16) -> (i32)  : i32 {
        %mul3A_116 = arith.constant 16 : i32
        %mul3A_117 = arith.muli %scan3A_114, %mul3A_116 : i32
        %get3A = arith.index_cast %mul3A_117 : i32 to index
        %get3A_118 = tpu.vector_load %arg11[%get3A] {strides = array<i32>} : memref<4096xi32, #tpu.memory_space<vmem>>, vector<16xi32>,
        %mul3A_119 = arith.constant 16 : i32
        %mul3A_120 = arith.muli %scan3A_114, %mul3A_119 : i32
        %add3A_121 = arith.constant 0 : i32
        %add3A_122 = arith.addi %add3A_121, %mul3A_120 : i32
        %add3A_123 = vector.broadcast %add3A_122 : i32 to vector<16xi32>
        %add3A_124 = arith.addi %iota3A, %add3A_123 : vector<16xi32>
        %ge3A = vector.broadcast %mul3A_7 : i32 to vector<16xi32>
        %ge3A_125 = arith.cmpi sge, %get3A_118, %ge3A : vector<16xi32>
        %lt3A = vector.broadcast %select_n3A : i32 to vector<16xi32>
        %lt3A_126 = arith.cmpi slt, %get3A_118, %lt3A : vector<16xi32>
        %and3A_127 = arith.andi %ge3A_125, %lt3A_126 : vector<16xi1>
        %swap3A = arith.index_cast %scan3A_115 : i32 to index
        %swap3A_128 = tpu.vector_load %arg14[%swap3A] masked %and3A_127 {strides = array<i32>} : memref<1664xi32, #tpu.memory_space<vmem>>, vector<16xi32>, vector<16xi1>
        tpu.vector_store %arg14[%swap3A], %get3A_118 masked %and3A_127 {strides = array<i32>} : memref<1664xi32, #tpu.memory_space<vmem>>, vector<16xi32>, vector<16xi1>
        %swap3A_129 = arith.index_cast %scan3A_115 : i32 to index
        %swap3A_130 = tpu.vector_load %arg15[%swap3A_129] masked %and3A_127 {strides = array<i32>} : memref<1664xi32, #tpu.memory_space<vmem>>, vector<16xi32>, vector<16xi1>
        tpu.vector_store %arg15[%swap3A_129], %add3A_124 masked %and3A_127 {strides = array<i32>} : memref<1664xi32, #tpu.memory_space<vmem>>, vector<16xi32>, vector<16xi1>
        %all_reduce_population_count3A = tpu.all_reduce %and3A_127 {dim = 0 : i64, kind = #tpu.reduction_kind<sum>} : vector<16xi1> -> vector<16xi32>
        %slice3A = vector.extract_strided_slice %all_reduce_population_count3A {offsets = [0], sizes = [1], strides = [1]} : vector<16xi32> to vector<1xi32>
        %squeeze3A = vector.extract %slice3A[0] : i32 from vector<1xi32>
        %add3A_131 = arith.addi %scan3A_115, %squeeze3A : i32
        %scan3A_132 = arith.constant 1 : i32
        %scan3A_133 = arith.addi %scan3A_114, %scan3A_132 : i32
        %mul3A_134 = arith.constant 16 : i32
        %mul3A_135 = arith.muli %scan3A_133, %mul3A_134 : i32
        %get3A_136 = arith.index_cast %mul3A_135 : i32 to index
        %get3A_137 = tpu.vector_load %arg11[%get3A_136] {strides = array<i32>} : memref<4096xi32, #tpu.memory_space<vmem>>, vector<16xi32>,
        %mul3A_138 = arith.constant 16 : i32
        %mul3A_139 = arith.muli %scan3A_133, %mul3A_138 : i32
        %add3A_140 = arith.constant 0 : i32
        %add3A_141 = arith.addi %add3A_140, %mul3A_139 : i32
        %add3A_142 = vector.broadcast %add3A_141 : i32 to vector<16xi32>
        %add3A_143 = arith.addi %iota3A, %add3A_142 : vector<16xi32>
        %ge3A_144 = vector.broadcast %mul3A_7 : i32 to vector<16xi32>
        %ge3A_145 = arith.cmpi sge, %get3A_137, %ge3A_144 : vector<16xi32>
        %lt3A_146 = vector.broadcast %select_n3A : i32 to vector<16xi32>
        %lt3A_147 = arith.cmpi slt, %get3A_137, %lt3A_146 : vector<16xi32>
        %and3A_148 = arith.andi %ge3A_145, %lt3A_147 : vector<16xi1>
        %swap3A_149 = arith.index_cast %add3A_131 : i32 to index
        %swap3A_150 = tpu.vector_load %arg14[%swap3A_149] masked %and3A_148 {strides = array<i32>} : memref<1664xi32, #tpu.memory_space<vmem>>, vector<16xi32>, vector<16xi1>
        tpu.vector_store %arg14[%swap3A_149], %get3A_137 masked %and3A_148 {strides = array<i32>} : memref<1664xi32, #tpu.memory_space<vmem>>, vector<16xi32>, vector<16xi1>
        %swap3A_151 = arith.index_cast %add3A_131 : i32 to index
        %swap3A_152 = tpu.vector_load %arg15[%swap3A_151] masked %and3A_148 {strides = array<i32>} : memref<1664xi32, #tpu.memory_space<vmem>>, vector<16xi32>, vector<16xi1>
        tpu.vector_store %arg15[%swap3A_151], %add3A_143 masked %and3A_148 {strides = array<i32>} : memref<1664xi32, #tpu.memory_space<vmem>>, vector<16xi32>, vector<16xi1>
        %all_reduce_population_count3A_153 = tpu.all_reduce %and3A_148 {dim = 0 : i64, kind = #tpu.reduction_kind<sum>} : vector<16xi1> -> vector<16xi32>
        %slice3A_154 = vector.extract_strided_slice %all_reduce_population_count3A_153 {offsets = [0], sizes = [1], strides = [1]} : vector<16xi32> to vector<1xi32>
        %squeeze3A_155 = vector.extract %slice3A_154[0] : i32 from vector<1xi32>
        %add3A_156 = arith.addi %add3A_131, %squeeze3A_155 : i32
        %scan3A_157 = arith.constant 2 : i32
        %scan3A_158 = arith.addi %scan3A_114, %scan3A_157 : i32
        %mul3A_159 = arith.constant 16 : i32
        %mul3A_160 = arith.muli %scan3A_158, %mul3A_159 : i32
        %get3A_161 = arith.index_cast %mul3A_160 : i32 to index
        %get3A_162 = tpu.vector_load %arg11[%get3A_161] {strides = array<i32>} : memref<4096xi32, #tpu.memory_space<vmem>>, vector<16xi32>,
        %mul3A_163 = arith.constant 16 : i32
        %mul3A_164 = arith.muli %scan3A_158, %mul3A_163 : i32
        %add3A_165 = arith.constant 0 : i32
        %add3A_166 = arith.addi %add3A_165, %mul3A_164 : i32
        %add3A_167 = vector.broadcast %add3A_166 : i32 to vector<16xi32>
        %add3A_168 = arith.addi %iota3A, %add3A_167 : vector<16xi32>
        %ge3A_169 = vector.broadcast %mul3A_7 : i32 to vector<16xi32>
        %ge3A_170 = arith.cmpi sge, %get3A_162, %ge3A_169 : vector<16xi32>
        %lt3A_171 = vector.broadcast %select_n3A : i32 to vector<16xi32>
        %lt3A_172 = arith.cmpi slt, %get3A_162, %lt3A_171 : vector<16xi32>
        %and3A_173 = arith.andi %ge3A_170, %lt3A_172 : vector<16xi1>
        %swap3A_174 = arith.index_cast %add3A_156 : i32 to index
        %swap3A_175 = tpu.vector_load %arg14[%swap3A_174] masked %and3A_173 {strides = array<i32>} : memref<1664xi32, #tpu.memory_space<vmem>>, vector<16xi32>, vector<16xi1>
        tpu.vector_store %arg14[%swap3A_174], %get3A_162 masked %and3A_173 {strides = array<i32>} : memref<1664xi32, #tpu.memory_space<vmem>>, vector<16xi32>, vector<16xi1>
        %swap3A_176 = arith.index_cast %add3A_156 : i32 to index
        %swap3A_177 = tpu.vector_load %arg15[%swap3A_176] masked %and3A_173 {strides = array<i32>} : memref<1664xi32, #tpu.memory_space<vmem>>, vector<16xi32>, vector<16xi1>
        tpu.vector_store %arg15[%swap3A_176], %add3A_168 masked %and3A_173 {strides = array<i32>} : memref<1664xi32, #tpu.memory_space<vmem>>, vector<16xi32>, vector<16xi1>
        %all_reduce_population_count3A_178 = tpu.all_reduce %and3A_173 {dim = 0 : i64, kind = #tpu.reduction_kind<sum>} : vector<16xi1> -> vector<16xi32>
        %slice3A_179 = vector.extract_strided_slice %all_reduce_population_count3A_178 {offsets = [0], sizes = [1], strides = [1]} : vector<16xi32> to vector<1xi32>
        %squeeze3A_180 = vector.extract %slice3A_179[0] : i32 from vector<1xi32>
        %add3A_181 = arith.addi %add3A_156, %squeeze3A_180 : i32
        %scan3A_182 = arith.constant 3 : i32
        %scan3A_183 = arith.addi %scan3A_114, %scan3A_182 : i32
        %mul3A_184 = arith.constant 16 : i32
        %mul3A_185 = arith.muli %scan3A_183, %mul3A_184 : i32
        %get3A_186 = arith.index_cast %mul3A_185 : i32 to index
        %get3A_187 = tpu.vector_load %arg11[%get3A_186] {strides = array<i32>} : memref<4096xi32, #tpu.memory_space<vmem>>, vector<16xi32>,
        %mul3A_188 = arith.constant 16 : i32
        %mul3A_189 = arith.muli %scan3A_183, %mul3A_188 : i32
        %add3A_190 = arith.constant 0 : i32
        %add3A_191 = arith.addi %add3A_190, %mul3A_189 : i32
        %add3A_192 = vector.broadcast %add3A_191 : i32 to vector<16xi32>
        %add3A_193 = arith.addi %iota3A, %add3A_192 : vector<16xi32>
        %ge3A_194 = vector.broadcast %mul3A_7 : i32 to vector<16xi32>
        %ge3A_195 = arith.cmpi sge, %get3A_187, %ge3A_194 : vector<16xi32>
        %lt3A_196 = vector.broadcast %select_n3A : i32 to vector<16xi32>
        %lt3A_197 = arith.cmpi slt, %get3A_187, %lt3A_196 : vector<16xi32>
        %and3A_198 = arith.andi %ge3A_195, %lt3A_197 : vector<16xi1>
        %swap3A_199 = arith.index_cast %add3A_181 : i32 to index
        %swap3A_200 = tpu.vector_load %arg14[%swap3A_199] masked %and3A_198 {strides = array<i32>} : memref<1664xi32, #tpu.memory_space<vmem>>, vector<16xi32>, vector<16xi1>
        tpu.vector_store %arg14[%swap3A_199], %get3A_187 masked %and3A_198 {strides = array<i32>} : memref<1664xi32, #tpu.memory_space<vmem>>, vector<16xi32>, vector<16xi1>
        %swap3A_201 = arith.index_cast %add3A_181 : i32 to index
        %swap3A_202 = tpu.vector_load %arg15[%swap3A_201] masked %and3A_198 {strides = array<i32>} : memref<1664xi32, #tpu.memory_space<vmem>>, vector<16xi32>, vector<16xi1>
        tpu.vector_store %arg15[%swap3A_201], %add3A_193 masked %and3A_198 {strides = array<i32>} : memref<1664xi32, #tpu.memory_space<vmem>>, vector<16xi32>, vector<16xi1>
        %all_reduce_population_count3A_203 = tpu.all_reduce %and3A_198 {dim = 0 : i64, kind = #tpu.reduction_kind<sum>} : vector<16xi1> -> vector<16xi32>
        %slice3A_204 = vector.extract_strided_slice %all_reduce_population_count3A_203 {offsets = [0], sizes = [1], strides = [1]} : vector<16xi32> to vector<1xi32>
        %squeeze3A_205 = vector.extract %slice3A_204[0] : i32 from vector<1xi32>
        %add3A_206 = arith.addi %add3A_181, %squeeze3A_205 : i32
        %scan3A_207 = arith.constant 4 : i32
        %scan3A_208 = arith.addi %scan3A_114, %scan3A_207 : i32
        %mul3A_209 = arith.constant 16 : i32
        %mul3A_210 = arith.muli %scan3A_208, %mul3A_209 : i32
        %get3A_211 = arith.index_cast %mul3A_210 : i32 to index
        %get3A_212 = tpu.vector_load %arg11[%get3A_211] {strides = array<i32>} : memref<4096xi32, #tpu.memory_space<vmem>>, vector<16xi32>,
        %mul3A_213 = arith.constant 16 : i32
        %mul3A_214 = arith.muli %scan3A_208, %mul3A_213 : i32
        %add3A_215 = arith.constant 0 : i32
        %add3A_216 = arith.addi %add3A_215, %mul3A_214 : i32
        %add3A_217 = vector.broadcast %add3A_216 : i32 to vector<16xi32>
        %add3A_218 = arith.addi %iota3A, %add3A_217 : vector<16xi32>
        %ge3A_219 = vector.broadcast %mul3A_7 : i32 to vector<16xi32>
        %ge3A_220 = arith.cmpi sge, %get3A_212, %ge3A_219 : vector<16xi32>
        %lt3A_221 = vector.broadcast %select_n3A : i32 to vector<16xi32>
        %lt3A_222 = arith.cmpi slt, %get3A_212, %lt3A_221 : vector<16xi32>
        %and3A_223 = arith.andi %ge3A_220, %lt3A_222 : vector<16xi1>
        %swap3A_224 = arith.index_cast %add3A_206 : i32 to index
        %swap3A_225 = tpu.vector_load %arg14[%swap3A_224] masked %and3A_223 {strides = array<i32>} : memref<1664xi32, #tpu.memory_space<vmem>>, vector<16xi32>, vector<16xi1>
        tpu.vector_store %arg14[%swap3A_224], %get3A_212 masked %and3A_223 {strides = array<i32>} : memref<1664xi32, #tpu.memory_space<vmem>>, vector<16xi32>, vector<16xi1>
        %swap3A_226 = arith.index_cast %add3A_206 : i32 to index
        %swap3A_227 = tpu.vector_load %arg15[%swap3A_226] masked %and3A_223 {strides = array<i32>} : memref<1664xi32, #tpu.memory_space<vmem>>, vector<16xi32>, vector<16xi1>
        tpu.vector_store %arg15[%swap3A_226], %add3A_218 masked %and3A_223 {strides = array<i32>} : memref<1664xi32, #tpu.memory_space<vmem>>, vector<16xi32>, vector<16xi1>
        %all_reduce_population_count3A_228 = tpu.all_reduce %and3A_223 {dim = 0 : i64, kind = #tpu.reduction_kind<sum>} : vector<16xi1> -> vector<16xi32>
        %slice3A_229 = vector.extract_strided_slice %all_reduce_population_count3A_228 {offsets = [0], sizes = [1], strides = [1]} : vector<16xi32> to vector<1xi32>
        %squeeze3A_230 = vector.extract %slice3A_229[0] : i32 from vector<1xi32>
        %add3A_231 = arith.addi %add3A_206, %squeeze3A_230 : i32
        %scan3A_232 = arith.constant 5 : i32
        %scan3A_233 = arith.addi %scan3A_114, %scan3A_232 : i32
        %mul3A_234 = arith.constant 16 : i32
        %mul3A_235 = arith.muli %scan3A_233, %mul3A_234 : i32
        %get3A_236 = arith.index_cast %mul3A_235 : i32 to index
        %get3A_237 = tpu.vector_load %arg11[%get3A_236] {strides = array<i32>} : memref<4096xi32, #tpu.memory_space<vmem>>, vector<16xi32>,
        %mul3A_238 = arith.constant 16 : i32
        %mul3A_239 = arith.muli %scan3A_233, %mul3A_238 : i32
        %add3A_240 = arith.constant 0 : i32
        %add3A_241 = arith.addi %add3A_240, %mul3A_239 : i32
        %add3A_242 = vector.broadcast %add3A_241 : i32 to vector<16xi32>
        %add3A_243 = arith.addi %iota3A, %add3A_242 : vector<16xi32>
        %ge3A_244 = vector.broadcast %mul3A_7 : i32 to vector<16xi32>
        %ge3A_245 = arith.cmpi sge, %get3A_237, %ge3A_244 : vector<16xi32>
        %lt3A_246 = vector.broadcast %select_n3A : i32 to vector<16xi32>
        %lt3A_247 = arith.cmpi slt, %get3A_237, %lt3A_246 : vector<16xi32>
        %and3A_248 = arith.andi %ge3A_245, %lt3A_247 : vector<16xi1>
        %swap3A_249 = arith.index_cast %add3A_231 : i32 to index
        %swap3A_250 = tpu.vector_load %arg14[%swap3A_249] masked %and3A_248 {strides = array<i32>} : memref<1664xi32, #tpu.memory_space<vmem>>, vector<16xi32>, vector<16xi1>
        tpu.vector_store %arg14[%swap3A_249], %get3A_237 masked %and3A_248 {strides = array<i32>} : memref<1664xi32, #tpu.memory_space<vmem>>, vector<16xi32>, vector<16xi1>
        %swap3A_251 = arith.index_cast %add3A_231 : i32 to index
        %swap3A_252 = tpu.vector_load %arg15[%swap3A_251] masked %and3A_248 {strides = array<i32>} : memref<1664xi32, #tpu.memory_space<vmem>>, vector<16xi32>, vector<16xi1>
        tpu.vector_store %arg15[%swap3A_251], %add3A_243 masked %and3A_248 {strides = array<i32>} : memref<1664xi32, #tpu.memory_space<vmem>>, vector<16xi32>, vector<16xi1>
        %all_reduce_population_count3A_253 = tpu.all_reduce %and3A_248 {dim = 0 : i64, kind = #tpu.reduction_kind<sum>} : vector<16xi1> -> vector<16xi32>
        %slice3A_254 = vector.extract_strided_slice %all_reduce_population_count3A_253 {offsets = [0], sizes = [1], strides = [1]} : vector<16xi32> to vector<1xi32>
        %squeeze3A_255 = vector.extract %slice3A_254[0] : i32 from vector<1xi32>
        %add3A_256 = arith.addi %add3A_231, %squeeze3A_255 : i32
        %scan3A_257 = arith.constant 6 : i32
        %scan3A_258 = arith.addi %scan3A_114, %scan3A_257 : i32
        %mul3A_259 = arith.constant 16 : i32
        %mul3A_260 = arith.muli %scan3A_258, %mul3A_259 : i32
        %get3A_261 = arith.index_cast %mul3A_260 : i32 to index
        %get3A_262 = tpu.vector_load %arg11[%get3A_261] {strides = array<i32>} : memref<4096xi32, #tpu.memory_space<vmem>>, vector<16xi32>,
        %mul3A_263 = arith.constant 16 : i32
        %mul3A_264 = arith.muli %scan3A_258, %mul3A_263 : i32
        %add3A_265 = arith.constant 0 : i32
        %add3A_266 = arith.addi %add3A_265, %mul3A_264 : i32
        %add3A_267 = vector.broadcast %add3A_266 : i32 to vector<16xi32>
        %add3A_268 = arith.addi %iota3A, %add3A_267 : vector<16xi32>
        %ge3A_269 = vector.broadcast %mul3A_7 : i32 to vector<16xi32>
        %ge3A_270 = arith.cmpi sge, %get3A_262, %ge3A_269 : vector<16xi32>
        %lt3A_271 = vector.broadcast %select_n3A : i32 to vector<16xi32>
        %lt3A_272 = arith.cmpi slt, %get3A_262, %lt3A_271 : vector<16xi32>
        %and3A_273 = arith.andi %ge3A_270, %lt3A_272 : vector<16xi1>
        %swap3A_274 = arith.index_cast %add3A_256 : i32 to index
        %swap3A_275 = tpu.vector_load %arg14[%swap3A_274] masked %and3A_273 {strides = array<i32>} : memref<1664xi32, #tpu.memory_space<vmem>>, vector<16xi32>, vector<16xi1>
        tpu.vector_store %arg14[%swap3A_274], %get3A_262 masked %and3A_273 {strides = array<i32>} : memref<1664xi32, #tpu.memory_space<vmem>>, vector<16xi32>, vector<16xi1>
        %swap3A_276 = arith.index_cast %add3A_256 : i32 to index
        %swap3A_277 = tpu.vector_load %arg15[%swap3A_276] masked %and3A_273 {strides = array<i32>} : memref<1664xi32, #tpu.memory_space<vmem>>, vector<16xi32>, vector<16xi1>
        tpu.vector_store %arg15[%swap3A_276], %add3A_268 masked %and3A_273 {strides = array<i32>} : memref<1664xi32, #tpu.memory_space<vmem>>, vector<16xi32>, vector<16xi1>
        %all_reduce_population_count3A_278 = tpu.all_reduce %and3A_273 {dim = 0 : i64, kind = #tpu.reduction_kind<sum>} : vector<16xi1> -> vector<16xi32>
        %slice3A_279 = vector.extract_strided_slice %all_reduce_population_count3A_278 {offsets = [0], sizes = [1], strides = [1]} : vector<16xi32> to vector<1xi32>
        %squeeze3A_280 = vector.extract %slice3A_279[0] : i32 from vector<1xi32>
        %add3A_281 = arith.addi %add3A_256, %squeeze3A_280 : i32
        %scan3A_282 = arith.constant 7 : i32
        %scan3A_283 = arith.addi %scan3A_114, %scan3A_282 : i32
        %mul3A_284 = arith.constant 16 : i32
        %mul3A_285 = arith.muli %scan3A_283, %mul3A_284 : i32
        %get3A_286 = arith.index_cast %mul3A_285 : i32 to index
        %get3A_287 = tpu.vector_load %arg11[%get3A_286] {strides = array<i32>} : memref<4096xi32, #tpu.memory_space<vmem>>, vector<16xi32>,
        %mul3A_288 = arith.constant 16 : i32
        %mul3A_289 = arith.muli %scan3A_283, %mul3A_288 : i32
        %add3A_290 = arith.constant 0 : i32
        %add3A_291 = arith.addi %add3A_290, %mul3A_289 : i32
        %add3A_292 = vector.broadcast %add3A_291 : i32 to vector<16xi32>
        %add3A_293 = arith.addi %iota3A, %add3A_292 : vector<16xi32>
        %ge3A_294 = vector.broadcast %mul3A_7 : i32 to vector<16xi32>
        %ge3A_295 = arith.cmpi sge, %get3A_287, %ge3A_294 : vector<16xi32>
        %lt3A_296 = vector.broadcast %select_n3A : i32 to vector<16xi32>
        %lt3A_297 = arith.cmpi slt, %get3A_287, %lt3A_296 : vector<16xi32>
        %and3A_298 = arith.andi %ge3A_295, %lt3A_297 : vector<16xi1>
        %swap3A_299 = arith.index_cast %add3A_281 : i32 to index
        %swap3A_300 = tpu.vector_load %arg14[%swap3A_299] masked %and3A_298 {strides = array<i32>} : memref<1664xi32, #tpu.memory_space<vmem>>, vector<16xi32>, vector<16xi1>
        tpu.vector_store %arg14[%swap3A_299], %get3A_287 masked %and3A_298 {strides = array<i32>} : memref<1664xi32, #tpu.memory_space<vmem>>, vector<16xi32>, vector<16xi1>
        %swap3A_301 = arith.index_cast %add3A_281 : i32 to index
        %swap3A_302 = tpu.vector_load %arg15[%swap3A_301] masked %and3A_298 {strides = array<i32>} : memref<1664xi32, #tpu.memory_space<vmem>>, vector<16xi32>, vector<16xi1>
        tpu.vector_store %arg15[%swap3A_301], %add3A_293 masked %and3A_298 {strides = array<i32>} : memref<1664xi32, #tpu.memory_space<vmem>>, vector<16xi32>, vector<16xi1>
        %all_reduce_population_count3A_303 = tpu.all_reduce %and3A_298 {dim = 0 : i64, kind = #tpu.reduction_kind<sum>} : vector<16xi1> -> vector<16xi32>
        %slice3A_304 = vector.extract_strided_slice %all_reduce_population_count3A_303 {offsets = [0], sizes = [1], strides = [1]} : vector<16xi32> to vector<1xi32>
        %squeeze3A_305 = vector.extract %slice3A_304[0] : i32 from vector<1xi32>
        %add3A_306 = arith.addi %add3A_281, %squeeze3A_305 : i32
        scf.yield %add3A_306 : i32
      }
      %scan3A_22 = arith.constant 256 : i32
      "tpu.region"() ({
        %run_scoped3A = tpu.sem_alloc : memref<!tpu.dma_semaphore, #tpu.memory_space<semaphore_mem>>
        %dma_start3A_114 = arith.constant 4096 : i32
        %dma_start3A_115 = tpu.memref_slice %arg3[%dma_start3A_114] : memref<16384xi32, #tpu.memory_space<hbm>> -> memref<4096xi32, #tpu.memory_space<hbm>>
        %dma_start3A_116 = arith.constant 4096 : i32
        %dma_start3A_117 = tpu.memref_slice %arg3[%dma_start3A_116] : memref<16384xi32, #tpu.memory_space<hbm>> -> memref<4096xi32, #tpu.memory_space<hbm>>
        tpu.enqueue_dma source(%dma_start3A_117 : memref<4096xi32, #tpu.memory_space<hbm>>) target(%arg11 : memref<4096xi32, #tpu.memory_space<vmem>>) target_semaphore(%run_scoped3A : memref<!tpu.dma_semaphore, #tpu.memory_space<semaphore_mem>>)
        %dma_wait3A_118 = arith.constant 4096 : i32
        %dma_wait3A_119 = tpu.memref_slice %arg3[%dma_wait3A_118] : memref<16384xi32, #tpu.memory_space<hbm>> -> memref<4096xi32, #tpu.memory_space<hbm>>
        %dma_wait3A_120 = arith.constant 4096 : i32
        %dma_wait3A_121 = tpu.memref_slice %arg3[%dma_wait3A_120] : memref<16384xi32, #tpu.memory_space<hbm>> -> memref<4096xi32, #tpu.memory_space<hbm>>
        tpu.wait_dma2 semaphore(%run_scoped3A : memref<!tpu.dma_semaphore, #tpu.memory_space<semaphore_mem>>) src(%dma_wait3A_121 : memref<4096xi32, #tpu.memory_space<hbm>>) dst(%arg11 : memref<4096xi32, #tpu.memory_space<vmem>>)
        tpu.yield
      }) : () -> ()
      %scan3A_23 = arith.constant 0 : i32
      %scan3A_24 = arith.constant 256 : i32
      %scan3A_25 = arith.addi %scan3A_23, %scan3A_24 : i32
      %scan3A_26 = arith.constant 8 : i32
      %scan3A_27 = scf.for %scan3A_114 = %scan3A_23 to %scan3A_25 step %scan3A_26 iter_args(%scan3A_115 = %scan3A_21) -> (i32)  : i32 {
        %mul3A_116 = arith.constant 16 : i32
        %mul3A_117 = arith.muli %scan3A_114, %mul3A_116 : i32
        %get3A = arith.index_cast %mul3A_117 : i32 to index
        %get3A_118 = tpu.vector_load %arg11[%get3A] {strides = array<i32>} : memref<4096xi32, #tpu.memory_space<vmem>>, vector<16xi32>,
        %mul3A_119 = arith.constant 16 : i32
        %mul3A_120 = arith.muli %scan3A_114, %mul3A_119 : i32
        %add3A_121 = arith.constant 4096 : i32
        %add3A_122 = arith.addi %add3A_121, %mul3A_120 : i32
        %add3A_123 = vector.broadcast %add3A_122 : i32 to vector<16xi32>
        %add3A_124 = arith.addi %iota3A, %add3A_123 : vector<16xi32>
        %ge3A = vector.broadcast %mul3A_7 : i32 to vector<16xi32>
        %ge3A_125 = arith.cmpi sge, %get3A_118, %ge3A : vector<16xi32>
        %lt3A = vector.broadcast %select_n3A : i32 to vector<16xi32>
        %lt3A_126 = arith.cmpi slt, %get3A_118, %lt3A : vector<16xi32>
        %and3A_127 = arith.andi %ge3A_125, %lt3A_126 : vector<16xi1>
        %swap3A = arith.index_cast %scan3A_115 : i32 to index
        %swap3A_128 = tpu.vector_load %arg14[%swap3A] masked %and3A_127 {strides = array<i32>} : memref<1664xi32, #tpu.memory_space<vmem>>, vector<16xi32>, vector<16xi1>
        tpu.vector_store %arg14[%swap3A], %get3A_118 masked %and3A_127 {strides = array<i32>} : memref<1664xi32, #tpu.memory_space<vmem>>, vector<16xi32>, vector<16xi1>
        %swap3A_129 = arith.index_cast %scan3A_115 : i32 to index
        %swap3A_130 = tpu.vector_load %arg15[%swap3A_129] masked %and3A_127 {strides = array<i32>} : memref<1664xi32, #tpu.memory_space<vmem>>, vector<16xi32>, vector<16xi1>
        tpu.vector_store %arg15[%swap3A_129], %add3A_124 masked %and3A_127 {strides = array<i32>} : memref<1664xi32, #tpu.memory_space<vmem>>, vector<16xi32>, vector<16xi1>
        %all_reduce_population_count3A = tpu.all_reduce %and3A_127 {dim = 0 : i64, kind = #tpu.reduction_kind<sum>} : vector<16xi1> -> vector<16xi32>
        %slice3A = vector.extract_strided_slice %all_reduce_population_count3A {offsets = [0], sizes = [1], strides = [1]} : vector<16xi32> to vector<1xi32>
        %squeeze3A = vector.extract %slice3A[0] : i32 from vector<1xi32>
        %add3A_131 = arith.addi %scan3A_115, %squeeze3A : i32
        %scan3A_132 = arith.constant 1 : i32
        %scan3A_133 = arith.addi %scan3A_114, %scan3A_132 : i32
        %mul3A_134 = arith.constant 16 : i32
        %mul3A_135 = arith.muli %scan3A_133, %mul3A_134 : i32
        %get3A_136 = arith.index_cast %mul3A_135 : i32 to index
        %get3A_137 = tpu.vector_load %arg11[%get3A_136] {strides = array<i32>} : memref<4096xi32, #tpu.memory_space<vmem>>, vector<16xi32>,
        %mul3A_138 = arith.constant 16 : i32
        %mul3A_139 = arith.muli %scan3A_133, %mul3A_138 : i32
        %add3A_140 = arith.constant 4096 : i32
        %add3A_141 = arith.addi %add3A_140, %mul3A_139 : i32
        %add3A_142 = vector.broadcast %add3A_141 : i32 to vector<16xi32>
        %add3A_143 = arith.addi %iota3A, %add3A_142 : vector<16xi32>
        %ge3A_144 = vector.broadcast %mul3A_7 : i32 to vector<16xi32>
        %ge3A_145 = arith.cmpi sge, %get3A_137, %ge3A_144 : vector<16xi32>
        %lt3A_146 = vector.broadcast %select_n3A : i32 to vector<16xi32>
        %lt3A_147 = arith.cmpi slt, %get3A_137, %lt3A_146 : vector<16xi32>
        %and3A_148 = arith.andi %ge3A_145, %lt3A_147 : vector<16xi1>
        %swap3A_149 = arith.index_cast %add3A_131 : i32 to index
        %swap3A_150 = tpu.vector_load %arg14[%swap3A_149] masked %and3A_148 {strides = array<i32>} : memref<1664xi32, #tpu.memory_space<vmem>>, vector<16xi32>, vector<16xi1>
        tpu.vector_store %arg14[%swap3A_149], %get3A_137 masked %and3A_148 {strides = array<i32>} : memref<1664xi32, #tpu.memory_space<vmem>>, vector<16xi32>, vector<16xi1>
        %swap3A_151 = arith.index_cast %add3A_131 : i32 to index
        %swap3A_152 = tpu.vector_load %arg15[%swap3A_151] masked %and3A_148 {strides = array<i32>} : memref<1664xi32, #tpu.memory_space<vmem>>, vector<16xi32>, vector<16xi1>
        tpu.vector_store %arg15[%swap3A_151], %add3A_143 masked %and3A_148 {strides = array<i32>} : memref<1664xi32, #tpu.memory_space<vmem>>, vector<16xi32>, vector<16xi1>
        %all_reduce_population_count3A_153 = tpu.all_reduce %and3A_148 {dim = 0 : i64, kind = #tpu.reduction_kind<sum>} : vector<16xi1> -> vector<16xi32>
        %slice3A_154 = vector.extract_strided_slice %all_reduce_population_count3A_153 {offsets = [0], sizes = [1], strides = [1]} : vector<16xi32> to vector<1xi32>
        %squeeze3A_155 = vector.extract %slice3A_154[0] : i32 from vector<1xi32>
        %add3A_156 = arith.addi %add3A_131, %squeeze3A_155 : i32
        %scan3A_157 = arith.constant 2 : i32
        %scan3A_158 = arith.addi %scan3A_114, %scan3A_157 : i32
        %mul3A_159 = arith.constant 16 : i32
        %mul3A_160 = arith.muli %scan3A_158, %mul3A_159 : i32
        %get3A_161 = arith.index_cast %mul3A_160 : i32 to index
        %get3A_162 = tpu.vector_load %arg11[%get3A_161] {strides = array<i32>} : memref<4096xi32, #tpu.memory_space<vmem>>, vector<16xi32>,
        %mul3A_163 = arith.constant 16 : i32
        %mul3A_164 = arith.muli %scan3A_158, %mul3A_163 : i32
        %add3A_165 = arith.constant 4096 : i32
        %add3A_166 = arith.addi %add3A_165, %mul3A_164 : i32
        %add3A_167 = vector.broadcast %add3A_166 : i32 to vector<16xi32>
        %add3A_168 = arith.addi %iota3A, %add3A_167 : vector<16xi32>
        %ge3A_169 = vector.broadcast %mul3A_7 : i32 to vector<16xi32>
        %ge3A_170 = arith.cmpi sge, %get3A_162, %ge3A_169 : vector<16xi32>
        %lt3A_171 = vector.broadcast %select_n3A : i32 to vector<16xi32>
        %lt3A_172 = arith.cmpi slt, %get3A_162, %lt3A_171 : vector<16xi32>
        %and3A_173 = arith.andi %ge3A_170, %lt3A_172 : vector<16xi1>
        %swap3A_174 = arith.index_cast %add3A_156 : i32 to index
        %swap3A_175 = tpu.vector_load %arg14[%swap3A_174] masked %and3A_173 {strides = array<i32>} : memref<1664xi32, #tpu.memory_space<vmem>>, vector<16xi32>, vector<16xi1>
        tpu.vector_store %arg14[%swap3A_174], %get3A_162 masked %and3A_173 {strides = array<i32>} : memref<1664xi32, #tpu.memory_space<vmem>>, vector<16xi32>, vector<16xi1>
        %swap3A_176 = arith.index_cast %add3A_156 : i32 to index
        %swap3A_177 = tpu.vector_load %arg15[%swap3A_176] masked %and3A_173 {strides = array<i32>} : memref<1664xi32, #tpu.memory_space<vmem>>, vector<16xi32>, vector<16xi1>
        tpu.vector_store %arg15[%swap3A_176], %add3A_168 masked %and3A_173 {strides = array<i32>} : memref<1664xi32, #tpu.memory_space<vmem>>, vector<16xi32>, vector<16xi1>
        %all_reduce_population_count3A_178 = tpu.all_reduce %and3A_173 {dim = 0 : i64, kind = #tpu.reduction_kind<sum>} : vector<16xi1> -> vector<16xi32>
        %slice3A_179 = vector.extract_strided_slice %all_reduce_population_count3A_178 {offsets = [0], sizes = [1], strides = [1]} : vector<16xi32> to vector<1xi32>
        %squeeze3A_180 = vector.extract %slice3A_179[0] : i32 from vector<1xi32>
        %add3A_181 = arith.addi %add3A_156, %squeeze3A_180 : i32
        %scan3A_182 = arith.constant 3 : i32
        %scan3A_183 = arith.addi %scan3A_114, %scan3A_182 : i32
        %mul3A_184 = arith.constant 16 : i32
        %mul3A_185 = arith.muli %scan3A_183, %mul3A_184 : i32
        %get3A_186 = arith.index_cast %mul3A_185 : i32 to index
        %get3A_187 = tpu.vector_load %arg11[%get3A_186] {strides = array<i32>} : memref<4096xi32, #tpu.memory_space<vmem>>, vector<16xi32>,
        %mul3A_188 = arith.constant 16 : i32
        %mul3A_189 = arith.muli %scan3A_183, %mul3A_188 : i32
        %add3A_190 = arith.constant 4096 : i32
        %add3A_191 = arith.addi %add3A_190, %mul3A_189 : i32
        %add3A_192 = vector.broadcast %add3A_191 : i32 to vector<16xi32>
        %add3A_193 = arith.addi %iota3A, %add3A_192 : vector<16xi32>
        %ge3A_194 = vector.broadcast %mul3A_7 : i32 to vector<16xi32>
        %ge3A_195 = arith.cmpi sge, %get3A_187, %ge3A_194 : vector<16xi32>
        %lt3A_196 = vector.broadcast %select_n3A : i32 to vector<16xi32>
        %lt3A_197 = arith.cmpi slt, %get3A_187, %lt3A_196 : vector<16xi32>
        %and3A_198 = arith.andi %ge3A_195, %lt3A_197 : vector<16xi1>
        %swap3A_199 = arith.index_cast %add3A_181 : i32 to index
        %swap3A_200 = tpu.vector_load %arg14[%swap3A_199] masked %and3A_198 {strides = array<i32>} : memref<1664xi32, #tpu.memory_space<vmem>>, vector<16xi32>, vector<16xi1>
        tpu.vector_store %arg14[%swap3A_199], %get3A_187 masked %and3A_198 {strides = array<i32>} : memref<1664xi32, #tpu.memory_space<vmem>>, vector<16xi32>, vector<16xi1>
        %swap3A_201 = arith.index_cast %add3A_181 : i32 to index
        %swap3A_202 = tpu.vector_load %arg15[%swap3A_201] masked %and3A_198 {strides = array<i32>} : memref<1664xi32, #tpu.memory_space<vmem>>, vector<16xi32>, vector<16xi1>
        tpu.vector_store %arg15[%swap3A_201], %add3A_193 masked %and3A_198 {strides = array<i32>} : memref<1664xi32, #tpu.memory_space<vmem>>, vector<16xi32>, vector<16xi1>
        %all_reduce_population_count3A_203 = tpu.all_reduce %and3A_198 {dim = 0 : i64, kind = #tpu.reduction_kind<sum>} : vector<16xi1> -> vector<16xi32>
        %slice3A_204 = vector.extract_strided_slice %all_reduce_population_count3A_203 {offsets = [0], sizes = [1], strides = [1]} : vector<16xi32> to vector<1xi32>
        %squeeze3A_205 = vector.extract %slice3A_204[0] : i32 from vector<1xi32>
        %add3A_206 = arith.addi %add3A_181, %squeeze3A_205 : i32
        %scan3A_207 = arith.constant 4 : i32
        %scan3A_208 = arith.addi %scan3A_114, %scan3A_207 : i32
        %mul3A_209 = arith.constant 16 : i32
        %mul3A_210 = arith.muli %scan3A_208, %mul3A_209 : i32
        %get3A_211 = arith.index_cast %mul3A_210 : i32 to index
        %get3A_212 = tpu.vector_load %arg11[%get3A_211] {strides = array<i32>} : memref<4096xi32, #tpu.memory_space<vmem>>, vector<16xi32>,
        %mul3A_213 = arith.constant 16 : i32
        %mul3A_214 = arith.muli %scan3A_208, %mul3A_213 : i32
        %add3A_215 = arith.constant 4096 : i32
        %add3A_216 = arith.addi %add3A_215, %mul3A_214 : i32
        %add3A_217 = vector.broadcast %add3A_216 : i32 to vector<16xi32>
        %add3A_218 = arith.addi %iota3A, %add3A_217 : vector<16xi32>
        %ge3A_219 = vector.broadcast %mul3A_7 : i32 to vector<16xi32>
        %ge3A_220 = arith.cmpi sge, %get3A_212, %ge3A_219 : vector<16xi32>
        %lt3A_221 = vector.broadcast %select_n3A : i32 to vector<16xi32>
        %lt3A_222 = arith.cmpi slt, %get3A_212, %lt3A_221 : vector<16xi32>
        %and3A_223 = arith.andi %ge3A_220, %lt3A_222 : vector<16xi1>
        %swap3A_224 = arith.index_cast %add3A_206 : i32 to index
        %swap3A_225 = tpu.vector_load %arg14[%swap3A_224] masked %and3A_223 {strides = array<i32>} : memref<1664xi32, #tpu.memory_space<vmem>>, vector<16xi32>, vector<16xi1>
        tpu.vector_store %arg14[%swap3A_224], %get3A_212 masked %and3A_223 {strides = array<i32>} : memref<1664xi32, #tpu.memory_space<vmem>>, vector<16xi32>, vector<16xi1>
        %swap3A_226 = arith.index_cast %add3A_206 : i32 to index
        %swap3A_227 = tpu.vector_load %arg15[%swap3A_226] masked %and3A_223 {strides = array<i32>} : memref<1664xi32, #tpu.memory_space<vmem>>, vector<16xi32>, vector<16xi1>
        tpu.vector_store %arg15[%swap3A_226], %add3A_218 masked %and3A_223 {strides = array<i32>} : memref<1664xi32, #tpu.memory_space<vmem>>, vector<16xi32>, vector<16xi1>
        %all_reduce_population_count3A_228 = tpu.all_reduce %and3A_223 {dim = 0 : i64, kind = #tpu.reduction_kind<sum>} : vector<16xi1> -> vector<16xi32>
        %slice3A_229 = vector.extract_strided_slice %all_reduce_population_count3A_228 {offsets = [0], sizes = [1], strides = [1]} : vector<16xi32> to vector<1xi32>
        %squeeze3A_230 = vector.extract %slice3A_229[0] : i32 from vector<1xi32>
        %add3A_231 = arith.addi %add3A_206, %squeeze3A_230 : i32
        %scan3A_232 = arith.constant 5 : i32
        %scan3A_233 = arith.addi %scan3A_114, %scan3A_232 : i32
        %mul3A_234 = arith.constant 16 : i32
        %mul3A_235 = arith.muli %scan3A_233, %mul3A_234 : i32
        %get3A_236 = arith.index_cast %mul3A_235 : i32 to index
        %get3A_237 = tpu.vector_load %arg11[%get3A_236] {strides = array<i32>} : memref<4096xi32, #tpu.memory_space<vmem>>, vector<16xi32>,
        %mul3A_238 = arith.constant 16 : i32
        %mul3A_239 = arith.muli %scan3A_233, %mul3A_238 : i32
        %add3A_240 = arith.constant 4096 : i32
        %add3A_241 = arith.addi %add3A_240, %mul3A_239 : i32
        %add3A_242 = vector.broadcast %add3A_241 : i32 to vector<16xi32>
        %add3A_243 = arith.addi %iota3A, %add3A_242 : vector<16xi32>
        %ge3A_244 = vector.broadcast %mul3A_7 : i32 to vector<16xi32>
        %ge3A_245 = arith.cmpi sge, %get3A_237, %ge3A_244 : vector<16xi32>
        %lt3A_246 = vector.broadcast %select_n3A : i32 to vector<16xi32>
        %lt3A_247 = arith.cmpi slt, %get3A_237, %lt3A_246 : vector<16xi32>
        %and3A_248 = arith.andi %ge3A_245, %lt3A_247 : vector<16xi1>
        %swap3A_249 = arith.index_cast %add3A_231 : i32 to index
        %swap3A_250 = tpu.vector_load %arg14[%swap3A_249] masked %and3A_248 {strides = array<i32>} : memref<1664xi32, #tpu.memory_space<vmem>>, vector<16xi32>, vector<16xi1>
        tpu.vector_store %arg14[%swap3A_249], %get3A_237 masked %and3A_248 {strides = array<i32>} : memref<1664xi32, #tpu.memory_space<vmem>>, vector<16xi32>, vector<16xi1>
        %swap3A_251 = arith.index_cast %add3A_231 : i32 to index
        %swap3A_252 = tpu.vector_load %arg15[%swap3A_251] masked %and3A_248 {strides = array<i32>} : memref<1664xi32, #tpu.memory_space<vmem>>, vector<16xi32>, vector<16xi1>
        tpu.vector_store %arg15[%swap3A_251], %add3A_243 masked %and3A_248 {strides = array<i32>} : memref<1664xi32, #tpu.memory_space<vmem>>, vector<16xi32>, vector<16xi1>
        %all_reduce_population_count3A_253 = tpu.all_reduce %and3A_248 {dim = 0 : i64, kind = #tpu.reduction_kind<sum>} : vector<16xi1> -> vector<16xi32>
        %slice3A_254 = vector.extract_strided_slice %all_reduce_population_count3A_253 {offsets = [0], sizes = [1], strides = [1]} : vector<16xi32> to vector<1xi32>
        %squeeze3A_255 = vector.extract %slice3A_254[0] : i32 from vector<1xi32>
        %add3A_256 = arith.addi %add3A_231, %squeeze3A_255 : i32
        %scan3A_257 = arith.constant 6 : i32
        %scan3A_258 = arith.addi %scan3A_114, %scan3A_257 : i32
        %mul3A_259 = arith.constant 16 : i32
        %mul3A_260 = arith.muli %scan3A_258, %mul3A_259 : i32
        %get3A_261 = arith.index_cast %mul3A_260 : i32 to index
        %get3A_262 = tpu.vector_load %arg11[%get3A_261] {strides = array<i32>} : memref<4096xi32, #tpu.memory_space<vmem>>, vector<16xi32>,
        %mul3A_263 = arith.constant 16 : i32
        %mul3A_264 = arith.muli %scan3A_258, %mul3A_263 : i32
        %add3A_265 = arith.constant 4096 : i32
        %add3A_266 = arith.addi %add3A_265, %mul3A_264 : i32
        %add3A_267 = vector.broadcast %add3A_266 : i32 to vector<16xi32>
        %add3A_268 = arith.addi %iota3A, %add3A_267 : vector<16xi32>
        %ge3A_269 = vector.broadcast %mul3A_7 : i32 to vector<16xi32>
        %ge3A_270 = arith.cmpi sge, %get3A_262, %ge3A_269 : vector<16xi32>
        %lt3A_271 = vector.broadcast %select_n3A : i32 to vector<16xi32>
        %lt3A_272 = arith.cmpi slt, %get3A_262, %lt3A_271 : vector<16xi32>
        %and3A_273 = arith.andi %ge3A_270, %lt3A_272 : vector<16xi1>
        %swap3A_274 = arith.index_cast %add3A_256 : i32 to index
        %swap3A_275 = tpu.vector_load %arg14[%swap3A_274] masked %and3A_273 {strides = array<i32>} : memref<1664xi32, #tpu.memory_space<vmem>>, vector<16xi32>, vector<16xi1>
        tpu.vector_store %arg14[%swap3A_274], %get3A_262 masked %and3A_273 {strides = array<i32>} : memref<1664xi32, #tpu.memory_space<vmem>>, vector<16xi32>, vector<16xi1>
        %swap3A_276 = arith.index_cast %add3A_256 : i32 to index
        %swap3A_277 = tpu.vector_load %arg15[%swap3A_276] masked %and3A_273 {strides = array<i32>} : memref<1664xi32, #tpu.memory_space<vmem>>, vector<16xi32>, vector<16xi1>
        tpu.vector_store %arg15[%swap3A_276], %add3A_268 masked %and3A_273 {strides = array<i32>} : memref<1664xi32, #tpu.memory_space<vmem>>, vector<16xi32>, vector<16xi1>
        %all_reduce_population_count3A_278 = tpu.all_reduce %and3A_273 {dim = 0 : i64, kind = #tpu.reduction_kind<sum>} : vector<16xi1> -> vector<16xi32>
        %slice3A_279 = vector.extract_strided_slice %all_reduce_population_count3A_278 {offsets = [0], sizes = [1], strides = [1]} : vector<16xi32> to vector<1xi32>
        %squeeze3A_280 = vector.extract %slice3A_279[0] : i32 from vector<1xi32>
        %add3A_281 = arith.addi %add3A_256, %squeeze3A_280 : i32
        %scan3A_282 = arith.constant 7 : i32
        %scan3A_283 = arith.addi %scan3A_114, %scan3A_282 : i32
        %mul3A_284 = arith.constant 16 : i32
        %mul3A_285 = arith.muli %scan3A_283, %mul3A_284 : i32
        %get3A_286 = arith.index_cast %mul3A_285 : i32 to index
        %get3A_287 = tpu.vector_load %arg11[%get3A_286] {strides = array<i32>} : memref<4096xi32, #tpu.memory_space<vmem>>, vector<16xi32>,
        %mul3A_288 = arith.constant 16 : i32
        %mul3A_289 = arith.muli %scan3A_283, %mul3A_288 : i32
        %add3A_290 = arith.constant 4096 : i32
        %add3A_291 = arith.addi %add3A_290, %mul3A_289 : i32
        %add3A_292 = vector.broadcast %add3A_291 : i32 to vector<16xi32>
        %add3A_293 = arith.addi %iota3A, %add3A_292 : vector<16xi32>
        %ge3A_294 = vector.broadcast %mul3A_7 : i32 to vector<16xi32>
        %ge3A_295 = arith.cmpi sge, %get3A_287, %ge3A_294 : vector<16xi32>
        %lt3A_296 = vector.broadcast %select_n3A : i32 to vector<16xi32>
        %lt3A_297 = arith.cmpi slt, %get3A_287, %lt3A_296 : vector<16xi32>
        %and3A_298 = arith.andi %ge3A_295, %lt3A_297 : vector<16xi1>
        %swap3A_299 = arith.index_cast %add3A_281 : i32 to index
        %swap3A_300 = tpu.vector_load %arg14[%swap3A_299] masked %and3A_298 {strides = array<i32>} : memref<1664xi32, #tpu.memory_space<vmem>>, vector<16xi32>, vector<16xi1>
        tpu.vector_store %arg14[%swap3A_299], %get3A_287 masked %and3A_298 {strides = array<i32>} : memref<1664xi32, #tpu.memory_space<vmem>>, vector<16xi32>, vector<16xi1>
        %swap3A_301 = arith.index_cast %add3A_281 : i32 to index
        %swap3A_302 = tpu.vector_load %arg15[%swap3A_301] masked %and3A_298 {strides = array<i32>} : memref<1664xi32, #tpu.memory_space<vmem>>, vector<16xi32>, vector<16xi1>
        tpu.vector_store %arg15[%swap3A_301], %add3A_293 masked %and3A_298 {strides = array<i32>} : memref<1664xi32, #tpu.memory_space<vmem>>, vector<16xi32>, vector<16xi1>
        %all_reduce_population_count3A_303 = tpu.all_reduce %and3A_298 {dim = 0 : i64, kind = #tpu.reduction_kind<sum>} : vector<16xi1> -> vector<16xi32>
        %slice3A_304 = vector.extract_strided_slice %all_reduce_population_count3A_303 {offsets = [0], sizes = [1], strides = [1]} : vector<16xi32> to vector<1xi32>
        %squeeze3A_305 = vector.extract %slice3A_304[0] : i32 from vector<1xi32>
        %add3A_306 = arith.addi %add3A_281, %squeeze3A_305 : i32
        scf.yield %add3A_306 : i32
      }
      %scan3A_28 = arith.constant 256 : i32
      "tpu.region"() ({
        %run_scoped3A = tpu.sem_alloc : memref<!tpu.dma_semaphore, #tpu.memory_space<semaphore_mem>>
        %dma_start3A_114 = arith.constant 8192 : i32
        %dma_start3A_115 = tpu.memref_slice %arg3[%dma_start3A_114] : memref<16384xi32, #tpu.memory_space<hbm>> -> memref<4096xi32, #tpu.memory_space<hbm>>
        %dma_start3A_116 = arith.constant 8192 : i32
        %dma_start3A_117 = tpu.memref_slice %arg3[%dma_start3A_116] : memref<16384xi32, #tpu.memory_space<hbm>> -> memref<4096xi32, #tpu.memory_space<hbm>>
        tpu.enqueue_dma source(%dma_start3A_117 : memref<4096xi32, #tpu.memory_space<hbm>>) target(%arg11 : memref<4096xi32, #tpu.memory_space<vmem>>) target_semaphore(%run_scoped3A : memref<!tpu.dma_semaphore, #tpu.memory_space<semaphore_mem>>)
        %dma_wait3A_118 = arith.constant 8192 : i32
        %dma_wait3A_119 = tpu.memref_slice %arg3[%dma_wait3A_118] : memref<16384xi32, #tpu.memory_space<hbm>> -> memref<4096xi32, #tpu.memory_space<hbm>>
        %dma_wait3A_120 = arith.constant 8192 : i32
        %dma_wait3A_121 = tpu.memref_slice %arg3[%dma_wait3A_120] : memref<16384xi32, #tpu.memory_space<hbm>> -> memref<4096xi32, #tpu.memory_space<hbm>>
        tpu.wait_dma2 semaphore(%run_scoped3A : memref<!tpu.dma_semaphore, #tpu.memory_space<semaphore_mem>>) src(%dma_wait3A_121 : memref<4096xi32, #tpu.memory_space<hbm>>) dst(%arg11 : memref<4096xi32, #tpu.memory_space<vmem>>)
        tpu.yield
      }) : () -> ()
      %scan3A_29 = arith.constant 0 : i32
      %scan3A_30 = arith.constant 256 : i32
      %scan3A_31 = arith.addi %scan3A_29, %scan3A_30 : i32
      %scan3A_32 = arith.constant 8 : i32
      %scan3A_33 = scf.for %scan3A_114 = %scan3A_29 to %scan3A_31 step %scan3A_32 iter_args(%scan3A_115 = %scan3A_27) -> (i32)  : i32 {
        %mul3A_116 = arith.constant 16 : i32
        %mul3A_117 = arith.muli %scan3A_114, %mul3A_116 : i32
        %get3A = arith.index_cast %mul3A_117 : i32 to index
        %get3A_118 = tpu.vector_load %arg11[%get3A] {strides = array<i32>} : memref<4096xi32, #tpu.memory_space<vmem>>, vector<16xi32>,
        %mul3A_119 = arith.constant 16 : i32
        %mul3A_120 = arith.muli %scan3A_114, %mul3A_119 : i32
        %add3A_121 = arith.constant 8192 : i32
        %add3A_122 = arith.addi %add3A_121, %mul3A_120 : i32
        %add3A_123 = vector.broadcast %add3A_122 : i32 to vector<16xi32>
        %add3A_124 = arith.addi %iota3A, %add3A_123 : vector<16xi32>
        %ge3A = vector.broadcast %mul3A_7 : i32 to vector<16xi32>
        %ge3A_125 = arith.cmpi sge, %get3A_118, %ge3A : vector<16xi32>
        %lt3A = vector.broadcast %select_n3A : i32 to vector<16xi32>
        %lt3A_126 = arith.cmpi slt, %get3A_118, %lt3A : vector<16xi32>
        %and3A_127 = arith.andi %ge3A_125, %lt3A_126 : vector<16xi1>
        %swap3A = arith.index_cast %scan3A_115 : i32 to index
        %swap3A_128 = tpu.vector_load %arg14[%swap3A] masked %and3A_127 {strides = array<i32>} : memref<1664xi32, #tpu.memory_space<vmem>>, vector<16xi32>, vector<16xi1>
        tpu.vector_store %arg14[%swap3A], %get3A_118 masked %and3A_127 {strides = array<i32>} : memref<1664xi32, #tpu.memory_space<vmem>>, vector<16xi32>, vector<16xi1>
        %swap3A_129 = arith.index_cast %scan3A_115 : i32 to index
        %swap3A_130 = tpu.vector_load %arg15[%swap3A_129] masked %and3A_127 {strides = array<i32>} : memref<1664xi32, #tpu.memory_space<vmem>>, vector<16xi32>, vector<16xi1>
        tpu.vector_store %arg15[%swap3A_129], %add3A_124 masked %and3A_127 {strides = array<i32>} : memref<1664xi32, #tpu.memory_space<vmem>>, vector<16xi32>, vector<16xi1>
        %all_reduce_population_count3A = tpu.all_reduce %and3A_127 {dim = 0 : i64, kind = #tpu.reduction_kind<sum>} : vector<16xi1> -> vector<16xi32>
        %slice3A = vector.extract_strided_slice %all_reduce_population_count3A {offsets = [0], sizes = [1], strides = [1]} : vector<16xi32> to vector<1xi32>
        %squeeze3A = vector.extract %slice3A[0] : i32 from vector<1xi32>
        %add3A_131 = arith.addi %scan3A_115, %squeeze3A : i32
        %scan3A_132 = arith.constant 1 : i32
        %scan3A_133 = arith.addi %scan3A_114, %scan3A_132 : i32
        %mul3A_134 = arith.constant 16 : i32
        %mul3A_135 = arith.muli %scan3A_133, %mul3A_134 : i32
        %get3A_136 = arith.index_cast %mul3A_135 : i32 to index
        %get3A_137 = tpu.vector_load %arg11[%get3A_136] {strides = array<i32>} : memref<4096xi32, #tpu.memory_space<vmem>>, vector<16xi32>,
        %mul3A_138 = arith.constant 16 : i32
        %mul3A_139 = arith.muli %scan3A_133, %mul3A_138 : i32
        %add3A_140 = arith.constant 8192 : i32
        %add3A_141 = arith.addi %add3A_140, %mul3A_139 : i32
        %add3A_142 = vector.broadcast %add3A_141 : i32 to vector<16xi32>
        %add3A_143 = arith.addi %iota3A, %add3A_142 : vector<16xi32>
        %ge3A_144 = vector.broadcast %mul3A_7 : i32 to vector<16xi32>
        %ge3A_145 = arith.cmpi sge, %get3A_137, %ge3A_144 : vector<16xi32>
        %lt3A_146 = vector.broadcast %select_n3A : i32 to vector<16xi32>
        %lt3A_147 = arith.cmpi slt, %get3A_137, %lt3A_146 : vector<16xi32>
        %and3A_148 = arith.andi %ge3A_145, %lt3A_147 : vector<16xi1>
        %swap3A_149 = arith.index_cast %add3A_131 : i32 to index
        %swap3A_150 = tpu.vector_load %arg14[%swap3A_149] masked %and3A_148 {strides = array<i32>} : memref<1664xi32, #tpu.memory_space<vmem>>, vector<16xi32>, vector<16xi1>
        tpu.vector_store %arg14[%swap3A_149], %get3A_137 masked %and3A_148 {strides = array<i32>} : memref<1664xi32, #tpu.memory_space<vmem>>, vector<16xi32>, vector<16xi1>
        %swap3A_151 = arith.index_cast %add3A_131 : i32 to index
        %swap3A_152 = tpu.vector_load %arg15[%swap3A_151] masked %and3A_148 {strides = array<i32>} : memref<1664xi32, #tpu.memory_space<vmem>>, vector<16xi32>, vector<16xi1>
        tpu.vector_store %arg15[%swap3A_151], %add3A_143 masked %and3A_148 {strides = array<i32>} : memref<1664xi32, #tpu.memory_space<vmem>>, vector<16xi32>, vector<16xi1>
        %all_reduce_population_count3A_153 = tpu.all_reduce %and3A_148 {dim = 0 : i64, kind = #tpu.reduction_kind<sum>} : vector<16xi1> -> vector<16xi32>
        %slice3A_154 = vector.extract_strided_slice %all_reduce_population_count3A_153 {offsets = [0], sizes = [1], strides = [1]} : vector<16xi32> to vector<1xi32>
        %squeeze3A_155 = vector.extract %slice3A_154[0] : i32 from vector<1xi32>
        %add3A_156 = arith.addi %add3A_131, %squeeze3A_155 : i32
        %scan3A_157 = arith.constant 2 : i32
        %scan3A_158 = arith.addi %scan3A_114, %scan3A_157 : i32
        %mul3A_159 = arith.constant 16 : i32
        %mul3A_160 = arith.muli %scan3A_158, %mul3A_159 : i32
        %get3A_161 = arith.index_cast %mul3A_160 : i32 to index
        %get3A_162 = tpu.vector_load %arg11[%get3A_161] {strides = array<i32>} : memref<4096xi32, #tpu.memory_space<vmem>>, vector<16xi32>,
        %mul3A_163 = arith.constant 16 : i32
        %mul3A_164 = arith.muli %scan3A_158, %mul3A_163 : i32
        %add3A_165 = arith.constant 8192 : i32
        %add3A_166 = arith.addi %add3A_165, %mul3A_164 : i32
        %add3A_167 = vector.broadcast %add3A_166 : i32 to vector<16xi32>
        %add3A_168 = arith.addi %iota3A, %add3A_167 : vector<16xi32>
        %ge3A_169 = vector.broadcast %mul3A_7 : i32 to vector<16xi32>
        %ge3A_170 = arith.cmpi sge, %get3A_162, %ge3A_169 : vector<16xi32>
        %lt3A_171 = vector.broadcast %select_n3A : i32 to vector<16xi32>
        %lt3A_172 = arith.cmpi slt, %get3A_162, %lt3A_171 : vector<16xi32>
        %and3A_173 = arith.andi %ge3A_170, %lt3A_172 : vector<16xi1>
        %swap3A_174 = arith.index_cast %add3A_156 : i32 to index
        %swap3A_175 = tpu.vector_load %arg14[%swap3A_174] masked %and3A_173 {strides = array<i32>} : memref<1664xi32, #tpu.memory_space<vmem>>, vector<16xi32>, vector<16xi1>
        tpu.vector_store %arg14[%swap3A_174], %get3A_162 masked %and3A_173 {strides = array<i32>} : memref<1664xi32, #tpu.memory_space<vmem>>, vector<16xi32>, vector<16xi1>
        %swap3A_176 = arith.index_cast %add3A_156 : i32 to index
        %swap3A_177 = tpu.vector_load %arg15[%swap3A_176] masked %and3A_173 {strides = array<i32>} : memref<1664xi32, #tpu.memory_space<vmem>>, vector<16xi32>, vector<16xi1>
        tpu.vector_store %arg15[%swap3A_176], %add3A_168 masked %and3A_173 {strides = array<i32>} : memref<1664xi32, #tpu.memory_space<vmem>>, vector<16xi32>, vector<16xi1>
        %all_reduce_population_count3A_178 = tpu.all_reduce %and3A_173 {dim = 0 : i64, kind = #tpu.reduction_kind<sum>} : vector<16xi1> -> vector<16xi32>
        %slice3A_179 = vector.extract_strided_slice %all_reduce_population_count3A_178 {offsets = [0], sizes = [1], strides = [1]} : vector<16xi32> to vector<1xi32>
        %squeeze3A_180 = vector.extract %slice3A_179[0] : i32 from vector<1xi32>
        %add3A_181 = arith.addi %add3A_156, %squeeze3A_180 : i32
        %scan3A_182 = arith.constant 3 : i32
        %scan3A_183 = arith.addi %scan3A_114, %scan3A_182 : i32
        %mul3A_184 = arith.constant 16 : i32
        %mul3A_185 = arith.muli %scan3A_183, %mul3A_184 : i32
        %get3A_186 = arith.index_cast %mul3A_185 : i32 to index
        %get3A_187 = tpu.vector_load %arg11[%get3A_186] {strides = array<i32>} : memref<4096xi32, #tpu.memory_space<vmem>>, vector<16xi32>,
        %mul3A_188 = arith.constant 16 : i32
        %mul3A_189 = arith.muli %scan3A_183, %mul3A_188 : i32
        %add3A_190 = arith.constant 8192 : i32
        %add3A_191 = arith.addi %add3A_190, %mul3A_189 : i32
        %add3A_192 = vector.broadcast %add3A_191 : i32 to vector<16xi32>
        %add3A_193 = arith.addi %iota3A, %add3A_192 : vector<16xi32>
        %ge3A_194 = vector.broadcast %mul3A_7 : i32 to vector<16xi32>
        %ge3A_195 = arith.cmpi sge, %get3A_187, %ge3A_194 : vector<16xi32>
        %lt3A_196 = vector.broadcast %select_n3A : i32 to vector<16xi32>
        %lt3A_197 = arith.cmpi slt, %get3A_187, %lt3A_196 : vector<16xi32>
        %and3A_198 = arith.andi %ge3A_195, %lt3A_197 : vector<16xi1>
        %swap3A_199 = arith.index_cast %add3A_181 : i32 to index
        %swap3A_200 = tpu.vector_load %arg14[%swap3A_199] masked %and3A_198 {strides = array<i32>} : memref<1664xi32, #tpu.memory_space<vmem>>, vector<16xi32>, vector<16xi1>
        tpu.vector_store %arg14[%swap3A_199], %get3A_187 masked %and3A_198 {strides = array<i32>} : memref<1664xi32, #tpu.memory_space<vmem>>, vector<16xi32>, vector<16xi1>
        %swap3A_201 = arith.index_cast %add3A_181 : i32 to index
        %swap3A_202 = tpu.vector_load %arg15[%swap3A_201] masked %and3A_198 {strides = array<i32>} : memref<1664xi32, #tpu.memory_space<vmem>>, vector<16xi32>, vector<16xi1>
        tpu.vector_store %arg15[%swap3A_201], %add3A_193 masked %and3A_198 {strides = array<i32>} : memref<1664xi32, #tpu.memory_space<vmem>>, vector<16xi32>, vector<16xi1>
        %all_reduce_population_count3A_203 = tpu.all_reduce %and3A_198 {dim = 0 : i64, kind = #tpu.reduction_kind<sum>} : vector<16xi1> -> vector<16xi32>
        %slice3A_204 = vector.extract_strided_slice %all_reduce_population_count3A_203 {offsets = [0], sizes = [1], strides = [1]} : vector<16xi32> to vector<1xi32>
        %squeeze3A_205 = vector.extract %slice3A_204[0] : i32 from vector<1xi32>
        %add3A_206 = arith.addi %add3A_181, %squeeze3A_205 : i32
        %scan3A_207 = arith.constant 4 : i32
        %scan3A_208 = arith.addi %scan3A_114, %scan3A_207 : i32
        %mul3A_209 = arith.constant 16 : i32
        %mul3A_210 = arith.muli %scan3A_208, %mul3A_209 : i32
        %get3A_211 = arith.index_cast %mul3A_210 : i32 to index
        %get3A_212 = tpu.vector_load %arg11[%get3A_211] {strides = array<i32>} : memref<4096xi32, #tpu.memory_space<vmem>>, vector<16xi32>,
        %mul3A_213 = arith.constant 16 : i32
        %mul3A_214 = arith.muli %scan3A_208, %mul3A_213 : i32
        %add3A_215 = arith.constant 8192 : i32
        %add3A_216 = arith.addi %add3A_215, %mul3A_214 : i32
        %add3A_217 = vector.broadcast %add3A_216 : i32 to vector<16xi32>
        %add3A_218 = arith.addi %iota3A, %add3A_217 : vector<16xi32>
        %ge3A_219 = vector.broadcast %mul3A_7 : i32 to vector<16xi32>
        %ge3A_220 = arith.cmpi sge, %get3A_212, %ge3A_219 : vector<16xi32>
        %lt3A_221 = vector.broadcast %select_n3A : i32 to vector<16xi32>
        %lt3A_222 = arith.cmpi slt, %get3A_212, %lt3A_221 : vector<16xi32>
        %and3A_223 = arith.andi %ge3A_220, %lt3A_222 : vector<16xi1>
        %swap3A_224 = arith.index_cast %add3A_206 : i32 to index
        %swap3A_225 = tpu.vector_load %arg14[%swap3A_224] masked %and3A_223 {strides = array<i32>} : memref<1664xi32, #tpu.memory_space<vmem>>, vector<16xi32>, vector<16xi1>
        tpu.vector_store %arg14[%swap3A_224], %get3A_212 masked %and3A_223 {strides = array<i32>} : memref<1664xi32, #tpu.memory_space<vmem>>, vector<16xi32>, vector<16xi1>
        %swap3A_226 = arith.index_cast %add3A_206 : i32 to index
        %swap3A_227 = tpu.vector_load %arg15[%swap3A_226] masked %and3A_223 {strides = array<i32>} : memref<1664xi32, #tpu.memory_space<vmem>>, vector<16xi32>, vector<16xi1>
        tpu.vector_store %arg15[%swap3A_226], %add3A_218 masked %and3A_223 {strides = array<i32>} : memref<1664xi32, #tpu.memory_space<vmem>>, vector<16xi32>, vector<16xi1>
        %all_reduce_population_count3A_228 = tpu.all_reduce %and3A_223 {dim = 0 : i64, kind = #tpu.reduction_kind<sum>} : vector<16xi1> -> vector<16xi32>
        %slice3A_229 = vector.extract_strided_slice %all_reduce_population_count3A_228 {offsets = [0], sizes = [1], strides = [1]} : vector<16xi32> to vector<1xi32>
        %squeeze3A_230 = vector.extract %slice3A_229[0] : i32 from vector<1xi32>
        %add3A_231 = arith.addi %add3A_206, %squeeze3A_230 : i32
        %scan3A_232 = arith.constant 5 : i32
        %scan3A_233 = arith.addi %scan3A_114, %scan3A_232 : i32
        %mul3A_234 = arith.constant 16 : i32
        %mul3A_235 = arith.muli %scan3A_233, %mul3A_234 : i32
        %get3A_236 = arith.index_cast %mul3A_235 : i32 to index
        %get3A_237 = tpu.vector_load %arg11[%get3A_236] {strides = array<i32>} : memref<4096xi32, #tpu.memory_space<vmem>>, vector<16xi32>,
        %mul3A_238 = arith.constant 16 : i32
        %mul3A_239 = arith.muli %scan3A_233, %mul3A_238 : i32
        %add3A_240 = arith.constant 8192 : i32
        %add3A_241 = arith.addi %add3A_240, %mul3A_239 : i32
        %add3A_242 = vector.broadcast %add3A_241 : i32 to vector<16xi32>
        %add3A_243 = arith.addi %iota3A, %add3A_242 : vector<16xi32>
        %ge3A_244 = vector.broadcast %mul3A_7 : i32 to vector<16xi32>
        %ge3A_245 = arith.cmpi sge, %get3A_237, %ge3A_244 : vector<16xi32>
        %lt3A_246 = vector.broadcast %select_n3A : i32 to vector<16xi32>
        %lt3A_247 = arith.cmpi slt, %get3A_237, %lt3A_246 : vector<16xi32>
        %and3A_248 = arith.andi %ge3A_245, %lt3A_247 : vector<16xi1>
        %swap3A_249 = arith.index_cast %add3A_231 : i32 to index
        %swap3A_250 = tpu.vector_load %arg14[%swap3A_249] masked %and3A_248 {strides = array<i32>} : memref<1664xi32, #tpu.memory_space<vmem>>, vector<16xi32>, vector<16xi1>
        tpu.vector_store %arg14[%swap3A_249], %get3A_237 masked %and3A_248 {strides = array<i32>} : memref<1664xi32, #tpu.memory_space<vmem>>, vector<16xi32>, vector<16xi1>
        %swap3A_251 = arith.index_cast %add3A_231 : i32 to index
        %swap3A_252 = tpu.vector_load %arg15[%swap3A_251] masked %and3A_248 {strides = array<i32>} : memref<1664xi32, #tpu.memory_space<vmem>>, vector<16xi32>, vector<16xi1>
        tpu.vector_store %arg15[%swap3A_251], %add3A_243 masked %and3A_248 {strides = array<i32>} : memref<1664xi32, #tpu.memory_space<vmem>>, vector<16xi32>, vector<16xi1>
        %all_reduce_population_count3A_253 = tpu.all_reduce %and3A_248 {dim = 0 : i64, kind = #tpu.reduction_kind<sum>} : vector<16xi1> -> vector<16xi32>
        %slice3A_254 = vector.extract_strided_slice %all_reduce_population_count3A_253 {offsets = [0], sizes = [1], strides = [1]} : vector<16xi32> to vector<1xi32>
        %squeeze3A_255 = vector.extract %slice3A_254[0] : i32 from vector<1xi32>
        %add3A_256 = arith.addi %add3A_231, %squeeze3A_255 : i32
        %scan3A_257 = arith.constant 6 : i32
        %scan3A_258 = arith.addi %scan3A_114, %scan3A_257 : i32
        %mul3A_259 = arith.constant 16 : i32
        %mul3A_260 = arith.muli %scan3A_258, %mul3A_259 : i32
        %get3A_261 = arith.index_cast %mul3A_260 : i32 to index
        %get3A_262 = tpu.vector_load %arg11[%get3A_261] {strides = array<i32>} : memref<4096xi32, #tpu.memory_space<vmem>>, vector<16xi32>,
        %mul3A_263 = arith.constant 16 : i32
        %mul3A_264 = arith.muli %scan3A_258, %mul3A_263 : i32
        %add3A_265 = arith.constant 8192 : i32
        %add3A_266 = arith.addi %add3A_265, %mul3A_264 : i32
        %add3A_267 = vector.broadcast %add3A_266 : i32 to vector<16xi32>
        %add3A_268 = arith.addi %iota3A, %add3A_267 : vector<16xi32>
        %ge3A_269 = vector.broadcast %mul3A_7 : i32 to vector<16xi32>
        %ge3A_270 = arith.cmpi sge, %get3A_262, %ge3A_269 : vector<16xi32>
        %lt3A_271 = vector.broadcast %select_n3A : i32 to vector<16xi32>
        %lt3A_272 = arith.cmpi slt, %get3A_262, %lt3A_271 : vector<16xi32>
        %and3A_273 = arith.andi %ge3A_270, %lt3A_272 : vector<16xi1>
        %swap3A_274 = arith.index_cast %add3A_256 : i32 to index
        %swap3A_275 = tpu.vector_load %arg14[%swap3A_274] masked %and3A_273 {strides = array<i32>} : memref<1664xi32, #tpu.memory_space<vmem>>, vector<16xi32>, vector<16xi1>
        tpu.vector_store %arg14[%swap3A_274], %get3A_262 masked %and3A_273 {strides = array<i32>} : memref<1664xi32, #tpu.memory_space<vmem>>, vector<16xi32>, vector<16xi1>
        %swap3A_276 = arith.index_cast %add3A_256 : i32 to index
        %swap3A_277 = tpu.vector_load %arg15[%swap3A_276] masked %and3A_273 {strides = array<i32>} : memref<1664xi32, #tpu.memory_space<vmem>>, vector<16xi32>, vector<16xi1>
        tpu.vector_store %arg15[%swap3A_276], %add3A_268 masked %and3A_273 {strides = array<i32>} : memref<1664xi32, #tpu.memory_space<vmem>>, vector<16xi32>, vector<16xi1>
        %all_reduce_population_count3A_278 = tpu.all_reduce %and3A_273 {dim = 0 : i64, kind = #tpu.reduction_kind<sum>} : vector<16xi1> -> vector<16xi32>
        %slice3A_279 = vector.extract_strided_slice %all_reduce_population_count3A_278 {offsets = [0], sizes = [1], strides = [1]} : vector<16xi32> to vector<1xi32>
        %squeeze3A_280 = vector.extract %slice3A_279[0] : i32 from vector<1xi32>
        %add3A_281 = arith.addi %add3A_256, %squeeze3A_280 : i32
        %scan3A_282 = arith.constant 7 : i32
        %scan3A_283 = arith.addi %scan3A_114, %scan3A_282 : i32
        %mul3A_284 = arith.constant 16 : i32
        %mul3A_285 = arith.muli %scan3A_283, %mul3A_284 : i32
        %get3A_286 = arith.index_cast %mul3A_285 : i32 to index
        %get3A_287 = tpu.vector_load %arg11[%get3A_286] {strides = array<i32>} : memref<4096xi32, #tpu.memory_space<vmem>>, vector<16xi32>,
        %mul3A_288 = arith.constant 16 : i32
        %mul3A_289 = arith.muli %scan3A_283, %mul3A_288 : i32
        %add3A_290 = arith.constant 8192 : i32
        %add3A_291 = arith.addi %add3A_290, %mul3A_289 : i32
        %add3A_292 = vector.broadcast %add3A_291 : i32 to vector<16xi32>
        %add3A_293 = arith.addi %iota3A, %add3A_292 : vector<16xi32>
        %ge3A_294 = vector.broadcast %mul3A_7 : i32 to vector<16xi32>
        %ge3A_295 = arith.cmpi sge, %get3A_287, %ge3A_294 : vector<16xi32>
        %lt3A_296 = vector.broadcast %select_n3A : i32 to vector<16xi32>
        %lt3A_297 = arith.cmpi slt, %get3A_287, %lt3A_296 : vector<16xi32>
        %and3A_298 = arith.andi %ge3A_295, %lt3A_297 : vector<16xi1>
        %swap3A_299 = arith.index_cast %add3A_281 : i32 to index
        %swap3A_300 = tpu.vector_load %arg14[%swap3A_299] masked %and3A_298 {strides = array<i32>} : memref<1664xi32, #tpu.memory_space<vmem>>, vector<16xi32>, vector<16xi1>
        tpu.vector_store %arg14[%swap3A_299], %get3A_287 masked %and3A_298 {strides = array<i32>} : memref<1664xi32, #tpu.memory_space<vmem>>, vector<16xi32>, vector<16xi1>
        %swap3A_301 = arith.index_cast %add3A_281 : i32 to index
        %swap3A_302 = tpu.vector_load %arg15[%swap3A_301] masked %and3A_298 {strides = array<i32>} : memref<1664xi32, #tpu.memory_space<vmem>>, vector<16xi32>, vector<16xi1>
        tpu.vector_store %arg15[%swap3A_301], %add3A_293 masked %and3A_298 {strides = array<i32>} : memref<1664xi32, #tpu.memory_space<vmem>>, vector<16xi32>, vector<16xi1>
        %all_reduce_population_count3A_303 = tpu.all_reduce %and3A_298 {dim = 0 : i64, kind = #tpu.reduction_kind<sum>} : vector<16xi1> -> vector<16xi32>
        %slice3A_304 = vector.extract_strided_slice %all_reduce_population_count3A_303 {offsets = [0], sizes = [1], strides = [1]} : vector<16xi32> to vector<1xi32>
        %squeeze3A_305 = vector.extract %slice3A_304[0] : i32 from vector<1xi32>
        %add3A_306 = arith.addi %add3A_281, %squeeze3A_305 : i32
        scf.yield %add3A_306 : i32
      }
      %scan3A_34 = arith.constant 256 : i32
      "tpu.region"() ({
        %run_scoped3A = tpu.sem_alloc : memref<!tpu.dma_semaphore, #tpu.memory_space<semaphore_mem>>
        %dma_start3A_114 = arith.constant 12288 : i32
        %dma_start3A_115 = tpu.memref_slice %arg3[%dma_start3A_114] : memref<16384xi32, #tpu.memory_space<hbm>> -> memref<4096xi32, #tpu.memory_space<hbm>>
        %dma_start3A_116 = arith.constant 12288 : i32
        %dma_start3A_117 = tpu.memref_slice %arg3[%dma_start3A_116] : memref<16384xi32, #tpu.memory_space<hbm>> -> memref<4096xi32, #tpu.memory_space<hbm>>
        tpu.enqueue_dma source(%dma_start3A_117 : memref<4096xi32, #tpu.memory_space<hbm>>) target(%arg11 : memref<4096xi32, #tpu.memory_space<vmem>>) target_semaphore(%run_scoped3A : memref<!tpu.dma_semaphore, #tpu.memory_space<semaphore_mem>>)
        %dma_wait3A_118 = arith.constant 12288 : i32
        %dma_wait3A_119 = tpu.memref_slice %arg3[%dma_wait3A_118] : memref<16384xi32, #tpu.memory_space<hbm>> -> memref<4096xi32, #tpu.memory_space<hbm>>
        %dma_wait3A_120 = arith.constant 12288 : i32
        %dma_wait3A_121 = tpu.memref_slice %arg3[%dma_wait3A_120] : memref<16384xi32, #tpu.memory_space<hbm>> -> memref<4096xi32, #tpu.memory_space<hbm>>
        tpu.wait_dma2 semaphore(%run_scoped3A : memref<!tpu.dma_semaphore, #tpu.memory_space<semaphore_mem>>) src(%dma_wait3A_121 : memref<4096xi32, #tpu.memory_space<hbm>>) dst(%arg11 : memref<4096xi32, #tpu.memory_space<vmem>>)
        tpu.yield
      }) : () -> ()
      %scan3A_35 = arith.constant 0 : i32
      %scan3A_36 = arith.constant 256 : i32
      %scan3A_37 = arith.addi %scan3A_35, %scan3A_36 : i32
      %scan3A_38 = arith.constant 8 : i32
      %scan3A_39 = scf.for %scan3A_114 = %scan3A_35 to %scan3A_37 step %scan3A_38 iter_args(%scan3A_115 = %scan3A_33) -> (i32)  : i32 {
        %mul3A_116 = arith.constant 16 : i32
        %mul3A_117 = arith.muli %scan3A_114, %mul3A_116 : i32
        %get3A = arith.index_cast %mul3A_117 : i32 to index
        %get3A_118 = tpu.vector_load %arg11[%get3A] {strides = array<i32>} : memref<4096xi32, #tpu.memory_space<vmem>>, vector<16xi32>,
        %mul3A_119 = arith.constant 16 : i32
        %mul3A_120 = arith.muli %scan3A_114, %mul3A_119 : i32
        %add3A_121 = arith.constant 12288 : i32
        %add3A_122 = arith.addi %add3A_121, %mul3A_120 : i32
        %add3A_123 = vector.broadcast %add3A_122 : i32 to vector<16xi32>
        %add3A_124 = arith.addi %iota3A, %add3A_123 : vector<16xi32>
        %ge3A = vector.broadcast %mul3A_7 : i32 to vector<16xi32>
        %ge3A_125 = arith.cmpi sge, %get3A_118, %ge3A : vector<16xi32>
        %lt3A = vector.broadcast %select_n3A : i32 to vector<16xi32>
        %lt3A_126 = arith.cmpi slt, %get3A_118, %lt3A : vector<16xi32>
        %and3A_127 = arith.andi %ge3A_125, %lt3A_126 : vector<16xi1>
        %swap3A = arith.index_cast %scan3A_115 : i32 to index
        %swap3A_128 = tpu.vector_load %arg14[%swap3A] masked %and3A_127 {strides = array<i32>} : memref<1664xi32, #tpu.memory_space<vmem>>, vector<16xi32>, vector<16xi1>
        tpu.vector_store %arg14[%swap3A], %get3A_118 masked %and3A_127 {strides = array<i32>} : memref<1664xi32, #tpu.memory_space<vmem>>, vector<16xi32>, vector<16xi1>
        %swap3A_129 = arith.index_cast %scan3A_115 : i32 to index
        %swap3A_130 = tpu.vector_load %arg15[%swap3A_129] masked %and3A_127 {strides = array<i32>} : memref<1664xi32, #tpu.memory_space<vmem>>, vector<16xi32>, vector<16xi1>
        tpu.vector_store %arg15[%swap3A_129], %add3A_124 masked %and3A_127 {strides = array<i32>} : memref<1664xi32, #tpu.memory_space<vmem>>, vector<16xi32>, vector<16xi1>
        %all_reduce_population_count3A = tpu.all_reduce %and3A_127 {dim = 0 : i64, kind = #tpu.reduction_kind<sum>} : vector<16xi1> -> vector<16xi32>
        %slice3A = vector.extract_strided_slice %all_reduce_population_count3A {offsets = [0], sizes = [1], strides = [1]} : vector<16xi32> to vector<1xi32>
        %squeeze3A = vector.extract %slice3A[0] : i32 from vector<1xi32>
        %add3A_131 = arith.addi %scan3A_115, %squeeze3A : i32
        %scan3A_132 = arith.constant 1 : i32
        %scan3A_133 = arith.addi %scan3A_114, %scan3A_132 : i32
        %mul3A_134 = arith.constant 16 : i32
        %mul3A_135 = arith.muli %scan3A_133, %mul3A_134 : i32
        %get3A_136 = arith.index_cast %mul3A_135 : i32 to index
        %get3A_137 = tpu.vector_load %arg11[%get3A_136] {strides = array<i32>} : memref<4096xi32, #tpu.memory_space<vmem>>, vector<16xi32>,
        %mul3A_138 = arith.constant 16 : i32
        %mul3A_139 = arith.muli %scan3A_133, %mul3A_138 : i32
        %add3A_140 = arith.constant 12288 : i32
        %add3A_141 = arith.addi %add3A_140, %mul3A_139 : i32
        %add3A_142 = vector.broadcast %add3A_141 : i32 to vector<16xi32>
        %add3A_143 = arith.addi %iota3A, %add3A_142 : vector<16xi32>
        %ge3A_144 = vector.broadcast %mul3A_7 : i32 to vector<16xi32>
        %ge3A_145 = arith.cmpi sge, %get3A_137, %ge3A_144 : vector<16xi32>
        %lt3A_146 = vector.broadcast %select_n3A : i32 to vector<16xi32>
        %lt3A_147 = arith.cmpi slt, %get3A_137, %lt3A_146 : vector<16xi32>
        %and3A_148 = arith.andi %ge3A_145, %lt3A_147 : vector<16xi1>
        %swap3A_149 = arith.index_cast %add3A_131 : i32 to index
        %swap3A_150 = tpu.vector_load %arg14[%swap3A_149] masked %and3A_148 {strides = array<i32>} : memref<1664xi32, #tpu.memory_space<vmem>>, vector<16xi32>, vector<16xi1>
        tpu.vector_store %arg14[%swap3A_149], %get3A_137 masked %and3A_148 {strides = array<i32>} : memref<1664xi32, #tpu.memory_space<vmem>>, vector<16xi32>, vector<16xi1>
        %swap3A_151 = arith.index_cast %add3A_131 : i32 to index
        %swap3A_152 = tpu.vector_load %arg15[%swap3A_151] masked %and3A_148 {strides = array<i32>} : memref<1664xi32, #tpu.memory_space<vmem>>, vector<16xi32>, vector<16xi1>
        tpu.vector_store %arg15[%swap3A_151], %add3A_143 masked %and3A_148 {strides = array<i32>} : memref<1664xi32, #tpu.memory_space<vmem>>, vector<16xi32>, vector<16xi1>
        %all_reduce_population_count3A_153 = tpu.all_reduce %and3A_148 {dim = 0 : i64, kind = #tpu.reduction_kind<sum>} : vector<16xi1> -> vector<16xi32>
        %slice3A_154 = vector.extract_strided_slice %all_reduce_population_count3A_153 {offsets = [0], sizes = [1], strides = [1]} : vector<16xi32> to vector<1xi32>
        %squeeze3A_155 = vector.extract %slice3A_154[0] : i32 from vector<1xi32>
        %add3A_156 = arith.addi %add3A_131, %squeeze3A_155 : i32
        %scan3A_157 = arith.constant 2 : i32
        %scan3A_158 = arith.addi %scan3A_114, %scan3A_157 : i32
        %mul3A_159 = arith.constant 16 : i32
        %mul3A_160 = arith.muli %scan3A_158, %mul3A_159 : i32
        %get3A_161 = arith.index_cast %mul3A_160 : i32 to index
        %get3A_162 = tpu.vector_load %arg11[%get3A_161] {strides = array<i32>} : memref<4096xi32, #tpu.memory_space<vmem>>, vector<16xi32>,
        %mul3A_163 = arith.constant 16 : i32
        %mul3A_164 = arith.muli %scan3A_158, %mul3A_163 : i32
        %add3A_165 = arith.constant 12288 : i32
        %add3A_166 = arith.addi %add3A_165, %mul3A_164 : i32
        %add3A_167 = vector.broadcast %add3A_166 : i32 to vector<16xi32>
        %add3A_168 = arith.addi %iota3A, %add3A_167 : vector<16xi32>
        %ge3A_169 = vector.broadcast %mul3A_7 : i32 to vector<16xi32>
        %ge3A_170 = arith.cmpi sge, %get3A_162, %ge3A_169 : vector<16xi32>
        %lt3A_171 = vector.broadcast %select_n3A : i32 to vector<16xi32>
        %lt3A_172 = arith.cmpi slt, %get3A_162, %lt3A_171 : vector<16xi32>
        %and3A_173 = arith.andi %ge3A_170, %lt3A_172 : vector<16xi1>
        %swap3A_174 = arith.index_cast %add3A_156 : i32 to index
        %swap3A_175 = tpu.vector_load %arg14[%swap3A_174] masked %and3A_173 {strides = array<i32>} : memref<1664xi32, #tpu.memory_space<vmem>>, vector<16xi32>, vector<16xi1>
        tpu.vector_store %arg14[%swap3A_174], %get3A_162 masked %and3A_173 {strides = array<i32>} : memref<1664xi32, #tpu.memory_space<vmem>>, vector<16xi32>, vector<16xi1>
        %swap3A_176 = arith.index_cast %add3A_156 : i32 to index
        %swap3A_177 = tpu.vector_load %arg15[%swap3A_176] masked %and3A_173 {strides = array<i32>} : memref<1664xi32, #tpu.memory_space<vmem>>, vector<16xi32>, vector<16xi1>
        tpu.vector_store %arg15[%swap3A_176], %add3A_168 masked %and3A_173 {strides = array<i32>} : memref<1664xi32, #tpu.memory_space<vmem>>, vector<16xi32>, vector<16xi1>
        %all_reduce_population_count3A_178 = tpu.all_reduce %and3A_173 {dim = 0 : i64, kind = #tpu.reduction_kind<sum>} : vector<16xi1> -> vector<16xi32>
        %slice3A_179 = vector.extract_strided_slice %all_reduce_population_count3A_178 {offsets = [0], sizes = [1], strides = [1]} : vector<16xi32> to vector<1xi32>
        %squeeze3A_180 = vector.extract %slice3A_179[0] : i32 from vector<1xi32>
        %add3A_181 = arith.addi %add3A_156, %squeeze3A_180 : i32
        %scan3A_182 = arith.constant 3 : i32
        %scan3A_183 = arith.addi %scan3A_114, %scan3A_182 : i32
        %mul3A_184 = arith.constant 16 : i32
        %mul3A_185 = arith.muli %scan3A_183, %mul3A_184 : i32
        %get3A_186 = arith.index_cast %mul3A_185 : i32 to index
        %get3A_187 = tpu.vector_load %arg11[%get3A_186] {strides = array<i32>} : memref<4096xi32, #tpu.memory_space<vmem>>, vector<16xi32>,
        %mul3A_188 = arith.constant 16 : i32
        %mul3A_189 = arith.muli %scan3A_183, %mul3A_188 : i32
        %add3A_190 = arith.constant 12288 : i32
        %add3A_191 = arith.addi %add3A_190, %mul3A_189 : i32
        %add3A_192 = vector.broadcast %add3A_191 : i32 to vector<16xi32>
        %add3A_193 = arith.addi %iota3A, %add3A_192 : vector<16xi32>
        %ge3A_194 = vector.broadcast %mul3A_7 : i32 to vector<16xi32>
        %ge3A_195 = arith.cmpi sge, %get3A_187, %ge3A_194 : vector<16xi32>
        %lt3A_196 = vector.broadcast %select_n3A : i32 to vector<16xi32>
        %lt3A_197 = arith.cmpi slt, %get3A_187, %lt3A_196 : vector<16xi32>
        %and3A_198 = arith.andi %ge3A_195, %lt3A_197 : vector<16xi1>
        %swap3A_199 = arith.index_cast %add3A_181 : i32 to index
        %swap3A_200 = tpu.vector_load %arg14[%swap3A_199] masked %and3A_198 {strides = array<i32>} : memref<1664xi32, #tpu.memory_space<vmem>>, vector<16xi32>, vector<16xi1>
        tpu.vector_store %arg14[%swap3A_199], %get3A_187 masked %and3A_198 {strides = array<i32>} : memref<1664xi32, #tpu.memory_space<vmem>>, vector<16xi32>, vector<16xi1>
        %swap3A_201 = arith.index_cast %add3A_181 : i32 to index
        %swap3A_202 = tpu.vector_load %arg15[%swap3A_201] masked %and3A_198 {strides = array<i32>} : memref<1664xi32, #tpu.memory_space<vmem>>, vector<16xi32>, vector<16xi1>
        tpu.vector_store %arg15[%swap3A_201], %add3A_193 masked %and3A_198 {strides = array<i32>} : memref<1664xi32, #tpu.memory_space<vmem>>, vector<16xi32>, vector<16xi1>
        %all_reduce_population_count3A_203 = tpu.all_reduce %and3A_198 {dim = 0 : i64, kind = #tpu.reduction_kind<sum>} : vector<16xi1> -> vector<16xi32>
        %slice3A_204 = vector.extract_strided_slice %all_reduce_population_count3A_203 {offsets = [0], sizes = [1], strides = [1]} : vector<16xi32> to vector<1xi32>
        %squeeze3A_205 = vector.extract %slice3A_204[0] : i32 from vector<1xi32>
        %add3A_206 = arith.addi %add3A_181, %squeeze3A_205 : i32
        %scan3A_207 = arith.constant 4 : i32
        %scan3A_208 = arith.addi %scan3A_114, %scan3A_207 : i32
        %mul3A_209 = arith.constant 16 : i32
        %mul3A_210 = arith.muli %scan3A_208, %mul3A_209 : i32
        %get3A_211 = arith.index_cast %mul3A_210 : i32 to index
        %get3A_212 = tpu.vector_load %arg11[%get3A_211] {strides = array<i32>} : memref<4096xi32, #tpu.memory_space<vmem>>, vector<16xi32>,
        %mul3A_213 = arith.constant 16 : i32
        %mul3A_214 = arith.muli %scan3A_208, %mul3A_213 : i32
        %add3A_215 = arith.constant 12288 : i32
        %add3A_216 = arith.addi %add3A_215, %mul3A_214 : i32
        %add3A_217 = vector.broadcast %add3A_216 : i32 to vector<16xi32>
        %add3A_218 = arith.addi %iota3A, %add3A_217 : vector<16xi32>
        %ge3A_219 = vector.broadcast %mul3A_7 : i32 to vector<16xi32>
        %ge3A_220 = arith.cmpi sge, %get3A_212, %ge3A_219 : vector<16xi32>
        %lt3A_221 = vector.broadcast %select_n3A : i32 to vector<16xi32>
        %lt3A_222 = arith.cmpi slt, %get3A_212, %lt3A_221 : vector<16xi32>
        %and3A_223 = arith.andi %ge3A_220, %lt3A_222 : vector<16xi1>
        %swap3A_224 = arith.index_cast %add3A_206 : i32 to index
        %swap3A_225 = tpu.vector_load %arg14[%swap3A_224] masked %and3A_223 {strides = array<i32>} : memref<1664xi32, #tpu.memory_space<vmem>>, vector<16xi32>, vector<16xi1>
        tpu.vector_store %arg14[%swap3A_224], %get3A_212 masked %and3A_223 {strides = array<i32>} : memref<1664xi32, #tpu.memory_space<vmem>>, vector<16xi32>, vector<16xi1>
        %swap3A_226 = arith.index_cast %add3A_206 : i32 to index
        %swap3A_227 = tpu.vector_load %arg15[%swap3A_226] masked %and3A_223 {strides = array<i32>} : memref<1664xi32, #tpu.memory_space<vmem>>, vector<16xi32>, vector<16xi1>
        tpu.vector_store %arg15[%swap3A_226], %add3A_218 masked %and3A_223 {strides = array<i32>} : memref<1664xi32, #tpu.memory_space<vmem>>, vector<16xi32>, vector<16xi1>
        %all_reduce_population_count3A_228 = tpu.all_reduce %and3A_223 {dim = 0 : i64, kind = #tpu.reduction_kind<sum>} : vector<16xi1> -> vector<16xi32>
        %slice3A_229 = vector.extract_strided_slice %all_reduce_population_count3A_228 {offsets = [0], sizes = [1], strides = [1]} : vector<16xi32> to vector<1xi32>
        %squeeze3A_230 = vector.extract %slice3A_229[0] : i32 from vector<1xi32>
        %add3A_231 = arith.addi %add3A_206, %squeeze3A_230 : i32
        %scan3A_232 = arith.constant 5 : i32
        %scan3A_233 = arith.addi %scan3A_114, %scan3A_232 : i32
        %mul3A_234 = arith.constant 16 : i32
        %mul3A_235 = arith.muli %scan3A_233, %mul3A_234 : i32
        %get3A_236 = arith.index_cast %mul3A_235 : i32 to index
        %get3A_237 = tpu.vector_load %arg11[%get3A_236] {strides = array<i32>} : memref<4096xi32, #tpu.memory_space<vmem>>, vector<16xi32>,
        %mul3A_238 = arith.constant 16 : i32
        %mul3A_239 = arith.muli %scan3A_233, %mul3A_238 : i32
        %add3A_240 = arith.constant 12288 : i32
        %add3A_241 = arith.addi %add3A_240, %mul3A_239 : i32
        %add3A_242 = vector.broadcast %add3A_241 : i32 to vector<16xi32>
        %add3A_243 = arith.addi %iota3A, %add3A_242 : vector<16xi32>
        %ge3A_244 = vector.broadcast %mul3A_7 : i32 to vector<16xi32>
        %ge3A_245 = arith.cmpi sge, %get3A_237, %ge3A_244 : vector<16xi32>
        %lt3A_246 = vector.broadcast %select_n3A : i32 to vector<16xi32>
        %lt3A_247 = arith.cmpi slt, %get3A_237, %lt3A_246 : vector<16xi32>
        %and3A_248 = arith.andi %ge3A_245, %lt3A_247 : vector<16xi1>
        %swap3A_249 = arith.index_cast %add3A_231 : i32 to index
        %swap3A_250 = tpu.vector_load %arg14[%swap3A_249] masked %and3A_248 {strides = array<i32>} : memref<1664xi32, #tpu.memory_space<vmem>>, vector<16xi32>, vector<16xi1>
        tpu.vector_store %arg14[%swap3A_249], %get3A_237 masked %and3A_248 {strides = array<i32>} : memref<1664xi32, #tpu.memory_space<vmem>>, vector<16xi32>, vector<16xi1>
        %swap3A_251 = arith.index_cast %add3A_231 : i32 to index
        %swap3A_252 = tpu.vector_load %arg15[%swap3A_251] masked %and3A_248 {strides = array<i32>} : memref<1664xi32, #tpu.memory_space<vmem>>, vector<16xi32>, vector<16xi1>
        tpu.vector_store %arg15[%swap3A_251], %add3A_243 masked %and3A_248 {strides = array<i32>} : memref<1664xi32, #tpu.memory_space<vmem>>, vector<16xi32>, vector<16xi1>
        %all_reduce_population_count3A_253 = tpu.all_reduce %and3A_248 {dim = 0 : i64, kind = #tpu.reduction_kind<sum>} : vector<16xi1> -> vector<16xi32>
        %slice3A_254 = vector.extract_strided_slice %all_reduce_population_count3A_253 {offsets = [0], sizes = [1], strides = [1]} : vector<16xi32> to vector<1xi32>
        %squeeze3A_255 = vector.extract %slice3A_254[0] : i32 from vector<1xi32>
        %add3A_256 = arith.addi %add3A_231, %squeeze3A_255 : i32
        %scan3A_257 = arith.constant 6 : i32
        %scan3A_258 = arith.addi %scan3A_114, %scan3A_257 : i32
        %mul3A_259 = arith.constant 16 : i32
        %mul3A_260 = arith.muli %scan3A_258, %mul3A_259 : i32
        %get3A_261 = arith.index_cast %mul3A_260 : i32 to index
        %get3A_262 = tpu.vector_load %arg11[%get3A_261] {strides = array<i32>} : memref<4096xi32, #tpu.memory_space<vmem>>, vector<16xi32>,
        %mul3A_263 = arith.constant 16 : i32
        %mul3A_264 = arith.muli %scan3A_258, %mul3A_263 : i32
        %add3A_265 = arith.constant 12288 : i32
        %add3A_266 = arith.addi %add3A_265, %mul3A_264 : i32
        %add3A_267 = vector.broadcast %add3A_266 : i32 to vector<16xi32>
        %add3A_268 = arith.addi %iota3A, %add3A_267 : vector<16xi32>
        %ge3A_269 = vector.broadcast %mul3A_7 : i32 to vector<16xi32>
        %ge3A_270 = arith.cmpi sge, %get3A_262, %ge3A_269 : vector<16xi32>
        %lt3A_271 = vector.broadcast %select_n3A : i32 to vector<16xi32>
        %lt3A_272 = arith.cmpi slt, %get3A_262, %lt3A_271 : vector<16xi32>
        %and3A_273 = arith.andi %ge3A_270, %lt3A_272 : vector<16xi1>
        %swap3A_274 = arith.index_cast %add3A_256 : i32 to index
        %swap3A_275 = tpu.vector_load %arg14[%swap3A_274] masked %and3A_273 {strides = array<i32>} : memref<1664xi32, #tpu.memory_space<vmem>>, vector<16xi32>, vector<16xi1>
        tpu.vector_store %arg14[%swap3A_274], %get3A_262 masked %and3A_273 {strides = array<i32>} : memref<1664xi32, #tpu.memory_space<vmem>>, vector<16xi32>, vector<16xi1>
        %swap3A_276 = arith.index_cast %add3A_256 : i32 to index
        %swap3A_277 = tpu.vector_load %arg15[%swap3A_276] masked %and3A_273 {strides = array<i32>} : memref<1664xi32, #tpu.memory_space<vmem>>, vector<16xi32>, vector<16xi1>
        tpu.vector_store %arg15[%swap3A_276], %add3A_268 masked %and3A_273 {strides = array<i32>} : memref<1664xi32, #tpu.memory_space<vmem>>, vector<16xi32>, vector<16xi1>
        %all_reduce_population_count3A_278 = tpu.all_reduce %and3A_273 {dim = 0 : i64, kind = #tpu.reduction_kind<sum>} : vector<16xi1> -> vector<16xi32>
        %slice3A_279 = vector.extract_strided_slice %all_reduce_population_count3A_278 {offsets = [0], sizes = [1], strides = [1]} : vector<16xi32> to vector<1xi32>
        %squeeze3A_280 = vector.extract %slice3A_279[0] : i32 from vector<1xi32>
        %add3A_281 = arith.addi %add3A_256, %squeeze3A_280 : i32
        %scan3A_282 = arith.constant 7 : i32
        %scan3A_283 = arith.addi %scan3A_114, %scan3A_282 : i32
        %mul3A_284 = arith.constant 16 : i32
        %mul3A_285 = arith.muli %scan3A_283, %mul3A_284 : i32
        %get3A_286 = arith.index_cast %mul3A_285 : i32 to index
        %get3A_287 = tpu.vector_load %arg11[%get3A_286] {strides = array<i32>} : memref<4096xi32, #tpu.memory_space<vmem>>, vector<16xi32>,
        %mul3A_288 = arith.constant 16 : i32
        %mul3A_289 = arith.muli %scan3A_283, %mul3A_288 : i32
        %add3A_290 = arith.constant 12288 : i32
        %add3A_291 = arith.addi %add3A_290, %mul3A_289 : i32
        %add3A_292 = vector.broadcast %add3A_291 : i32 to vector<16xi32>
        %add3A_293 = arith.addi %iota3A, %add3A_292 : vector<16xi32>
        %ge3A_294 = vector.broadcast %mul3A_7 : i32 to vector<16xi32>
        %ge3A_295 = arith.cmpi sge, %get3A_287, %ge3A_294 : vector<16xi32>
        %lt3A_296 = vector.broadcast %select_n3A : i32 to vector<16xi32>
        %lt3A_297 = arith.cmpi slt, %get3A_287, %lt3A_296 : vector<16xi32>
        %and3A_298 = arith.andi %ge3A_295, %lt3A_297 : vector<16xi1>
        %swap3A_299 = arith.index_cast %add3A_281 : i32 to index
        %swap3A_300 = tpu.vector_load %arg14[%swap3A_299] masked %and3A_298 {strides = array<i32>} : memref<1664xi32, #tpu.memory_space<vmem>>, vector<16xi32>, vector<16xi1>
        tpu.vector_store %arg14[%swap3A_299], %get3A_287 masked %and3A_298 {strides = array<i32>} : memref<1664xi32, #tpu.memory_space<vmem>>, vector<16xi32>, vector<16xi1>
        %swap3A_301 = arith.index_cast %add3A_281 : i32 to index
        %swap3A_302 = tpu.vector_load %arg15[%swap3A_301] masked %and3A_298 {strides = array<i32>} : memref<1664xi32, #tpu.memory_space<vmem>>, vector<16xi32>, vector<16xi1>
        tpu.vector_store %arg15[%swap3A_301], %add3A_293 masked %and3A_298 {strides = array<i32>} : memref<1664xi32, #tpu.memory_space<vmem>>, vector<16xi32>, vector<16xi1>
        %all_reduce_population_count3A_303 = tpu.all_reduce %and3A_298 {dim = 0 : i64, kind = #tpu.reduction_kind<sum>} : vector<16xi1> -> vector<16xi32>
        %slice3A_304 = vector.extract_strided_slice %all_reduce_population_count3A_303 {offsets = [0], sizes = [1], strides = [1]} : vector<16xi32> to vector<1xi32>
        %squeeze3A_305 = vector.extract %slice3A_304[0] : i32 from vector<1xi32>
        %add3A_306 = arith.addi %add3A_281, %squeeze3A_305 : i32
        scf.yield %add3A_306 : i32
      }
      %scan3A_40 = arith.constant 256 : i32
      %add3A_41 = arith.constant 16 : i32
      %add3A_42 = arith.addi %scan3A_39, %add3A_41 : i32
      %sub3A = arith.constant 1 : i32
      %sub3A_43 = arith.subi %add3A_42, %sub3A : i32
      %jit3A_44 = arith.constant 16 : i32
      %div3A = arith.divsi %sub3A_43, %jit3A_44 : i32
      %sign3A = arith.constant 0 : i32
      %sign3A_45 = arith.cmpi sgt, %sub3A_43, %sign3A : i32
      %sign3A_46 = arith.extui %sign3A_45 : i1 to i32
      %sign3A_47 = arith.constant 0 : i32
      %sign3A_48 = arith.cmpi slt, %sub3A_43, %sign3A_47 : i32
      %sign3A_49 = arith.extui %sign3A_48 : i1 to i32
      %sign3A_50 = arith.subi %sign3A_46, %sign3A_49 : i32
      %sign3A_51 = arith.constant 0 : i32
      %sign3A_52 = arith.cmpi sgt, %jit3A_44, %sign3A_51 : i32
      %sign3A_53 = arith.extui %sign3A_52 : i1 to i32
      %sign3A_54 = arith.constant 0 : i32
      %sign3A_55 = arith.cmpi slt, %jit3A_44, %sign3A_54 : i32
      %sign3A_56 = arith.extui %sign3A_55 : i1 to i32
      %sign3A_57 = arith.subi %sign3A_53, %sign3A_56 : i32
      %ne3A = arith.cmpi ne, %sign3A_50, %sign3A_57 : i32
      %rem3A = arith.remsi %sub3A_43, %jit3A_44 : i32
      %ne3A_58 = arith.constant 0 : i32
      %ne3A_59 = arith.cmpi ne, %rem3A, %ne3A_58 : i32
      %and3A = arith.andi %ne3A, %ne3A_59 : i1
      %sub3A_60 = arith.constant 1 : i32
      %sub3A_61 = arith.subi %div3A, %sub3A_60 : i32
      %select_n3A_62 = arith.select %and3A, %sub3A_61, %div3A : i32
      %eq3A_63 = arith.constant 15 : i32
      %eq3A_64 = arith.cmpi eq, %arg1, %eq3A_63 : i32
      %and3A_65 = arith.constant false
      %and3A_66 = arith.andi %eq3A_64, %and3A_65 : i1
      %add3A_67 = arith.constant 0 : i32
      %add3A_68 = arith.addi %mul3A_7, %add3A_67 : i32
      %dma_start3A = arith.constant 0 : i32
      %dma_start3A_69 = arith.constant 0 : i32
      %dma_start3A_70 = arith.constant 0 : i32
      %dma_start3A_71 = tpu.memref_slice %arg13[%dma_start3A, %dma_start3A_69, %dma_start3A_70] : memref<2x32x1029xf32, #tpu.memory_space<vmem>> -> memref<1x32x1024xf32, #tpu.memory_space<vmem>>
      %dma_start3A_72 = tpu.memref_squeeze %dma_start3A_71 : memref<1x32x1024xf32, #tpu.memory_space<vmem>> -> memref<32x1024xf32, #tpu.memory_space<vmem>>
      %dma_start3A_73 = arith.constant 0 : i32
      %dma_start3A_74 = tpu.memref_slice %arg5[%dma_start3A_73, %add3A_68] : memref<64x1000000xf32, #tpu.memory_space<hbm>> -> memref<32x1024xf32, #tpu.memory_space<hbm>>
      %dma_start3A_75 = arith.constant 0 : i32
      %dma_start3A_76 = arith.constant 0 : i32
      %dma_start3A_77 = tpu.memref_slice %arg13[%dma_start3A, %dma_start3A_75, %dma_start3A_76] : memref<2x32x1029xf32, #tpu.memory_space<vmem>> -> memref<1x32x1024xf32, #tpu.memory_space<vmem>>
      %dma_start3A_78 = tpu.memref_squeeze %dma_start3A_77 : memref<1x32x1024xf32, #tpu.memory_space<vmem>> -> memref<32x1024xf32, #tpu.memory_space<vmem>>
      %dma_start3A_79 = arith.constant 0 : i32
      %dma_start3A_80 = tpu.memref_slice %arg5[%dma_start3A_79, %add3A_68] : memref<64x1000000xf32, #tpu.memory_space<hbm>> -> memref<32x1024xf32, #tpu.memory_space<hbm>>
      tpu.enqueue_dma source(%dma_start3A_80 : memref<32x1024xf32, #tpu.memory_space<hbm>>) target(%dma_start3A_78 : memref<32x1024xf32, #tpu.memory_space<vmem>>) target_semaphore(%arg20 : memref<!tpu.dma_semaphore, #tpu.memory_space<semaphore_mem>>)
      %convert_element_type3A_81 = arith.extui %and3A_66 : i1 to i32
      %cond3A_82 = arith.constant 0 : i32
      %cond3A_83 = arith.cmpi ne, %convert_element_type3A_81, %cond3A_82 : i32
      scf.if %cond3A_83 {
        %dma_start3A_114 = arith.constant 0 : i32
        %dma_start3A_115 = arith.constant 0 : i32
        %dma_start3A_116 = arith.constant 0 : i32
        %dma_start3A_117 = tpu.memref_slice %arg13[%dma_start3A_114, %dma_start3A_115, %dma_start3A_116] : memref<2x32x1029xf32, #tpu.memory_space<vmem>> -> memref<1x32x640xf32, #tpu.memory_space<vmem>>
        %dma_start3A_118 = tpu.memref_squeeze %dma_start3A_117 : memref<1x32x640xf32, #tpu.memory_space<vmem>> -> memref<32x640xf32, #tpu.memory_space<vmem>>
        %dma_start3A_119 = arith.constant 0 : i32
        %dma_start3A_120 = arith.constant 0 : i32
        %dma_start3A_121 = tpu.memref_slice %arg7[%dma_start3A_119, %dma_start3A_120] : memref<64x640xf32, #tpu.memory_space<hbm>> -> memref<32x640xf32, #tpu.memory_space<hbm>>
        %dma_start3A_122 = arith.constant 0 : i32
        %dma_start3A_123 = arith.constant 0 : i32
        %dma_start3A_124 = tpu.memref_slice %arg13[%dma_start3A_114, %dma_start3A_122, %dma_start3A_123] : memref<2x32x1029xf32, #tpu.memory_space<vmem>> -> memref<1x32x640xf32, #tpu.memory_space<vmem>>
        %dma_start3A_125 = tpu.memref_squeeze %dma_start3A_124 : memref<1x32x640xf32, #tpu.memory_space<vmem>> -> memref<32x640xf32, #tpu.memory_space<vmem>>
        %dma_start3A_126 = arith.constant 0 : i32
        %dma_start3A_127 = arith.constant 0 : i32
        %dma_start3A_128 = tpu.memref_slice %arg7[%dma_start3A_126, %dma_start3A_127] : memref<64x640xf32, #tpu.memory_space<hbm>> -> memref<32x640xf32, #tpu.memory_space<hbm>>
        tpu.enqueue_dma source(%dma_start3A_128 : memref<32x640xf32, #tpu.memory_space<hbm>>) target(%dma_start3A_125 : memref<32x640xf32, #tpu.memory_space<vmem>>) target_semaphore(%arg20 : memref<!tpu.dma_semaphore, #tpu.memory_space<semaphore_mem>>)
      } else {
      }
      %scan3A_84 = arith.constant 0 : i32
      %scan3A_85 = arith.constant 0 : i32
      %scan3A_86 = arith.constant 124 : i32
      %scan3A_87 = arith.addi %scan3A_85, %scan3A_86 : i32
      %scan3A_88 = arith.constant 1 : i32
      %scan3A_89 = scf.for %scan3A_114 = %scan3A_85 to %scan3A_87 step %scan3A_88 iter_args(%scan3A_115 = %scan3A_84) -> (i32)  : i32 {
        %jit3A_116 = arith.constant 2 : i32
        %div3A_117 = arith.divsi %scan3A_114, %jit3A_116 : i32
        %sign3A_118 = arith.constant 0 : i32
        %sign3A_119 = arith.cmpi sgt, %scan3A_114, %sign3A_118 : i32
        %sign3A_120 = arith.extui %sign3A_119 : i1 to i32
        %sign3A_121 = arith.constant 0 : i32
        %sign3A_122 = arith.cmpi slt, %scan3A_114, %sign3A_121 : i32
        %sign3A_123 = arith.extui %sign3A_122 : i1 to i32
        %sign3A_124 = arith.subi %sign3A_120, %sign3A_123 : i32
        %sign3A_125 = arith.constant 0 : i32
        %sign3A_126 = arith.cmpi sgt, %jit3A_116, %sign3A_125 : i32
        %sign3A_127 = arith.extui %sign3A_126 : i1 to i32
        %sign3A_128 = arith.constant 0 : i32
        %sign3A_129 = arith.cmpi slt, %jit3A_116, %sign3A_128 : i32
        %sign3A_130 = arith.extui %sign3A_129 : i1 to i32
        %sign3A_131 = arith.subi %sign3A_127, %sign3A_130 : i32
        %ne3A_132 = arith.cmpi ne, %sign3A_124, %sign3A_131 : i32
        %rem3A_133 = arith.remsi %scan3A_114, %jit3A_116 : i32
        %ne3A_134 = arith.constant 0 : i32
        %ne3A_135 = arith.cmpi ne, %rem3A_133, %ne3A_134 : i32
        %and3A_136 = arith.andi %ne3A_132, %ne3A_135 : i1
        %sub3A_137 = arith.constant 1 : i32
        %sub3A_138 = arith.subi %div3A_117, %sub3A_137 : i32
        %select_n3A_139 = arith.select %and3A_136, %sub3A_138, %div3A_117 : i32
        %jit3A_140 = arith.constant 2 : i32
        %eq3A_141 = arith.constant 0 : i32
        %eq3A_142 = arith.cmpi eq, %jit3A_140, %eq3A_141 : i32
        %jit3A_143 = arith.constant 1 : i32
        %select_n3A_144 = arith.select %eq3A_142, %jit3A_143, %jit3A_140 : i32
        %rem3A_145 = arith.remsi %scan3A_114, %select_n3A_144 : i32
        %ne3A_146 = arith.constant 0 : i32
        %ne3A_147 = arith.cmpi ne, %rem3A_145, %ne3A_146 : i32
        %lt3A = arith.constant 0 : i32
        %lt3A_148 = arith.cmpi slt, %rem3A_145, %lt3A : i32
        %lt3A_149 = arith.constant 0 : i32
        %lt3A_150 = arith.cmpi slt, %select_n3A_144, %lt3A_149 : i32
        %ne3A_151 = arith.xori %lt3A_148, %lt3A_150 : i1
        %and3A_152 = arith.andi %ne3A_151, %ne3A_147 : i1
        %add3A_153 = arith.addi %rem3A_145, %select_n3A_144 : i32
        %select_n3A_154 = arith.select %and3A_152, %add3A_153, %rem3A_145 : i32
        %rem3A_155 = arith.constant 2 : i32
        %rem3A_156 = arith.remsi %select_n3A_139, %rem3A_155 : i32
        %eq3A_157 = arith.constant 15 : i32
        %eq3A_158 = arith.cmpi eq, %arg1, %eq3A_157 : i32
        %eq3A_159 = arith.constant 61 : i32
        %eq3A_160 = arith.cmpi eq, %select_n3A_139, %eq3A_159 : i32
        %and3A_161 = arith.andi %eq3A_158, %eq3A_160 : i1
        %lt3A_162 = arith.constant 61 : i32
        %lt3A_163 = arith.cmpi slt, %select_n3A_139, %lt3A_162 : i32
        %or3A = arith.ori %lt3A_163, %and3A_161 : i1
        %add3A_164 = arith.constant 1 : i32
        %add3A_165 = arith.addi %scan3A_114, %add3A_164 : i32
        %jit3A_166 = arith.constant 2 : i32
        %div3A_167 = arith.divsi %add3A_165, %jit3A_166 : i32
        %sign3A_168 = arith.constant 0 : i32
        %sign3A_169 = arith.cmpi sgt, %add3A_165, %sign3A_168 : i32
        %sign3A_170 = arith.extui %sign3A_169 : i1 to i32
        %sign3A_171 = arith.constant 0 : i32
        %sign3A_172 = arith.cmpi slt, %add3A_165, %sign3A_171 : i32
        %sign3A_173 = arith.extui %sign3A_172 : i1 to i32
        %sign3A_174 = arith.subi %sign3A_170, %sign3A_173 : i32
        %sign3A_175 = arith.constant 0 : i32
        %sign3A_176 = arith.cmpi sgt, %jit3A_166, %sign3A_175 : i32
        %sign3A_177 = arith.extui %sign3A_176 : i1 to i32
        %sign3A_178 = arith.constant 0 : i32
        %sign3A_179 = arith.cmpi slt, %jit3A_166, %sign3A_178 : i32
        %sign3A_180 = arith.extui %sign3A_179 : i1 to i32
        %sign3A_181 = arith.subi %sign3A_177, %sign3A_180 : i32
        %ne3A_182 = arith.cmpi ne, %sign3A_174, %sign3A_181 : i32
        %rem3A_183 = arith.remsi %add3A_165, %jit3A_166 : i32
        %ne3A_184 = arith.constant 0 : i32
        %ne3A_185 = arith.cmpi ne, %rem3A_183, %ne3A_184 : i32
        %and3A_186 = arith.andi %ne3A_182, %ne3A_185 : i1
        %sub3A_187 = arith.constant 1 : i32
        %sub3A_188 = arith.subi %div3A_167, %sub3A_187 : i32
        %select_n3A_189 = arith.select %and3A_186, %sub3A_188, %div3A_167 : i32
        %jit3A_190 = arith.constant 2 : i32
        %eq3A_191 = arith.constant 0 : i32
        %eq3A_192 = arith.cmpi eq, %jit3A_190, %eq3A_191 : i32
        %jit3A_193 = arith.constant 1 : i32
        %select_n3A_194 = arith.select %eq3A_192, %jit3A_193, %jit3A_190 : i32
        %rem3A_195 = arith.remsi %add3A_165, %select_n3A_194 : i32
        %ne3A_196 = arith.constant 0 : i32
        %ne3A_197 = arith.cmpi ne, %rem3A_195, %ne3A_196 : i32
        %lt3A_198 = arith.constant 0 : i32
        %lt3A_199 = arith.cmpi slt, %rem3A_195, %lt3A_198 : i32
        %lt3A_200 = arith.constant 0 : i32
        %lt3A_201 = arith.cmpi slt, %select_n3A_194, %lt3A_200 : i32
        %ne3A_202 = arith.xori %lt3A_199, %lt3A_201 : i1
        %and3A_203 = arith.andi %ne3A_202, %ne3A_197 : i1
        %add3A_204 = arith.addi %rem3A_195, %select_n3A_194 : i32
        %select_n3A_205 = arith.select %and3A_203, %add3A_204, %rem3A_195 : i32
        %eq3A_206 = arith.constant 15 : i32
        %eq3A_207 = arith.cmpi eq, %arg1, %eq3A_206 : i32
        %eq3A_208 = arith.constant 61 : i32
        %eq3A_209 = arith.cmpi eq, %select_n3A_189, %eq3A_208 : i32
        %and3A_210 = arith.andi %eq3A_207, %eq3A_209 : i1
        %mul3A_211 = arith.constant 1024 : i32
        %mul3A_212 = arith.muli %select_n3A_189, %mul3A_211 : i32
        %add3A_213 = arith.addi %mul3A_7, %mul3A_212 : i32
        %lt3A_214 = arith.constant 61 : i32
        %lt3A_215 = arith.cmpi slt, %select_n3A_189, %lt3A_214 : i32
        %convert_element_type3A_216 = arith.extui %lt3A_215 : i1 to i32
        %cond3A_217 = arith.constant 0 : i32
        %cond3A_218 = arith.cmpi ne, %convert_element_type3A_216, %cond3A_217 : i32
        scf.if %cond3A_218 {
          %mul3A_300 = arith.constant 32 : i32
          %mul3A_301 = arith.muli %mul3A_300, %select_n3A_205 : i32
          %dma_start3A_302 = arith.constant 0 : i32
          %dma_start3A_303 = arith.constant 0 : i32
          %dma_start3A_304 = tpu.memref_slice %arg13[%select_n3A_205, %dma_start3A_302, %dma_start3A_303] : memref<2x32x1029xf32, #tpu.memory_space<vmem>> -> memref<1x32x1024xf32, #tpu.memory_space<vmem>>
          %dma_start3A_305 = tpu.memref_squeeze %dma_start3A_304 : memref<1x32x1024xf32, #tpu.memory_space<vmem>> -> memref<32x1024xf32, #tpu.memory_space<vmem>>
          %dma_start3A_306 = tpu.memref_slice %arg5[%mul3A_301, %add3A_213] : memref<64x1000000xf32, #tpu.memory_space<hbm>> -> memref<32x1024xf32, #tpu.memory_space<hbm>>
          %dma_start3A_307 = arith.constant 0 : i32
          %dma_start3A_308 = arith.constant 0 : i32
          %dma_start3A_309 = tpu.memref_slice %arg13[%select_n3A_205, %dma_start3A_307, %dma_start3A_308] : memref<2x32x1029xf32, #tpu.memory_space<vmem>> -> memref<1x32x1024xf32, #tpu.memory_space<vmem>>
          %dma_start3A_310 = tpu.memref_squeeze %dma_start3A_309 : memref<1x32x1024xf32, #tpu.memory_space<vmem>> -> memref<32x1024xf32, #tpu.memory_space<vmem>>
          %dma_start3A_311 = tpu.memref_slice %arg5[%mul3A_301, %add3A_213] : memref<64x1000000xf32, #tpu.memory_space<hbm>> -> memref<32x1024xf32, #tpu.memory_space<hbm>>
          tpu.enqueue_dma source(%dma_start3A_311 : memref<32x1024xf32, #tpu.memory_space<hbm>>) target(%dma_start3A_310 : memref<32x1024xf32, #tpu.memory_space<vmem>>) target_semaphore(%arg20 : memref<!tpu.dma_semaphore, #tpu.memory_space<semaphore_mem>>)
        } else {
        }
        %convert_element_type3A_219 = arith.extui %and3A_210 : i1 to i32
        %cond3A_220 = arith.constant 0 : i32
        %cond3A_221 = arith.cmpi ne, %convert_element_type3A_219, %cond3A_220 : i32
        scf.if %cond3A_221 {
          %mul3A_300 = arith.constant 32 : i32
          %mul3A_301 = arith.muli %mul3A_300, %select_n3A_205 : i32
          %dma_start3A_302 = arith.constant 0 : i32
          %dma_start3A_303 = arith.constant 0 : i32
          %dma_start3A_304 = tpu.memref_slice %arg13[%select_n3A_205, %dma_start3A_302, %dma_start3A_303] : memref<2x32x1029xf32, #tpu.memory_space<vmem>> -> memref<1x32x640xf32, #tpu.memory_space<vmem>>
          %dma_start3A_305 = tpu.memref_squeeze %dma_start3A_304 : memref<1x32x640xf32, #tpu.memory_space<vmem>> -> memref<32x640xf32, #tpu.memory_space<vmem>>
          %dma_start3A_306 = arith.constant 0 : i32
          %dma_start3A_307 = tpu.memref_slice %arg7[%mul3A_301, %dma_start3A_306] : memref<64x640xf32, #tpu.memory_space<hbm>> -> memref<32x640xf32, #tpu.memory_space<hbm>>
          %dma_start3A_308 = arith.constant 0 : i32
          %dma_start3A_309 = arith.constant 0 : i32
          %dma_start3A_310 = tpu.memref_slice %arg13[%select_n3A_205, %dma_start3A_308, %dma_start3A_309] : memref<2x32x1029xf32, #tpu.memory_space<vmem>> -> memref<1x32x640xf32, #tpu.memory_space<vmem>>
          %dma_start3A_311 = tpu.memref_squeeze %dma_start3A_310 : memref<1x32x640xf32, #tpu.memory_space<vmem>> -> memref<32x640xf32, #tpu.memory_space<vmem>>
          %dma_start3A_312 = arith.constant 0 : i32
          %dma_start3A_313 = tpu.memref_slice %arg7[%mul3A_301, %dma_start3A_312] : memref<64x640xf32, #tpu.memory_space<hbm>> -> memref<32x640xf32, #tpu.memory_space<hbm>>
          tpu.enqueue_dma source(%dma_start3A_313 : memref<32x640xf32, #tpu.memory_space<hbm>>) target(%dma_start3A_311 : memref<32x640xf32, #tpu.memory_space<vmem>>) target_semaphore(%arg20 : memref<!tpu.dma_semaphore, #tpu.memory_space<semaphore_mem>>)
        } else {
        }
        %jit3A_222 = arith.constant 2 : i32
        %div3A_223 = arith.divsi %scan3A_114, %jit3A_222 : i32
        %sign3A_224 = arith.constant 0 : i32
        %sign3A_225 = arith.cmpi sgt, %scan3A_114, %sign3A_224 : i32
        %sign3A_226 = arith.extui %sign3A_225 : i1 to i32
        %sign3A_227 = arith.constant 0 : i32
        %sign3A_228 = arith.cmpi slt, %scan3A_114, %sign3A_227 : i32
        %sign3A_229 = arith.extui %sign3A_228 : i1 to i32
        %sign3A_230 = arith.subi %sign3A_226, %sign3A_229 : i32
        %sign3A_231 = arith.constant 0 : i32
        %sign3A_232 = arith.cmpi sgt, %jit3A_222, %sign3A_231 : i32
        %sign3A_233 = arith.extui %sign3A_232 : i1 to i32
        %sign3A_234 = arith.constant 0 : i32
        %sign3A_235 = arith.cmpi slt, %jit3A_222, %sign3A_234 : i32
        %sign3A_236 = arith.extui %sign3A_235 : i1 to i32
        %sign3A_237 = arith.subi %sign3A_233, %sign3A_236 : i32
        %ne3A_238 = arith.cmpi ne, %sign3A_230, %sign3A_237 : i32
        %rem3A_239 = arith.remsi %scan3A_114, %jit3A_222 : i32
        %ne3A_240 = arith.constant 0 : i32
        %ne3A_241 = arith.cmpi ne, %rem3A_239, %ne3A_240 : i32
        %and3A_242 = arith.andi %ne3A_238, %ne3A_241 : i1
        %sub3A_243 = arith.constant 1 : i32
        %sub3A_244 = arith.subi %div3A_223, %sub3A_243 : i32
        %select_n3A_245 = arith.select %and3A_242, %sub3A_244, %div3A_223 : i32
        %jit3A_246 = arith.constant 2 : i32
        %eq3A_247 = arith.constant 0 : i32
        %eq3A_248 = arith.cmpi eq, %jit3A_246, %eq3A_247 : i32
        %jit3A_249 = arith.constant 1 : i32
        %select_n3A_250 = arith.select %eq3A_248, %jit3A_249, %jit3A_246 : i32
        %rem3A_251 = arith.remsi %scan3A_114, %select_n3A_250 : i32
        %ne3A_252 = arith.constant 0 : i32
        %ne3A_253 = arith.cmpi ne, %rem3A_251, %ne3A_252 : i32
        %lt3A_254 = arith.constant 0 : i32
        %lt3A_255 = arith.cmpi slt, %rem3A_251, %lt3A_254 : i32
        %lt3A_256 = arith.constant 0 : i32
        %lt3A_257 = arith.cmpi slt, %select_n3A_250, %lt3A_256 : i32
        %ne3A_258 = arith.xori %lt3A_255, %lt3A_257 : i1
        %and3A_259 = arith.andi %ne3A_258, %ne3A_253 : i1
        %add3A_260 = arith.addi %rem3A_251, %select_n3A_250 : i32
        %select_n3A_261 = arith.select %and3A_259, %add3A_260, %rem3A_251 : i32
        %eq3A_262 = arith.constant 15 : i32
        %eq3A_263 = arith.cmpi eq, %arg1, %eq3A_262 : i32
        %eq3A_264 = arith.constant 61 : i32
        %eq3A_265 = arith.cmpi eq, %select_n3A_245, %eq3A_264 : i32
        %and3A_266 = arith.andi %eq3A_263, %eq3A_265 : i1
        %lt3A_267 = arith.constant 61 : i32
        %lt3A_268 = arith.cmpi slt, %select_n3A_245, %lt3A_267 : i32
        %convert_element_type3A_269 = arith.extui %lt3A_268 : i1 to i32
        %cond3A_270 = arith.constant 0 : i32
        %cond3A_271 = arith.cmpi ne, %convert_element_type3A_269, %cond3A_270 : i32
        scf.if %cond3A_271 {
          %dma_wait3A_300 = arith.constant 0 : i32
          %dma_wait3A_301 = arith.constant 0 : i32
          %dma_wait3A_302 = tpu.memref_slice %arg13[%select_n3A_261, %dma_wait3A_300, %dma_wait3A_301] : memref<2x32x1029xf32, #tpu.memory_space<vmem>> -> memref<1x32x1024xf32, #tpu.memory_space<vmem>>
          %dma_wait3A_303 = tpu.memref_squeeze %dma_wait3A_302 : memref<1x32x1024xf32, #tpu.memory_space<vmem>> -> memref<32x1024xf32, #tpu.memory_space<vmem>>
          %dma_wait3A_304 = arith.constant 0 : i32
          %dma_wait3A_305 = arith.constant 0 : i32
          %dma_wait3A_306 = tpu.memref_slice %arg5[%dma_wait3A_304, %dma_wait3A_305] : memref<64x1000000xf32, #tpu.memory_space<hbm>> -> memref<32x1024xf32, #tpu.memory_space<hbm>>
          %dma_wait3A_307 = arith.constant 0 : i32
          %dma_wait3A_308 = arith.constant 0 : i32
          %dma_wait3A_309 = tpu.memref_slice %arg13[%select_n3A_261, %dma_wait3A_307, %dma_wait3A_308] : memref<2x32x1029xf32, #tpu.memory_space<vmem>> -> memref<1x32x1024xf32, #tpu.memory_space<vmem>>
          %dma_wait3A_310 = tpu.memref_squeeze %dma_wait3A_309 : memref<1x32x1024xf32, #tpu.memory_space<vmem>> -> memref<32x1024xf32, #tpu.memory_space<vmem>>
          %dma_wait3A_311 = arith.constant 0 : i32
          %dma_wait3A_312 = arith.constant 0 : i32
          %dma_wait3A_313 = tpu.memref_slice %arg5[%dma_wait3A_311, %dma_wait3A_312] : memref<64x1000000xf32, #tpu.memory_space<hbm>> -> memref<32x1024xf32, #tpu.memory_space<hbm>>
          tpu.wait_dma2 semaphore(%arg20 : memref<!tpu.dma_semaphore, #tpu.memory_space<semaphore_mem>>) src(%dma_wait3A_313 : memref<32x1024xf32, #tpu.memory_space<hbm>>) dst(%dma_wait3A_310 : memref<32x1024xf32, #tpu.memory_space<vmem>>)
        } else {
        }
        %convert_element_type3A_272 = arith.extui %and3A_266 : i1 to i32
        %cond3A_273 = arith.constant 0 : i32
        %cond3A_274 = arith.cmpi ne, %convert_element_type3A_272, %cond3A_273 : i32
        scf.if %cond3A_274 {
          %dma_wait3A_300 = arith.constant 0 : i32
          %dma_wait3A_301 = arith.constant 0 : i32
          %dma_wait3A_302 = tpu.memref_slice %arg13[%select_n3A_261, %dma_wait3A_300, %dma_wait3A_301] : memref<2x32x1029xf32, #tpu.memory_space<vmem>> -> memref<1x32x640xf32, #tpu.memory_space<vmem>>
          %dma_wait3A_303 = tpu.memref_squeeze %dma_wait3A_302 : memref<1x32x640xf32, #tpu.memory_space<vmem>> -> memref<32x640xf32, #tpu.memory_space<vmem>>
          %dma_wait3A_304 = arith.constant 0 : i32
          %dma_wait3A_305 = arith.constant 0 : i32
          %dma_wait3A_306 = tpu.memref_slice %arg7[%dma_wait3A_304, %dma_wait3A_305] : memref<64x640xf32, #tpu.memory_space<hbm>> -> memref<32x640xf32, #tpu.memory_space<hbm>>
          %dma_wait3A_307 = arith.constant 0 : i32
          %dma_wait3A_308 = arith.constant 0 : i32
          %dma_wait3A_309 = tpu.memref_slice %arg13[%select_n3A_261, %dma_wait3A_307, %dma_wait3A_308] : memref<2x32x1029xf32, #tpu.memory_space<vmem>> -> memref<1x32x640xf32, #tpu.memory_space<vmem>>
          %dma_wait3A_310 = tpu.memref_squeeze %dma_wait3A_309 : memref<1x32x640xf32, #tpu.memory_space<vmem>> -> memref<32x640xf32, #tpu.memory_space<vmem>>
          %dma_wait3A_311 = arith.constant 0 : i32
          %dma_wait3A_312 = arith.constant 0 : i32
          %dma_wait3A_313 = tpu.memref_slice %arg7[%dma_wait3A_311, %dma_wait3A_312] : memref<64x640xf32, #tpu.memory_space<hbm>> -> memref<32x640xf32, #tpu.memory_space<hbm>>
          tpu.wait_dma2 semaphore(%arg20 : memref<!tpu.dma_semaphore, #tpu.memory_space<semaphore_mem>>) src(%dma_wait3A_313 : memref<32x640xf32, #tpu.memory_space<hbm>>) dst(%dma_wait3A_310 : memref<32x640xf32, #tpu.memory_space<vmem>>)
        } else {
        }
        %mul3A_275 = arith.constant 1024 : i32
        %mul3A_276 = arith.muli %select_n3A_139, %mul3A_275 : i32
        %add3A_277 = arith.addi %mul3A_7, %mul3A_276 : i32
        %jit3A_278 = arith.constant 999424 : i32
        %select_n3A_279 = arith.select %and3A_161, %jit3A_278, %add3A_277 : i32
        %add3A_280 = arith.constant 1024 : i32
        %add3A_281 = arith.addi %select_n3A_279, %add3A_280 : i32
        %jit3A_282 = arith.constant 1000000 : i32
        %select_n3A_283 = arith.select %and3A_161, %jit3A_282, %add3A_281 : i32
        %eq3A_284 = arith.constant 0 : i32
        %eq3A_285 = arith.cmpi eq, %select_n3A_154, %eq3A_284 : i32
        %and3A_286 = arith.andi %or3A, %eq3A_285 : i1
        %convert_element_type3A_287 = arith.extui %and3A_286 : i1 to i32
        %cond3A_288 = arith.constant 0 : i32
        %cond3A_289 = arith.cmpi ne, %convert_element_type3A_287, %cond3A_288 : i32
        %cond3A_290 = scf.if %cond3A_289 -> (i32) {
          %ge3A = arith.constant 2 : i32
          %ge3A_300 = arith.cmpi sge, %select_n3A_139, %ge3A : i32
          %convert_element_type3A_301 = arith.extui %ge3A_300 : i1 to i32
          %cond3A_302 = arith.constant 0 : i32
          %cond3A_303 = arith.cmpi ne, %convert_element_type3A_301, %cond3A_302 : i32
          scf.if %cond3A_303 {
            %dma_wait3A_371 = arith.constant 0 : i32
            %dma_wait3A_372 = arith.constant 0 : i32
            %dma_wait3A_373 = tpu.memref_slice %arg18[%rem3A_156, %dma_wait3A_371, %dma_wait3A_372] : memref<2x64x128xf32, #tpu.memory_space<vmem>> -> memref<1x64x128xf32, #tpu.memory_space<vmem>>
            %dma_wait3A_374 = tpu.memref_squeeze %dma_wait3A_373 : memref<1x64x128xf32, #tpu.memory_space<vmem>> -> memref<64x128xf32, #tpu.memory_space<vmem>>
            %dma_wait3A_375 = arith.constant 0 : i32
            %dma_wait3A_376 = tpu.memref_slice %arg19[%rem3A_156, %dma_wait3A_375] : memref<2x64xi32, #tpu.memory_space<vmem>> -> memref<1x64xi32, #tpu.memory_space<vmem>>
            %dma_wait3A_377 = tpu.memref_squeeze %dma_wait3A_376 : memref<1x64xi32, #tpu.memory_space<vmem>> -> memref<64xi32, #tpu.memory_space<vmem>>
            %dma_wait3A_378 = arith.constant 0 : i32
            %dma_wait3A_379 = arith.constant 0 : i32
            %dma_wait3A_380 = tpu.memref_slice %arg10[%dma_wait3A_378, %dma_wait3A_379] : memref<16400x128xf32, #tpu.memory_space<hbm>> -> memref<16400x128xf32, #tpu.memory_space<hbm>>
            tpu.wait_indirect_dma semaphore(%arg21 : memref<!tpu.dma_semaphore, #tpu.memory_space<semaphore_mem>>) src(%dma_wait3A_374 : memref<64x128xf32, #tpu.memory_space<vmem>>) dst(%dma_wait3A_380 : memref<16400x128xf32, #tpu.memory_space<hbm>>)
          } else {
          }
          %scan3A_304 = arith.constant 0 : i32
          %scan3A_305 = arith.constant 0 : i32
          %broadcast_in_dim3A = arith.constant 0 : i32
          %broadcast_in_dim3A_306 = vector.broadcast %broadcast_in_dim3A : i32 to vector<16xi32>
          %mul3A_307 = arith.constant 16 : i32
          %mul3A_308 = arith.muli %scan3A_305, %mul3A_307 : i32
          %swap3A = arith.index_cast %mul3A_308 : i32 to index
          %swap3A_309 = tpu.vector_load %arg16[%swap3A] {strides = array<i32>} : memref<80xi32, #tpu.memory_space<vmem>>, vector<16xi32>,
          tpu.vector_store %arg16[%swap3A], %broadcast_in_dim3A_306 {strides = array<i32>} : memref<80xi32, #tpu.memory_space<vmem>>, vector<16xi32>,
          %add3A_310 = arith.constant 16384 : i32
          %add3A_311 = vector.broadcast %add3A_310 : i32 to vector<16xi32>
          %add3A_312 = arith.addi %add3A_311, %iota3A : vector<16xi32>
          %mul3A_313 = arith.constant 16 : i32
          %mul3A_314 = arith.muli %scan3A_305, %mul3A_313 : i32
          %swap3A_315 = arith.index_cast %mul3A_314 : i32 to index
          %swap3A_316 = tpu.vector_load %arg17[%swap3A_315] {strides = array<i32>} : memref<80xi32, #tpu.memory_space<vmem>>, vector<16xi32>,
          tpu.vector_store %arg17[%swap3A_315], %add3A_312 {strides = array<i32>} : memref<80xi32, #tpu.memory_space<vmem>>, vector<16xi32>,
          %scan3A_317 = arith.constant 1 : i32
          %broadcast_in_dim3A_318 = arith.constant 0 : i32
          %broadcast_in_dim3A_319 = vector.broadcast %broadcast_in_dim3A_318 : i32 to vector<16xi32>
          %mul3A_320 = arith.constant 16 : i32
          %mul3A_321 = arith.muli %scan3A_317, %mul3A_320 : i32
          %swap3A_322 = arith.index_cast %mul3A_321 : i32 to index
          %swap3A_323 = tpu.vector_load %arg16[%swap3A_322] {strides = array<i32>} : memref<80xi32, #tpu.memory_space<vmem>>, vector<16xi32>,
          tpu.vector_store %arg16[%swap3A_322], %broadcast_in_dim3A_319 {strides = array<i32>} : memref<80xi32, #tpu.memory_space<vmem>>, vector<16xi32>,
          %add3A_324 = arith.constant 16384 : i32
          %add3A_325 = vector.broadcast %add3A_324 : i32 to vector<16xi32>
          %add3A_326 = arith.addi %add3A_325, %iota3A : vector<16xi32>
          %mul3A_327 = arith.constant 16 : i32
          %mul3A_328 = arith.muli %scan3A_317, %mul3A_327 : i32
          %swap3A_329 = arith.index_cast %mul3A_328 : i32 to index
          %swap3A_330 = tpu.vector_load %arg17[%swap3A_329] {strides = array<i32>} : memref<80xi32, #tpu.memory_space<vmem>>, vector<16xi32>,
          tpu.vector_store %arg17[%swap3A_329], %add3A_326 {strides = array<i32>} : memref<80xi32, #tpu.memory_space<vmem>>, vector<16xi32>,
          %scan3A_331 = arith.constant 2 : i32
          %broadcast_in_dim3A_332 = arith.constant 0 : i32
          %broadcast_in_dim3A_333 = vector.broadcast %broadcast_in_dim3A_332 : i32 to vector<16xi32>
          %mul3A_334 = arith.constant 16 : i32
          %mul3A_335 = arith.muli %scan3A_331, %mul3A_334 : i32
          %swap3A_336 = arith.index_cast %mul3A_335 : i32 to index
          %swap3A_337 = tpu.vector_load %arg16[%swap3A_336] {strides = array<i32>} : memref<80xi32, #tpu.memory_space<vmem>>, vector<16xi32>,
          tpu.vector_store %arg16[%swap3A_336], %broadcast_in_dim3A_333 {strides = array<i32>} : memref<80xi32, #tpu.memory_space<vmem>>, vector<16xi32>,
          %add3A_338 = arith.constant 16384 : i32
          %add3A_339 = vector.broadcast %add3A_338 : i32 to vector<16xi32>
          %add3A_340 = arith.addi %add3A_339, %iota3A : vector<16xi32>
          %mul3A_341 = arith.constant 16 : i32
          %mul3A_342 = arith.muli %scan3A_331, %mul3A_341 : i32
          %swap3A_343 = arith.index_cast %mul3A_342 : i32 to index
          %swap3A_344 = tpu.vector_load %arg17[%swap3A_343] {strides = array<i32>} : memref<80xi32, #tpu.memory_space<vmem>>, vector<16xi32>,
          tpu.vector_store %arg17[%swap3A_343], %add3A_340 {strides = array<i32>} : memref<80xi32, #tpu.memory_space<vmem>>, vector<16xi32>,
          %scan3A_345 = arith.constant 3 : i32
          %broadcast_in_dim3A_346 = arith.constant 0 : i32
          %broadcast_in_dim3A_347 = vector.broadcast %broadcast_in_dim3A_346 : i32 to vector<16xi32>
          %mul3A_348 = arith.constant 16 : i32
          %mul3A_349 = arith.muli %scan3A_345, %mul3A_348 : i32
          %swap3A_350 = arith.index_cast %mul3A_349 : i32 to index
          %swap3A_351 = tpu.vector_load %arg16[%swap3A_350] {strides = array<i32>} : memref<80xi32, #tpu.memory_space<vmem>>, vector<16xi32>,
          tpu.vector_store %arg16[%swap3A_350], %broadcast_in_dim3A_347 {strides = array<i32>} : memref<80xi32, #tpu.memory_space<vmem>>, vector<16xi32>,
          %add3A_352 = arith.constant 16384 : i32
          %add3A_353 = vector.broadcast %add3A_352 : i32 to vector<16xi32>
          %add3A_354 = arith.addi %add3A_353, %iota3A : vector<16xi32>
          %mul3A_355 = arith.constant 16 : i32
          %mul3A_356 = arith.muli %scan3A_345, %mul3A_355 : i32
          %swap3A_357 = arith.index_cast %mul3A_356 : i32 to index
          %swap3A_358 = tpu.vector_load %arg17[%swap3A_357] {strides = array<i32>} : memref<80xi32, #tpu.memory_space<vmem>>, vector<16xi32>,
          tpu.vector_store %arg17[%swap3A_357], %add3A_354 {strides = array<i32>} : memref<80xi32, #tpu.memory_space<vmem>>, vector<16xi32>,
          %scan3A_359 = arith.constant 4 : i32
          %while3A = arith.constant 0 : i32
          %while3A_360 = arith.constant 0 : i32
          %while3A_361 = arith.subi %select_n3A_62, %while3A : i32
          %while3A_362 = arith.addi %while3A, %while3A_361 : i32
          %while3A_363 = arith.constant 1 : i32
          %while3A_364 = arith.divsi %while3A_361, %while3A_363 : i32
          %while3A_365 = arith.muli %while3A_364, %while3A_363 : i32
          %while3A_366 = arith.addi %while3A, %while3A_365 : i32
          %while3A_367 = arith.constant 1 : i32
          %while3A_368 = scf.for %while3A_371 = %while3A to %while3A_366 step %while3A_367 iter_args(%while3A_372 = %while3A_360) -> (i32)  : i32 {
            %mul3A_373 = arith.constant 16 : i32
            %mul3A_374 = arith.muli %while3A_371, %mul3A_373 : i32
            %get3A = arith.index_cast %mul3A_374 : i32 to index
            %get3A_375 = tpu.vector_load %arg14[%get3A] {strides = array<i32>} : memref<1664xi32, #tpu.memory_space<vmem>>, vector<16xi32>,
            %mul3A_376 = arith.constant 16 : i32
            %mul3A_377 = arith.muli %while3A_371, %mul3A_376 : i32
            %get3A_378 = arith.index_cast %mul3A_377 : i32 to index
            %get3A_379 = tpu.vector_load %arg15[%get3A_378] {strides = array<i32>} : memref<1664xi32, #tpu.memory_space<vmem>>, vector<16xi32>,
            %ge3A_380 = vector.broadcast %select_n3A_279 : i32 to vector<16xi32>
            %ge3A_381 = arith.cmpi sge, %get3A_375, %ge3A_380 : vector<16xi32>
            %lt3A_382 = vector.broadcast %select_n3A_283 : i32 to vector<16xi32>
            %lt3A_383 = arith.cmpi slt, %get3A_375, %lt3A_382 : vector<16xi32>
            %and3A_384 = arith.andi %ge3A_381, %lt3A_383 : vector<16xi1>
            %sub3A_385 = vector.broadcast %select_n3A_279 : i32 to vector<16xi32>
            %sub3A_386 = arith.subi %get3A_375, %sub3A_385 : vector<16xi32>
            %swap3A_387 = arith.index_cast %while3A_372 : i32 to index
            %swap3A_388 = tpu.vector_load %arg16[%swap3A_387] masked %and3A_384 {strides = array<i32>} : memref<80xi32, #tpu.memory_space<vmem>>, vector<16xi32>, vector<16xi1>
            tpu.vector_store %arg16[%swap3A_387], %sub3A_386 masked %and3A_384 {strides = array<i32>} : memref<80xi32, #tpu.memory_space<vmem>>, vector<16xi32>, vector<16xi1>
            %swap3A_389 = arith.index_cast %while3A_372 : i32 to index
            %swap3A_390 = tpu.vector_load %arg17[%swap3A_389] masked %and3A_384 {strides = array<i32>} : memref<80xi32, #tpu.memory_space<vmem>>, vector<16xi32>, vector<16xi1>
            tpu.vector_store %arg17[%swap3A_389], %get3A_379 masked %and3A_384 {strides = array<i32>} : memref<80xi32, #tpu.memory_space<vmem>>, vector<16xi32>, vector<16xi1>
            %all_reduce_population_count3A = tpu.all_reduce %and3A_384 {dim = 0 : i64, kind = #tpu.reduction_kind<sum>} : vector<16xi1> -> vector<16xi32>
            %slice3A = vector.extract_strided_slice %all_reduce_population_count3A {offsets = [0], sizes = [1], strides = [1]} : vector<16xi32> to vector<1xi32>
            %squeeze3A = vector.extract %slice3A[0] : i32 from vector<1xi32>
            %add3A_391 = arith.addi %while3A_372, %squeeze3A : i32
            scf.yield %add3A_391 : i32
          }
          %while3A_369 = arith.constant 1 : i32
          %while3A_370 = scf.for %while3A_371 = %while3A_366 to %while3A_362 step %while3A_369 iter_args(%while3A_372 = %while3A_368) -> (i32)  : i32 {
            %mul3A_373 = arith.constant 16 : i32
            %mul3A_374 = arith.muli %while3A_371, %mul3A_373 : i32
            %get3A = arith.index_cast %mul3A_374 : i32 to index
            %get3A_375 = tpu.vector_load %arg14[%get3A] {strides = array<i32>} : memref<1664xi32, #tpu.memory_space<vmem>>, vector<16xi32>,
            %mul3A_376 = arith.constant 16 : i32
            %mul3A_377 = arith.muli %while3A_371, %mul3A_376 : i32
            %get3A_378 = arith.index_cast %mul3A_377 : i32 to index
            %get3A_379 = tpu.vector_load %arg15[%get3A_378] {strides = array<i32>} : memref<1664xi32, #tpu.memory_space<vmem>>, vector<16xi32>,
            %ge3A_380 = vector.broadcast %select_n3A_279 : i32 to vector<16xi32>
            %ge3A_381 = arith.cmpi sge, %get3A_375, %ge3A_380 : vector<16xi32>
            %lt3A_382 = vector.broadcast %select_n3A_283 : i32 to vector<16xi32>
            %lt3A_383 = arith.cmpi slt, %get3A_375, %lt3A_382 : vector<16xi32>
            %and3A_384 = arith.andi %ge3A_381, %lt3A_383 : vector<16xi1>
            %sub3A_385 = vector.broadcast %select_n3A_279 : i32 to vector<16xi32>
            %sub3A_386 = arith.subi %get3A_375, %sub3A_385 : vector<16xi32>
            %swap3A_387 = arith.index_cast %while3A_372 : i32 to index
            %swap3A_388 = tpu.vector_load %arg16[%swap3A_387] masked %and3A_384 {strides = array<i32>} : memref<80xi32, #tpu.memory_space<vmem>>, vector<16xi32>, vector<16xi1>
            tpu.vector_store %arg16[%swap3A_387], %sub3A_386 masked %and3A_384 {strides = array<i32>} : memref<80xi32, #tpu.memory_space<vmem>>, vector<16xi32>, vector<16xi1>
            %swap3A_389 = arith.index_cast %while3A_372 : i32 to index
            %swap3A_390 = tpu.vector_load %arg17[%swap3A_389] masked %and3A_384 {strides = array<i32>} : memref<80xi32, #tpu.memory_space<vmem>>, vector<16xi32>, vector<16xi1>
            tpu.vector_store %arg17[%swap3A_389], %get3A_379 masked %and3A_384 {strides = array<i32>} : memref<80xi32, #tpu.memory_space<vmem>>, vector<16xi32>, vector<16xi1>
            %all_reduce_population_count3A = tpu.all_reduce %and3A_384 {dim = 0 : i64, kind = #tpu.reduction_kind<sum>} : vector<16xi1> -> vector<16xi32>
            %slice3A = vector.extract_strided_slice %all_reduce_population_count3A {offsets = [0], sizes = [1], strides = [1]} : vector<16xi32> to vector<1xi32>
            %squeeze3A = vector.extract %slice3A[0] : i32 from vector<1xi32>
            %add3A_391 = arith.addi %while3A_372, %squeeze3A : i32
            scf.yield %add3A_391 : i32
          }
          scf.yield %while3A_370 : i32
        } else {
          scf.yield %scan3A_115 : i32
        }
        %convert_element_type3A_291 = arith.extui %or3A : i1 to i32
        %cond3A_292 = arith.constant 0 : i32
        %cond3A_293 = arith.cmpi ne, %convert_element_type3A_291, %cond3A_292 : i32
        scf.if %cond3A_293 {
          %mul3A_300 = arith.constant 32 : i32
          %mul3A_301 = arith.muli %select_n3A_154, %mul3A_300 : i32
          %add3A_302 = arith.constant 0 : i32
          %add3A_303 = arith.addi %mul3A_301, %add3A_302 : i32
          %get3A = arith.index_cast %add3A_303 : i32 to index
          %get3A_304 = tpu.vector_load %arg12[%get3A] {strides = array<i32>} : memref<64xf32, #tpu.memory_space<vmem>>, vector<16xf32>,
          %add3A_305 = arith.constant 16 : i32
          %add3A_306 = arith.addi %mul3A_301, %add3A_305 : i32
          %get3A_307 = arith.index_cast %add3A_306 : i32 to index
          %get3A_308 = tpu.vector_load %arg12[%get3A_307] {strides = array<i32>} : memref<64xf32, #tpu.memory_space<vmem>>, vector<16xf32>,
          %while3A = arith.constant 0 : i32
          %while3A_309 = arith.constant 0 : i32
          %while3A_310 = arith.subi %cond3A_290, %while3A_309 : i32
          %while3A_311 = arith.addi %while3A_309, %while3A_310 : i32
          %while3A_312 = arith.constant 1 : i32
          %while3A_313 = arith.divsi %while3A_310, %while3A_312 : i32
          %while3A_314 = arith.muli %while3A_313, %while3A_312 : i32
          %while3A_315 = arith.addi %while3A_309, %while3A_314 : i32
          %while3A_316 = arith.constant 1 : i32
          scf.for %while3A_318 = %while3A_309 to %while3A_315 step %while3A_316  : i32 {
            %get3A_319 = arith.index_cast %while3A_318 : i32 to index
            %get3A_320 = tpu.vector_load %arg16[%get3A_319] {strides = array<i32>} : memref<80xi32, #tpu.memory_space<vmem>>, vector<16xi32>,
            %slice3A = vector.extract_strided_slice %get3A_320 {offsets = [0], sizes = [1], strides = [1]} : vector<16xi32> to vector<1xi32>
            %squeeze3A = vector.extract %slice3A[0] : i32 from vector<1xi32>
            %add3A_321 = arith.constant 0 : i32
            %add3A_322 = vector.broadcast %add3A_321 : i32 to vector<16xi32>
            %add3A_323 = arith.addi %iota3A, %add3A_322 : vector<16xi32>
            %broadcast_in_dim3A = arith.constant 0 : i32
            %broadcast_in_dim3A_324 = vector.broadcast %broadcast_in_dim3A : i32 to vector<16xi32>
            %add3A_325 = vector.broadcast %squeeze3A : i32 to vector<16xi32>
            %add3A_326 = arith.addi %broadcast_in_dim3A_324, %add3A_325 : vector<16xi32>
            %gather3A = arith.constant 0 : i32
            %gather3A_327 = arith.constant 0 : i32
            %gather3A_328 = tpu.memref_slice %arg13[%select_n3A_154, %gather3A, %gather3A_327] : memref<2x32x1029xf32, #tpu.memory_space<vmem>> -> memref<1x32x1029xf32, #tpu.memory_space<vmem>>
            %gather3A_329 = tpu.memref_squeeze %gather3A_328 : memref<1x32x1029xf32, #tpu.memory_space<vmem>> -> memref<32x1029xf32, #tpu.memory_space<vmem>>
            %gather3A_330 = tpu.vector_load_idx %gather3A_329[%add3A_323, %add3A_326] : memref<32x1029xf32, #tpu.memory_space<vmem>>[vector<16xi32>, vector<16xi32>], vector<16xf32>,
            %add3A_331 = arith.constant 0 : i32
            %add3A_332 = arith.addi %mul3A_301, %add3A_331 : i32
            %swap3A = arith.index_cast %rem3A_156 : i32 to index
            %swap3A_333 = arith.index_cast %while3A_318 : i32 to index
            %swap3A_334 = arith.index_cast %add3A_332 : i32 to index
            %swap3A_335 = tpu.vector_load %arg18[%swap3A, %swap3A_333, %swap3A_334] {strides = array<i32>} : memref<2x64x128xf32, #tpu.memory_space<vmem>>, vector<16xf32>,
            tpu.vector_store %arg18[%swap3A, %swap3A_333, %swap3A_334], %gather3A_330 {strides = array<i32>} : memref<2x64x128xf32, #tpu.memory_space<vmem>>, vector<16xf32>,
            %add3A_336 = arith.constant 16 : i32
            %add3A_337 = vector.broadcast %add3A_336 : i32 to vector<16xi32>
            %add3A_338 = arith.addi %iota3A, %add3A_337 : vector<16xi32>
            %broadcast_in_dim3A_339 = arith.constant 0 : i32
            %broadcast_in_dim3A_340 = vector.broadcast %broadcast_in_dim3A_339 : i32 to vector<16xi32>
            %add3A_341 = vector.broadcast %squeeze3A : i32 to vector<16xi32>
            %add3A_342 = arith.addi %broadcast_in_dim3A_340, %add3A_341 : vector<16xi32>
            %gather3A_343 = arith.constant 0 : i32
            %gather3A_344 = arith.constant 0 : i32
            %gather3A_345 = tpu.memref_slice %arg13[%select_n3A_154, %gather3A_343, %gather3A_344] : memref<2x32x1029xf32, #tpu.memory_space<vmem>> -> memref<1x32x1029xf32, #tpu.memory_space<vmem>>
            %gather3A_346 = tpu.memref_squeeze %gather3A_345 : memref<1x32x1029xf32, #tpu.memory_space<vmem>> -> memref<32x1029xf32, #tpu.memory_space<vmem>>
            %gather3A_347 = tpu.vector_load_idx %gather3A_346[%add3A_338, %add3A_342] : memref<32x1029xf32, #tpu.memory_space<vmem>>[vector<16xi32>, vector<16xi32>], vector<16xf32>,
            %add3A_348 = arith.constant 16 : i32
            %add3A_349 = arith.addi %mul3A_301, %add3A_348 : i32
            %swap3A_350 = arith.index_cast %rem3A_156 : i32 to index
            %swap3A_351 = arith.index_cast %while3A_318 : i32 to index
            %swap3A_352 = arith.index_cast %add3A_349 : i32 to index
            %swap3A_353 = tpu.vector_load %arg18[%swap3A_350, %swap3A_351, %swap3A_352] {strides = array<i32>} : memref<2x64x128xf32, #tpu.memory_space<vmem>>, vector<16xf32>,
            tpu.vector_store %arg18[%swap3A_350, %swap3A_351, %swap3A_352], %gather3A_347 {strides = array<i32>} : memref<2x64x128xf32, #tpu.memory_space<vmem>>, vector<16xf32>,
          }
          %while3A_317 = arith.constant 1 : i32
          scf.for %while3A_318 = %while3A_315 to %while3A_311 step %while3A_317  : i32 {
            %get3A_319 = arith.index_cast %while3A_318 : i32 to index
            %get3A_320 = tpu.vector_load %arg16[%get3A_319] {strides = array<i32>} : memref<80xi32, #tpu.memory_space<vmem>>, vector<16xi32>,
            %slice3A = vector.extract_strided_slice %get3A_320 {offsets = [0], sizes = [1], strides = [1]} : vector<16xi32> to vector<1xi32>
            %squeeze3A = vector.extract %slice3A[0] : i32 from vector<1xi32>
            %add3A_321 = arith.constant 0 : i32
            %add3A_322 = vector.broadcast %add3A_321 : i32 to vector<16xi32>
            %add3A_323 = arith.addi %iota3A, %add3A_322 : vector<16xi32>
            %broadcast_in_dim3A = arith.constant 0 : i32
            %broadcast_in_dim3A_324 = vector.broadcast %broadcast_in_dim3A : i32 to vector<16xi32>
            %add3A_325 = vector.broadcast %squeeze3A : i32 to vector<16xi32>
            %add3A_326 = arith.addi %broadcast_in_dim3A_324, %add3A_325 : vector<16xi32>
            %gather3A = arith.constant 0 : i32
            %gather3A_327 = arith.constant 0 : i32
            %gather3A_328 = tpu.memref_slice %arg13[%select_n3A_154, %gather3A, %gather3A_327] : memref<2x32x1029xf32, #tpu.memory_space<vmem>> -> memref<1x32x1029xf32, #tpu.memory_space<vmem>>
            %gather3A_329 = tpu.memref_squeeze %gather3A_328 : memref<1x32x1029xf32, #tpu.memory_space<vmem>> -> memref<32x1029xf32, #tpu.memory_space<vmem>>
            %gather3A_330 = tpu.vector_load_idx %gather3A_329[%add3A_323, %add3A_326] : memref<32x1029xf32, #tpu.memory_space<vmem>>[vector<16xi32>, vector<16xi32>], vector<16xf32>,
            %add3A_331 = arith.constant 0 : i32
            %add3A_332 = arith.addi %mul3A_301, %add3A_331 : i32
            %swap3A = arith.index_cast %rem3A_156 : i32 to index
            %swap3A_333 = arith.index_cast %while3A_318 : i32 to index
            %swap3A_334 = arith.index_cast %add3A_332 : i32 to index
            %swap3A_335 = tpu.vector_load %arg18[%swap3A, %swap3A_333, %swap3A_334] {strides = array<i32>} : memref<2x64x128xf32, #tpu.memory_space<vmem>>, vector<16xf32>,
            tpu.vector_store %arg18[%swap3A, %swap3A_333, %swap3A_334], %gather3A_330 {strides = array<i32>} : memref<2x64x128xf32, #tpu.memory_space<vmem>>, vector<16xf32>,
            %add3A_336 = arith.constant 16 : i32
            %add3A_337 = vector.broadcast %add3A_336 : i32 to vector<16xi32>
            %add3A_338 = arith.addi %iota3A, %add3A_337 : vector<16xi32>
            %broadcast_in_dim3A_339 = arith.constant 0 : i32
            %broadcast_in_dim3A_340 = vector.broadcast %broadcast_in_dim3A_339 : i32 to vector<16xi32>
            %add3A_341 = vector.broadcast %squeeze3A : i32 to vector<16xi32>
            %add3A_342 = arith.addi %broadcast_in_dim3A_340, %add3A_341 : vector<16xi32>
            %gather3A_343 = arith.constant 0 : i32
            %gather3A_344 = arith.constant 0 : i32
            %gather3A_345 = tpu.memref_slice %arg13[%select_n3A_154, %gather3A_343, %gather3A_344] : memref<2x32x1029xf32, #tpu.memory_space<vmem>> -> memref<1x32x1029xf32, #tpu.memory_space<vmem>>
            %gather3A_346 = tpu.memref_squeeze %gather3A_345 : memref<1x32x1029xf32, #tpu.memory_space<vmem>> -> memref<32x1029xf32, #tpu.memory_space<vmem>>
            %gather3A_347 = tpu.vector_load_idx %gather3A_346[%add3A_338, %add3A_342] : memref<32x1029xf32, #tpu.memory_space<vmem>>[vector<16xi32>, vector<16xi32>], vector<16xf32>,
            %add3A_348 = arith.constant 16 : i32
            %add3A_349 = arith.addi %mul3A_301, %add3A_348 : i32
            %swap3A_350 = arith.index_cast %rem3A_156 : i32 to index
            %swap3A_351 = arith.index_cast %while3A_318 : i32 to index
            %swap3A_352 = arith.index_cast %add3A_349 : i32 to index
            %swap3A_353 = tpu.vector_load %arg18[%swap3A_350, %swap3A_351, %swap3A_352] {strides = array<i32>} : memref<2x64x128xf32, #tpu.memory_space<vmem>>, vector<16xf32>,
            tpu.vector_store %arg18[%swap3A_350, %swap3A_351, %swap3A_352], %gather3A_347 {strides = array<i32>} : memref<2x64x128xf32, #tpu.memory_space<vmem>>, vector<16xf32>,
          }
        } else {
        }
        %eq3A_294 = arith.constant 1 : i32
        %eq3A_295 = arith.cmpi eq, %select_n3A_154, %eq3A_294 : i32
        %and3A_296 = arith.andi %or3A, %eq3A_295 : i1
        %convert_element_type3A_297 = arith.extui %and3A_296 : i1 to i32
        %cond3A_298 = arith.constant 0 : i32
        %cond3A_299 = arith.cmpi ne, %convert_element_type3A_297, %cond3A_298 : i32
        scf.if %cond3A_299 {
          %get3A = arith.constant 0 : index
          %get3A_300 = tpu.vector_load %arg17[%get3A] {strides = array<i32>} : memref<80xi32, #tpu.memory_space<vmem>>, vector<16xi32>,
          %swap3A = arith.index_cast %rem3A_156 : i32 to index
          %swap3A_301 = arith.constant 0 : index
          %swap3A_302 = tpu.vector_load %arg19[%swap3A, %swap3A_301] {strides = array<i32>} : memref<2x64xi32, #tpu.memory_space<vmem>>, vector<16xi32>,
          tpu.vector_store %arg19[%swap3A, %swap3A_301], %get3A_300 {strides = array<i32>} : memref<2x64xi32, #tpu.memory_space<vmem>>, vector<16xi32>,
          %get3A_303 = arith.constant 16 : index
          %get3A_304 = tpu.vector_load %arg17[%get3A_303] {strides = array<i32>} : memref<80xi32, #tpu.memory_space<vmem>>, vector<16xi32>,
          %swap3A_305 = arith.index_cast %rem3A_156 : i32 to index
          %swap3A_306 = arith.constant 16 : index
          %swap3A_307 = tpu.vector_load %arg19[%swap3A_305, %swap3A_306] {strides = array<i32>} : memref<2x64xi32, #tpu.memory_space<vmem>>, vector<16xi32>,
          tpu.vector_store %arg19[%swap3A_305, %swap3A_306], %get3A_304 {strides = array<i32>} : memref<2x64xi32, #tpu.memory_space<vmem>>, vector<16xi32>,
          %get3A_308 = arith.constant 32 : index
          %get3A_309 = tpu.vector_load %arg17[%get3A_308] {strides = array<i32>} : memref<80xi32, #tpu.memory_space<vmem>>, vector<16xi32>,
          %swap3A_310 = arith.index_cast %rem3A_156 : i32 to index
          %swap3A_311 = arith.constant 32 : index
          %swap3A_312 = tpu.vector_load %arg19[%swap3A_310, %swap3A_311] {strides = array<i32>} : memref<2x64xi32, #tpu.memory_space<vmem>>, vector<16xi32>,
          tpu.vector_store %arg19[%swap3A_310, %swap3A_311], %get3A_309 {strides = array<i32>} : memref<2x64xi32, #tpu.memory_space<vmem>>, vector<16xi32>,
          %get3A_313 = arith.constant 48 : index
          %get3A_314 = tpu.vector_load %arg17[%get3A_313] {strides = array<i32>} : memref<80xi32, #tpu.memory_space<vmem>>, vector<16xi32>,
          %swap3A_315 = arith.index_cast %rem3A_156 : i32 to index
          %swap3A_316 = arith.constant 48 : index
          %swap3A_317 = tpu.vector_load %arg19[%swap3A_315, %swap3A_316] {strides = array<i32>} : memref<2x64xi32, #tpu.memory_space<vmem>>, vector<16xi32>,
          tpu.vector_store %arg19[%swap3A_315, %swap3A_316], %get3A_314 {strides = array<i32>} : memref<2x64xi32, #tpu.memory_space<vmem>>, vector<16xi32>,
          %dma_start3A_318 = arith.constant 0 : i32
          %dma_start3A_319 = arith.constant 0 : i32
          %dma_start3A_320 = tpu.memref_slice %arg18[%rem3A_156, %dma_start3A_318, %dma_start3A_319] : memref<2x64x128xf32, #tpu.memory_space<vmem>> -> memref<1x64x128xf32, #tpu.memory_space<vmem>>
          %dma_start3A_321 = tpu.memref_squeeze %dma_start3A_320 : memref<1x64x128xf32, #tpu.memory_space<vmem>> -> memref<64x128xf32, #tpu.memory_space<vmem>>
          %dma_start3A_322 = arith.constant 0 : i32
          %dma_start3A_323 = tpu.memref_slice %arg19[%rem3A_156, %dma_start3A_322] : memref<2x64xi32, #tpu.memory_space<vmem>> -> memref<1x64xi32, #tpu.memory_space<vmem>>
          %dma_start3A_324 = tpu.memref_squeeze %dma_start3A_323 : memref<1x64xi32, #tpu.memory_space<vmem>> -> memref<64xi32, #tpu.memory_space<vmem>>
          %dma_start3A_325 = arith.constant 0 : i32
          %dma_start3A_326 = arith.constant 0 : i32
          %dma_start3A_327 = tpu.memref_slice %arg10[%dma_start3A_325, %dma_start3A_326] : memref<16400x128xf32, #tpu.memory_space<hbm>> -> memref<16400x128xf32, #tpu.memory_space<hbm>>
          tpu.enqueue_indirect_dma source(%dma_start3A_321 : memref<64x128xf32, #tpu.memory_space<vmem>>) target(%dma_start3A_327 : memref<16400x128xf32, #tpu.memory_space<hbm>>) offsets(%dma_start3A_324 : memref<64xi32, #tpu.memory_space<vmem>>) semaphore(%arg21 : memref<!tpu.dma_semaphore, #tpu.memory_space<semaphore_mem>>)
        } else {
        }
        scf.yield %cond3A_290 : i32
      }
      %scan3A_90 = arith.constant 124 : i32
      %dma_wait3A = arith.constant 0 : i32
      %dma_wait3A_91 = arith.constant 0 : i32
      %dma_wait3A_92 = arith.constant 0 : i32
      %dma_wait3A_93 = arith.constant 0 : i32
      %dma_wait3A_94 = tpu.memref_slice %arg18[%dma_wait3A, %dma_wait3A_92, %dma_wait3A_93] : memref<2x64x128xf32, #tpu.memory_space<vmem>> -> memref<1x64x128xf32, #tpu.memory_space<vmem>>
      %dma_wait3A_95 = tpu.memref_squeeze %dma_wait3A_94 : memref<1x64x128xf32, #tpu.memory_space<vmem>> -> memref<64x128xf32, #tpu.memory_space<vmem>>
      %dma_wait3A_96 = arith.constant 0 : i32
      %dma_wait3A_97 = tpu.memref_slice %arg19[%dma_wait3A_91, %dma_wait3A_96] : memref<2x64xi32, #tpu.memory_space<vmem>> -> memref<1x64xi32, #tpu.memory_space<vmem>>
      %dma_wait3A_98 = tpu.memref_squeeze %dma_wait3A_97 : memref<1x64xi32, #tpu.memory_space<vmem>> -> memref<64xi32, #tpu.memory_space<vmem>>
      %dma_wait3A_99 = arith.constant 0 : i32
      %dma_wait3A_100 = arith.constant 0 : i32
      %dma_wait3A_101 = tpu.memref_slice %arg10[%dma_wait3A_99, %dma_wait3A_100] : memref<16400x128xf32, #tpu.memory_space<hbm>> -> memref<16400x128xf32, #tpu.memory_space<hbm>>
      tpu.wait_indirect_dma semaphore(%arg21 : memref<!tpu.dma_semaphore, #tpu.memory_space<semaphore_mem>>) src(%dma_wait3A_95 : memref<64x128xf32, #tpu.memory_space<vmem>>) dst(%dma_wait3A_101 : memref<16400x128xf32, #tpu.memory_space<hbm>>)
      %dma_wait3A_102 = arith.constant 1 : i32
      %dma_wait3A_103 = arith.constant 1 : i32
      %dma_wait3A_104 = arith.constant 0 : i32
      %dma_wait3A_105 = arith.constant 0 : i32
      %dma_wait3A_106 = tpu.memref_slice %arg18[%dma_wait3A_102, %dma_wait3A_104, %dma_wait3A_105] : memref<2x64x128xf32, #tpu.memory_space<vmem>> -> memref<1x64x128xf32, #tpu.memory_space<vmem>>
      %dma_wait3A_107 = tpu.memref_squeeze %dma_wait3A_106 : memref<1x64x128xf32, #tpu.memory_space<vmem>> -> memref<64x128xf32, #tpu.memory_space<vmem>>
      %dma_wait3A_108 = arith.constant 0 : i32
      %dma_wait3A_109 = tpu.memref_slice %arg19[%dma_wait3A_103, %dma_wait3A_108] : memref<2x64xi32, #tpu.memory_space<vmem>> -> memref<1x64xi32, #tpu.memory_space<vmem>>
      %dma_wait3A_110 = tpu.memref_squeeze %dma_wait3A_109 : memref<1x64xi32, #tpu.memory_space<vmem>> -> memref<64xi32, #tpu.memory_space<vmem>>
      %dma_wait3A_111 = arith.constant 0 : i32
      %dma_wait3A_112 = arith.constant 0 : i32
      %dma_wait3A_113 = tpu.memref_slice %arg10[%dma_wait3A_111, %dma_wait3A_112] : memref<16400x128xf32, #tpu.memory_space<hbm>> -> memref<16400x128xf32, #tpu.memory_space<hbm>>
      tpu.wait_indirect_dma semaphore(%arg21 : memref<!tpu.dma_semaphore, #tpu.memory_space<semaphore_mem>>) src(%dma_wait3A_107 : memref<64x128xf32, #tpu.memory_space<vmem>>) dst(%dma_wait3A_113 : memref<16400x128xf32, #tpu.memory_space<hbm>>)
    } else {
    }
    return
  }
}

#map = affine_map<(d0, d1) -> (0, 0)>
#map1 = affine_map<(d0, d1) -> (0)>
module attributes {stable_mosaic.version = 14 : i64} {
  func.func @_combine_body(%arg0: i32, %arg1: i32, %arg2: memref<16400x128xf32, #tpu.memory_space<hbm>>, %arg3: memref<16400x128xf32, #tpu.memory_space<hbm>>, %arg4: memref<16xf32, #tpu.memory_space<hbm>>, %arg5: memref<16384xf32, #tpu.memory_space<hbm>>, %arg6: memref<128x128xf32, #tpu.memory_space<vmem>>, %arg7: memref<128x128xf32, #tpu.memory_space<vmem>>, %arg8: memref<16xf32, #tpu.memory_space<vmem>>, %arg9: memref<8704xf32, #tpu.memory_space<vmem>>, %arg10: memref<512xf32, #tpu.memory_space<vmem>>, %arg11: memref<!tpu.dma_semaphore, #tpu.memory_space<semaphore_mem>>) attributes {dimension_semantics = [#tpu.dimension_semantics<core_parallel>, #tpu.dimension_semantics<subcore_parallel>], iteration_bounds = array<i64: 2, 16>, scalar_prefetch = 0 : i64, scratch_operands = 6 : i64, tpu.core_type = #tpu.core_type<sc_vector_subcore>, window_params = [{transform_indices = #map}, {transform_indices = #map}, {transform_indices = #map1}, {transform_indices = #map1}]} {
    %mul3A = arith.constant 2 : i32
    %mul3A_0 = arith.muli %arg1, %mul3A : i32
    %add3A = arith.addi %mul3A_0, %arg0 : i32
    %mul3A_1 = arith.constant 512 : i32
    %mul3A_2 = arith.muli %add3A, %mul3A_1 : i32
    %iota3A = tpu.iota {dimensions = array<i32: 0>} : vector<16xi32>
    "tpu.region"() ({
      %run_scoped3A = tpu.sem_alloc : memref<!tpu.dma_semaphore, #tpu.memory_space<semaphore_mem>>
      tpu.enqueue_dma source(%arg4 : memref<16xf32, #tpu.memory_space<hbm>>) target(%arg8 : memref<16xf32, #tpu.memory_space<vmem>>) target_semaphore(%run_scoped3A : memref<!tpu.dma_semaphore, #tpu.memory_space<semaphore_mem>>)
      tpu.wait_dma2 semaphore(%run_scoped3A : memref<!tpu.dma_semaphore, #tpu.memory_space<semaphore_mem>>) src(%arg4 : memref<16xf32, #tpu.memory_space<hbm>>) dst(%arg8 : memref<16xf32, #tpu.memory_space<vmem>>)
      tpu.yield
    }) : () -> ()
    %get3A = arith.constant 0 : index
    %get3A_3 = tpu.vector_load %arg8[%get3A] {strides = array<i32>} : memref<16xf32, #tpu.memory_space<vmem>>, vector<16xf32>,
    %scan3A = arith.constant 0 : i32
    %scan3A_4 = arith.constant 0 : i32
    %scan3A_5 = arith.constant 4 : i32
    %scan3A_6 = arith.addi %scan3A_4, %scan3A_5 : i32
    %scan3A_7 = arith.constant 1 : i32
    scf.for %scan3A_15 = %scan3A_4 to %scan3A_6 step %scan3A_7  : i32 {
      %mul3A_16 = arith.constant 128 : i32
      %mul3A_17 = arith.muli %scan3A_15, %mul3A_16 : i32
      %add3A_18 = arith.addi %mul3A_2, %mul3A_17 : i32
      "tpu.region"() ({
        %run_scoped3A = tpu.sem_alloc : memref<!tpu.dma_semaphore, #tpu.memory_space<semaphore_mem>>
        %dma_start3A = arith.constant 0 : i32
        %dma_start3A_25 = tpu.memref_slice %arg2[%add3A_18, %dma_start3A] : memref<16400x128xf32, #tpu.memory_space<hbm>> -> memref<128x128xf32, #tpu.memory_space<hbm>>
        %dma_start3A_26 = arith.constant 0 : i32
        %dma_start3A_27 = tpu.memref_slice %arg2[%add3A_18, %dma_start3A_26] : memref<16400x128xf32, #tpu.memory_space<hbm>> -> memref<128x128xf32, #tpu.memory_space<hbm>>
        tpu.enqueue_dma source(%dma_start3A_27 : memref<128x128xf32, #tpu.memory_space<hbm>>) target(%arg6 : memref<128x128xf32, #tpu.memory_space<vmem>>) target_semaphore(%run_scoped3A : memref<!tpu.dma_semaphore, #tpu.memory_space<semaphore_mem>>)
        %dma_wait3A = arith.constant 0 : i32
        %dma_wait3A_28 = tpu.memref_slice %arg2[%add3A_18, %dma_wait3A] : memref<16400x128xf32, #tpu.memory_space<hbm>> -> memref<128x128xf32, #tpu.memory_space<hbm>>
        %dma_wait3A_29 = arith.constant 0 : i32
        %dma_wait3A_30 = tpu.memref_slice %arg2[%add3A_18, %dma_wait3A_29] : memref<16400x128xf32, #tpu.memory_space<hbm>> -> memref<128x128xf32, #tpu.memory_space<hbm>>
        tpu.wait_dma2 semaphore(%run_scoped3A : memref<!tpu.dma_semaphore, #tpu.memory_space<semaphore_mem>>) src(%dma_wait3A_30 : memref<128x128xf32, #tpu.memory_space<hbm>>) dst(%arg6 : memref<128x128xf32, #tpu.memory_space<vmem>>)
        tpu.yield
      }) : () -> ()
      "tpu.region"() ({
        %run_scoped3A = tpu.sem_alloc : memref<!tpu.dma_semaphore, #tpu.memory_space<semaphore_mem>>
        %dma_start3A = arith.constant 0 : i32
        %dma_start3A_25 = tpu.memref_slice %arg3[%add3A_18, %dma_start3A] : memref<16400x128xf32, #tpu.memory_space<hbm>> -> memref<128x128xf32, #tpu.memory_space<hbm>>
        %dma_start3A_26 = arith.constant 0 : i32
        %dma_start3A_27 = tpu.memref_slice %arg3[%add3A_18, %dma_start3A_26] : memref<16400x128xf32, #tpu.memory_space<hbm>> -> memref<128x128xf32, #tpu.memory_space<hbm>>
        tpu.enqueue_dma source(%dma_start3A_27 : memref<128x128xf32, #tpu.memory_space<hbm>>) target(%arg7 : memref<128x128xf32, #tpu.memory_space<vmem>>) target_semaphore(%run_scoped3A : memref<!tpu.dma_semaphore, #tpu.memory_space<semaphore_mem>>)
        %dma_wait3A = arith.constant 0 : i32
        %dma_wait3A_28 = tpu.memref_slice %arg3[%add3A_18, %dma_wait3A] : memref<16400x128xf32, #tpu.memory_space<hbm>> -> memref<128x128xf32, #tpu.memory_space<hbm>>
        %dma_wait3A_29 = arith.constant 0 : i32
        %dma_wait3A_30 = tpu.memref_slice %arg3[%add3A_18, %dma_wait3A_29] : memref<16400x128xf32, #tpu.memory_space<hbm>> -> memref<128x128xf32, #tpu.memory_space<hbm>>
        tpu.wait_dma2 semaphore(%run_scoped3A : memref<!tpu.dma_semaphore, #tpu.memory_space<semaphore_mem>>) src(%dma_wait3A_30 : memref<128x128xf32, #tpu.memory_space<hbm>>) dst(%arg7 : memref<128x128xf32, #tpu.memory_space<vmem>>)
        tpu.yield
      }) : () -> ()
      %scan3A_19 = arith.constant 0 : i32
      %scan3A_20 = arith.constant 0 : i32
      %scan3A_21 = arith.constant 128 : i32
      %scan3A_22 = arith.addi %scan3A_20, %scan3A_21 : i32
      %scan3A_23 = arith.constant 4 : i32
      scf.for %scan3A_25 = %scan3A_20 to %scan3A_22 step %scan3A_23  : i32 {
        %get3A_26 = arith.index_cast %scan3A_25 : i32 to index
        %get3A_27 = arith.constant 0 : index
        %get3A_28 = tpu.vector_load %arg6[%get3A_26, %get3A_27] {strides = array<i32>} : memref<128x128xf32, #tpu.memory_space<vmem>>, vector<16xf32>,
        %get3A_29 = arith.index_cast %scan3A_25 : i32 to index
        %get3A_30 = arith.constant 0 : index
        %get3A_31 = tpu.vector_load %arg7[%get3A_29, %get3A_30] {strides = array<i32>} : memref<128x128xf32, #tpu.memory_space<vmem>>, vector<16xf32>,
        %mul3A_32 = arith.mulf %get3A_28, %get3A_31 : vector<16xf32>
        %get3A_33 = arith.index_cast %scan3A_25 : i32 to index
        %get3A_34 = arith.constant 16 : index
        %get3A_35 = tpu.vector_load %arg6[%get3A_33, %get3A_34] {strides = array<i32>} : memref<128x128xf32, #tpu.memory_space<vmem>>, vector<16xf32>,
        %get3A_36 = arith.index_cast %scan3A_25 : i32 to index
        %get3A_37 = arith.constant 16 : index
        %get3A_38 = tpu.vector_load %arg7[%get3A_36, %get3A_37] {strides = array<i32>} : memref<128x128xf32, #tpu.memory_space<vmem>>, vector<16xf32>,
        %mul3A_39 = arith.mulf %get3A_35, %get3A_38 : vector<16xf32>
        %add3A_40 = arith.addf %mul3A_32, %mul3A_39 : vector<16xf32>
        %get3A_41 = arith.index_cast %scan3A_25 : i32 to index
        %get3A_42 = arith.constant 32 : index
        %get3A_43 = tpu.vector_load %arg6[%get3A_41, %get3A_42] {strides = array<i32>} : memref<128x128xf32, #tpu.memory_space<vmem>>, vector<16xf32>,
        %get3A_44 = arith.index_cast %scan3A_25 : i32 to index
        %get3A_45 = arith.constant 32 : index
        %get3A_46 = tpu.vector_load %arg7[%get3A_44, %get3A_45] {strides = array<i32>} : memref<128x128xf32, #tpu.memory_space<vmem>>, vector<16xf32>,
        %mul3A_47 = arith.mulf %get3A_43, %get3A_46 : vector<16xf32>
        %add3A_48 = arith.addf %add3A_40, %mul3A_47 : vector<16xf32>
        %get3A_49 = arith.index_cast %scan3A_25 : i32 to index
        %get3A_50 = arith.constant 48 : index
        %get3A_51 = tpu.vector_load %arg6[%get3A_49, %get3A_50] {strides = array<i32>} : memref<128x128xf32, #tpu.memory_space<vmem>>, vector<16xf32>,
        %get3A_52 = arith.index_cast %scan3A_25 : i32 to index
        %get3A_53 = arith.constant 48 : index
        %get3A_54 = tpu.vector_load %arg7[%get3A_52, %get3A_53] {strides = array<i32>} : memref<128x128xf32, #tpu.memory_space<vmem>>, vector<16xf32>,
        %mul3A_55 = arith.mulf %get3A_51, %get3A_54 : vector<16xf32>
        %add3A_56 = arith.addf %add3A_48, %mul3A_55 : vector<16xf32>
        %mul3A_57 = arith.constant 128 : i32
        %mul3A_58 = arith.muli %scan3A_15, %mul3A_57 : i32
        %add3A_59 = arith.addi %mul3A_58, %scan3A_25 : i32
        %mul3A_60 = arith.constant 17 : i32
        %mul3A_61 = arith.muli %add3A_59, %mul3A_60 : i32
        %swap3A = arith.index_cast %mul3A_61 : i32 to index
        %swap3A_62 = tpu.vector_load %arg9[%swap3A] {strides = array<i32>} : memref<8704xf32, #tpu.memory_space<vmem>>, vector<16xf32>,
        tpu.vector_store %arg9[%swap3A], %add3A_56 {strides = array<i32>} : memref<8704xf32, #tpu.memory_space<vmem>>, vector<16xf32>,
        %scan3A_63 = arith.constant 1 : i32
        %scan3A_64 = arith.addi %scan3A_25, %scan3A_63 : i32
        %get3A_65 = arith.index_cast %scan3A_64 : i32 to index
        %get3A_66 = arith.constant 0 : index
        %get3A_67 = tpu.vector_load %arg6[%get3A_65, %get3A_66] {strides = array<i32>} : memref<128x128xf32, #tpu.memory_space<vmem>>, vector<16xf32>,
        %get3A_68 = arith.index_cast %scan3A_64 : i32 to index
        %get3A_69 = arith.constant 0 : index
        %get3A_70 = tpu.vector_load %arg7[%get3A_68, %get3A_69] {strides = array<i32>} : memref<128x128xf32, #tpu.memory_space<vmem>>, vector<16xf32>,
        %mul3A_71 = arith.mulf %get3A_67, %get3A_70 : vector<16xf32>
        %get3A_72 = arith.index_cast %scan3A_64 : i32 to index
        %get3A_73 = arith.constant 16 : index
        %get3A_74 = tpu.vector_load %arg6[%get3A_72, %get3A_73] {strides = array<i32>} : memref<128x128xf32, #tpu.memory_space<vmem>>, vector<16xf32>,
        %get3A_75 = arith.index_cast %scan3A_64 : i32 to index
        %get3A_76 = arith.constant 16 : index
        %get3A_77 = tpu.vector_load %arg7[%get3A_75, %get3A_76] {strides = array<i32>} : memref<128x128xf32, #tpu.memory_space<vmem>>, vector<16xf32>,
        %mul3A_78 = arith.mulf %get3A_74, %get3A_77 : vector<16xf32>
        %add3A_79 = arith.addf %mul3A_71, %mul3A_78 : vector<16xf32>
        %get3A_80 = arith.index_cast %scan3A_64 : i32 to index
        %get3A_81 = arith.constant 32 : index
        %get3A_82 = tpu.vector_load %arg6[%get3A_80, %get3A_81] {strides = array<i32>} : memref<128x128xf32, #tpu.memory_space<vmem>>, vector<16xf32>,
        %get3A_83 = arith.index_cast %scan3A_64 : i32 to index
        %get3A_84 = arith.constant 32 : index
        %get3A_85 = tpu.vector_load %arg7[%get3A_83, %get3A_84] {strides = array<i32>} : memref<128x128xf32, #tpu.memory_space<vmem>>, vector<16xf32>,
        %mul3A_86 = arith.mulf %get3A_82, %get3A_85 : vector<16xf32>
        %add3A_87 = arith.addf %add3A_79, %mul3A_86 : vector<16xf32>
        %get3A_88 = arith.index_cast %scan3A_64 : i32 to index
        %get3A_89 = arith.constant 48 : index
        %get3A_90 = tpu.vector_load %arg6[%get3A_88, %get3A_89] {strides = array<i32>} : memref<128x128xf32, #tpu.memory_space<vmem>>, vector<16xf32>,
        %get3A_91 = arith.index_cast %scan3A_64 : i32 to index
        %get3A_92 = arith.constant 48 : index
        %get3A_93 = tpu.vector_load %arg7[%get3A_91, %get3A_92] {strides = array<i32>} : memref<128x128xf32, #tpu.memory_space<vmem>>, vector<16xf32>,
        %mul3A_94 = arith.mulf %get3A_90, %get3A_93 : vector<16xf32>
        %add3A_95 = arith.addf %add3A_87, %mul3A_94 : vector<16xf32>
        %mul3A_96 = arith.constant 128 : i32
        %mul3A_97 = arith.muli %scan3A_15, %mul3A_96 : i32
        %add3A_98 = arith.addi %mul3A_97, %scan3A_64 : i32
        %mul3A_99 = arith.constant 17 : i32
        %mul3A_100 = arith.muli %add3A_98, %mul3A_99 : i32
        %swap3A_101 = arith.index_cast %mul3A_100 : i32 to index
        %swap3A_102 = tpu.vector_load %arg9[%swap3A_101] {strides = array<i32>} : memref<8704xf32, #tpu.memory_space<vmem>>, vector<16xf32>,
        tpu.vector_store %arg9[%swap3A_101], %add3A_95 {strides = array<i32>} : memref<8704xf32, #tpu.memory_space<vmem>>, vector<16xf32>,
        %scan3A_103 = arith.constant 2 : i32
        %scan3A_104 = arith.addi %scan3A_25, %scan3A_103 : i32
        %get3A_105 = arith.index_cast %scan3A_104 : i32 to index
        %get3A_106 = arith.constant 0 : index
        %get3A_107 = tpu.vector_load %arg6[%get3A_105, %get3A_106] {strides = array<i32>} : memref<128x128xf32, #tpu.memory_space<vmem>>, vector<16xf32>,
        %get3A_108 = arith.index_cast %scan3A_104 : i32 to index
        %get3A_109 = arith.constant 0 : index
        %get3A_110 = tpu.vector_load %arg7[%get3A_108, %get3A_109] {strides = array<i32>} : memref<128x128xf32, #tpu.memory_space<vmem>>, vector<16xf32>,
        %mul3A_111 = arith.mulf %get3A_107, %get3A_110 : vector<16xf32>
        %get3A_112 = arith.index_cast %scan3A_104 : i32 to index
        %get3A_113 = arith.constant 16 : index
        %get3A_114 = tpu.vector_load %arg6[%get3A_112, %get3A_113] {strides = array<i32>} : memref<128x128xf32, #tpu.memory_space<vmem>>, vector<16xf32>,
        %get3A_115 = arith.index_cast %scan3A_104 : i32 to index
        %get3A_116 = arith.constant 16 : index
        %get3A_117 = tpu.vector_load %arg7[%get3A_115, %get3A_116] {strides = array<i32>} : memref<128x128xf32, #tpu.memory_space<vmem>>, vector<16xf32>,
        %mul3A_118 = arith.mulf %get3A_114, %get3A_117 : vector<16xf32>
        %add3A_119 = arith.addf %mul3A_111, %mul3A_118 : vector<16xf32>
        %get3A_120 = arith.index_cast %scan3A_104 : i32 to index
        %get3A_121 = arith.constant 32 : index
        %get3A_122 = tpu.vector_load %arg6[%get3A_120, %get3A_121] {strides = array<i32>} : memref<128x128xf32, #tpu.memory_space<vmem>>, vector<16xf32>,
        %get3A_123 = arith.index_cast %scan3A_104 : i32 to index
        %get3A_124 = arith.constant 32 : index
        %get3A_125 = tpu.vector_load %arg7[%get3A_123, %get3A_124] {strides = array<i32>} : memref<128x128xf32, #tpu.memory_space<vmem>>, vector<16xf32>,
        %mul3A_126 = arith.mulf %get3A_122, %get3A_125 : vector<16xf32>
        %add3A_127 = arith.addf %add3A_119, %mul3A_126 : vector<16xf32>
        %get3A_128 = arith.index_cast %scan3A_104 : i32 to index
        %get3A_129 = arith.constant 48 : index
        %get3A_130 = tpu.vector_load %arg6[%get3A_128, %get3A_129] {strides = array<i32>} : memref<128x128xf32, #tpu.memory_space<vmem>>, vector<16xf32>,
        %get3A_131 = arith.index_cast %scan3A_104 : i32 to index
        %get3A_132 = arith.constant 48 : index
        %get3A_133 = tpu.vector_load %arg7[%get3A_131, %get3A_132] {strides = array<i32>} : memref<128x128xf32, #tpu.memory_space<vmem>>, vector<16xf32>,
        %mul3A_134 = arith.mulf %get3A_130, %get3A_133 : vector<16xf32>
        %add3A_135 = arith.addf %add3A_127, %mul3A_134 : vector<16xf32>
        %mul3A_136 = arith.constant 128 : i32
        %mul3A_137 = arith.muli %scan3A_15, %mul3A_136 : i32
        %add3A_138 = arith.addi %mul3A_137, %scan3A_104 : i32
        %mul3A_139 = arith.constant 17 : i32
        %mul3A_140 = arith.muli %add3A_138, %mul3A_139 : i32
        %swap3A_141 = arith.index_cast %mul3A_140 : i32 to index
        %swap3A_142 = tpu.vector_load %arg9[%swap3A_141] {strides = array<i32>} : memref<8704xf32, #tpu.memory_space<vmem>>, vector<16xf32>,
        tpu.vector_store %arg9[%swap3A_141], %add3A_135 {strides = array<i32>} : memref<8704xf32, #tpu.memory_space<vmem>>, vector<16xf32>,
        %scan3A_143 = arith.constant 3 : i32
        %scan3A_144 = arith.addi %scan3A_25, %scan3A_143 : i32
        %get3A_145 = arith.index_cast %scan3A_144 : i32 to index
        %get3A_146 = arith.constant 0 : index
        %get3A_147 = tpu.vector_load %arg6[%get3A_145, %get3A_146] {strides = array<i32>} : memref<128x128xf32, #tpu.memory_space<vmem>>, vector<16xf32>,
        %get3A_148 = arith.index_cast %scan3A_144 : i32 to index
        %get3A_149 = arith.constant 0 : index
        %get3A_150 = tpu.vector_load %arg7[%get3A_148, %get3A_149] {strides = array<i32>} : memref<128x128xf32, #tpu.memory_space<vmem>>, vector<16xf32>,
        %mul3A_151 = arith.mulf %get3A_147, %get3A_150 : vector<16xf32>
        %get3A_152 = arith.index_cast %scan3A_144 : i32 to index
        %get3A_153 = arith.constant 16 : index
        %get3A_154 = tpu.vector_load %arg6[%get3A_152, %get3A_153] {strides = array<i32>} : memref<128x128xf32, #tpu.memory_space<vmem>>, vector<16xf32>,
        %get3A_155 = arith.index_cast %scan3A_144 : i32 to index
        %get3A_156 = arith.constant 16 : index
        %get3A_157 = tpu.vector_load %arg7[%get3A_155, %get3A_156] {strides = array<i32>} : memref<128x128xf32, #tpu.memory_space<vmem>>, vector<16xf32>,
        %mul3A_158 = arith.mulf %get3A_154, %get3A_157 : vector<16xf32>
        %add3A_159 = arith.addf %mul3A_151, %mul3A_158 : vector<16xf32>
        %get3A_160 = arith.index_cast %scan3A_144 : i32 to index
        %get3A_161 = arith.constant 32 : index
        %get3A_162 = tpu.vector_load %arg6[%get3A_160, %get3A_161] {strides = array<i32>} : memref<128x128xf32, #tpu.memory_space<vmem>>, vector<16xf32>,
        %get3A_163 = arith.index_cast %scan3A_144 : i32 to index
        %get3A_164 = arith.constant 32 : index
        %get3A_165 = tpu.vector_load %arg7[%get3A_163, %get3A_164] {strides = array<i32>} : memref<128x128xf32, #tpu.memory_space<vmem>>, vector<16xf32>,
        %mul3A_166 = arith.mulf %get3A_162, %get3A_165 : vector<16xf32>
        %add3A_167 = arith.addf %add3A_159, %mul3A_166 : vector<16xf32>
        %get3A_168 = arith.index_cast %scan3A_144 : i32 to index
        %get3A_169 = arith.constant 48 : index
        %get3A_170 = tpu.vector_load %arg6[%get3A_168, %get3A_169] {strides = array<i32>} : memref<128x128xf32, #tpu.memory_space<vmem>>, vector<16xf32>,
        %get3A_171 = arith.index_cast %scan3A_144 : i32 to index
        %get3A_172 = arith.constant 48 : index
        %get3A_173 = tpu.vector_load %arg7[%get3A_171, %get3A_172] {strides = array<i32>} : memref<128x128xf32, #tpu.memory_space<vmem>>, vector<16xf32>,
        %mul3A_174 = arith.mulf %get3A_170, %get3A_173 : vector<16xf32>
        %add3A_175 = arith.addf %add3A_167, %mul3A_174 : vector<16xf32>
        %mul3A_176 = arith.constant 128 : i32
        %mul3A_177 = arith.muli %scan3A_15, %mul3A_176 : i32
        %add3A_178 = arith.addi %mul3A_177, %scan3A_144 : i32
        %mul3A_179 = arith.constant 17 : i32
        %mul3A_180 = arith.muli %add3A_178, %mul3A_179 : i32
        %swap3A_181 = arith.index_cast %mul3A_180 : i32 to index
        %swap3A_182 = tpu.vector_load %arg9[%swap3A_181] {strides = array<i32>} : memref<8704xf32, #tpu.memory_space<vmem>>, vector<16xf32>,
        tpu.vector_store %arg9[%swap3A_181], %add3A_175 {strides = array<i32>} : memref<8704xf32, #tpu.memory_space<vmem>>, vector<16xf32>,
      }
      %scan3A_24 = arith.constant 128 : i32
    }
    %scan3A_8 = arith.constant 4 : i32
    %scan3A_9 = arith.constant 0 : i32
    %scan3A_10 = arith.constant 0 : i32
    %scan3A_11 = arith.constant 32 : i32
    %scan3A_12 = arith.addi %scan3A_10, %scan3A_11 : i32
    %scan3A_13 = arith.constant 1 : i32
    scf.for %scan3A_15 = %scan3A_10 to %scan3A_12 step %scan3A_13  : i32 {
      %mul3A_16 = arith.constant 17 : i32
      %mul3A_17 = vector.broadcast %mul3A_16 : i32 to vector<16xi32>
      %mul3A_18 = arith.muli %iota3A, %mul3A_17 : vector<16xi32>
      %mul3A_19 = arith.constant 272 : i32
      %mul3A_20 = arith.muli %scan3A_15, %mul3A_19 : i32
      %add3A_21 = vector.broadcast %mul3A_20 : i32 to vector<16xi32>
      %add3A_22 = arith.addi %mul3A_18, %add3A_21 : vector<16xi32>
      %add3A_23 = arith.constant 0 : i32
      %add3A_24 = vector.broadcast %add3A_23 : i32 to vector<16xi32>
      %add3A_25 = arith.addi %add3A_22, %add3A_24 : vector<16xi32>
      %gather3A = tpu.vector_load_idx %arg9[%add3A_25] : memref<8704xf32, #tpu.memory_space<vmem>>[vector<16xi32>], vector<16xf32>,
      %add3A_26 = arith.addf %get3A_3, %gather3A : vector<16xf32>
      %add3A_27 = arith.constant 1 : i32
      %add3A_28 = vector.broadcast %add3A_27 : i32 to vector<16xi32>
      %add3A_29 = arith.addi %add3A_22, %add3A_28 : vector<16xi32>
      %gather3A_30 = tpu.vector_load_idx %arg9[%add3A_29] : memref<8704xf32, #tpu.memory_space<vmem>>[vector<16xi32>], vector<16xf32>,
      %add3A_31 = arith.addf %add3A_26, %gather3A_30 : vector<16xf32>
      %add3A_32 = arith.constant 2 : i32
      %add3A_33 = vector.broadcast %add3A_32 : i32 to vector<16xi32>
      %add3A_34 = arith.addi %add3A_22, %add3A_33 : vector<16xi32>
      %gather3A_35 = tpu.vector_load_idx %arg9[%add3A_34] : memref<8704xf32, #tpu.memory_space<vmem>>[vector<16xi32>], vector<16xf32>,
      %add3A_36 = arith.addf %add3A_31, %gather3A_35 : vector<16xf32>
      %add3A_37 = arith.constant 3 : i32
      %add3A_38 = vector.broadcast %add3A_37 : i32 to vector<16xi32>
      %add3A_39 = arith.addi %add3A_22, %add3A_38 : vector<16xi32>
      %gather3A_40 = tpu.vector_load_idx %arg9[%add3A_39] : memref<8704xf32, #tpu.memory_space<vmem>>[vector<16xi32>], vector<16xf32>,
      %add3A_41 = arith.addf %add3A_36, %gather3A_40 : vector<16xf32>
      %add3A_42 = arith.constant 4 : i32
      %add3A_43 = vector.broadcast %add3A_42 : i32 to vector<16xi32>
      %add3A_44 = arith.addi %add3A_22, %add3A_43 : vector<16xi32>
      %gather3A_45 = tpu.vector_load_idx %arg9[%add3A_44] : memref<8704xf32, #tpu.memory_space<vmem>>[vector<16xi32>], vector<16xf32>,
      %add3A_46 = arith.addf %add3A_41, %gather3A_45 : vector<16xf32>
      %add3A_47 = arith.constant 5 : i32
      %add3A_48 = vector.broadcast %add3A_47 : i32 to vector<16xi32>
      %add3A_49 = arith.addi %add3A_22, %add3A_48 : vector<16xi32>
      %gather3A_50 = tpu.vector_load_idx %arg9[%add3A_49] : memref<8704xf32, #tpu.memory_space<vmem>>[vector<16xi32>], vector<16xf32>,
      %add3A_51 = arith.addf %add3A_46, %gather3A_50 : vector<16xf32>
      %add3A_52 = arith.constant 6 : i32
      %add3A_53 = vector.broadcast %add3A_52 : i32 to vector<16xi32>
      %add3A_54 = arith.addi %add3A_22, %add3A_53 : vector<16xi32>
      %gather3A_55 = tpu.vector_load_idx %arg9[%add3A_54] : memref<8704xf32, #tpu.memory_space<vmem>>[vector<16xi32>], vector<16xf32>,
      %add3A_56 = arith.addf %add3A_51, %gather3A_55 : vector<16xf32>
      %add3A_57 = arith.constant 7 : i32
      %add3A_58 = vector.broadcast %add3A_57 : i32 to vector<16xi32>
      %add3A_59 = arith.addi %add3A_22, %add3A_58 : vector<16xi32>
      %gather3A_60 = tpu.vector_load_idx %arg9[%add3A_59] : memref<8704xf32, #tpu.memory_space<vmem>>[vector<16xi32>], vector<16xf32>,
      %add3A_61 = arith.addf %add3A_56, %gather3A_60 : vector<16xf32>
      %add3A_62 = arith.constant 8 : i32
      %add3A_63 = vector.broadcast %add3A_62 : i32 to vector<16xi32>
      %add3A_64 = arith.addi %add3A_22, %add3A_63 : vector<16xi32>
      %gather3A_65 = tpu.vector_load_idx %arg9[%add3A_64] : memref<8704xf32, #tpu.memory_space<vmem>>[vector<16xi32>], vector<16xf32>,
      %add3A_66 = arith.addf %add3A_61, %gather3A_65 : vector<16xf32>
      %add3A_67 = arith.constant 9 : i32
      %add3A_68 = vector.broadcast %add3A_67 : i32 to vector<16xi32>
      %add3A_69 = arith.addi %add3A_22, %add3A_68 : vector<16xi32>
      %gather3A_70 = tpu.vector_load_idx %arg9[%add3A_69] : memref<8704xf32, #tpu.memory_space<vmem>>[vector<16xi32>], vector<16xf32>,
      %add3A_71 = arith.addf %add3A_66, %gather3A_70 : vector<16xf32>
      %add3A_72 = arith.constant 10 : i32
      %add3A_73 = vector.broadcast %add3A_72 : i32 to vector<16xi32>
      %add3A_74 = arith.addi %add3A_22, %add3A_73 : vector<16xi32>
      %gather3A_75 = tpu.vector_load_idx %arg9[%add3A_74] : memref<8704xf32, #tpu.memory_space<vmem>>[vector<16xi32>], vector<16xf32>,
      %add3A_76 = arith.addf %add3A_71, %gather3A_75 : vector<16xf32>
      %add3A_77 = arith.constant 11 : i32
      %add3A_78 = vector.broadcast %add3A_77 : i32 to vector<16xi32>
      %add3A_79 = arith.addi %add3A_22, %add3A_78 : vector<16xi32>
      %gather3A_80 = tpu.vector_load_idx %arg9[%add3A_79] : memref<8704xf32, #tpu.memory_space<vmem>>[vector<16xi32>], vector<16xf32>,
      %add3A_81 = arith.addf %add3A_76, %gather3A_80 : vector<16xf32>
      %add3A_82 = arith.constant 12 : i32
      %add3A_83 = vector.broadcast %add3A_82 : i32 to vector<16xi32>
      %add3A_84 = arith.addi %add3A_22, %add3A_83 : vector<16xi32>
      %gather3A_85 = tpu.vector_load_idx %arg9[%add3A_84] : memref<8704xf32, #tpu.memory_space<vmem>>[vector<16xi32>], vector<16xf32>,
      %add3A_86 = arith.addf %add3A_81, %gather3A_85 : vector<16xf32>
      %add3A_87 = arith.constant 13 : i32
      %add3A_88 = vector.broadcast %add3A_87 : i32 to vector<16xi32>
      %add3A_89 = arith.addi %add3A_22, %add3A_88 : vector<16xi32>
      %gather3A_90 = tpu.vector_load_idx %arg9[%add3A_89] : memref<8704xf32, #tpu.memory_space<vmem>>[vector<16xi32>], vector<16xf32>,
      %add3A_91 = arith.addf %add3A_86, %gather3A_90 : vector<16xf32>
      %add3A_92 = arith.constant 14 : i32
      %add3A_93 = vector.broadcast %add3A_92 : i32 to vector<16xi32>
      %add3A_94 = arith.addi %add3A_22, %add3A_93 : vector<16xi32>
      %gather3A_95 = tpu.vector_load_idx %arg9[%add3A_94] : memref<8704xf32, #tpu.memory_space<vmem>>[vector<16xi32>], vector<16xf32>,
      %add3A_96 = arith.addf %add3A_91, %gather3A_95 : vector<16xf32>
      %add3A_97 = arith.constant 15 : i32
      %add3A_98 = vector.broadcast %add3A_97 : i32 to vector<16xi32>
      %add3A_99 = arith.addi %add3A_22, %add3A_98 : vector<16xi32>
      %gather3A_100 = tpu.vector_load_idx %arg9[%add3A_99] : memref<8704xf32, #tpu.memory_space<vmem>>[vector<16xi32>], vector<16xf32>,
      %add3A_101 = arith.addf %add3A_96, %gather3A_100 : vector<16xf32>
      %neg3A = arith.constant 0.000000e+00 : f32
      %neg3A_102 = vector.broadcast %neg3A : f32 to vector<16xf32>
      %neg3A_103 = arith.subf %neg3A_102, %add3A_101 : vector<16xf32>
      %exp3A = math.exp %neg3A_103 : vector<16xf32>
      %add3A_104 = arith.constant 1.000000e+00 : f32
      %add3A_105 = vector.broadcast %add3A_104 : f32 to vector<16xf32>
      %add3A_106 = arith.addf %add3A_105, %exp3A : vector<16xf32>
      %div3A = arith.constant 1.000000e+00 : f32
      %div3A_107 = vector.broadcast %div3A : f32 to vector<16xf32>
      %div3A_108 = arith.divf %div3A_107, %add3A_106 : vector<16xf32>
      %mul3A_109 = arith.constant 16 : i32
      %mul3A_110 = arith.muli %scan3A_15, %mul3A_109 : i32
      %swap3A = arith.index_cast %mul3A_110 : i32 to index
      %swap3A_111 = tpu.vector_load %arg10[%swap3A] {strides = array<i32>} : memref<512xf32, #tpu.memory_space<vmem>>, vector<16xf32>,
      tpu.vector_store %arg10[%swap3A], %div3A_108 {strides = array<i32>} : memref<512xf32, #tpu.memory_space<vmem>>, vector<16xf32>,
    }
    %scan3A_14 = arith.constant 32 : i32
    "tpu.region"() ({
      %run_scoped3A = tpu.sem_alloc : memref<!tpu.dma_semaphore, #tpu.memory_space<semaphore_mem>>
      %dma_start3A = tpu.memref_slice %arg5[%mul3A_2] : memref<16384xf32, #tpu.memory_space<hbm>> -> memref<512xf32, #tpu.memory_space<hbm>>
      %dma_start3A_15 = tpu.memref_slice %arg5[%mul3A_2] : memref<16384xf32, #tpu.memory_space<hbm>> -> memref<512xf32, #tpu.memory_space<hbm>>
      tpu.enqueue_dma source(%arg10 : memref<512xf32, #tpu.memory_space<vmem>>) target(%dma_start3A_15 : memref<512xf32, #tpu.memory_space<hbm>>) target_semaphore(%run_scoped3A : memref<!tpu.dma_semaphore, #tpu.memory_space<semaphore_mem>>)
      %dma_wait3A = tpu.memref_slice %arg5[%mul3A_2] : memref<16384xf32, #tpu.memory_space<hbm>> -> memref<512xf32, #tpu.memory_space<hbm>>
      %dma_wait3A_16 = tpu.memref_slice %arg5[%mul3A_2] : memref<16384xf32, #tpu.memory_space<hbm>> -> memref<512xf32, #tpu.memory_space<hbm>>
      tpu.wait_dma2 semaphore(%run_scoped3A : memref<!tpu.dma_semaphore, #tpu.memory_space<semaphore_mem>>) src(%arg10 : memref<512xf32, #tpu.memory_space<vmem>>) dst(%dma_wait3A_16 : memref<512xf32, #tpu.memory_space<hbm>>)
      tpu.yield
    }) : () -> ()
    return
  }
}

</mosaic_0001>

<sc_bundles>
// kernel: _gmf_call.4.cloned.1.call-start
scs
__scs_entry_jumppad:
0x0: {  	(pc) =	sbr.rel $0x88, $3  }
0x1: {  	(tag) =	ssettag $0x0;
	lr =	simm.s32 $0x1  }
0x2: {  	[smem:$0x3F99] =	sst lr;
	_ =	strace $0xD0000000  }
0x3: {  	_ = 	snop  }
0x4: {  	_ = 	snop  }
0x5: {  	_ = 	snop  }
0x6: {  	_ = 	snop  }
0x7: {  	_ = 	snop  }
__scs_overlays_trampoline_lowered:
0x8: {  	[smem:$0x3FA8] =	sst s0  }
0x9: {  	[smem:$0x3FA9] =	sst s1  }
0xa: {  	[smem:$0x3FAA] =	sst s2  }
0xb: {  	[smem:$0x3FAB] =	sst s3  }
0xc: {  	[smem:$0x3FAC] =	sst s4  }
0xd: {  	[smem:$0x3FAD] =	sst s5  }
0xe: {  	[smem:$0x3FAE] =	sst s6  }
0xf: {  	[smem:$0x3FAF] =	sst s7  }
0x10: {  	[smem:$0x3FB0] =	sst s8  }
0x11: {  	[smem:$0x3FB1] =	sst s9;
	s0 =	simm.s32 @!p0 $0x0  }
0x12: {  	s1 =	sld [smem:$0x3F97];
	s0 =	simm.s32 @p0 $0x1  }
0x13: {  	[smem:$0x3FB2] =	sst s0;
	s0 =	simm.s32 @!p1 $0x0  }
0x14: {  	s2 =	sld [smem:$0x3F96];
	s0 =	simm.s32 @p1 $0x1  }
0x15: {  	[smem:$0x3FB3] =	sst s0;
	s0 =	simm.s32 @!p2 $0x0  }
0x16: {  	s3 =	sld [smem:$0x3FDB];
	s0 =	simm.s32 @p2 $0x1  }
0x17: {  	s4 =	simm.s32 $0x1BF5;
	[smem:$0x3FB5] =	sst s0  }
0x18: {  	s0 =	sld [smem:$0x3F98];
	_ =	swait.ge [sflag:s4], $0x0  }
0x19: {  	s7 =	sld [smem:$0x3F99]  }
0x1a: {  	s8 =	sadd.s32 $0xFFFFE003, lr  }
0x1b: {  	s9 =	sadd.s32 $0xFFFFFEF7, lr;
	s5 =	simm.s32 $0xFFFFFFFF;
	p2 =	slt.u32 s8, $0xFFFFF086  }
0x1c: {  	p1 =	slt.u32 s9, $0xF7A;
	s5 =	simm.s32 @!p2 $0x0  }
0x1d: {  	s5 =	simm.s32 @p1 $0x1;
	p0 =	seq.s32 s7, s2  }
0x1e: {  	s7 =	smul.u32 @!p0 $0xF7A, s2;
	p2 =	seq.s32 @!p0 s5, $0x0  }
0x1f: {  	s9 =	smul.u32 $0xF7A, s1;
	s8 =	simm.s32 @!p0 $0x1BF5;
	p2 =	por !p2, p0  }
0x20: {  	[sflag:s8] =	ssyncset.s32 @!p0 $0xFFFFF086;
	s6 =	sadd.s32 @!p0 s3, s7;
	s7 =	simm.s32 @!p0 $0x108  }
0x21: {  	s3 =	sadd.s32 s3, s9;
	s6 =	sadd.s32 @!p0 $0x88, s6;
	s7 =	simm.s32 @p2 $0x1082  }
0x22: {  	[simem:s7], [sflag:s8] =	dma.local @!p0 [hbm:s6], $0xF7A  }
0x23: {  	s9 =	sor.u32 $0xD0000000, s2;
	s6 =	simm.s32 $0x108;
	_ =	swait.ge @!p0 [sflag:s8], $0x0  }
0x24: {  	s3 =	sadd.s32 $0x88, s3;
	s6 =	simm.s32 @!p1 $0x1082;
	[sflag:s4] =	ssyncset.s32 $0xFFFFF086  }
0x25: {  	[simem:s6], [sflag:s4] =	dma.local [hbm:s3], $0xF7A  }
0x26: {  	[smem:$0x3F99] =	sst s1;
	(tag) =	ssettag s2;
	_ =	strace s9  }
0x27: {  	s1 =	sld [smem:$0x3FA9]  }
0x28: {  	s2 =	sld [smem:$0x3FAA]  }
0x29: {  	s4 =	sld [smem:$0x3FAC]  }
0x2a: {  	p0 =	seq.s32 s5, $0x0;
	s5 =	sld [smem:$0x3FAD]  }
0x2b: {  	s6 =	sld [smem:$0x3FAE]  }
0x2c: {  	s7 =	sld [smem:$0x3FAF]  }
0x2d: {  	s3 =	simm.s32 $0x108;
	s8 =	sld [smem:$0x3FB0]  }
0x2e: {  	s3 =	simm.s32 @!p0 $0x1082;
	s9 =	sld [smem:$0x3FB1]  }
0x2f: {  	lr =	sadd.s32 s0, s3;
	s0 =	sld [smem:$0x3FA8]  }
0x30: {  	s3 =	sld [smem:$0x3FAB]  }
0x31: {  	[smem:$0x3FB4] =	sst s10  }
0x32: {  	s10 =	sld [smem:$0x3FB2];
	_ =	sdelay $0x3  }
0x33: {  	p0 =	seq.s32 s10, $0x1;
	s10 =	sld [smem:$0x3FB4];
	_ =	sdelay $0x3  }
0x34: {  	[smem:$0x3FB4] =	sst s10  }
0x35: {  	s10 =	sld [smem:$0x3FB3];
	_ =	sdelay $0x3  }
0x36: {  	p1 =	seq.s32 s10, $0x1;
	s10 =	sld [smem:$0x3FB4];
	_ =	sdelay $0x3  }
0x37: {  	[smem:$0x3FB4] =	sst s10  }
0x38: {  	s10 =	sld [smem:$0x3FB5]  }
0x39: {  	_ = 	snop;
	(pc) =	sbr.ind lr, $3  }
0x3a: {  	_ = 	snop  }
0x3b: {  	_ = 	snop  }
0x3c: {  	p2 =	seq.s32 s10, $0x1;
	s10 =	sld [smem:$0x3FB4]  }
0x3d: {  	_ =	shalt  }
0x3e: {  	_ =	shalt  }
0x3f: {  	_ =	shalt  }
0x40: {  	_ =	shalt  }
0x41: {  	_ =	shalt  }
0x42: {  	_ =	shalt  }
0x43: {  	_ =	shalt  }
0x44: {  	_ =	shalt  }
0x45: {  	_ =	shalt  }
0x46: {  	_ =	shalt  }
0x47: {  	_ =	shalt  }
0x48: {  	_ =	shalt  }
0x49: {  	_ =	shalt  }
0x4a: {  	_ =	shalt  }
0x4b: {  	_ =	shalt  }
0x4c: {  	_ =	shalt  }
0x4d: {  	_ =	shalt  }
0x4e: {  	_ =	shalt  }
0x4f: {  	_ =	shalt  }
0x50: {  	_ =	shalt  }
0x51: {  	_ =	shalt  }
0x52: {  	_ =	shalt  }
0x53: {  	_ =	shalt  }
0x54: {  	_ =	shalt  }
0x55: {  	_ =	shalt  }
0x56: {  	_ =	shalt  }
0x57: {  	_ =	shalt  }
0x58: {  	_ =	shalt  }
0x59: {  	_ =	shalt  }
0x5a: {  	_ =	shalt  }
0x5b: {  	_ =	shalt  }
0x5c: {  	_ =	shalt  }
0x5d: {  	_ =	shalt  }
0x5e: {  	_ =	shalt  }
0x5f: {  	_ =	shalt  }
0x60: {  	_ =	shalt  }
0x61: {  	_ =	shalt  }
0x62: {  	_ =	shalt  }
0x63: {  	_ =	shalt  }
0x64: {  	_ =	shalt  }
0x65: {  	_ =	shalt  }
0x66: {  	_ =	shalt  }
0x67: {  	_ =	shalt  }
0x68: {  	_ =	shalt  }
0x69: {  	_ =	shalt  }
0x6a: {  	_ =	shalt  }
0x6b: {  	_ =	shalt  }
0x6c: {  	_ =	shalt  }
0x6d: {  	_ =	shalt  }
0x6e: {  	_ =	shalt  }
0x6f: {  	_ =	shalt  }
0x70: {  	_ =	shalt  }
0x71: {  	_ =	shalt  }
0x72: {  	_ =	shalt  }
0x73: {  	_ =	shalt  }
0x74: {  	_ =	shalt  }
0x75: {  	_ =	shalt  }
0x76: {  	_ =	shalt  }
0x77: {  	_ =	shalt  }
0x78: {  	_ =	shalt  }
0x79: {  	_ =	shalt  }
0x7a: {  	_ =	shalt  }
0x7b: {  	_ =	shalt  }
0x7c: {  	_ =	shalt  }
0x7d: {  	_ =	shalt  }
0x7e: {  	_ =	shalt  }
0x7f: {  	_ =	shalt  }
0x80: {  	_ =	shalt  }
0x81: {  	_ =	shalt  }
0x82: {  	_ =	shalt  }
0x83: {  	_ =	shalt  }
0x84: {  	_ =	shalt  }
0x85: {  	_ =	shalt  }
0x86: {  	_ =	shalt  }
0x87: {  	_ =	shalt  }
.Lfunc_end0:
.L_simem_size_0:
called_computation_lowered:
.L_overlay_start_0:
0x88: {  	s2 =	sld [smem:$0x3FD9]  }
0x89: {  	s3 =	sld [smem:$0x3FFE];
	_ =	sdelay $0x1  }
0x8a: {  	s1 =	srdreg.scid  }
0x8b: {  	s0 =	sand.u32 $0x1, s1  }
0x8c: {  	s17 =	sshll.u32 s0, $0xA;
	s2 =	sadd.s32 s3, s2  }
0x8d: {  	s2 =	sadd.s32 s2, s17  }
0x8e: {  	[smem:$0x3FC0] =	sst s2  }
0x8f: {  	_ = 	snop  }
0x90: {  	s2 =	sld [smem:$0x3FC9]  }
0x91: {  	s18 =	sld [smem:$0x3FC8]  }
0x92: {  	s4 =	sld [smem:$0x3FC7]  }
0x93: {  	s5 =	sld [smem:$0x3FC6]  }
0x94: {  	s6 =	sld [smem:$0x3FC5]  }
0x95: {  	s7 =	sld [smem:$0x3FC4]  }
0x96: {  	s8 =	sld [smem:$0x3FC3];
	(tm) =	ssettm $0x1  }
0x97: {  	s9 =	sld [smem:$0x3FFB];
	_ =	sdelay $0x3  }
0x98: {  	_ =	strace s9  }
0x99: {  	s9 =	sld [smem:$0x3FFC];
	_ =	sdelay $0x3  }
0x9a: {  	_ =	strace s9  }
0x9b: {  	s9 =	sld [smem:$0x3FFD];
	_ =	sdelay $0x3  }
0x9c: {  	_ =	strace s9  }
0x9d: {  	_ =	strace $0x8FFFFFFF  }
0x9e: {  	s19 =	sld [smem:$0x3FDB];
	_ =	sdelay $0x1  }
0x9f: {  	s10 =	simm.s32 $_scs_section_size  }
0xa0: {  	s11 =	simm.s32 $_size__tile_overlayer_lowered;
	s12 =	simm.s32 $_tile_overlayer_lowered  }
0xa1: {  	s22 =	simm.s32 $0x1BFF;
	s21 =	sshll.u32 s12, $0x1;
	s9 =	sadd.s32 s10, s19  }
0xa2: {  	s13 =	simm.s32 $0x0;
	s20 =	sshll.u32 s11, $0x1;
	s11 =	sadd.s32 s21, s9  }
0xa3: {  	[timem:s13], [sflag:s22] =	dma.local [hbm:s11], s20  }
0xa4: {  	_ =	swait.ge [sflag:s22], s20  }
0xa5: {  	s10 =	ssub.s32 $0x0, s20;
	[sflag:s22] =	ssyncset.done $0x0  }
0xa6: {  	[sflag:s22] =	ssyncadd.s32 s10;
	_ =	sdelay $0x1  }
0xa7: {  	s23 =	simm.s32 $0x1B8B  }
0xa8: {  	_ =	swait.ge [sflag:s23], $0x1  }
0xa9: {  	[sflag:s23] =	ssyncset.done $0x0  }
0xaa: {  	s25 =	simm.s32 $0x1B8E;
	s24 =	sld [smem:$0x3FFE];
	[sflag:s23] =	ssyncadd.s32 $0xFFFFFFFF  }
0xab: {  	s26 =	simm.s32 $execute0_lowered;
	[smem:$0x3FD2] =	sst s25  }
0xac: {  	s11 =	sshll.u32 s26, $0x1;
	_ =	strace $0x80000046;
	[dreg:$0x1] =	wrdreg $0xFFFFFFFF  }
0xad: {  	s28 =	simm.s32 $_size_execute0_lowered;
	s9 =	sadd.s32 s9, s11;
	[dreg:$0x0] =	wrdreg $0x0  }
0xae: {  	s11 =	sshll.u32 s28, $0x1;
	[dreg:$0x2] =	wrdreg s9  }
0xaf: {  	[dreg:$0x3] =	wrdreg s11  }
0xb0: {  	[dreg:$0x4] =	wrdreg $0xC0  }
0xb1: {  	_ =	task [dreg:s13], $0x5FFFF  }
0xb2: {  	[dreg:$0x1] =	wrdreg $0xFFFFFFFF  }
0xb3: {  	[dreg:$0x0] =	wrdreg $0x60  }
0xb4: {  	[dreg:$0x2] =	wrdreg s2  }
0xb5: {  	[dreg:$0x3] =	wrdreg s18  }
0xb6: {  	[dreg:$0x4] =	wrdreg s4  }
0xb7: {  	[dreg:$0x5] =	wrdreg s5  }
0xb8: {  	[dreg:$0x6] =	wrdreg s6  }
0xb9: {  	[dreg:$0x7] =	wrdreg s7  }
0xba: {  	[dreg:$0x8] =	wrdreg s8  }
0xbb: {  	[dreg:$0x9] =	wrdreg s24  }
0xbc: {  	[dreg:$0xa] =	wrdreg $0x9  }
0xbd: {  	_ =	task.clear_ibuf [dreg:s13], $0xBFFFF;
	_ =	strace $0x90000046  }
0xbe: {  	s29 =	simm.s32 $0x9;
	_ =	strace $0x80000048  }
0xbf: {  	_ =	swait.ge [sflag:s29], $0x1  }
0xc0: {  	[sflag:s29] =	ssyncadd.s32 $0xFFFFFFFF  }
0xc1: {  	_ =	strace $0x90000048  }
0xc2: {  	_ =	sfence  }
0xc3: {  	s30 =	sld [smem:$0x0];
	_ =	sdelay $0x2  }
0xc4: {  	s31 =	sshll.u32 s1, $0xD;
	s1 =	sshrl.u32 s1, $0x2  }
0xc5: {  	s3 =	sand.u32 $0x4000, s31;
	s1 =	sadd.s32 s1, s30  }
0xc6: {  	s0 =	sor.u32 s3, s0;
	s1 =	sshll.u32 s1, $0x11  }
0xc7: {  	s0 =	sor.u32 s1, s0  }
0xc8: {  	s0 =	sadd.s32 $0x8F2B, s0  }
0xc9: {  	[sflag:s0] =	ssyncadd.remote.s32 $0x1  }
0xca: {  	_ =	sfence.sel $0xFFFF  }
0xcb: {  	[dreg:$0x0] =	wrdreg $0xFFFFFFFF;
	(pc) =	sbr.abs _section_cstart, $3  }
0xcc: {  	[dreg:$0x1] =	wrdreg $0xFFFFFFFF  }
0xcd: {  	_ =	task.clear_ibuf [dreg:s13], $0x2FFFF;
	_ =	strace $0x9FFFFFFF  }
0xce: {  	(tm) =	ssettm $0x7FFFFFFF  }
0xcf: {  	_ =	shalt  }
tec
execute0_lowered:
.L_overlay_start_1:
0x0: {  	(tag) =	ssettag $0x1  }
0x1: {  	s13 =	rddreg [dreg:$0x0];
	v1 =	vlaneseq.u32;
	v3 =	vimm.s32 $0xFFFFFFFF  }
0x2: {  	s20 =	rddreg [dreg:$0x1];
	v5 =	vimm.s32 $0x2780;
	vm0 =	vcmask $0x300;
	v6 =	vimm.s32 $0x6F80  }
0x3: {  	s4 =	rddreg [dreg:$0x2];
	vm1 =	vcmask $0x704;
	vm15 =	vcmask $0xB08;
	vm4 =	vcmask $0xF0C  }
0x4: {  	s5 =	rddreg [dreg:$0x3];
	vm5 =	vcmask $0x1310;
	v5 =	vsel vm0, $0x0, v5;
	v6 =	vsel vm0, $0x4800, v6  }
0x5: {  	s6 =	rddreg [dreg:$0x4];
	vm6 =	vcmask $0x1714;
	v5 =	vsel vm1, $0x80, v5;
	v6 =	vsel vm1, $0x4880, v6  }
0x6: {  	s7 =	rddreg [dreg:$0x5];
	vm7 =	vcmask $0x1B18;
	v5 =	vsel vm15, $0x100, v5;
	v6 =	vsel vm15, $0x4900, v6  }
0x7: {  	s9 =	stileid.u32;
	s26 =	rddreg [dreg:$0x7];
	vm8 =	vcmask $0x1F1C;
	v5 =	vsel vm4, $0x180, v5;
	v6 =	vsel vm4, $0x4980, v6  }
0x8: {  	s2 =	srdreg.scid;
	s10 =	simm.s32 $0x0;
	vm9 =	vcmask $0x2320;
	s24 =	simm.s32 $0x3;
	v5 =	vsel vm5, $0x200, v5;
	v6 =	vsel vm5, $0x4A00, v6  }
0x9: {  	vm10 =	vcmask $0x2724;
	s30 =	simm.s32 $0x2;
	s31 =	simm.s32 $0x0;
	s1 =	smul.u32 $0xF400, s9;
	v5 =	vsel vm6, $0x280, v5;
	v6 =	vsel vm6, $0x4A80, v6  }
0xa: {  	vm11 =	vcmask $0x2B28;
	p0 =	seq.s32 s9, $0xF;
	s2 =	sand.u32 $0x1, s2;
	[smem:$0x7FF] =	sst s10;
	v5 =	vsel vm7, $0x300, v5;
	v6 =	vsel vm7, $0x4B00, v6  }
0xb: {  	vm12 =	vcmask $0x2F2C;
	s11 =	sadd.s32 $0xC00, s26;
	s12 =	sadd.s32 $0x40E00, s26;
	s29 =	sadd.s32 $0x200, s13;
	v5 =	vsel vm8, $0x380, v5;
	v6 =	vsel vm8, $0x4B80, v6  }
0xc: {  	vm13 =	vcmask $0x3330;
	s14 =	sadd.s32 $0x400, s13;
	s15 =	sadd.s32 $0x600, s13;
	s17 =	smul.u32 $0x7A000, s9;
	v5 =	vsel vm9, $0x2400, v5;
	v6 =	vsel vm9, $0x6C00, v6  }
0xd: {  	vm14 =	vcmask $0x3734;
	s18 =	sadd.s32 $0x200, s20;
	s19 =	sadd.s32 $0x400, s20;
	s20 =	sadd.s32 $0x600, s20;
	v5 =	vsel vm10, $0x2480, v5;
	v6 =	vsel vm10, $0x6C80, v6  }
.Ltmp0:
0xe: {  	v4 =	vor.u32 $0x4000, v1;
	s3 =	ssub.s32 $0x2, s2;
	_ =	strace $0x80000047;
	v5 =	vsel vm11, $0x2500, v5;
	v6 =	vsel vm11, $0x6D00, v6;
	(pc) =	sbr.rel .LBB2_1-.Ltmp0, $4  }
0xf: {  	p1 =	seq.s32 s2, $0x1;
	[dreg:$0x9] =	wrdreg s29;
	s0 =	sadd.s32 $0xF400, s1;
	v0 =	vmov s1;
	v5 =	vsel vm12, $0x2580, v5;
	v6 =	vsel vm12, $0x6D80, v6  }
0x10: {  	s8 =	sshrl.u32 s3, $0x1;
	s2 =	simm.s32 @!p1 $0x0;
	vm15 =	vcmask $0x3B38;
	s0 =	simm.s32 @p0 $0xF4240;
	v5 =	vsel vm13, $0x2600, v5;
	v6 =	vsel vm13, $0x6E00, v6  }
0x11: {  	s16 =	sadd.s32 s4, s1;
	s28 =	ssub.s32 s3, s8;
	s2 =	simm.s32 @p1 $0x1;
	v2 =	vmov s0;
	v7 =	vsel vm14, $0x2680, v5;
	v8 =	vsel vm14, $0x6E80, v6  }
0x12: {  	s21 =	sadd.s32 s5, s1;
	[smem:$0x7FD] =	sst s2;
	s22 =	smax.u32 s28, $0x1;
	v5 =	vimm.s32 $0x0;
	v6 =	vsel vm15, $0x2700, v7;
	v7 =	vsel vm15, $0x6F00, v8  }
.LBB2_61:
0x13: {  	s31 =	sadd.s32 $0x1, s31  }
0x14: {  	_ =	swait.ge [sflag:s30], $0x2000;
	p1 =	sne.s32 s31, s22  }
.Ltmp1:
0x15: {  	[sflag:s30] =	ssyncset.done $0x0;
	(pc) =	sbr.rel @!p1 .LBB2_62-.Ltmp1, $4  }
0x16: {  	[sflag:s30] =	ssyncadd.s32 $0xFFFFE000  }
0x17: {  	_ =	swait.ge [sflag:s30], $0x2000  }
0x18: {  	[sflag:s30] =	ssyncset.done $0x0  }
0x19: {  	[sflag:s30] =	ssyncadd.s32 $0xFFFFE000  }
.LBB2_1:
0x1a: {  	s0 =	rddreg [dreg:$0x6];
	s2 =	simm.s32 $0x1000  }
0x1b: {  	[tilespmem:s2], [sflag:$0x3] =	stream.linear.gather [hbm4b:s0+s10], $0x80, $0x38;
	[tilespmem:$0x17F80] =	vst v63  }
0x1c: {  	_ =	swait.ge [sflag:s24], $0x80  }
0x1d: {  	s8 =	sld [smem:$0x7FD];
	_ =	sdelay $0x2  }
0x1e: {  	p1 =	seq.s32 s8, $0x1  }
.Ltmp2:
0x1f: {  	_ = 	snop;
	(pc) =	sbr.rel @!p1 .LBB2_2-.Ltmp2, $3  }
0x20: {  	_ =	sdelay $0x1  }
0x21: {  	s3 =	simm.s32 $0x130C0;
	[sflag:s24] =	ssyncset.done $0x0  }
0x22: {  	s2 =	simm.s32 $0xFFFFFFF8;
	s0 =	simm.s32 $0x13740;
	[sflag:s24] =	ssyncadd.s32 $0xFFFFFF80  }
0x23: {  	[tilespmem:s3+$0xFFFFFFC0] =	vst v3  }
0x24: {  	[tilespmem:s0+$0xFFFFFFC0] =	vst v4  }
0x25: {  	[tilespmem:s3+$0xFFFFFFD0] =	vst v3  }
0x26: {  	[tilespmem:s0+$0xFFFFFFD0] =	vst v4  }
0x27: {  	[tilespmem:s3+$0xFFFFFFE0] =	vst v3  }
0x28: {  	[tilespmem:s0+$0xFFFFFFE0] =	vst v4  }
0x29: {  	[tilespmem:s3+$0xFFFFFFF0] =	vst v3  }
0x2a: {  	[tilespmem:s0+$0xFFFFFFF0] =	vst v4  }
0x2b: {  	[tilespmem:s3+$0x0] =	vst v3  }
0x2c: {  	[tilespmem:s0+$0x0] =	vst v4  }
0x2d: {  	[tilespmem:s3+$0x10] =	vst v3  }
0x2e: {  	[tilespmem:s0+$0x10] =	vst v4  }
0x2f: {  	[tilespmem:s3+$0x20] =	vst v3  }
0x30: {  	[tilespmem:s0+$0x20] =	vst v4  }
0x31: {  	[tilespmem:s3+$0x30] =	vst v3  }
0x32: {  	s2 =	sadd.s32 $0x8, s2;
	s3 =	sadd.s32 $0x80, s3;
	[tilespmem:s0+$0x30] =	vst v4  }
.LBB2_32:
0x33: {  	[tilespmem:s3+$0xFFFFFFC0] =	vst v3;
	s0 =	sadd.s32 $0x80, s0  }
0x34: {  	[tilespmem:s0+$0xFFFFFFC0] =	vst v4  }
0x35: {  	[tilespmem:s3+$0xFFFFFFD0] =	vst v3  }
0x36: {  	[tilespmem:s0+$0xFFFFFFD0] =	vst v4  }
0x37: {  	[tilespmem:s3+$0xFFFFFFE0] =	vst v3  }
0x38: {  	[tilespmem:s0+$0xFFFFFFE0] =	vst v4  }
0x39: {  	[tilespmem:s3+$0xFFFFFFF0] =	vst v3  }
0x3a: {  	[tilespmem:s0+$0xFFFFFFF0] =	vst v4  }
0x3b: {  	[tilespmem:s3+$0x0] =	vst v3  }
0x3c: {  	s2 =	sadd.s32 $0x8, s2;
	[tilespmem:s0+$0x0] =	vst v4  }
0x3d: {  	p1 =	slt.u32 s2, $0x60;
	[tilespmem:s3+$0x10] =	vst v3  }
.Ltmp3:
0x3e: {  	[tilespmem:s0+$0x10] =	vst v4;
	(pc) =	sbr.rel @p1 .LBB2_32-.Ltmp3, $4  }
0x3f: {  	[tilespmem:s3+$0x20] =	vst v3  }
0x40: {  	[tilespmem:s0+$0x20] =	vst v4  }
0x41: {  	[tilespmem:s3+$0x30] =	vst v3  }
0x42: {  	s3 =	sadd.s32 $0x80, s3;
	[tilespmem:s0+$0x30] =	vst v4  }
0x43: {  	s2 =	simm.s32 $0x0;
	s0 =	rddreg [dreg:$0x1]  }
0x44: {  	[tilespmem:s2], [sflag:$0x3] =	stream.linear.gather [hbm4b:s0+s2], $0x1000, $0x38;
	[tilespmem:$0x17F80] =	vst v63  }
0x45: {  	_ =	swait.ge [sflag:s24], $0x1000  }
0x46: {  	[sflag:s24] =	ssyncset.done $0x0  }
0x47: {  	s0 =	simm.s32 $0x40;
	[sflag:s24] =	ssyncadd.s32 $0xFFFFF000  }
0x48: {  	v8 =	vld [tilespmem:s0+$0xFFFFFFC0];
	_ =	sdelay $0x4  }
0x49: {  	vm0 =	vge.s32 v8, v0;
	vm1 =	vlt.s32 v8, v2  }
0x4a: {  	s3 =	simm.s32 $0x0;
	vm0 =	vmand vm0, vm1  }
0x4b: {  	v9 =	vor.u32 s3, v1;
	[tilespmem:s2+$0x13080] =	vst.msk vm0, v8;
	v8 =	vmpcnt.ones.xlane vm0  }
0x4c: {  	[tilespmem:s2+$0x13700] =	vst.msk vm0, v9  }
0x4d: {  	v9 =	vld [tilespmem:s0+$0xFFFFFFD0];
	(v2sf) =	vpush v8, $0x0;
	_ =	sdelay $0x4  }
0x4e: {  	vm0 =	vge.s32 v9, v0;
	vm1 =	vlt.s32 v9, v2  }
0x4f: {  	vm0 =	vmand vm0, vm1  }
0x50: {  	v8 =	vmpcnt.ones.xlane vm0;
	_ =	sdelay $0x1  }
0x51: {  	(v2sf) =	vpush v8, $0x0;
	_ =	sdelay $0x5  }
0x52: {  	s23 =	spop (v2sf)  }
0x53: {  	s25 =	simm.s32 $0x10;
	s2 =	sadd.s32 $0x0, s23  }
0x54: {  	v8 =	vor.u32 s25, v1;
	[tilespmem:s2+$0x13080] =	vst.msk vm0, v9  }
0x55: {  	[tilespmem:s2+$0x13700] =	vst.msk vm0, v8  }
0x56: {  	v8 =	vld [tilespmem:s0+$0xFFFFFFE0];
	_ =	sdelay $0x4  }
0x57: {  	vm0 =	vge.s32 v8, v0;
	vm1 =	vlt.s32 v8, v2;
	s26 =	spop (v2sf)  }
0x58: {  	s28 =	simm.s32 $0x20;
	s2 =	sadd.s32 s2, s26;
	vm0 =	vmand vm0, vm1  }
0x59: {  	v9 =	vor.u32 s28, v1;
	[tilespmem:s2+$0x13080] =	vst.msk vm0, v8;
	v8 =	vmpcnt.ones.xlane vm0  }
0x5a: {  	[tilespmem:s2+$0x13700] =	vst.msk vm0, v9  }
0x5b: {  	v9 =	vld [tilespmem:s0+$0xFFFFFFF0];
	(v2sf) =	vpush v8, $0x0;
	_ =	sdelay $0x4  }
0x5c: {  	vm0 =	vge.s32 v9, v0;
	vm1 =	vlt.s32 v9, v2  }
0x5d: {  	vm0 =	vmand vm0, vm1  }
0x5e: {  	v8 =	vmpcnt.ones.xlane vm0;
	_ =	sdelay $0x1  }
0x5f: {  	(v2sf) =	vpush v8, $0x0;
	_ =	sdelay $0x5  }
0x60: {  	s29 =	spop (v2sf)  }
0x61: {  	s8 =	simm.s32 $0x30;
	s2 =	sadd.s32 s2, s29  }
0x62: {  	v8 =	vor.u32 s8, v1;
	[tilespmem:s2+$0x13080] =	vst.msk vm0, v9  }
0x63: {  	[tilespmem:s2+$0x13700] =	vst.msk vm0, v8  }
0x64: {  	v8 =	vld [tilespmem:s0+$0x0];
	_ =	sdelay $0x4  }
0x65: {  	vm0 =	vge.s32 v8, v0;
	vm1 =	vlt.s32 v8, v2;
	s9 =	spop (v2sf)  }
0x66: {  	s13 =	simm.s32 $0x40;
	s2 =	sadd.s32 s2, s9;
	vm0 =	vmand vm0, vm1  }
0x67: {  	v9 =	vor.u32 s13, v1;
	[tilespmem:s2+$0x13080] =	vst.msk vm0, v8;
	v8 =	vmpcnt.ones.xlane vm0  }
0x68: {  	[tilespmem:s2+$0x13700] =	vst.msk vm0, v9  }
0x69: {  	v9 =	vld [tilespmem:s0+$0x10];
	(v2sf) =	vpush v8, $0x0;
	_ =	sdelay $0x4  }
0x6a: {  	vm0 =	vge.s32 v9, v0;
	vm1 =	vlt.s32 v9, v2  }
0x6b: {  	vm0 =	vmand vm0, vm1  }
0x6c: {  	v8 =	vmpcnt.ones.xlane vm0;
	_ =	sdelay $0x1  }
0x6d: {  	(v2sf) =	vpush v8, $0x0;
	_ =	sdelay $0x5  }
0x6e: {  	s23 =	spop (v2sf)  }
0x6f: {  	s25 =	simm.s32 $0x50;
	s2 =	sadd.s32 s2, s23  }
0x70: {  	v8 =	vor.u32 s25, v1;
	[tilespmem:s2+$0x13080] =	vst.msk vm0, v9  }
0x71: {  	[tilespmem:s2+$0x13700] =	vst.msk vm0, v8  }
0x72: {  	v8 =	vld [tilespmem:s0+$0x20];
	_ =	sdelay $0x4  }
0x73: {  	vm0 =	vge.s32 v8, v0;
	vm1 =	vlt.s32 v8, v2;
	s26 =	spop (v2sf)  }
0x74: {  	s28 =	simm.s32 $0x60;
	s2 =	sadd.s32 s2, s26;
	vm0 =	vmand vm0, vm1  }
0x75: {  	v9 =	vor.u32 s28, v1;
	[tilespmem:s2+$0x13080] =	vst.msk vm0, v8;
	v8 =	vmpcnt.ones.xlane vm0  }
0x76: {  	[tilespmem:s2+$0x13700] =	vst.msk vm0, v9  }
0x77: {  	v9 =	vld [tilespmem:s0+$0x30];
	(v2sf) =	vpush v8, $0x0;
	_ =	sdelay $0x4  }
0x78: {  	vm0 =	vge.s32 v9, v0;
	vm1 =	vlt.s32 v9, v2  }
0x79: {  	vm0 =	vmand vm0, vm1  }
0x7a: {  	v8 =	vmpcnt.ones.xlane vm0;
	_ =	sdelay $0x1  }
0x7b: {  	(v2sf) =	vpush v8, $0x0;
	_ =	sdelay $0x5  }
0x7c: {  	s29 =	spop (v2sf)  }
0x7d: {  	s8 =	simm.s32 $0x70;
	s3 =	sadd.s32 s2, s29  }
0x7e: {  	v8 =	vor.u32 s8, v1;
	[tilespmem:s3+$0x13080] =	vst.msk vm0, v9  }
0x7f: {  	s9 =	simm.s32 $0xC0;
	[tilespmem:s3+$0x13700] =	vst.msk vm0, v8  }
0x80: {  	v8 =	vld [tilespmem:s9+$0xFFFFFFC0];
	_ =	sdelay $0x4  }
0x81: {  	s0 =	simm.s32 $0xF0;
	s2 =	simm.s32 $0x8;
	vm0 =	vge.s32 v8, v0;
	vm1 =	vlt.s32 v8, v2;
	s8 =	spop (v2sf)  }
.LBB2_34:
0x82: {  	s2 =	sadd.s32 $0x8, s2;
	s13 =	sadd.s32 $0xFFFFFF90, s0;
	vm0 =	vmand vm0, vm1;
	s3 =	sadd.s32 s3, s8  }
0x83: {  	p2 =	slt.u32 s2, $0xF8;
	v9 =	vor.u32 s13, v1;
	[tilespmem:s3+$0x13080] =	vst.msk vm0, v8;
	v8 =	vmpcnt.ones.xlane vm0  }
0x84: {  	[tilespmem:s3+$0x13700] =	vst.msk vm0, v9  }
0x85: {  	v9 =	vld [tilespmem:s9+$0xFFFFFFD0];
	(v2sf) =	vpush v8, $0x0;
	_ =	sdelay $0x4  }
0x86: {  	vm0 =	vge.s32 v9, v0;
	vm1 =	vlt.s32 v9, v2  }
0x87: {  	vm0 =	vmand vm0, vm1  }
0x88: {  	v8 =	vmpcnt.ones.xlane vm0;
	_ =	sdelay $0x1  }
0x89: {  	(v2sf) =	vpush v8, $0x0;
	_ =	sdelay $0x5  }
0x8a: {  	s8 =	spop (v2sf)  }
0x8b: {  	s3 =	sadd.s32 s3, s8;
	s8 =	sadd.s32 $0xFFFFFFA0, s0  }
0x8c: {  	v8 =	vor.u32 s8, v1;
	[tilespmem:s3+$0x13080] =	vst.msk vm0, v9  }
0x8d: {  	[tilespmem:s3+$0x13700] =	vst.msk vm0, v8  }
0x8e: {  	v8 =	vld [tilespmem:s9+$0xFFFFFFE0];
	_ =	sdelay $0x4  }
0x8f: {  	vm0 =	vge.s32 v8, v0;
	vm1 =	vlt.s32 v8, v2;
	s8 =	spop (v2sf)  }
0x90: {  	s3 =	sadd.s32 s3, s8;
	s8 =	sadd.s32 $0xFFFFFFB0, s0;
	vm0 =	vmand vm0, vm1  }
0x91: {  	v9 =	vor.u32 s8, v1;
	[tilespmem:s3+$0x13080] =	vst.msk vm0, v8;
	v8 =	vmpcnt.ones.xlane vm0  }
0x92: {  	[tilespmem:s3+$0x13700] =	vst.msk vm0, v9  }
0x93: {  	v9 =	vld [tilespmem:s9+$0xFFFFFFF0];
	(v2sf) =	vpush v8, $0x0;
	_ =	sdelay $0x4  }
0x94: {  	vm0 =	vge.s32 v9, v0;
	vm1 =	vlt.s32 v9, v2  }
0x95: {  	vm0 =	vmand vm0, vm1  }
0x96: {  	v8 =	vmpcnt.ones.xlane vm0;
	_ =	sdelay $0x1  }
0x97: {  	(v2sf) =	vpush v8, $0x0;
	_ =	sdelay $0x5  }
0x98: {  	s8 =	spop (v2sf)  }
0x99: {  	s3 =	sadd.s32 s3, s8;
	s8 =	sadd.s32 $0xFFFFFFC0, s0  }
0x9a: {  	v8 =	vor.u32 s8, v1;
	[tilespmem:s3+$0x13080] =	vst.msk vm0, v9  }
0x9b: {  	[tilespmem:s3+$0x13700] =	vst.msk vm0, v8  }
0x9c: {  	v8 =	vld [tilespmem:s9+$0x0];
	_ =	sdelay $0x4  }
0x9d: {  	vm0 =	vge.s32 v8, v0;
	vm1 =	vlt.s32 v8, v2;
	s8 =	spop (v2sf)  }
0x9e: {  	s3 =	sadd.s32 s3, s8;
	s8 =	sadd.s32 $0xFFFFFFD0, s0;
	vm0 =	vmand vm0, vm1  }
0x9f: {  	v9 =	vor.u32 s8, v1;
	[tilespmem:s3+$0x13080] =	vst.msk vm0, v8;
	v8 =	vmpcnt.ones.xlane vm0  }
0xa0: {  	[tilespmem:s3+$0x13700] =	vst.msk vm0, v9  }
0xa1: {  	v9 =	vld [tilespmem:s9+$0x10];
	(v2sf) =	vpush v8, $0x0;
	_ =	sdelay $0x4  }
0xa2: {  	vm0 =	vge.s32 v9, v0;
	vm1 =	vlt.s32 v9, v2  }
0xa3: {  	vm0 =	vmand vm0, vm1  }
0xa4: {  	v8 =	vmpcnt.ones.xlane vm0;
	_ =	sdelay $0x1  }
0xa5: {  	(v2sf) =	vpush v8, $0x0;
	_ =	sdelay $0x5  }
0xa6: {  	s8 =	spop (v2sf)  }
0xa7: {  	s3 =	sadd.s32 s3, s8;
	s8 =	sadd.s32 $0xFFFFFFE0, s0  }
0xa8: {  	v8 =	vor.u32 s8, v1;
	[tilespmem:s3+$0x13080] =	vst.msk vm0, v9  }
0xa9: {  	[tilespmem:s3+$0x13700] =	vst.msk vm0, v8  }
0xaa: {  	v8 =	vld [tilespmem:s9+$0x20];
	_ =	sdelay $0x4  }
0xab: {  	vm0 =	vge.s32 v8, v0;
	vm1 =	vlt.s32 v8, v2;
	s8 =	spop (v2sf)  }
0xac: {  	s3 =	sadd.s32 s3, s8;
	s8 =	sadd.s32 $0xFFFFFFF0, s0;
	vm0 =	vmand vm0, vm1  }
0xad: {  	v9 =	vor.u32 s8, v1;
	[tilespmem:s3+$0x13080] =	vst.msk vm0, v8;
	v8 =	vmpcnt.ones.xlane vm0  }
0xae: {  	[tilespmem:s3+$0x13700] =	vst.msk vm0, v9  }
0xaf: {  	v9 =	vld [tilespmem:s9+$0x30];
	(v2sf) =	vpush v8, $0x0;
	_ =	sdelay $0x4  }
0xb0: {  	vm0 =	vge.s32 v9, v0;
	vm1 =	vlt.s32 v9, v2  }
0xb1: {  	vm0 =	vmand vm0, vm1  }
0xb2: {  	v8 =	vmpcnt.ones.xlane vm0;
	_ =	sdelay $0x1  }
0xb3: {  	(v2sf) =	vpush v8, $0x0;
	_ =	sdelay $0x5  }
0xb4: {  	s8 =	spop (v2sf)  }
0xb5: {  	s3 =	sadd.s32 s3, s8  }
0xb6: {  	v8 =	vor.u32 s0, v1;
	[tilespmem:s3+$0x13080] =	vst.msk vm0, v9  }
0xb7: {  	s9 =	sadd.s32 $0x80, s9;
	[tilespmem:s3+$0x13700] =	vst.msk vm0, v8  }
0xb8: {  	v8 =	vld [tilespmem:s9+$0xFFFFFFC0]  }
.Ltmp4:
0xb9: {  	(pc) =	sbr.rel @p2 .LBB2_34-.Ltmp4, $2  }
0xba: {  	_ =	sdelay $0x2  }
0xbb: {  	s0 =	sadd.s32 $0x80, s0;
	vm0 =	vge.s32 v8, v0;
	vm1 =	vlt.s32 v8, v2;
	s8 =	spop (v2sf)  }
0xbc: {  	s2 =	sadd.s32 $0xFFFFFF90, s0;
	vm0 =	vmand vm0, vm1;
	s3 =	sadd.s32 s3, s8  }
0xbd: {  	v9 =	vor.u32 s2, v1;
	[tilespmem:s3+$0x13080] =	vst.msk vm0, v8;
	v8 =	vmpcnt.ones.xlane vm0  }
0xbe: {  	[tilespmem:s3+$0x13700] =	vst.msk vm0, v9  }
0xbf: {  	v9 =	vld [tilespmem:s9+$0xFFFFFFD0];
	(v2sf) =	vpush v8, $0x0;
	_ =	sdelay $0x4  }
0xc0: {  	vm0 =	vge.s32 v9, v0;
	vm1 =	vlt.s32 v9, v2  }
0xc1: {  	vm0 =	vmand vm0, vm1  }
0xc2: {  	v8 =	vmpcnt.ones.xlane vm0;
	_ =	sdelay $0x1  }
0xc3: {  	(v2sf) =	vpush v8, $0x0;
	_ =	sdelay $0x5  }
0xc4: {  	s13 =	spop (v2sf)  }
0xc5: {  	s23 =	sadd.s32 $0xFFFFFFA0, s0;
	s2 =	sadd.s32 s3, s13  }
0xc6: {  	v8 =	vor.u32 s23, v1;
	[tilespmem:s2+$0x13080] =	vst.msk vm0, v9  }
0xc7: {  	[tilespmem:s2+$0x13700] =	vst.msk vm0, v8  }
0xc8: {  	v8 =	vld [tilespmem:s9+$0xFFFFFFE0];
	_ =	sdelay $0x4  }
0xc9: {  	vm0 =	vge.s32 v8, v0;
	vm1 =	vlt.s32 v8, v2;
	s25 =	spop (v2sf)  }
0xca: {  	s26 =	sadd.s32 $0xFFFFFFB0, s0;
	s2 =	sadd.s32 s2, s25;
	vm0 =	vmand vm0, vm1  }
0xcb: {  	v9 =	vor.u32 s26, v1;
	[tilespmem:s2+$0x13080] =	vst.msk vm0, v8;
	v8 =	vmpcnt.ones.xlane vm0  }
0xcc: {  	[tilespmem:s2+$0x13700] =	vst.msk vm0, v9  }
0xcd: {  	v9 =	vld [tilespmem:s9+$0xFFFFFFF0];
	(v2sf) =	vpush v8, $0x0;
	_ =	sdelay $0x4  }
0xce: {  	vm0 =	vge.s32 v9, v0;
	vm1 =	vlt.s32 v9, v2  }
0xcf: {  	vm0 =	vmand vm0, vm1  }
0xd0: {  	v8 =	vmpcnt.ones.xlane vm0;
	_ =	sdelay $0x1  }
0xd1: {  	(v2sf) =	vpush v8, $0x0;
	_ =	sdelay $0x5  }
0xd2: {  	s28 =	spop (v2sf)  }
0xd3: {  	s29 =	sadd.s32 $0xFFFFFFC0, s0;
	s2 =	sadd.s32 s2, s28  }
0xd4: {  	v8 =	vor.u32 s29, v1;
	[tilespmem:s2+$0x13080] =	vst.msk vm0, v9  }
0xd5: {  	[tilespmem:s2+$0x13700] =	vst.msk vm0, v8  }
0xd6: {  	v8 =	vld [tilespmem:s9+$0x0];
	_ =	sdelay $0x4  }
0xd7: {  	vm0 =	vge.s32 v8, v0;
	vm1 =	vlt.s32 v8, v2;
	s8 =	spop (v2sf)  }
0xd8: {  	s13 =	sadd.s32 $0xFFFFFFD0, s0;
	s2 =	sadd.s32 s2, s8;
	vm0 =	vmand vm0, vm1  }
0xd9: {  	v9 =	vor.u32 s13, v1;
	[tilespmem:s2+$0x13080] =	vst.msk vm0, v8;
	v8 =	vmpcnt.ones.xlane vm0  }
0xda: {  	[tilespmem:s2+$0x13700] =	vst.msk vm0, v9  }
0xdb: {  	v9 =	vld [tilespmem:s9+$0x10];
	(v2sf) =	vpush v8, $0x0;
	_ =	sdelay $0x4  }
0xdc: {  	vm0 =	vge.s32 v9, v0;
	vm1 =	vlt.s32 v9, v2  }
0xdd: {  	vm0 =	vmand vm0, vm1  }
0xde: {  	v8 =	vmpcnt.ones.xlane vm0;
	_ =	sdelay $0x1  }
0xdf: {  	(v2sf) =	vpush v8, $0x0;
	_ =	sdelay $0x5  }
0xe0: {  	s23 =	spop (v2sf)  }
0xe1: {  	s25 =	sadd.s32 $0xFFFFFFE0, s0;
	s2 =	sadd.s32 s2, s23  }
0xe2: {  	v8 =	vor.u32 s25, v1;
	[tilespmem:s2+$0x13080] =	vst.msk vm0, v9  }
0xe3: {  	[tilespmem:s2+$0x13700] =	vst.msk vm0, v8  }
0xe4: {  	v8 =	vld [tilespmem:s9+$0x20];
	_ =	sdelay $0x4  }
0xe5: {  	vm0 =	vge.s32 v8, v0;
	vm1 =	vlt.s32 v8, v2;
	s26 =	spop (v2sf)  }
0xe6: {  	s28 =	sadd.s32 $0xFFFFFFF0, s0;
	s2 =	sadd.s32 s2, s26;
	vm0 =	vmand vm0, vm1  }
0xe7: {  	v9 =	vor.u32 s28, v1;
	[tilespmem:s2+$0x13080] =	vst.msk vm0, v8  }
0xe8: {  	[tilespmem:s2+$0x13700] =	vst.msk vm0, v9  }
0xe9: {  	v8 =	vld [tilespmem:s9+$0x30];
	_ =	sdelay $0x1  }
0xea: {  	v9 =	vmpcnt.ones.xlane vm0;
	_ =	sdelay $0x1  }
0xeb: {  	(v2sf) =	vpush v9, $0x0  }
0xec: {  	vm0 =	vge.s32 v8, v0;
	vm1 =	vlt.s32 v8, v2  }
0xed: {  	vm0 =	vmand vm0, vm1  }
0xee: {  	v9 =	vmpcnt.ones.xlane vm0;
	_ =	sdelay $0x1  }
0xef: {  	(v2sf) =	vpush v9, $0x0;
	_ =	sdelay $0x9  }
0xf0: {  	s29 =	spop (v2sf)  }
0xf1: {  	s2 =	sadd.s32 s2, s29  }
0xf2: {  	v9 =	vor.u32 s0, v1;
	[tilespmem:s2+$0x13080] =	vst.msk vm0, v8  }
0xf3: {  	[tilespmem:s2+$0x13700] =	vst.msk vm0, v9  }
0xf4: {  	[tilespmem:s10], [sflag:$0x3] =	stream.linear.gather [hbm4b:s18+s10], $0x1000, $0x38;
	[tilespmem:$0x17F80] =	vst v63  }
0xf5: {  	s8 =	spop (v2sf)  }
0xf6: {  	_ =	swait.ge [sflag:s24], $0x1000  }
0xf7: {  	[sflag:s24] =	ssyncset.done $0x0  }
0xf8: {  	s0 =	simm.s32 $0x40;
	[sflag:s24] =	ssyncadd.s32 $0xFFFFF000  }
0xf9: {  	v8 =	vld [tilespmem:s0+$0xFFFFFFC0];
	_ =	sdelay $0x4  }
0xfa: {  	vm0 =	vge.s32 v8, v0;
	vm1 =	vlt.s32 v8, v2  }
0xfb: {  	s9 =	simm.s32 $0x1000;
	s2 =	sadd.s32 s2, s8;
	vm0 =	vmand vm0, vm1  }
0xfc: {  	v9 =	vor.u32 s9, v1;
	[tilespmem:s2+$0x13080] =	vst.msk vm0, v8;
	v8 =	vmpcnt.ones.xlane vm0  }
0xfd: {  	[tilespmem:s2+$0x13700] =	vst.msk vm0, v9  }
0xfe: {  	v9 =	vld [tilespmem:s0+$0xFFFFFFD0];
	(v2sf) =	vpush v8, $0x0;
	_ =	sdelay $0x4  }
0xff: {  	vm0 =	vge.s32 v9, v0;
	vm1 =	vlt.s32 v9, v2  }
0x100: {  	vm0 =	vmand vm0, vm1  }
0x101: {  	v8 =	vmpcnt.ones.xlane vm0;
	_ =	sdelay $0x1  }
0x102: {  	(v2sf) =	vpush v8, $0x0;
	_ =	sdelay $0x5  }
0x103: {  	s13 =	spop (v2sf)  }
0x104: {  	s23 =	simm.s32 $0x1010;
	s2 =	sadd.s32 s2, s13  }
0x105: {  	v8 =	vor.u32 s23, v1;
	[tilespmem:s2+$0x13080] =	vst.msk vm0, v9  }
0x106: {  	[tilespmem:s2+$0x13700] =	vst.msk vm0, v8  }
0x107: {  	v8 =	vld [tilespmem:s0+$0xFFFFFFE0];
	_ =	sdelay $0x4  }
0x108: {  	vm0 =	vge.s32 v8, v0;
	vm1 =	vlt.s32 v8, v2;
	s25 =	spop (v2sf)  }
0x109: {  	s26 =	simm.s32 $0x1020;
	s2 =	sadd.s32 s2, s25;
	vm0 =	vmand vm0, vm1  }
0x10a: {  	v9 =	vor.u32 s26, v1;
	[tilespmem:s2+$0x13080] =	vst.msk vm0, v8;
	v8 =	vmpcnt.ones.xlane vm0  }
0x10b: {  	[tilespmem:s2+$0x13700] =	vst.msk vm0, v9  }
0x10c: {  	v9 =	vld [tilespmem:s0+$0xFFFFFFF0];
	(v2sf) =	vpush v8, $0x0;
	_ =	sdelay $0x4  }
0x10d: {  	vm0 =	vge.s32 v9, v0;
	vm1 =	vlt.s32 v9, v2  }
0x10e: {  	vm0 =	vmand vm0, vm1  }
0x10f: {  	v8 =	vmpcnt.ones.xlane vm0;
	_ =	sdelay $0x1  }
0x110: {  	(v2sf) =	vpush v8, $0x0;
	_ =	sdelay $0x5  }
0x111: {  	s28 =	spop (v2sf)  }
0x112: {  	s29 =	simm.s32 $0x1030;
	s2 =	sadd.s32 s2, s28  }
0x113: {  	v8 =	vor.u32 s29, v1;
	[tilespmem:s2+$0x13080] =	vst.msk vm0, v9  }
0x114: {  	[tilespmem:s2+$0x13700] =	vst.msk vm0, v8  }
0x115: {  	v8 =	vld [tilespmem:s0+$0x0];
	_ =	sdelay $0x4  }
0x116: {  	vm0 =	vge.s32 v8, v0;
	vm1 =	vlt.s32 v8, v2;
	s8 =	spop (v2sf)  }
0x117: {  	s9 =	simm.s32 $0x1040;
	s2 =	sadd.s32 s2, s8;
	vm0 =	vmand vm0, vm1  }
0x118: {  	v9 =	vor.u32 s9, v1;
	[tilespmem:s2+$0x13080] =	vst.msk vm0, v8;
	v8 =	vmpcnt.ones.xlane vm0  }
0x119: {  	[tilespmem:s2+$0x13700] =	vst.msk vm0, v9  }
0x11a: {  	v9 =	vld [tilespmem:s0+$0x10];
	(v2sf) =	vpush v8, $0x0;
	_ =	sdelay $0x4  }
0x11b: {  	vm0 =	vge.s32 v9, v0;
	vm1 =	vlt.s32 v9, v2  }
0x11c: {  	vm0 =	vmand vm0, vm1  }
0x11d: {  	v8 =	vmpcnt.ones.xlane vm0;
	_ =	sdelay $0x1  }
0x11e: {  	(v2sf) =	vpush v8, $0x0;
	_ =	sdelay $0x5  }
0x11f: {  	s13 =	spop (v2sf)  }
0x120: {  	s23 =	simm.s32 $0x1050;
	s2 =	sadd.s32 s2, s13  }
0x121: {  	v8 =	vor.u32 s23, v1;
	[tilespmem:s2+$0x13080] =	vst.msk vm0, v9  }
0x122: {  	[tilespmem:s2+$0x13700] =	vst.msk vm0, v8  }
0x123: {  	v8 =	vld [tilespmem:s0+$0x20];
	_ =	sdelay $0x4  }
0x124: {  	vm0 =	vge.s32 v8, v0;
	vm1 =	vlt.s32 v8, v2;
	s25 =	spop (v2sf)  }
0x125: {  	s26 =	simm.s32 $0x1060;
	s2 =	sadd.s32 s2, s25;
	vm0 =	vmand vm0, vm1  }
0x126: {  	v9 =	vor.u32 s26, v1;
	[tilespmem:s2+$0x13080] =	vst.msk vm0, v8;
	v8 =	vmpcnt.ones.xlane vm0  }
0x127: {  	[tilespmem:s2+$0x13700] =	vst.msk vm0, v9  }
0x128: {  	v9 =	vld [tilespmem:s0+$0x30];
	(v2sf) =	vpush v8, $0x0;
	_ =	sdelay $0x4  }
0x129: {  	vm0 =	vge.s32 v9, v0;
	vm1 =	vlt.s32 v9, v2  }
0x12a: {  	vm0 =	vmand vm0, vm1  }
0x12b: {  	v8 =	vmpcnt.ones.xlane vm0;
	_ =	sdelay $0x1  }
0x12c: {  	(v2sf) =	vpush v8, $0x0;
	_ =	sdelay $0x5  }
0x12d: {  	s28 =	spop (v2sf)  }
0x12e: {  	s29 =	simm.s32 $0x1070;
	s3 =	sadd.s32 s2, s28  }
0x12f: {  	v8 =	vor.u32 s29, v1;
	[tilespmem:s3+$0x13080] =	vst.msk vm0, v9  }
0x130: {  	s9 =	simm.s32 $0xC0;
	[tilespmem:s3+$0x13700] =	vst.msk vm0, v8  }
0x131: {  	v8 =	vld [tilespmem:s9+$0xFFFFFFC0];
	_ =	sdelay $0x4  }
0x132: {  	s0 =	simm.s32 $0x10F0;
	s2 =	simm.s32 $0x8;
	vm0 =	vge.s32 v8, v0;
	vm1 =	vlt.s32 v8, v2;
	s8 =	spop (v2sf)  }
.LBB2_36:
0x133: {  	s2 =	sadd.s32 $0x8, s2;
	s13 =	sadd.s32 $0xFFFFFF90, s0;
	vm0 =	vmand vm0, vm1;
	s3 =	sadd.s32 s3, s8  }
0x134: {  	p2 =	slt.u32 s2, $0xF8;
	v9 =	vor.u32 s13, v1;
	[tilespmem:s3+$0x13080] =	vst.msk vm0, v8;
	v8 =	vmpcnt.ones.xlane vm0  }
0x135: {  	[tilespmem:s3+$0x13700] =	vst.msk vm0, v9  }
0x136: {  	v9 =	vld [tilespmem:s9+$0xFFFFFFD0];
	(v2sf) =	vpush v8, $0x0;
	_ =	sdelay $0x4  }
0x137: {  	vm0 =	vge.s32 v9, v0;
	vm1 =	vlt.s32 v9, v2  }
0x138: {  	vm0 =	vmand vm0, vm1  }
0x139: {  	v8 =	vmpcnt.ones.xlane vm0;
	_ =	sdelay $0x1  }
0x13a: {  	(v2sf) =	vpush v8, $0x0;
	_ =	sdelay $0x5  }
0x13b: {  	s8 =	spop (v2sf)  }
0x13c: {  	s3 =	sadd.s32 s3, s8;
	s8 =	sadd.s32 $0xFFFFFFA0, s0  }
0x13d: {  	v8 =	vor.u32 s8, v1;
	[tilespmem:s3+$0x13080] =	vst.msk vm0, v9  }
0x13e: {  	[tilespmem:s3+$0x13700] =	vst.msk vm0, v8  }
0x13f: {  	v8 =	vld [tilespmem:s9+$0xFFFFFFE0];
	_ =	sdelay $0x4  }
0x140: {  	vm0 =	vge.s32 v8, v0;
	vm1 =	vlt.s32 v8, v2;
	s8 =	spop (v2sf)  }
0x141: {  	s3 =	sadd.s32 s3, s8;
	s8 =	sadd.s32 $0xFFFFFFB0, s0;
	vm0 =	vmand vm0, vm1  }
0x142: {  	v9 =	vor.u32 s8, v1;
	[tilespmem:s3+$0x13080] =	vst.msk vm0, v8;
	v8 =	vmpcnt.ones.xlane vm0  }
0x143: {  	[tilespmem:s3+$0x13700] =	vst.msk vm0, v9  }
0x144: {  	v9 =	vld [tilespmem:s9+$0xFFFFFFF0];
	(v2sf) =	vpush v8, $0x0;
	_ =	sdelay $0x4  }
0x145: {  	vm0 =	vge.s32 v9, v0;
	vm1 =	vlt.s32 v9, v2  }
0x146: {  	vm0 =	vmand vm0, vm1  }
0x147: {  	v8 =	vmpcnt.ones.xlane vm0;
	_ =	sdelay $0x1  }
0x148: {  	(v2sf) =	vpush v8, $0x0;
	_ =	sdelay $0x5  }
0x149: {  	s8 =	spop (v2sf)  }
0x14a: {  	s3 =	sadd.s32 s3, s8;
	s8 =	sadd.s32 $0xFFFFFFC0, s0  }
0x14b: {  	v8 =	vor.u32 s8, v1;
	[tilespmem:s3+$0x13080] =	vst.msk vm0, v9  }
0x14c: {  	[tilespmem:s3+$0x13700] =	vst.msk vm0, v8  }
0x14d: {  	v8 =	vld [tilespmem:s9+$0x0];
	_ =	sdelay $0x4  }
0x14e: {  	vm0 =	vge.s32 v8, v0;
	vm1 =	vlt.s32 v8, v2;
	s8 =	spop (v2sf)  }
0x14f: {  	s3 =	sadd.s32 s3, s8;
	s8 =	sadd.s32 $0xFFFFFFD0, s0;
	vm0 =	vmand vm0, vm1  }
0x150: {  	v9 =	vor.u32 s8, v1;
	[tilespmem:s3+$0x13080] =	vst.msk vm0, v8;
	v8 =	vmpcnt.ones.xlane vm0  }
0x151: {  	[tilespmem:s3+$0x13700] =	vst.msk vm0, v9  }
0x152: {  	v9 =	vld [tilespmem:s9+$0x10];
	(v2sf) =	vpush v8, $0x0;
	_ =	sdelay $0x4  }
0x153: {  	vm0 =	vge.s32 v9, v0;
	vm1 =	vlt.s32 v9, v2  }
0x154: {  	vm0 =	vmand vm0, vm1  }
0x155: {  	v8 =	vmpcnt.ones.xlane vm0;
	_ =	sdelay $0x1  }
0x156: {  	(v2sf) =	vpush v8, $0x0;
	_ =	sdelay $0x5  }
0x157: {  	s8 =	spop (v2sf)  }
0x158: {  	s3 =	sadd.s32 s3, s8;
	s8 =	sadd.s32 $0xFFFFFFE0, s0  }
0x159: {  	v8 =	vor.u32 s8, v1;
	[tilespmem:s3+$0x13080] =	vst.msk vm0, v9  }
0x15a: {  	[tilespmem:s3+$0x13700] =	vst.msk vm0, v8  }
0x15b: {  	v8 =	vld [tilespmem:s9+$0x20];
	_ =	sdelay $0x4  }
0x15c: {  	vm0 =	vge.s32 v8, v0;
	vm1 =	vlt.s32 v8, v2;
	s8 =	spop (v2sf)  }
0x15d: {  	s3 =	sadd.s32 s3, s8;
	s8 =	sadd.s32 $0xFFFFFFF0, s0;
	vm0 =	vmand vm0, vm1  }
0x15e: {  	v9 =	vor.u32 s8, v1;
	[tilespmem:s3+$0x13080] =	vst.msk vm0, v8;
	v8 =	vmpcnt.ones.xlane vm0  }
0x15f: {  	[tilespmem:s3+$0x13700] =	vst.msk vm0, v9  }
0x160: {  	v9 =	vld [tilespmem:s9+$0x30];
	(v2sf) =	vpush v8, $0x0;
	_ =	sdelay $0x4  }
0x161: {  	vm0 =	vge.s32 v9, v0;
	vm1 =	vlt.s32 v9, v2  }
0x162: {  	vm0 =	vmand vm0, vm1  }
0x163: {  	v8 =	vmpcnt.ones.xlane vm0;
	_ =	sdelay $0x1  }
0x164: {  	(v2sf) =	vpush v8, $0x0;
	_ =	sdelay $0x5  }
0x165: {  	s8 =	spop (v2sf)  }
0x166: {  	s3 =	sadd.s32 s3, s8  }
0x167: {  	v8 =	vor.u32 s0, v1;
	[tilespmem:s3+$0x13080] =	vst.msk vm0, v9  }
0x168: {  	s9 =	sadd.s32 $0x80, s9;
	[tilespmem:s3+$0x13700] =	vst.msk vm0, v8  }
0x169: {  	v8 =	vld [tilespmem:s9+$0xFFFFFFC0]  }
.Ltmp5:
0x16a: {  	(pc) =	sbr.rel @p2 .LBB2_36-.Ltmp5, $2  }
0x16b: {  	_ =	sdelay $0x2  }
0x16c: {  	s0 =	sadd.s32 $0x80, s0;
	vm0 =	vge.s32 v8, v0;
	vm1 =	vlt.s32 v8, v2;
	s8 =	spop (v2sf)  }
0x16d: {  	s2 =	sadd.s32 $0xFFFFFF90, s0;
	vm0 =	vmand vm0, vm1;
	s3 =	sadd.s32 s3, s8  }
0x16e: {  	v9 =	vor.u32 s2, v1;
	[tilespmem:s3+$0x13080] =	vst.msk vm0, v8;
	v8 =	vmpcnt.ones.xlane vm0  }
0x16f: {  	[tilespmem:s3+$0x13700] =	vst.msk vm0, v9  }
0x170: {  	v9 =	vld [tilespmem:s9+$0xFFFFFFD0];
	(v2sf) =	vpush v8, $0x0;
	_ =	sdelay $0x4  }
0x171: {  	vm0 =	vge.s32 v9, v0;
	vm1 =	vlt.s32 v9, v2  }
0x172: {  	vm0 =	vmand vm0, vm1  }
0x173: {  	v8 =	vmpcnt.ones.xlane vm0;
	_ =	sdelay $0x1  }
0x174: {  	(v2sf) =	vpush v8, $0x0;
	_ =	sdelay $0x5  }
0x175: {  	s13 =	spop (v2sf)  }
0x176: {  	s23 =	sadd.s32 $0xFFFFFFA0, s0;
	s2 =	sadd.s32 s3, s13  }
0x177: {  	v8 =	vor.u32 s23, v1;
	[tilespmem:s2+$0x13080] =	vst.msk vm0, v9  }
0x178: {  	[tilespmem:s2+$0x13700] =	vst.msk vm0, v8  }
0x179: {  	v8 =	vld [tilespmem:s9+$0xFFFFFFE0];
	_ =	sdelay $0x4  }
0x17a: {  	vm0 =	vge.s32 v8, v0;
	vm1 =	vlt.s32 v8, v2;
	s25 =	spop (v2sf)  }
0x17b: {  	s26 =	sadd.s32 $0xFFFFFFB0, s0;
	s2 =	sadd.s32 s2, s25;
	vm0 =	vmand vm0, vm1  }
0x17c: {  	v9 =	vor.u32 s26, v1;
	[tilespmem:s2+$0x13080] =	vst.msk vm0, v8;
	v8 =	vmpcnt.ones.xlane vm0  }
0x17d: {  	[tilespmem:s2+$0x13700] =	vst.msk vm0, v9  }
0x17e: {  	v9 =	vld [tilespmem:s9+$0xFFFFFFF0];
	(v2sf) =	vpush v8, $0x0;
	_ =	sdelay $0x4  }
0x17f: {  	vm0 =	vge.s32 v9, v0;
	vm1 =	vlt.s32 v9, v2  }
0x180: {  	vm0 =	vmand vm0, vm1  }
0x181: {  	v8 =	vmpcnt.ones.xlane vm0;
	_ =	sdelay $0x1  }
0x182: {  	(v2sf) =	vpush v8, $0x0;
	_ =	sdelay $0x5  }
0x183: {  	s28 =	spop (v2sf)  }
0x184: {  	s29 =	sadd.s32 $0xFFFFFFC0, s0;
	s2 =	sadd.s32 s2, s28  }
0x185: {  	v8 =	vor.u32 s29, v1;
	[tilespmem:s2+$0x13080] =	vst.msk vm0, v9  }
0x186: {  	[tilespmem:s2+$0x13700] =	vst.msk vm0, v8  }
0x187: {  	v8 =	vld [tilespmem:s9+$0x0];
	_ =	sdelay $0x4  }
0x188: {  	vm0 =	vge.s32 v8, v0;
	vm1 =	vlt.s32 v8, v2;
	s8 =	spop (v2sf)  }
0x189: {  	s13 =	sadd.s32 $0xFFFFFFD0, s0;
	s2 =	sadd.s32 s2, s8;
	vm0 =	vmand vm0, vm1  }
0x18a: {  	v9 =	vor.u32 s13, v1;
	[tilespmem:s2+$0x13080] =	vst.msk vm0, v8;
	v8 =	vmpcnt.ones.xlane vm0  }
0x18b: {  	[tilespmem:s2+$0x13700] =	vst.msk vm0, v9  }
0x18c: {  	v9 =	vld [tilespmem:s9+$0x10];
	(v2sf) =	vpush v8, $0x0;
	_ =	sdelay $0x4  }
0x18d: {  	vm0 =	vge.s32 v9, v0;
	vm1 =	vlt.s32 v9, v2  }
0x18e: {  	vm0 =	vmand vm0, vm1  }
0x18f: {  	v8 =	vmpcnt.ones.xlane vm0;
	_ =	sdelay $0x1  }
0x190: {  	(v2sf) =	vpush v8, $0x0;
	_ =	sdelay $0x5  }
0x191: {  	s23 =	spop (v2sf)  }
0x192: {  	s25 =	sadd.s32 $0xFFFFFFE0, s0;
	s2 =	sadd.s32 s2, s23  }
0x193: {  	v8 =	vor.u32 s25, v1;
	[tilespmem:s2+$0x13080] =	vst.msk vm0, v9  }
0x194: {  	[tilespmem:s2+$0x13700] =	vst.msk vm0, v8  }
0x195: {  	v8 =	vld [tilespmem:s9+$0x20];
	_ =	sdelay $0x4  }
0x196: {  	vm0 =	vge.s32 v8, v0;
	vm1 =	vlt.s32 v8, v2;
	s26 =	spop (v2sf)  }
0x197: {  	s28 =	sadd.s32 $0xFFFFFFF0, s0;
	s2 =	sadd.s32 s2, s26;
	vm0 =	vmand vm0, vm1  }
0x198: {  	v9 =	vor.u32 s28, v1;
	[tilespmem:s2+$0x13080] =	vst.msk vm0, v8  }
0x199: {  	[tilespmem:s2+$0x13700] =	vst.msk vm0, v9  }
0x19a: {  	v8 =	vld [tilespmem:s9+$0x30];
	_ =	sdelay $0x1  }
0x19b: {  	v9 =	vmpcnt.ones.xlane vm0;
	_ =	sdelay $0x1  }
0x19c: {  	(v2sf) =	vpush v9, $0x0  }
0x19d: {  	vm0 =	vge.s32 v8, v0;
	vm1 =	vlt.s32 v8, v2  }
0x19e: {  	vm0 =	vmand vm0, vm1  }
0x19f: {  	v9 =	vmpcnt.ones.xlane vm0;
	_ =	sdelay $0x1  }
0x1a0: {  	(v2sf) =	vpush v9, $0x0;
	_ =	sdelay $0x9  }
0x1a1: {  	s29 =	spop (v2sf)  }
0x1a2: {  	s2 =	sadd.s32 s2, s29  }
0x1a3: {  	v9 =	vor.u32 s0, v1;
	[tilespmem:s2+$0x13080] =	vst.msk vm0, v8  }
0x1a4: {  	[tilespmem:s2+$0x13700] =	vst.msk vm0, v9  }
0x1a5: {  	[tilespmem:s10], [sflag:$0x3] =	stream.linear.gather [hbm4b:s19+s10], $0x1000, $0x38;
	[tilespmem:$0x17F80] =	vst v63  }
0x1a6: {  	s8 =	spop (v2sf)  }
0x1a7: {  	_ =	swait.ge [sflag:s24], $0x1000  }
0x1a8: {  	[sflag:s24] =	ssyncset.done $0x0  }
0x1a9: {  	s0 =	simm.s32 $0x40;
	[sflag:s24] =	ssyncadd.s32 $0xFFFFF000  }
0x1aa: {  	v8 =	vld [tilespmem:s0+$0xFFFFFFC0];
	_ =	sdelay $0x4  }
0x1ab: {  	vm0 =	vge.s32 v8, v0;
	vm1 =	vlt.s32 v8, v2  }
0x1ac: {  	s9 =	simm.s32 $0x2000;
	s2 =	sadd.s32 s2, s8;
	vm0 =	vmand vm0, vm1  }
0x1ad: {  	v9 =	vor.u32 s9, v1;
	[tilespmem:s2+$0x13080] =	vst.msk vm0, v8;
	v8 =	vmpcnt.ones.xlane vm0  }
0x1ae: {  	[tilespmem:s2+$0x13700] =	vst.msk vm0, v9  }
0x1af: {  	v9 =	vld [tilespmem:s0+$0xFFFFFFD0];
	(v2sf) =	vpush v8, $0x0;
	_ =	sdelay $0x4  }
0x1b0: {  	vm0 =	vge.s32 v9, v0;
	vm1 =	vlt.s32 v9, v2  }
0x1b1: {  	vm0 =	vmand vm0, vm1  }
0x1b2: {  	v8 =	vmpcnt.ones.xlane vm0;
	_ =	sdelay $0x1  }
0x1b3: {  	(v2sf) =	vpush v8, $0x0;
	_ =	sdelay $0x5  }
0x1b4: {  	s13 =	spop (v2sf)  }
0x1b5: {  	s23 =	simm.s32 $0x2010;
	s2 =	sadd.s32 s2, s13  }
0x1b6: {  	v8 =	vor.u32 s23, v1;
	[tilespmem:s2+$0x13080] =	vst.msk vm0, v9  }
0x1b7: {  	[tilespmem:s2+$0x13700] =	vst.msk vm0, v8  }
0x1b8: {  	v8 =	vld [tilespmem:s0+$0xFFFFFFE0];
	_ =	sdelay $0x4  }
0x1b9: {  	vm0 =	vge.s32 v8, v0;
	vm1 =	vlt.s32 v8, v2;
	s25 =	spop (v2sf)  }
0x1ba: {  	s26 =	simm.s32 $0x2020;
	s2 =	sadd.s32 s2, s25;
	vm0 =	vmand vm0, vm1  }
0x1bb: {  	v9 =	vor.u32 s26, v1;
	[tilespmem:s2+$0x13080] =	vst.msk vm0, v8;
	v8 =	vmpcnt.ones.xlane vm0  }
0x1bc: {  	[tilespmem:s2+$0x13700] =	vst.msk vm0, v9  }
0x1bd: {  	v9 =	vld [tilespmem:s0+$0xFFFFFFF0];
	(v2sf) =	vpush v8, $0x0;
	_ =	sdelay $0x4  }
0x1be: {  	vm0 =	vge.s32 v9, v0;
	vm1 =	vlt.s32 v9, v2  }
0x1bf: {  	vm0 =	vmand vm0, vm1  }
0x1c0: {  	v8 =	vmpcnt.ones.xlane vm0;
	_ =	sdelay $0x1  }
0x1c1: {  	(v2sf) =	vpush v8, $0x0;
	_ =	sdelay $0x5  }
0x1c2: {  	s28 =	spop (v2sf)  }
0x1c3: {  	s29 =	simm.s32 $0x2030;
	s2 =	sadd.s32 s2, s28  }
0x1c4: {  	v8 =	vor.u32 s29, v1;
	[tilespmem:s2+$0x13080] =	vst.msk vm0, v9  }
0x1c5: {  	[tilespmem:s2+$0x13700] =	vst.msk vm0, v8  }
0x1c6: {  	v8 =	vld [tilespmem:s0+$0x0];
	_ =	sdelay $0x4  }
0x1c7: {  	vm0 =	vge.s32 v8, v0;
	vm1 =	vlt.s32 v8, v2;
	s8 =	spop (v2sf)  }
0x1c8: {  	s9 =	simm.s32 $0x2040;
	s2 =	sadd.s32 s2, s8;
	vm0 =	vmand vm0, vm1  }
0x1c9: {  	v9 =	vor.u32 s9, v1;
	[tilespmem:s2+$0x13080] =	vst.msk vm0, v8;
	v8 =	vmpcnt.ones.xlane vm0  }
0x1ca: {  	[tilespmem:s2+$0x13700] =	vst.msk vm0, v9  }
0x1cb: {  	v9 =	vld [tilespmem:s0+$0x10];
	(v2sf) =	vpush v8, $0x0;
	_ =	sdelay $0x4  }
0x1cc: {  	vm0 =	vge.s32 v9, v0;
	vm1 =	vlt.s32 v9, v2  }
0x1cd: {  	vm0 =	vmand vm0, vm1  }
0x1ce: {  	v8 =	vmpcnt.ones.xlane vm0;
	_ =	sdelay $0x1  }
0x1cf: {  	(v2sf) =	vpush v8, $0x0;
	_ =	sdelay $0x5  }
0x1d0: {  	s13 =	spop (v2sf)  }
0x1d1: {  	s23 =	simm.s32 $0x2050;
	s2 =	sadd.s32 s2, s13  }
0x1d2: {  	v8 =	vor.u32 s23, v1;
	[tilespmem:s2+$0x13080] =	vst.msk vm0, v9  }
0x1d3: {  	[tilespmem:s2+$0x13700] =	vst.msk vm0, v8  }
0x1d4: {  	v8 =	vld [tilespmem:s0+$0x20];
	_ =	sdelay $0x4  }
0x1d5: {  	vm0 =	vge.s32 v8, v0;
	vm1 =	vlt.s32 v8, v2;
	s25 =	spop (v2sf)  }
0x1d6: {  	s26 =	simm.s32 $0x2060;
	s2 =	sadd.s32 s2, s25;
	vm0 =	vmand vm0, vm1  }
0x1d7: {  	v9 =	vor.u32 s26, v1;
	[tilespmem:s2+$0x13080] =	vst.msk vm0, v8;
	v8 =	vmpcnt.ones.xlane vm0  }
0x1d8: {  	[tilespmem:s2+$0x13700] =	vst.msk vm0, v9  }
0x1d9: {  	v9 =	vld [tilespmem:s0+$0x30];
	(v2sf) =	vpush v8, $0x0;
	_ =	sdelay $0x4  }
0x1da: {  	vm0 =	vge.s32 v9, v0;
	vm1 =	vlt.s32 v9, v2  }
0x1db: {  	vm0 =	vmand vm0, vm1  }
0x1dc: {  	v8 =	vmpcnt.ones.xlane vm0;
	_ =	sdelay $0x1  }
0x1dd: {  	(v2sf) =	vpush v8, $0x0;
	_ =	sdelay $0x5  }
0x1de: {  	s28 =	spop (v2sf)  }
0x1df: {  	s29 =	simm.s32 $0x2070;
	s3 =	sadd.s32 s2, s28  }
0x1e0: {  	v8 =	vor.u32 s29, v1;
	[tilespmem:s3+$0x13080] =	vst.msk vm0, v9  }
0x1e1: {  	s9 =	simm.s32 $0xC0;
	[tilespmem:s3+$0x13700] =	vst.msk vm0, v8  }
0x1e2: {  	v8 =	vld [tilespmem:s9+$0xFFFFFFC0];
	_ =	sdelay $0x4  }
0x1e3: {  	s0 =	simm.s32 $0x20F0;
	s2 =	simm.s32 $0x8;
	vm0 =	vge.s32 v8, v0;
	vm1 =	vlt.s32 v8, v2;
	s8 =	spop (v2sf)  }
.LBB2_38:
0x1e4: {  	s2 =	sadd.s32 $0x8, s2;
	s13 =	sadd.s32 $0xFFFFFF90, s0;
	vm0 =	vmand vm0, vm1;
	s3 =	sadd.s32 s3, s8  }
0x1e5: {  	p2 =	slt.u32 s2, $0xF8;
	v9 =	vor.u32 s13, v1;
	[tilespmem:s3+$0x13080] =	vst.msk vm0, v8;
	v8 =	vmpcnt.ones.xlane vm0  }
0x1e6: {  	[tilespmem:s3+$0x13700] =	vst.msk vm0, v9  }
0x1e7: {  	v9 =	vld [tilespmem:s9+$0xFFFFFFD0];
	(v2sf) =	vpush v8, $0x0;
	_ =	sdelay $0x4  }
0x1e8: {  	vm0 =	vge.s32 v9, v0;
	vm1 =	vlt.s32 v9, v2  }
0x1e9: {  	vm0 =	vmand vm0, vm1  }
0x1ea: {  	v8 =	vmpcnt.ones.xlane vm0;
	_ =	sdelay $0x1  }
0x1eb: {  	(v2sf) =	vpush v8, $0x0;
	_ =	sdelay $0x5  }
0x1ec: {  	s8 =	spop (v2sf)  }
0x1ed: {  	s3 =	sadd.s32 s3, s8;
	s8 =	sadd.s32 $0xFFFFFFA0, s0  }
0x1ee: {  	v8 =	vor.u32 s8, v1;
	[tilespmem:s3+$0x13080] =	vst.msk vm0, v9  }
0x1ef: {  	[tilespmem:s3+$0x13700] =	vst.msk vm0, v8  }
0x1f0: {  	v8 =	vld [tilespmem:s9+$0xFFFFFFE0];
	_ =	sdelay $0x4  }
0x1f1: {  	vm0 =	vge.s32 v8, v0;
	vm1 =	vlt.s32 v8, v2;
	s8 =	spop (v2sf)  }
0x1f2: {  	s3 =	sadd.s32 s3, s8;
	s8 =	sadd.s32 $0xFFFFFFB0, s0;
	vm0 =	vmand vm0, vm1  }
0x1f3: {  	v9 =	vor.u32 s8, v1;
	[tilespmem:s3+$0x13080] =	vst.msk vm0, v8;
	v8 =	vmpcnt.ones.xlane vm0  }
0x1f4: {  	[tilespmem:s3+$0x13700] =	vst.msk vm0, v9  }
0x1f5: {  	v9 =	vld [tilespmem:s9+$0xFFFFFFF0];
	(v2sf) =	vpush v8, $0x0;
	_ =	sdelay $0x4  }
0x1f6: {  	vm0 =	vge.s32 v9, v0;
	vm1 =	vlt.s32 v9, v2  }
0x1f7: {  	vm0 =	vmand vm0, vm1  }
0x1f8: {  	v8 =	vmpcnt.ones.xlane vm0;
	_ =	sdelay $0x1  }
0x1f9: {  	(v2sf) =	vpush v8, $0x0;
	_ =	sdelay $0x5  }
0x1fa: {  	s8 =	spop (v2sf)  }
0x1fb: {  	s3 =	sadd.s32 s3, s8;
	s8 =	sadd.s32 $0xFFFFFFC0, s0  }
0x1fc: {  	v8 =	vor.u32 s8, v1;
	[tilespmem:s3+$0x13080] =	vst.msk vm0, v9  }
0x1fd: {  	[tilespmem:s3+$0x13700] =	vst.msk vm0, v8  }
0x1fe: {  	v8 =	vld [tilespmem:s9+$0x0];
	_ =	sdelay $0x4  }
0x1ff: {  	vm0 =	vge.s32 v8, v0;
	vm1 =	vlt.s32 v8, v2;
	s8 =	spop (v2sf)  }
0x200: {  	s3 =	sadd.s32 s3, s8;
	s8 =	sadd.s32 $0xFFFFFFD0, s0;
	vm0 =	vmand vm0, vm1  }
0x201: {  	v9 =	vor.u32 s8, v1;
	[tilespmem:s3+$0x13080] =	vst.msk vm0, v8;
	v8 =	vmpcnt.ones.xlane vm0  }
0x202: {  	[tilespmem:s3+$0x13700] =	vst.msk vm0, v9  }
0x203: {  	v9 =	vld [tilespmem:s9+$0x10];
	(v2sf) =	vpush v8, $0x0;
	_ =	sdelay $0x4  }
0x204: {  	vm0 =	vge.s32 v9, v0;
	vm1 =	vlt.s32 v9, v2  }
0x205: {  	vm0 =	vmand vm0, vm1  }
0x206: {  	v8 =	vmpcnt.ones.xlane vm0;
	_ =	sdelay $0x1  }
0x207: {  	(v2sf) =	vpush v8, $0x0;
	_ =	sdelay $0x5  }
0x208: {  	s8 =	spop (v2sf)  }
0x209: {  	s3 =	sadd.s32 s3, s8;
	s8 =	sadd.s32 $0xFFFFFFE0, s0  }
0x20a: {  	v8 =	vor.u32 s8, v1;
	[tilespmem:s3+$0x13080] =	vst.msk vm0, v9  }
0x20b: {  	[tilespmem:s3+$0x13700] =	vst.msk vm0, v8  }
0x20c: {  	v8 =	vld [tilespmem:s9+$0x20];
	_ =	sdelay $0x4  }
0x20d: {  	vm0 =	vge.s32 v8, v0;
	vm1 =	vlt.s32 v8, v2;
	s8 =	spop (v2sf)  }
0x20e: {  	s3 =	sadd.s32 s3, s8;
	s8 =	sadd.s32 $0xFFFFFFF0, s0;
	vm0 =	vmand vm0, vm1  }
0x20f: {  	v9 =	vor.u32 s8, v1;
	[tilespmem:s3+$0x13080] =	vst.msk vm0, v8;
	v8 =	vmpcnt.ones.xlane vm0  }
0x210: {  	[tilespmem:s3+$0x13700] =	vst.msk vm0, v9  }
0x211: {  	v9 =	vld [tilespmem:s9+$0x30];
	(v2sf) =	vpush v8, $0x0;
	_ =	sdelay $0x4  }
0x212: {  	vm0 =	vge.s32 v9, v0;
	vm1 =	vlt.s32 v9, v2  }
0x213: {  	vm0 =	vmand vm0, vm1  }
0x214: {  	v8 =	vmpcnt.ones.xlane vm0;
	_ =	sdelay $0x1  }
0x215: {  	(v2sf) =	vpush v8, $0x0;
	_ =	sdelay $0x5  }
0x216: {  	s8 =	spop (v2sf)  }
0x217: {  	s3 =	sadd.s32 s3, s8  }
0x218: {  	v8 =	vor.u32 s0, v1;
	[tilespmem:s3+$0x13080] =	vst.msk vm0, v9  }
0x219: {  	s9 =	sadd.s32 $0x80, s9;
	[tilespmem:s3+$0x13700] =	vst.msk vm0, v8  }
0x21a: {  	v8 =	vld [tilespmem:s9+$0xFFFFFFC0]  }
.Ltmp6:
0x21b: {  	(pc) =	sbr.rel @p2 .LBB2_38-.Ltmp6, $2  }
0x21c: {  	_ =	sdelay $0x2  }
0x21d: {  	s0 =	sadd.s32 $0x80, s0;
	vm0 =	vge.s32 v8, v0;
	vm1 =	vlt.s32 v8, v2;
	s8 =	spop (v2sf)  }
0x21e: {  	s2 =	sadd.s32 $0xFFFFFF90, s0;
	vm0 =	vmand vm0, vm1;
	s3 =	sadd.s32 s3, s8  }
0x21f: {  	v9 =	vor.u32 s2, v1;
	[tilespmem:s3+$0x13080] =	vst.msk vm0, v8;
	v8 =	vmpcnt.ones.xlane vm0  }
0x220: {  	[tilespmem:s3+$0x13700] =	vst.msk vm0, v9  }
0x221: {  	v9 =	vld [tilespmem:s9+$0xFFFFFFD0];
	(v2sf) =	vpush v8, $0x0;
	_ =	sdelay $0x4  }
0x222: {  	vm0 =	vge.s32 v9, v0;
	vm1 =	vlt.s32 v9, v2  }
0x223: {  	vm0 =	vmand vm0, vm1  }
0x224: {  	v8 =	vmpcnt.ones.xlane vm0;
	_ =	sdelay $0x1  }
0x225: {  	(v2sf) =	vpush v8, $0x0;
	_ =	sdelay $0x5  }
0x226: {  	s13 =	spop (v2sf)  }
0x227: {  	s23 =	sadd.s32 $0xFFFFFFA0, s0;
	s2 =	sadd.s32 s3, s13  }
0x228: {  	v8 =	vor.u32 s23, v1;
	[tilespmem:s2+$0x13080] =	vst.msk vm0, v9  }
0x229: {  	[tilespmem:s2+$0x13700] =	vst.msk vm0, v8  }
0x22a: {  	v8 =	vld [tilespmem:s9+$0xFFFFFFE0];
	_ =	sdelay $0x4  }
0x22b: {  	vm0 =	vge.s32 v8, v0;
	vm1 =	vlt.s32 v8, v2;
	s25 =	spop (v2sf)  }
0x22c: {  	s26 =	sadd.s32 $0xFFFFFFB0, s0;
	s2 =	sadd.s32 s2, s25;
	vm0 =	vmand vm0, vm1  }
0x22d: {  	v9 =	vor.u32 s26, v1;
	[tilespmem:s2+$0x13080] =	vst.msk vm0, v8;
	v8 =	vmpcnt.ones.xlane vm0  }
0x22e: {  	[tilespmem:s2+$0x13700] =	vst.msk vm0, v9  }
0x22f: {  	v9 =	vld [tilespmem:s9+$0xFFFFFFF0];
	(v2sf) =	vpush v8, $0x0;
	_ =	sdelay $0x4  }
0x230: {  	vm0 =	vge.s32 v9, v0;
	vm1 =	vlt.s32 v9, v2  }
0x231: {  	vm0 =	vmand vm0, vm1  }
0x232: {  	v8 =	vmpcnt.ones.xlane vm0;
	_ =	sdelay $0x1  }
0x233: {  	(v2sf) =	vpush v8, $0x0;
	_ =	sdelay $0x5  }
0x234: {  	s28 =	spop (v2sf)  }
0x235: {  	s29 =	sadd.s32 $0xFFFFFFC0, s0;
	s2 =	sadd.s32 s2, s28  }
0x236: {  	v8 =	vor.u32 s29, v1;
	[tilespmem:s2+$0x13080] =	vst.msk vm0, v9  }
0x237: {  	[tilespmem:s2+$0x13700] =	vst.msk vm0, v8  }
0x238: {  	v8 =	vld [tilespmem:s9+$0x0];
	_ =	sdelay $0x4  }
0x239: {  	vm0 =	vge.s32 v8, v0;
	vm1 =	vlt.s32 v8, v2;
	s8 =	spop (v2sf)  }
0x23a: {  	s13 =	sadd.s32 $0xFFFFFFD0, s0;
	s2 =	sadd.s32 s2, s8;
	vm0 =	vmand vm0, vm1  }
0x23b: {  	v9 =	vor.u32 s13, v1;
	[tilespmem:s2+$0x13080] =	vst.msk vm0, v8;
	v8 =	vmpcnt.ones.xlane vm0  }
0x23c: {  	[tilespmem:s2+$0x13700] =	vst.msk vm0, v9  }
0x23d: {  	v9 =	vld [tilespmem:s9+$0x10];
	(v2sf) =	vpush v8, $0x0;
	_ =	sdelay $0x4  }
0x23e: {  	vm0 =	vge.s32 v9, v0;
	vm1 =	vlt.s32 v9, v2  }
0x23f: {  	vm0 =	vmand vm0, vm1  }
0x240: {  	v8 =	vmpcnt.ones.xlane vm0;
	_ =	sdelay $0x1  }
0x241: {  	(v2sf) =	vpush v8, $0x0;
	_ =	sdelay $0x5  }
0x242: {  	s23 =	spop (v2sf)  }
0x243: {  	s25 =	sadd.s32 $0xFFFFFFE0, s0;
	s2 =	sadd.s32 s2, s23  }
0x244: {  	v8 =	vor.u32 s25, v1;
	[tilespmem:s2+$0x13080] =	vst.msk vm0, v9  }
0x245: {  	[tilespmem:s2+$0x13700] =	vst.msk vm0, v8  }
0x246: {  	v8 =	vld [tilespmem:s9+$0x20];
	_ =	sdelay $0x4  }
0x247: {  	vm0 =	vge.s32 v8, v0;
	vm1 =	vlt.s32 v8, v2;
	s26 =	spop (v2sf)  }
0x248: {  	s28 =	sadd.s32 $0xFFFFFFF0, s0;
	s2 =	sadd.s32 s2, s26;
	vm0 =	vmand vm0, vm1  }
0x249: {  	v9 =	vor.u32 s28, v1;
	[tilespmem:s2+$0x13080] =	vst.msk vm0, v8  }
0x24a: {  	[tilespmem:s2+$0x13700] =	vst.msk vm0, v9  }
0x24b: {  	v8 =	vld [tilespmem:s9+$0x30];
	_ =	sdelay $0x1  }
0x24c: {  	v9 =	vmpcnt.ones.xlane vm0;
	_ =	sdelay $0x1  }
0x24d: {  	(v2sf) =	vpush v9, $0x0  }
0x24e: {  	vm0 =	vge.s32 v8, v0;
	vm1 =	vlt.s32 v8, v2  }
0x24f: {  	vm0 =	vmand vm0, vm1  }
0x250: {  	v9 =	vmpcnt.ones.xlane vm0;
	_ =	sdelay $0x1  }
0x251: {  	(v2sf) =	vpush v9, $0x0;
	_ =	sdelay $0x9  }
0x252: {  	s29 =	spop (v2sf)  }
0x253: {  	s2 =	sadd.s32 s2, s29  }
0x254: {  	v9 =	vor.u32 s0, v1;
	[tilespmem:s2+$0x13080] =	vst.msk vm0, v8  }
0x255: {  	[tilespmem:s2+$0x13700] =	vst.msk vm0, v9  }
0x256: {  	[tilespmem:s10], [sflag:$0x3] =	stream.linear.gather [hbm4b:s20+s10], $0x1000, $0x38;
	[tilespmem:$0x17F80] =	vst v63  }
0x257: {  	s8 =	spop (v2sf)  }
0x258: {  	_ =	swait.ge [sflag:s24], $0x1000  }
0x259: {  	[sflag:s24] =	ssyncset.done $0x0  }
0x25a: {  	s0 =	simm.s32 $0x40;
	[sflag:s24] =	ssyncadd.s32 $0xFFFFF000  }
0x25b: {  	v8 =	vld [tilespmem:s0+$0xFFFFFFC0];
	_ =	sdelay $0x4  }
0x25c: {  	vm0 =	vge.s32 v8, v0;
	vm1 =	vlt.s32 v8, v2  }
0x25d: {  	s9 =	simm.s32 $0x3000;
	s2 =	sadd.s32 s2, s8;
	vm0 =	vmand vm0, vm1  }
0x25e: {  	v9 =	vor.u32 s9, v1;
	[tilespmem:s2+$0x13080] =	vst.msk vm0, v8;
	v8 =	vmpcnt.ones.xlane vm0  }
0x25f: {  	[tilespmem:s2+$0x13700] =	vst.msk vm0, v9  }
0x260: {  	v9 =	vld [tilespmem:s0+$0xFFFFFFD0];
	(v2sf) =	vpush v8, $0x0;
	_ =	sdelay $0x4  }
0x261: {  	vm0 =	vge.s32 v9, v0;
	vm1 =	vlt.s32 v9, v2  }
0x262: {  	vm0 =	vmand vm0, vm1  }
0x263: {  	v8 =	vmpcnt.ones.xlane vm0;
	_ =	sdelay $0x1  }
0x264: {  	(v2sf) =	vpush v8, $0x0;
	_ =	sdelay $0x5  }
0x265: {  	s13 =	spop (v2sf)  }
0x266: {  	s23 =	simm.s32 $0x3010;
	s2 =	sadd.s32 s2, s13  }
0x267: {  	v8 =	vor.u32 s23, v1;
	[tilespmem:s2+$0x13080] =	vst.msk vm0, v9  }
0x268: {  	[tilespmem:s2+$0x13700] =	vst.msk vm0, v8  }
0x269: {  	v8 =	vld [tilespmem:s0+$0xFFFFFFE0];
	_ =	sdelay $0x4  }
0x26a: {  	vm0 =	vge.s32 v8, v0;
	vm1 =	vlt.s32 v8, v2;
	s25 =	spop (v2sf)  }
0x26b: {  	s26 =	simm.s32 $0x3020;
	s2 =	sadd.s32 s2, s25;
	vm0 =	vmand vm0, vm1  }
0x26c: {  	v9 =	vor.u32 s26, v1;
	[tilespmem:s2+$0x13080] =	vst.msk vm0, v8;
	v8 =	vmpcnt.ones.xlane vm0  }
0x26d: {  	[tilespmem:s2+$0x13700] =	vst.msk vm0, v9  }
0x26e: {  	v9 =	vld [tilespmem:s0+$0xFFFFFFF0];
	(v2sf) =	vpush v8, $0x0;
	_ =	sdelay $0x4  }
0x26f: {  	vm0 =	vge.s32 v9, v0;
	vm1 =	vlt.s32 v9, v2  }
0x270: {  	vm0 =	vmand vm0, vm1  }
0x271: {  	v8 =	vmpcnt.ones.xlane vm0;
	_ =	sdelay $0x1  }
0x272: {  	(v2sf) =	vpush v8, $0x0;
	_ =	sdelay $0x5  }
0x273: {  	s28 =	spop (v2sf)  }
0x274: {  	s29 =	simm.s32 $0x3030;
	s2 =	sadd.s32 s2, s28  }
0x275: {  	v8 =	vor.u32 s29, v1;
	[tilespmem:s2+$0x13080] =	vst.msk vm0, v9  }
0x276: {  	[tilespmem:s2+$0x13700] =	vst.msk vm0, v8  }
0x277: {  	v8 =	vld [tilespmem:s0+$0x0];
	_ =	sdelay $0x4  }
0x278: {  	vm0 =	vge.s32 v8, v0;
	vm1 =	vlt.s32 v8, v2;
	s8 =	spop (v2sf)  }
0x279: {  	s9 =	simm.s32 $0x3040;
	s2 =	sadd.s32 s2, s8;
	vm0 =	vmand vm0, vm1  }
0x27a: {  	v9 =	vor.u32 s9, v1;
	[tilespmem:s2+$0x13080] =	vst.msk vm0, v8;
	v8 =	vmpcnt.ones.xlane vm0  }
0x27b: {  	[tilespmem:s2+$0x13700] =	vst.msk vm0, v9  }
0x27c: {  	v9 =	vld [tilespmem:s0+$0x10];
	(v2sf) =	vpush v8, $0x0;
	_ =	sdelay $0x4  }
0x27d: {  	vm0 =	vge.s32 v9, v0;
	vm1 =	vlt.s32 v9, v2  }
0x27e: {  	vm0 =	vmand vm0, vm1  }
0x27f: {  	v8 =	vmpcnt.ones.xlane vm0;
	_ =	sdelay $0x1  }
0x280: {  	(v2sf) =	vpush v8, $0x0;
	_ =	sdelay $0x5  }
0x281: {  	s13 =	spop (v2sf)  }
0x282: {  	s23 =	simm.s32 $0x3050;
	s2 =	sadd.s32 s2, s13  }
0x283: {  	v8 =	vor.u32 s23, v1;
	[tilespmem:s2+$0x13080] =	vst.msk vm0, v9  }
0x284: {  	[tilespmem:s2+$0x13700] =	vst.msk vm0, v8  }
0x285: {  	v8 =	vld [tilespmem:s0+$0x20];
	_ =	sdelay $0x4  }
0x286: {  	vm0 =	vge.s32 v8, v0;
	vm1 =	vlt.s32 v8, v2;
	s25 =	spop (v2sf)  }
0x287: {  	s26 =	simm.s32 $0x3060;
	s2 =	sadd.s32 s2, s25;
	vm0 =	vmand vm0, vm1  }
0x288: {  	v9 =	vor.u32 s26, v1;
	[tilespmem:s2+$0x13080] =	vst.msk vm0, v8;
	v8 =	vmpcnt.ones.xlane vm0  }
0x289: {  	[tilespmem:s2+$0x13700] =	vst.msk vm0, v9  }
0x28a: {  	v9 =	vld [tilespmem:s0+$0x30];
	(v2sf) =	vpush v8, $0x0;
	_ =	sdelay $0x4  }
0x28b: {  	vm0 =	vge.s32 v9, v0;
	vm1 =	vlt.s32 v9, v2  }
0x28c: {  	vm0 =	vmand vm0, vm1  }
0x28d: {  	v8 =	vmpcnt.ones.xlane vm0;
	_ =	sdelay $0x1  }
0x28e: {  	(v2sf) =	vpush v8, $0x0;
	_ =	sdelay $0x5  }
0x28f: {  	s28 =	spop (v2sf)  }
0x290: {  	s29 =	simm.s32 $0x3070;
	s3 =	sadd.s32 s2, s28  }
0x291: {  	v8 =	vor.u32 s29, v1;
	[tilespmem:s3+$0x13080] =	vst.msk vm0, v9  }
0x292: {  	s9 =	simm.s32 $0xC0;
	[tilespmem:s3+$0x13700] =	vst.msk vm0, v8  }
0x293: {  	v8 =	vld [tilespmem:s9+$0xFFFFFFC0];
	_ =	sdelay $0x4  }
0x294: {  	s0 =	simm.s32 $0x30F0;
	s2 =	simm.s32 $0x8;
	vm0 =	vge.s32 v8, v0;
	vm1 =	vlt.s32 v8, v2;
	s8 =	spop (v2sf)  }
.LBB2_40:
0x295: {  	s2 =	sadd.s32 $0x8, s2;
	s13 =	sadd.s32 $0xFFFFFF90, s0;
	vm0 =	vmand vm0, vm1;
	s3 =	sadd.s32 s3, s8  }
0x296: {  	p2 =	slt.u32 s2, $0xF8;
	v9 =	vor.u32 s13, v1;
	[tilespmem:s3+$0x13080] =	vst.msk vm0, v8;
	v8 =	vmpcnt.ones.xlane vm0  }
0x297: {  	[tilespmem:s3+$0x13700] =	vst.msk vm0, v9  }
0x298: {  	v9 =	vld [tilespmem:s9+$0xFFFFFFD0];
	(v2sf) =	vpush v8, $0x0;
	_ =	sdelay $0x4  }
0x299: {  	vm0 =	vge.s32 v9, v0;
	vm1 =	vlt.s32 v9, v2  }
0x29a: {  	vm0 =	vmand vm0, vm1  }
0x29b: {  	v8 =	vmpcnt.ones.xlane vm0;
	_ =	sdelay $0x1  }
0x29c: {  	(v2sf) =	vpush v8, $0x0;
	_ =	sdelay $0x5  }
0x29d: {  	s8 =	spop (v2sf)  }
0x29e: {  	s3 =	sadd.s32 s3, s8;
	s8 =	sadd.s32 $0xFFFFFFA0, s0  }
0x29f: {  	v8 =	vor.u32 s8, v1;
	[tilespmem:s3+$0x13080] =	vst.msk vm0, v9  }
0x2a0: {  	[tilespmem:s3+$0x13700] =	vst.msk vm0, v8  }
0x2a1: {  	v8 =	vld [tilespmem:s9+$0xFFFFFFE0];
	_ =	sdelay $0x4  }
0x2a2: {  	vm0 =	vge.s32 v8, v0;
	vm1 =	vlt.s32 v8, v2;
	s8 =	spop (v2sf)  }
0x2a3: {  	s3 =	sadd.s32 s3, s8;
	s8 =	sadd.s32 $0xFFFFFFB0, s0;
	vm0 =	vmand vm0, vm1  }
0x2a4: {  	v9 =	vor.u32 s8, v1;
	[tilespmem:s3+$0x13080] =	vst.msk vm0, v8;
	v8 =	vmpcnt.ones.xlane vm0  }
0x2a5: {  	[tilespmem:s3+$0x13700] =	vst.msk vm0, v9  }
0x2a6: {  	v9 =	vld [tilespmem:s9+$0xFFFFFFF0];
	(v2sf) =	vpush v8, $0x0;
	_ =	sdelay $0x4  }
0x2a7: {  	vm0 =	vge.s32 v9, v0;
	vm1 =	vlt.s32 v9, v2  }
0x2a8: {  	vm0 =	vmand vm0, vm1  }
0x2a9: {  	v8 =	vmpcnt.ones.xlane vm0;
	_ =	sdelay $0x1  }
0x2aa: {  	(v2sf) =	vpush v8, $0x0;
	_ =	sdelay $0x5  }
0x2ab: {  	s8 =	spop (v2sf)  }
0x2ac: {  	s3 =	sadd.s32 s3, s8;
	s8 =	sadd.s32 $0xFFFFFFC0, s0  }
0x2ad: {  	v8 =	vor.u32 s8, v1;
	[tilespmem:s3+$0x13080] =	vst.msk vm0, v9  }
0x2ae: {  	[tilespmem:s3+$0x13700] =	vst.msk vm0, v8  }
0x2af: {  	v8 =	vld [tilespmem:s9+$0x0];
	_ =	sdelay $0x4  }
0x2b0: {  	vm0 =	vge.s32 v8, v0;
	vm1 =	vlt.s32 v8, v2;
	s8 =	spop (v2sf)  }
0x2b1: {  	s3 =	sadd.s32 s3, s8;
	s8 =	sadd.s32 $0xFFFFFFD0, s0;
	vm0 =	vmand vm0, vm1  }
0x2b2: {  	v9 =	vor.u32 s8, v1;
	[tilespmem:s3+$0x13080] =	vst.msk vm0, v8;
	v8 =	vmpcnt.ones.xlane vm0  }
0x2b3: {  	[tilespmem:s3+$0x13700] =	vst.msk vm0, v9  }
0x2b4: {  	v9 =	vld [tilespmem:s9+$0x10];
	(v2sf) =	vpush v8, $0x0;
	_ =	sdelay $0x4  }
0x2b5: {  	vm0 =	vge.s32 v9, v0;
	vm1 =	vlt.s32 v9, v2  }
0x2b6: {  	vm0 =	vmand vm0, vm1  }
0x2b7: {  	v8 =	vmpcnt.ones.xlane vm0;
	_ =	sdelay $0x1  }
0x2b8: {  	(v2sf) =	vpush v8, $0x0;
	_ =	sdelay $0x5  }
0x2b9: {  	s8 =	spop (v2sf)  }
0x2ba: {  	s3 =	sadd.s32 s3, s8;
	s8 =	sadd.s32 $0xFFFFFFE0, s0  }
0x2bb: {  	v8 =	vor.u32 s8, v1;
	[tilespmem:s3+$0x13080] =	vst.msk vm0, v9  }
0x2bc: {  	[tilespmem:s3+$0x13700] =	vst.msk vm0, v8  }
0x2bd: {  	v8 =	vld [tilespmem:s9+$0x20];
	_ =	sdelay $0x4  }
0x2be: {  	vm0 =	vge.s32 v8, v0;
	vm1 =	vlt.s32 v8, v2;
	s8 =	spop (v2sf)  }
0x2bf: {  	s3 =	sadd.s32 s3, s8;
	s8 =	sadd.s32 $0xFFFFFFF0, s0;
	vm0 =	vmand vm0, vm1  }
0x2c0: {  	v9 =	vor.u32 s8, v1;
	[tilespmem:s3+$0x13080] =	vst.msk vm0, v8;
	v8 =	vmpcnt.ones.xlane vm0  }
0x2c1: {  	[tilespmem:s3+$0x13700] =	vst.msk vm0, v9  }
0x2c2: {  	v9 =	vld [tilespmem:s9+$0x30];
	(v2sf) =	vpush v8, $0x0;
	_ =	sdelay $0x4  }
0x2c3: {  	vm0 =	vge.s32 v9, v0;
	vm1 =	vlt.s32 v9, v2  }
0x2c4: {  	vm0 =	vmand vm0, vm1  }
0x2c5: {  	v8 =	vmpcnt.ones.xlane vm0;
	_ =	sdelay $0x1  }
0x2c6: {  	(v2sf) =	vpush v8, $0x0;
	_ =	sdelay $0x5  }
0x2c7: {  	s8 =	spop (v2sf)  }
0x2c8: {  	s3 =	sadd.s32 s3, s8  }
0x2c9: {  	v8 =	vor.u32 s0, v1;
	[tilespmem:s3+$0x13080] =	vst.msk vm0, v9  }
0x2ca: {  	s9 =	sadd.s32 $0x80, s9;
	[tilespmem:s3+$0x13700] =	vst.msk vm0, v8  }
0x2cb: {  	v8 =	vld [tilespmem:s9+$0xFFFFFFC0]  }
.Ltmp7:
0x2cc: {  	(pc) =	sbr.rel @p2 .LBB2_40-.Ltmp7, $2  }
0x2cd: {  	_ =	sdelay $0x2  }
0x2ce: {  	s0 =	sadd.s32 $0x80, s0;
	vm0 =	vge.s32 v8, v0;
	vm1 =	vlt.s32 v8, v2;
	s8 =	spop (v2sf)  }
0x2cf: {  	s2 =	sadd.s32 $0xFFFFFF90, s0;
	vm0 =	vmand vm0, vm1;
	s3 =	sadd.s32 s3, s8  }
0x2d0: {  	v9 =	vor.u32 s2, v1;
	[tilespmem:s3+$0x13080] =	vst.msk vm0, v8;
	v8 =	vmpcnt.ones.xlane vm0  }
0x2d1: {  	[tilespmem:s3+$0x13700] =	vst.msk vm0, v9  }
0x2d2: {  	v9 =	vld [tilespmem:s9+$0xFFFFFFD0];
	(v2sf) =	vpush v8, $0x0;
	_ =	sdelay $0x4  }
0x2d3: {  	vm14 =	vge.s32 v9, v0;
	vm15 =	vlt.s32 v9, v2  }
0x2d4: {  	vm0 =	vmand vm14, vm15  }
0x2d5: {  	v8 =	vmpcnt.ones.xlane vm0;
	_ =	sdelay $0x1  }
0x2d6: {  	(v2sf) =	vpush v8, $0x0;
	_ =	sdelay $0x5  }
0x2d7: {  	s26 =	spop (v2sf)  }
0x2d8: {  	s28 =	sadd.s32 $0xFFFFFFA0, s0;
	s2 =	sadd.s32 s3, s26  }
0x2d9: {  	v8 =	vor.u32 s28, v1;
	[tilespmem:s2+$0x13080] =	vst.msk vm0, v9  }
0x2da: {  	[tilespmem:s2+$0x13700] =	vst.msk vm0, v8  }
0x2db: {  	v8 =	vld [tilespmem:s9+$0xFFFFFFE0];
	_ =	sdelay $0x4  }
0x2dc: {  	vm4 =	vge.s32 v8, v0;
	vm5 =	vlt.s32 v8, v2;
	s29 =	spop (v2sf)  }
0x2dd: {  	s8 =	sadd.s32 $0xFFFFFFB0, s0;
	s2 =	sadd.s32 s2, s29;
	vm0 =	vmand vm4, vm5  }
0x2de: {  	v61 =	vor.u32 s8, v1;
	[tilespmem:s2+$0x13080] =	vst.msk vm0, v8;
	v8 =	vmpcnt.ones.xlane vm0  }
0x2df: {  	[tilespmem:s2+$0x13700] =	vst.msk vm0, v61  }
0x2e0: {  	v9 =	vld [tilespmem:s9+$0xFFFFFFF0];
	(v2sf) =	vpush v8, $0x0;
	_ =	sdelay $0x4  }
0x2e1: {  	vm6 =	vge.s32 v9, v0;
	vm7 =	vlt.s32 v9, v2  }
0x2e2: {  	vm0 =	vmand vm6, vm7  }
0x2e3: {  	v8 =	vmpcnt.ones.xlane vm0;
	_ =	sdelay $0x1  }
0x2e4: {  	(v2sf) =	vpush v8, $0x0;
	_ =	sdelay $0x5  }
0x2e5: {  	s13 =	spop (v2sf)  }
0x2e6: {  	s23 =	sadd.s32 $0xFFFFFFC0, s0;
	s2 =	sadd.s32 s2, s13  }
0x2e7: {  	v8 =	vor.u32 s23, v1;
	[tilespmem:s2+$0x13080] =	vst.msk vm0, v9  }
0x2e8: {  	[tilespmem:s2+$0x13700] =	vst.msk vm0, v8  }
0x2e9: {  	v8 =	vld [tilespmem:s9+$0x0];
	_ =	sdelay $0x4  }
0x2ea: {  	vm8 =	vge.s32 v8, v0;
	vm9 =	vlt.s32 v8, v2;
	s25 =	spop (v2sf)  }
0x2eb: {  	s26 =	sadd.s32 $0xFFFFFFD0, s0;
	s2 =	sadd.s32 s2, s25;
	vm0 =	vmand vm8, vm9  }
0x2ec: {  	v62 =	vor.u32 s26, v1;
	[tilespmem:s2+$0x13080] =	vst.msk vm0, v8;
	v8 =	vmpcnt.ones.xlane vm0  }
0x2ed: {  	[tilespmem:s2+$0x13700] =	vst.msk vm0, v62  }
0x2ee: {  	v9 =	vld [tilespmem:s9+$0x10];
	(v2sf) =	vpush v8, $0x0;
	_ =	sdelay $0x4  }
0x2ef: {  	vm10 =	vge.s32 v9, v0;
	vm11 =	vlt.s32 v9, v2  }
0x2f0: {  	vm0 =	vmand vm10, vm11  }
0x2f1: {  	v8 =	vmpcnt.ones.xlane vm0;
	_ =	sdelay $0x1  }
0x2f2: {  	(v2sf) =	vpush v8, $0x0;
	_ =	sdelay $0x5  }
0x2f3: {  	s28 =	spop (v2sf)  }
0x2f4: {  	s29 =	sadd.s32 $0xFFFFFFE0, s0;
	s2 =	sadd.s32 s2, s28  }
0x2f5: {  	v8 =	vor.u32 s29, v1;
	[tilespmem:s2+$0x13080] =	vst.msk vm0, v9  }
0x2f6: {  	[tilespmem:s2+$0x13700] =	vst.msk vm0, v8  }
0x2f7: {  	v8 =	vld [tilespmem:s9+$0x20];
	_ =	sdelay $0x4  }
0x2f8: {  	vm12 =	vge.s32 v8, v0;
	vm13 =	vlt.s32 v8, v2;
	s8 =	spop (v2sf)  }
0x2f9: {  	s13 =	sadd.s32 $0xFFFFFFF0, s0;
	s2 =	sadd.s32 s2, s8;
	vm0 =	vmand vm12, vm13  }
0x2fa: {  	v63 =	vor.u32 s13, v1;
	[tilespmem:s2+$0x13080] =	vst.msk vm0, v8;
	v8 =	vmpcnt.ones.xlane vm0  }
0x2fb: {  	[tilespmem:s2+$0x13700] =	vst.msk vm0, v63  }
0x2fc: {  	v9 =	vld [tilespmem:s9+$0x30];
	(v2sf) =	vpush v8, $0x0;
	_ =	sdelay $0x4  }
0x2fd: {  	vm14 =	vge.s32 v9, v0;
	vm15 =	vlt.s32 v9, v2  }
0x2fe: {  	vm0 =	vmand vm14, vm15  }
0x2ff: {  	v8 =	vmpcnt.ones.xlane vm0;
	_ =	sdelay $0x1  }
0x300: {  	(v2sf) =	vpush v8, $0x0;
	_ =	sdelay $0x5  }
0x301: {  	s23 =	spop (v2sf)  }
0x302: {  	s2 =	sadd.s32 s2, s23  }
0x303: {  	v8 =	vor.u32 s0, v1;
	[tilespmem:s2+$0x13080] =	vst.msk vm0, v9  }
0x304: {  	s25 =	simm.s32 $0x1080;
	s23 =	simm.s32 $0x0;
	[tilespmem:s2+$0x13700] =	vst.msk vm0, v8  }
0x305: {  	[tilespmem:s25], [sflag:$0x1] =	stream.linear.gather [hbm4b:s21+s23], $0x2000, $0x38;
	[tilespmem:$0x17F80] =	vst v63  }
0x306: {  	s26 =	sadd.s32 $0xF4280, s21;
	s28 =	simm.s32 $0x3480  }
0x307: {  	[tilespmem:s28], [sflag:$0x1] =	stream.linear.gather [hbm4b:s26+s23], $0x2000, $0x38;
	[tilespmem:$0x17F80] =	vst v63  }
0x308: {  	s8 =	sadd.s32 $0x1E8500, s21;
	s9 =	simm.s32 $0x5880  }
0x309: {  	[tilespmem:s9], [sflag:$0x1] =	stream.linear.gather [hbm4b:s8+s23], $0x2000, $0x38;
	[tilespmem:$0x17F80] =	vst v63  }
0x30a: {  	s29 =	spop (v2sf)  }
0x30b: {  	s13 =	sadd.s32 $0x2DC780, s21;
	s25 =	simm.s32 $0x7C80;
	s0 =	sadd.s32 s2, s29  }
0x30c: {  	[tilespmem:s25], [sflag:$0x1] =	stream.linear.gather [hbm4b:s13+s23], $0x2000, $0x38;
	[tilespmem:$0x17F80] =	vst v63  }
0x30d: {  	s0 =	sadd.s32 $0xF, s0  }
0x30e: {  	s26 =	sand.u32 $0xF, s0  }
0x30f: {  	s28 =	sshra.s32 s0, $0x1F;
	p1 =	slt.s32 s0, $0x1;
	p2 =	sne.s32 s26, $0x0  }
.Ltmp8:
0x310: {  	s29 =	sshrl.u32 s28, $0x1C;
	p1 =	por !p1, !p2;
	(pc) =	sbr.rel .LBB2_42-.Ltmp8, $4  }
0x311: {  	s2 =	simm.s32 $0x1;
	s0 =	sadd.s32 s29, s0;
	p1 =	por !p1, !p1  }
0x312: {  	s0 =	sshra.s32 s0, $0x4;
	s2 =	simm.s32 @!p1 $0x0  }
0x313: {  	s0 =	ssub.s32 s0, s2  }
0x314: {  	s8 =	simm.s32 $0x0;
	p2 =	por $0x0, $0x0;
	p3 =	slt.s32 s0, $0x1  }
.LBB2_44:
0x315: {  	s8 =	simm.s32 $0x0  }
.LBB2_59:
0x316: {  	p1 =	seq.s32 s2, $0x0  }
0x317: {  	v8 =	vld @!p1 [tilespmem:$0x13E00];
	_ =	sdelay $0x3  }
0x318: {  	s2 =	sshll.u32 @!p1 s3, $0x7  }
0x319: {  	[tilespmem:s2+$0x17E80] =	vst @!p1 v8  }
0x31a: {  	v8 =	vld @!p1 [tilespmem:$0x13E10];
	_ =	sdelay $0x4  }
0x31b: {  	[tilespmem:s2+$0x17E90] =	vst @!p1 v8  }
0x31c: {  	v8 =	vld @!p1 [tilespmem:$0x13E20];
	_ =	sdelay $0x4  }
0x31d: {  	[tilespmem:s2+$0x17EA0] =	vst @!p1 v8  }
0x31e: {  	v8 =	vld @!p1 [tilespmem:$0x13E30];
	_ =	sdelay $0x3  }
0x31f: {  	s3 =	sshll.u32 @!p1 s3, $0xD  }
0x320: {  	s13 =	sadd.s32 @!p1 $0x17E80, s2;
	[tilespmem:s2+$0x17EB0] =	vst @!p1 v8;
	s2 =	sadd.s32 @!p1 $0x13E80, s3;
	s3 =	simm.s32 @!p1 $0x40  }
0x321: {  	[hbm4b:s12+s3] =	stream.indirect.scatter @!p1 [tilespmem:s2], [sflag:$0x2], $0x80, s13, s3, $0xb8;
	[tilespmem:$0x17F80] =	vst v63  }
.LBB2_60:
0x322: {  	p1 =	sne.s32 s9, $0x7C  }
.Ltmp9:
0x323: {  	_ = 	snop;
	(pc) =	sbr.rel @!p1 .LBB2_61-.Ltmp9, $2  }
0x324: {  	_ =	sdelay $0x2  }
0x325: {  	p2 =	por !p2, !p2;
	s23 =	smov.u32 s9  }
.LBB2_42:
0x326: {  	s9 =	sadd.s32 $0x1, s23  }
0x327: {  	p4 =	sgt.u32 s23, $0x78;
	s2 =	sshrl.u32 s9, $0x1;
	s3 =	sand.u32 $0x1, s9  }
0x328: {  	s13 =	smul.u32 @!p4 $0x1E85000, s3;
	s25 =	sshll.u32 @!p4 s2, $0xD  }
0x329: {  	s26 =	smul.u32 @!p4 $0x24000, s3;
	s25 =	sadd.s32 @!p4 s17, s25  }
0x32a: {  	s13 =	sadd.s32 @!p4 s13, s25  }
0x32b: {  	s25 =	sshrl.u32 @!p4 s26, $0x2;
	s13 =	sshrl.u32 @!p4 s13, $0x3  }
0x32c: {  	s28 =	simm.s32 @!p4 $0x0;
	s26 =	sadd.s32 @!p4 $0x1080, s25;
	s13 =	sadd.s32 @!p4 s5, s13  }
0x32d: {  	[tilespmem:s26], [sflag:$0x1] =	stream.linear.gather @!p4 [hbm4b:s13+s28], $0x2000, $0x38;
	[tilespmem:$0x17F80] =	vst v63  }
0x32e: {  	p1 =	seq.s32 s2, $0x3D;
	s2 =	sadd.s32 @!p4 $0xF4280, s13;
	s26 =	sadd.s32 @!p4 $0x3480, s25  }
0x32f: {  	[tilespmem:s26], [sflag:$0x1] =	stream.linear.gather @!p4 [hbm4b:s2+s28], $0x2000, $0x38;
	[tilespmem:$0x17F80] =	vst v63  }
0x330: {  	p1 =	por !p0, !p1;
	s2 =	sadd.s32 @!p4 $0x1E8500, s13;
	s26 =	sadd.s32 @!p4 $0x5880, s25  }
0x331: {  	[tilespmem:s26], [sflag:$0x1] =	stream.linear.gather @!p4 [hbm4b:s2+s28], $0x2000, $0x38;
	[tilespmem:$0x17F80] =	vst v63  }
0x332: {  	p5 =	por !p1, !p1;
	s2 =	sadd.s32 @!p4 $0x2DC780, s13;
	s13 =	sadd.s32 @!p4 $0x7C80, s25  }
0x333: {  	[tilespmem:s13], [sflag:$0x1] =	stream.linear.gather @!p4 [hbm4b:s2+s28], $0x2000, $0x38;
	[tilespmem:$0x17F80] =	vst v63  }
0x334: {  	s2 =	smul.u32 @p5 $0x24000, s3  }
0x335: {  	s3 =	smul.u32 @p5 $0xA00, s3  }
0x336: {  	s2 =	sshrl.u32 @p5 s2, $0x2  }
0x337: {  	s25 =	simm.s32 @p5 $0x0;
	s3 =	sadd.s32 @p5 s7, s3;
	s13 =	sadd.s32 @p5 $0x1080, s2  }
0x338: {  	[tilespmem:s13], [sflag:$0x1] =	stream.linear.gather @p5 [hbm4b:s3+s25], $0x1400, $0x38;
	[tilespmem:$0x17F80] =	vst v63  }
0x339: {  	s26 =	sadd.s32 @p5 $0x3480, s2;
	s13 =	sadd.s32 @p5 $0x280, s3  }
0x33a: {  	[tilespmem:s26], [sflag:$0x1] =	stream.linear.gather @p5 [hbm4b:s13+s25], $0x1400, $0x38;
	[tilespmem:$0x17F80] =	vst v63  }
0x33b: {  	s13 =	sadd.s32 @p5 $0x500, s3;
	s26 =	sadd.s32 @p5 $0x5880, s2  }
0x33c: {  	[tilespmem:s26], [sflag:$0x1] =	stream.linear.gather @p5 [hbm4b:s13+s25], $0x1400, $0x38;
	[tilespmem:$0x17F80] =	vst v63  }
0x33d: {  	s3 =	sadd.s32 @p5 $0x780, s3;
	s2 =	sadd.s32 @p5 $0x7C80, s2  }
0x33e: {  	[tilespmem:s2], [sflag:$0x1] =	stream.linear.gather @p5 [hbm4b:s3+s25], $0x1400, $0x38;
	[tilespmem:$0x17F80] =	vst v63  }
0x33f: {  	s25 =	sshrl.u32 s23, $0x1  }
0x340: {  	p1 =	sgt.u32 s23, $0x79;
	p5 =	seq.s32 s25, $0x3D  }
0x341: {  	s3 =	simm.s32 @!p1 $0x1;
	p4 =	por !p0, !p5  }
0x342: {  	p6 =	slt.u32 s23, $0x7A;
	_ =	swait.ge @!p1 [sflag:s3], $0x8000;
	p5 =	por !p4, !p4  }
0x343: {  	s2 =	sand.u32 $0x1, s23;
	[sflag:s3] =	ssyncset.done @!p1 $0x0;
	p4 =	por p6, p5  }
0x344: {  	[sflag:s3] =	ssyncadd.s32 @!p1 $0xFFFF8000;
	p1 =	sne.s32 s2, $0x0;
	p6 =	por !p4, !p4  }
0x345: {  	p1 =	por p1, p6  }
.Ltmp10:
0x346: {  	_ = 	snop;
	(pc) =	sbr.rel @p1 .LBB2_51-.Ltmp10, $4  }
0x347: {  	s13 =	simm.s32 @p5 $0x1  }
0x348: {  	_ =	swait.ge @p5 [sflag:s13], $0x5000  }
0x349: {  	[sflag:s13] =	ssyncset.done @p5 $0x0  }
0x34a: {  	s3 =	sand.u32 $0x1, s25;
	[sflag:s13] =	ssyncadd.s32 @p5 $0xFFFFB000  }
0x34b: {  	p1 =	slt.u32 s23, $0x4  }
0x34c: {  	s8 =	simm.s32 @!p1 $0x2  }
0x34d: {  	_ =	swait.ge @!p1 [sflag:s8], $0x2000  }
0x34e: {  	[sflag:s8] =	ssyncset.done @!p1 $0x0  }
0x34f: {  	[sflag:s8] =	ssyncadd.s32 @!p1 $0xFFFFE000  }
0x350: {  	[tilespmem:$0x13D80] =	vst v5  }
0x351: {  	[tilespmem:$0x13E00] =	vst v4  }
0x352: {  	[tilespmem:$0x13D90] =	vst v5  }
.Ltmp11:
0x353: {  	[tilespmem:$0x13E10] =	vst v4;
	(pc) =	sbr.rel @p3 .LBB2_44-.Ltmp11, $4  }
0x354: {  	[tilespmem:$0x13DA0] =	vst v5  }
0x355: {  	[tilespmem:$0x13E20] =	vst v4  }
0x356: {  	[tilespmem:$0x13DB0] =	vst v5  }
0x357: {  	[tilespmem:$0x13E30] =	vst v4  }
0x358: {  	p1 =	sne.s32 s0, $0x1  }
.Ltmp12:
0x359: {  	s8 =	sshll.u32 s25, $0xA;
	(pc) =	sbr.rel @!p1 .LBB2_46-.Ltmp12, $4  }
0x35a: {  	s13 =	sadd.s32 s1, s8  }
0x35b: {  	s29 =	simm.s32 $0x13080;
	s23 =	sadd.s32 $0x400, s13  }
0x35c: {  	s25 =	sadd.s32 $0xFFFFFFFF, s0;
	s13 =	simm.s32 @p5 $0xF4000;
	s23 =	simm.s32 @p5 $0xF4240  }
0x35d: {  	s8 =	simm.s32 $0x0;
	v10 =	vld [tilespmem:s29+$0x0];
	v8 =	vmov s13;
	p5 =	por $0x0, $0x0;
	v9 =	vmov s23;
	s23 =	simm.s32 $0x13700  }
0x35e: {  	_ =	sdelay $0x3  }
0x35f: {  	vm0 =	vge.s32 v10, v8;
	vm1 =	vlt.s32 v10, v9  }
0x360: {  	vm0 =	vmand vm0, vm1  }
0x361: {  	v12 =	vmpcnt.ones.xlane vm0;
	_ =	sdelay $0x1  }
0x362: {  	(v2sf) =	vpush v12, $0x0  }
0x363: {  	v11 =	vld [tilespmem:s23+$0x0]  }
0x364: {  	p1 =	sne.s32 s25, $0x1  }
.Ltmp13:
0x365: {  	_ = 	snop;
	(pc) =	sbr.rel @!p1 .LBB2_48-.Ltmp13, $4  }
0x366: {  	v10 =	vsub.s32 v10, v8  }
0x367: {  	[tilespmem:s8+$0x13D80] =	vst.msk vm0, v10  }
0x368: {  	s28 =	simm.s32 $0x13090;
	s29 =	sadd.s32 $0xFFFFFFFF, s25;
	[tilespmem:s8+$0x13E00] =	vst.msk vm0, v11  }
0x369: {  	p5 =	por $0x1, $0x1;
	s25 =	simm.s32 $0x13700;
	s26 =	simm.s32 $0x0;
	v10 =	vld [tilespmem:s28+$0x0]  }
.LBB2_49:
0x36a: {  	p6 =	sne.s32 s29, $0x1;
	_ =	sdelay $0x3  }
0x36b: {  	s25 =	sadd.s32 $0x10, s25;
	vm0 =	vge.s32 v10, v8;
	vm1 =	vlt.s32 v10, v9;
	v10 =	vsub.s32 v10, v8  }
0x36c: {  	v11 =	vld [tilespmem:s25+$0x0];
	vm0 =	vmand vm0, vm1  }
0x36d: {  	v12 =	vmpcnt.ones.xlane vm0  }
0x36e: {  	s13 =	spop (v2sf)  }
0x36f: {  	(v2sf) =	vpush v12, $0x0;
	s26 =	sadd.s32 s26, s13  }
0x370: {  	[tilespmem:s26+$0x13D80] =	vst.msk vm0, v10  }
0x371: {  	[tilespmem:s26+$0x13E00] =	vst.msk vm0, v11  }
.Ltmp14:
0x372: {  	(pc) =	sbr.rel @p6 .LBB2_49-.Ltmp14, $3  }
0x373: {  	_ =	sdelay $0x1  }
0x374: {  	s28 =	sadd.s32 $0x10, s28  }
0x375: {  	s29 =	sadd.s32 $0xFFFFFFFF, s29;
	v10 =	vld [tilespmem:s28+$0x0]  }
.LBB2_50:
0x376: {  	_ =	sdelay $0x3  }
0x377: {  	vm0 =	vge.s32 v10, v8;
	vm1 =	vlt.s32 v10, v9  }
0x378: {  	vm0 =	vmand vm0, vm1  }
0x379: {  	v62 =	vmpcnt.ones.xlane vm0;
	_ =	sdelay $0x1  }
0x37a: {  	(v2sf) =	vpush v62, $0x0;
	_ =	sdelay $0x8  }
0x37b: {  	s13 =	sadd.s32 @p5 $0x10, s25  }
0x37c: {  	s23 =	smov.u32 @p5 s13  }
0x37d: {  	v63 =	vld [tilespmem:s23+$0x0]  }
0x37e: {  	s13 =	spop @p5 (v2sf)  }
0x37f: {  	s13 =	sadd.s32 @p5 s26, s13  }
0x380: {  	v8 =	vsub.s32 v10, v8;
	s8 =	smov.u32 @p5 s13  }
0x381: {  	[tilespmem:s8+$0x13D80] =	vst.msk vm0, v8;
	s29 =	spop (v2sf)  }
0x382: {  	[tilespmem:s8+$0x13E00] =	vst.msk vm0, v63;
	s8 =	sadd.s32 s8, s29  }
.LBB2_51:
.Ltmp15:
0x383: {  	(pc) =	sbr.rel @!p4 .LBB2_60-.Ltmp15, $1  }
0x384: {  	_ =	sdelay $0x3  }
0x385: {  	p1 =	slt.s32 s8, $0x1  }
.Ltmp16:
0x386: {  	_ = 	snop;
	(pc) =	sbr.rel @p1 .LBB2_59-.Ltmp16, $1  }
0x387: {  	_ =	sdelay $0x3  }
0x388: {  	s13 =	simm.s32 $0x1;
	p1 =	sne.s32 s8, $0x1  }
.Ltmp17:
0x389: {  	s13 =	simm.s32 @!p2 $0x0;
	(pc) =	sbr.rel @!p1 .LBB2_54-.Ltmp17, $4  }
0x38a: {  	s23 =	sshll.u32 s3, $0xF;
	s25 =	smul.u32 $0x24000, s2;
	s13 =	sshll.u32 s13, $0x7  }
0x38b: {  	s26 =	simm.s32 $0x13D80;
	s13 =	sor.u32 s13, s23  }
0x38c: {  	p4 =	por $0x0, $0x0;
	s29 =	sshrl.u32 s25, $0x2;
	s13 =	sshrl.u32 s13, $0x2  }
0x38d: {  	v8 =	vld.msk [tilespmem:s26+$0x0 ss:$0x0], $0xffff;
	s26 =	sadd.s32 $0xFFFFFFFF, s8;
	s25 =	sadd.s32 $0x1080, s29;
	s23 =	sadd.s32 $0x13E90, s13  }
0x38e: {  	_ =	sdelay $0x3  }
0x38f: {  	v9 =	vshll.u32 v8, $0x3  }
0x390: {  	v8 =	vand.u32 $0x7F, v8;
	v9 =	vand.u32 $0xFFFFFC00, v9  }
0x391: {  	v8 =	vor.u32 v8, v9  }
0x392: {  	v9 =	vadd.s32 v6, v8;
	_ =	sdelay $0x4  }
0x393: {  	v9 =	vld.idx.msk [tilespmem:v9+s25+$0x0], $0xffff  }
0x394: {  	v8 =	vadd.s32 v7, v8;
	_ =	sdelay $0x3  }
0x395: {  	[tilespmem:s23+$0xFFFFFFF0] =	vst v9  }
0x396: {  	v8 =	vld.idx.msk [tilespmem:v8+s25+$0x0], $0xffff  }
0x397: {  	p1 =	sne.s32 s26, $0x1  }
.Ltmp18:
0x398: {  	_ = 	snop;
	(pc) =	sbr.rel @!p1 .LBB2_56-.Ltmp18, $3  }
0x399: {  	_ =	sdelay $0x1  }
0x39a: {  	s28 =	simm.s32 $0x13D81;
	[tilespmem:s23+$0x0] =	vst v8  }
0x39b: {  	s29 =	sadd.s32 $0xFFFFFFFF, s26;
	p4 =	por $0x1, $0x1;
	s26 =	smov.u32 s23;
	v8 =	vld.msk [tilespmem:s28+$0x0 ss:$0x0], $0xffff  }
.LBB2_57:
0x39c: {  	p5 =	sne.s32 s29, $0x1;
	_ =	sdelay $0x4  }
0x39d: {  	v9 =	vshll.u32 v8, $0x3  }
0x39e: {  	v8 =	vand.u32 $0x7F, v8;
	v9 =	vand.u32 $0xFFFFFC00, v9  }
0x39f: {  	v8 =	vor.u32 v8, v9  }
0x3a0: {  	v9 =	vadd.s32 v6, v8;
	v8 =	vadd.s32 v7, v8;
	_ =	sdelay $0x4  }
0x3a1: {  	v9 =	vld.idx.msk [tilespmem:v9+s25+$0x0], $0xffff;
	_ =	sdelay $0x4  }
0x3a2: {  	s26 =	sadd.s32 $0x80, s26  }
0x3a3: {  	[tilespmem:s26+$0xFFFFFFF0] =	vst v9  }
0x3a4: {  	v8 =	vld.idx.msk [tilespmem:v8+s25+$0x0], $0xffff;
	_ =	sdelay $0x2  }
.Ltmp19:
0x3a5: {  	(pc) =	sbr.rel @p5 .LBB2_57-.Ltmp19, $3  }
0x3a6: {  	_ =	sdelay $0x1  }
0x3a7: {  	s28 =	sadd.s32 $0x1, s28;
	[tilespmem:s26+$0x0] =	vst v8  }
0x3a8: {  	s29 =	sadd.s32 $0xFFFFFFFF, s29;
	v8 =	vld.msk [tilespmem:s28+$0x0 ss:$0x0], $0xffff  }
.LBB2_58:
0x3a9: {  	_ =	sdelay $0x3  }
0x3aa: {  	v9 =	vshll.u32 v8, $0x3  }
0x3ab: {  	v8 =	vand.u32 $0x7F, v8;
	v9 =	vand.u32 $0xFFFFFC00, v9  }
0x3ac: {  	v8 =	vor.u32 v8, v9  }
0x3ad: {  	v9 =	vadd.s32 v6, v8;
	_ =	sdelay $0x4  }
0x3ae: {  	v9 =	vld.idx.msk [tilespmem:v9+s25+$0x0], $0xffff  }
0x3af: {  	v8 =	vadd.s32 v7, v8;
	_ =	sdelay $0x1  }
0x3b0: {  	s13 =	sadd.s32 @p4 $0x80, s26  }
0x3b1: {  	s23 =	smov.u32 @p4 s13  }
0x3b2: {  	[tilespmem:s23+$0xFFFFFFF0] =	vst v9  }
0x3b3: {  	v8 =	vld.idx.msk [tilespmem:v8+s25+$0x0], $0xffff  }
.Ltmp20:
0x3b4: {  	_ = 	snop;
	(pc) =	sbr.rel .LBB2_59-.Ltmp20, $2  }
0x3b5: {  	_ =	sdelay $0x2  }
0x3b6: {  	[tilespmem:s23+$0x0] =	vst v8  }
.LBB2_46:
.Ltmp21:
0x3b7: {  	(pc) =	sbr.rel .LBB2_50-.Ltmp21, $2  }
0x3b8: {  	_ =	sdelay $0x2  }
0x3b9: {  	s25 =	simm.s32 $0x13700;
	s26 =	simm.s32 $0x0  }
.LBB2_48:
.Ltmp22:
0x3ba: {  	(pc) =	sbr.rel .LBB2_50-.Ltmp22, $2  }
0x3bb: {  	_ =	sdelay $0x2  }
0x3bc: {  	s25 =	simm.s32 $0x13700;
	s26 =	simm.s32 $0x0  }
.LBB2_54:
.Ltmp23:
0x3bd: {  	(pc) =	sbr.rel .LBB2_58-.Ltmp23, $2  }
0x3be: {  	_ =	sdelay $0x2  }
0x3bf: {  	s26 =	smov.u32 s23  }
.LBB2_56:
.Ltmp24:
0x3c0: {  	(pc) =	sbr.rel .LBB2_58-.Ltmp24, $2  }
0x3c1: {  	_ =	sdelay $0x2  }
0x3c2: {  	s26 =	smov.u32 s23  }
.LBB2_2:
0x3c3: {  	[tilespmem:s3+$0xFFFFFFC0] =	vst v3  }
0x3c4: {  	[tilespmem:s0+$0xFFFFFFC0] =	vst v4  }
0x3c5: {  	[tilespmem:s3+$0xFFFFFFD0] =	vst v3  }
0x3c6: {  	[tilespmem:s0+$0xFFFFFFD0] =	vst v4  }
0x3c7: {  	[tilespmem:s3+$0xFFFFFFE0] =	vst v3  }
0x3c8: {  	[tilespmem:s0+$0xFFFFFFE0] =	vst v4  }
0x3c9: {  	[tilespmem:s3+$0xFFFFFFF0] =	vst v3  }
0x3ca: {  	[tilespmem:s0+$0xFFFFFFF0] =	vst v4  }
0x3cb: {  	[tilespmem:s3+$0x0] =	vst v3  }
0x3cc: {  	[tilespmem:s0+$0x0] =	vst v4  }
0x3cd: {  	[tilespmem:s3+$0x10] =	vst v3  }
0x3ce: {  	[tilespmem:s0+$0x10] =	vst v4  }
0x3cf: {  	[tilespmem:s3+$0x20] =	vst v3  }
0x3d0: {  	[tilespmem:s0+$0x20] =	vst v4  }
0x3d1: {  	[tilespmem:s3+$0x30] =	vst v3  }
0x3d2: {  	s2 =	sadd.s32 $0x8, s2;
	s3 =	sadd.s32 $0x80, s3;
	[tilespmem:s0+$0x30] =	vst v4  }
.LBB2_3:
0x3d3: {  	[tilespmem:s3+$0xFFFFFFC0] =	vst v3;
	s0 =	sadd.s32 $0x80, s0  }
0x3d4: {  	[tilespmem:s0+$0xFFFFFFC0] =	vst v4  }
0x3d5: {  	[tilespmem:s3+$0xFFFFFFD0] =	vst v3  }
0x3d6: {  	[tilespmem:s0+$0xFFFFFFD0] =	vst v4  }
0x3d7: {  	[tilespmem:s3+$0xFFFFFFE0] =	vst v3  }
0x3d8: {  	[tilespmem:s0+$0xFFFFFFE0] =	vst v4  }
0x3d9: {  	[tilespmem:s3+$0xFFFFFFF0] =	vst v3  }
0x3da: {  	[tilespmem:s0+$0xFFFFFFF0] =	vst v4  }
0x3db: {  	[tilespmem:s3+$0x0] =	vst v3  }
0x3dc: {  	s2 =	sadd.s32 $0x8, s2;
	[tilespmem:s0+$0x0] =	vst v4  }
0x3dd: {  	p2 =	slt.u32 s2, $0x60;
	[tilespmem:s3+$0x10] =	vst v3  }
.Ltmp25:
0x3de: {  	[tilespmem:s0+$0x10] =	vst v4;
	(pc) =	sbr.rel @p2 .LBB2_3-.Ltmp25, $4  }
0x3df: {  	[tilespmem:s3+$0x20] =	vst v3  }
0x3e0: {  	[tilespmem:s0+$0x20] =	vst v4  }
0x3e1: {  	[tilespmem:s3+$0x30] =	vst v3  }
0x3e2: {  	s3 =	sadd.s32 $0x80, s3;
	[tilespmem:s0+$0x30] =	vst v4  }
0x3e3: {  	s2 =	simm.s32 $0x0;
	s0 =	rddreg [dreg:$0x0]  }
0x3e4: {  	[tilespmem:s2], [sflag:$0x3] =	stream.linear.gather [hbm4b:s0+s2], $0x1000, $0x38;
	[tilespmem:$0x17F80] =	vst v63  }
0x3e5: {  	_ =	swait.ge [sflag:s24], $0x1000  }
0x3e6: {  	[sflag:s24] =	ssyncset.done $0x0  }
0x3e7: {  	s0 =	simm.s32 $0x40;
	[sflag:s24] =	ssyncadd.s32 $0xFFFFF000  }
0x3e8: {  	v8 =	vld [tilespmem:s0+$0xFFFFFFC0];
	_ =	sdelay $0x4  }
0x3e9: {  	vm0 =	vge.s32 v8, v0;
	vm1 =	vlt.s32 v8, v2  }
0x3ea: {  	s3 =	simm.s32 $0x0;
	vm0 =	vmand vm0, vm1  }
0x3eb: {  	v9 =	vor.u32 s3, v1;
	[tilespmem:s2+$0x13080] =	vst.msk vm0, v8;
	v8 =	vmpcnt.ones.xlane vm0  }
0x3ec: {  	[tilespmem:s2+$0x13700] =	vst.msk vm0, v9  }
0x3ed: {  	v9 =	vld [tilespmem:s0+$0xFFFFFFD0];
	(v2sf) =	vpush v8, $0x0;
	_ =	sdelay $0x4  }
0x3ee: {  	vm0 =	vge.s32 v9, v0;
	vm1 =	vlt.s32 v9, v2  }
0x3ef: {  	vm0 =	vmand vm0, vm1  }
0x3f0: {  	v8 =	vmpcnt.ones.xlane vm0;
	_ =	sdelay $0x1  }
0x3f1: {  	(v2sf) =	vpush v8, $0x0;
	_ =	sdelay $0x5  }
0x3f2: {  	s23 =	spop (v2sf)  }
0x3f3: {  	s25 =	simm.s32 $0x10;
	s2 =	sadd.s32 $0x0, s23  }
0x3f4: {  	v8 =	vor.u32 s25, v1;
	[tilespmem:s2+$0x13080] =	vst.msk vm0, v9  }
0x3f5: {  	[tilespmem:s2+$0x13700] =	vst.msk vm0, v8  }
0x3f6: {  	v8 =	vld [tilespmem:s0+$0xFFFFFFE0];
	_ =	sdelay $0x4  }
0x3f7: {  	vm0 =	vge.s32 v8, v0;
	vm1 =	vlt.s32 v8, v2;
	s26 =	spop (v2sf)  }
0x3f8: {  	s28 =	simm.s32 $0x20;
	s2 =	sadd.s32 s2, s26;
	vm0 =	vmand vm0, vm1  }
0x3f9: {  	v9 =	vor.u32 s28, v1;
	[tilespmem:s2+$0x13080] =	vst.msk vm0, v8;
	v8 =	vmpcnt.ones.xlane vm0  }
0x3fa: {  	[tilespmem:s2+$0x13700] =	vst.msk vm0, v9  }
0x3fb: {  	v9 =	vld [tilespmem:s0+$0xFFFFFFF0];
	(v2sf) =	vpush v8, $0x0;
	_ =	sdelay $0x4  }
0x3fc: {  	vm0 =	vge.s32 v9, v0;
	vm1 =	vlt.s32 v9, v2  }
0x3fd: {  	vm0 =	vmand vm0, vm1  }
0x3fe: {  	v8 =	vmpcnt.ones.xlane vm0;
	_ =	sdelay $0x1  }
0x3ff: {  	(v2sf) =	vpush v8, $0x0;
	_ =	sdelay $0x5  }
0x400: {  	s29 =	spop (v2sf)  }
0x401: {  	s8 =	simm.s32 $0x30;
	s2 =	sadd.s32 s2, s29  }
0x402: {  	v8 =	vor.u32 s8, v1;
	[tilespmem:s2+$0x13080] =	vst.msk vm0, v9  }
0x403: {  	[tilespmem:s2+$0x13700] =	vst.msk vm0, v8  }
0x404: {  	v8 =	vld [tilespmem:s0+$0x0];
	_ =	sdelay $0x4  }
0x405: {  	vm0 =	vge.s32 v8, v0;
	vm1 =	vlt.s32 v8, v2;
	s9 =	spop (v2sf)  }
0x406: {  	s13 =	simm.s32 $0x40;
	s2 =	sadd.s32 s2, s9;
	vm0 =	vmand vm0, vm1  }
0x407: {  	v9 =	vor.u32 s13, v1;
	[tilespmem:s2+$0x13080] =	vst.msk vm0, v8;
	v8 =	vmpcnt.ones.xlane vm0  }
0x408: {  	[tilespmem:s2+$0x13700] =	vst.msk vm0, v9  }
0x409: {  	v9 =	vld [tilespmem:s0+$0x10];
	(v2sf) =	vpush v8, $0x0;
	_ =	sdelay $0x4  }
0x40a: {  	vm0 =	vge.s32 v9, v0;
	vm1 =	vlt.s32 v9, v2  }
0x40b: {  	vm0 =	vmand vm0, vm1  }
0x40c: {  	v8 =	vmpcnt.ones.xlane vm0;
	_ =	sdelay $0x1  }
0x40d: {  	(v2sf) =	vpush v8, $0x0;
	_ =	sdelay $0x5  }
0x40e: {  	s23 =	spop (v2sf)  }
0x40f: {  	s25 =	simm.s32 $0x50;
	s2 =	sadd.s32 s2, s23  }
0x410: {  	v8 =	vor.u32 s25, v1;
	[tilespmem:s2+$0x13080] =	vst.msk vm0, v9  }
0x411: {  	[tilespmem:s2+$0x13700] =	vst.msk vm0, v8  }
0x412: {  	v8 =	vld [tilespmem:s0+$0x20];
	_ =	sdelay $0x4  }
0x413: {  	vm0 =	vge.s32 v8, v0;
	vm1 =	vlt.s32 v8, v2;
	s26 =	spop (v2sf)  }
0x414: {  	s28 =	simm.s32 $0x60;
	s2 =	sadd.s32 s2, s26;
	vm0 =	vmand vm0, vm1  }
0x415: {  	v9 =	vor.u32 s28, v1;
	[tilespmem:s2+$0x13080] =	vst.msk vm0, v8;
	v8 =	vmpcnt.ones.xlane vm0  }
0x416: {  	[tilespmem:s2+$0x13700] =	vst.msk vm0, v9  }
0x417: {  	v9 =	vld [tilespmem:s0+$0x30];
	(v2sf) =	vpush v8, $0x0;
	_ =	sdelay $0x4  }
0x418: {  	vm0 =	vge.s32 v9, v0;
	vm1 =	vlt.s32 v9, v2  }
0x419: {  	vm0 =	vmand vm0, vm1  }
0x41a: {  	v8 =	vmpcnt.ones.xlane vm0;
	_ =	sdelay $0x1  }
0x41b: {  	(v2sf) =	vpush v8, $0x0;
	_ =	sdelay $0x5  }
0x41c: {  	s29 =	spop (v2sf)  }
0x41d: {  	s8 =	simm.s32 $0x70;
	s3 =	sadd.s32 s2, s29  }
0x41e: {  	v8 =	vor.u32 s8, v1;
	[tilespmem:s3+$0x13080] =	vst.msk vm0, v9  }
0x41f: {  	s9 =	simm.s32 $0xC0;
	[tilespmem:s3+$0x13700] =	vst.msk vm0, v8  }
0x420: {  	v8 =	vld [tilespmem:s9+$0xFFFFFFC0];
	_ =	sdelay $0x4  }
0x421: {  	s0 =	simm.s32 $0xF0;
	s2 =	simm.s32 $0x8;
	vm0 =	vge.s32 v8, v0;
	vm1 =	vlt.s32 v8, v2;
	s8 =	spop (v2sf)  }
.LBB2_5:
0x422: {  	s2 =	sadd.s32 $0x8, s2;
	s23 =	sadd.s32 $0xFFFFFF90, s0;
	vm0 =	vmand vm0, vm1;
	s3 =	sadd.s32 s3, s8  }
0x423: {  	p2 =	slt.u32 s2, $0xF8;
	v9 =	vor.u32 s23, v1;
	[tilespmem:s3+$0x13080] =	vst.msk vm0, v8;
	v8 =	vmpcnt.ones.xlane vm0  }
0x424: {  	[tilespmem:s3+$0x13700] =	vst.msk vm0, v9  }
0x425: {  	v9 =	vld [tilespmem:s9+$0xFFFFFFD0];
	(v2sf) =	vpush v8, $0x0;
	_ =	sdelay $0x4  }
0x426: {  	vm0 =	vge.s32 v9, v0;
	vm1 =	vlt.s32 v9, v2  }
0x427: {  	vm0 =	vmand vm0, vm1  }
0x428: {  	v8 =	vmpcnt.ones.xlane vm0;
	_ =	sdelay $0x1  }
0x429: {  	(v2sf) =	vpush v8, $0x0;
	_ =	sdelay $0x5  }
0x42a: {  	s8 =	spop (v2sf)  }
0x42b: {  	s3 =	sadd.s32 s3, s8;
	s8 =	sadd.s32 $0xFFFFFFA0, s0  }
0x42c: {  	v8 =	vor.u32 s8, v1;
	[tilespmem:s3+$0x13080] =	vst.msk vm0, v9  }
0x42d: {  	[tilespmem:s3+$0x13700] =	vst.msk vm0, v8  }
0x42e: {  	v8 =	vld [tilespmem:s9+$0xFFFFFFE0];
	_ =	sdelay $0x4  }
0x42f: {  	vm0 =	vge.s32 v8, v0;
	vm1 =	vlt.s32 v8, v2;
	s8 =	spop (v2sf)  }
0x430: {  	s3 =	sadd.s32 s3, s8;
	s8 =	sadd.s32 $0xFFFFFFB0, s0;
	vm0 =	vmand vm0, vm1  }
0x431: {  	v9 =	vor.u32 s8, v1;
	[tilespmem:s3+$0x13080] =	vst.msk vm0, v8;
	v8 =	vmpcnt.ones.xlane vm0  }
0x432: {  	[tilespmem:s3+$0x13700] =	vst.msk vm0, v9  }
0x433: {  	v9 =	vld [tilespmem:s9+$0xFFFFFFF0];
	(v2sf) =	vpush v8, $0x0;
	_ =	sdelay $0x4  }
0x434: {  	vm0 =	vge.s32 v9, v0;
	vm1 =	vlt.s32 v9, v2  }
0x435: {  	vm0 =	vmand vm0, vm1  }
0x436: {  	v8 =	vmpcnt.ones.xlane vm0;
	_ =	sdelay $0x1  }
0x437: {  	(v2sf) =	vpush v8, $0x0;
	_ =	sdelay $0x5  }
0x438: {  	s8 =	spop (v2sf)  }
0x439: {  	s3 =	sadd.s32 s3, s8;
	s8 =	sadd.s32 $0xFFFFFFC0, s0  }
0x43a: {  	v8 =	vor.u32 s8, v1;
	[tilespmem:s3+$0x13080] =	vst.msk vm0, v9  }
0x43b: {  	[tilespmem:s3+$0x13700] =	vst.msk vm0, v8  }
0x43c: {  	v8 =	vld [tilespmem:s9+$0x0];
	_ =	sdelay $0x4  }
0x43d: {  	vm0 =	vge.s32 v8, v0;
	vm1 =	vlt.s32 v8, v2;
	s8 =	spop (v2sf)  }
0x43e: {  	s3 =	sadd.s32 s3, s8;
	s8 =	sadd.s32 $0xFFFFFFD0, s0;
	vm0 =	vmand vm0, vm1  }
0x43f: {  	v9 =	vor.u32 s8, v1;
	[tilespmem:s3+$0x13080] =	vst.msk vm0, v8;
	v8 =	vmpcnt.ones.xlane vm0  }
0x440: {  	[tilespmem:s3+$0x13700] =	vst.msk vm0, v9  }
0x441: {  	v9 =	vld [tilespmem:s9+$0x10];
	(v2sf) =	vpush v8, $0x0;
	_ =	sdelay $0x4  }
0x442: {  	vm0 =	vge.s32 v9, v0;
	vm1 =	vlt.s32 v9, v2  }
0x443: {  	vm0 =	vmand vm0, vm1  }
0x444: {  	v8 =	vmpcnt.ones.xlane vm0;
	_ =	sdelay $0x1  }
0x445: {  	(v2sf) =	vpush v8, $0x0;
	_ =	sdelay $0x5  }
0x446: {  	s8 =	spop (v2sf)  }
0x447: {  	s3 =	sadd.s32 s3, s8;
	s8 =	sadd.s32 $0xFFFFFFE0, s0  }
0x448: {  	v8 =	vor.u32 s8, v1;
	[tilespmem:s3+$0x13080] =	vst.msk vm0, v9  }
0x449: {  	[tilespmem:s3+$0x13700] =	vst.msk vm0, v8  }
0x44a: {  	v8 =	vld [tilespmem:s9+$0x20];
	_ =	sdelay $0x4  }
0x44b: {  	vm0 =	vge.s32 v8, v0;
	vm1 =	vlt.s32 v8, v2;
	s8 =	spop (v2sf)  }
0x44c: {  	s3 =	sadd.s32 s3, s8;
	s8 =	sadd.s32 $0xFFFFFFF0, s0;
	vm0 =	vmand vm0, vm1  }
0x44d: {  	v9 =	vor.u32 s8, v1;
	[tilespmem:s3+$0x13080] =	vst.msk vm0, v8;
	v8 =	vmpcnt.ones.xlane vm0  }
0x44e: {  	[tilespmem:s3+$0x13700] =	vst.msk vm0, v9  }
0x44f: {  	v9 =	vld [tilespmem:s9+$0x30];
	(v2sf) =	vpush v8, $0x0;
	_ =	sdelay $0x4  }
0x450: {  	vm0 =	vge.s32 v9, v0;
	vm1 =	vlt.s32 v9, v2  }
0x451: {  	vm0 =	vmand vm0, vm1  }
0x452: {  	v8 =	vmpcnt.ones.xlane vm0;
	_ =	sdelay $0x1  }
0x453: {  	(v2sf) =	vpush v8, $0x0;
	_ =	sdelay $0x5  }
0x454: {  	s8 =	spop (v2sf)  }
0x455: {  	s3 =	sadd.s32 s3, s8  }
0x456: {  	v8 =	vor.u32 s0, v1;
	[tilespmem:s3+$0x13080] =	vst.msk vm0, v9  }
0x457: {  	s9 =	sadd.s32 $0x80, s9;
	[tilespmem:s3+$0x13700] =	vst.msk vm0, v8  }
0x458: {  	v8 =	vld [tilespmem:s9+$0xFFFFFFC0]  }
.Ltmp26:
0x459: {  	(pc) =	sbr.rel @p2 .LBB2_5-.Ltmp26, $2  }
0x45a: {  	_ =	sdelay $0x2  }
0x45b: {  	s0 =	sadd.s32 $0x80, s0;
	vm0 =	vge.s32 v8, v0;
	vm1 =	vlt.s32 v8, v2;
	s8 =	spop (v2sf)  }
0x45c: {  	s2 =	sadd.s32 $0xFFFFFF90, s0;
	vm0 =	vmand vm0, vm1;
	s3 =	sadd.s32 s3, s8  }
0x45d: {  	v9 =	vor.u32 s2, v1;
	[tilespmem:s3+$0x13080] =	vst.msk vm0, v8;
	v8 =	vmpcnt.ones.xlane vm0  }
0x45e: {  	[tilespmem:s3+$0x13700] =	vst.msk vm0, v9  }
0x45f: {  	v9 =	vld [tilespmem:s9+$0xFFFFFFD0];
	(v2sf) =	vpush v8, $0x0;
	_ =	sdelay $0x4  }
0x460: {  	vm0 =	vge.s32 v9, v0;
	vm1 =	vlt.s32 v9, v2  }
0x461: {  	vm0 =	vmand vm0, vm1  }
0x462: {  	v8 =	vmpcnt.ones.xlane vm0;
	_ =	sdelay $0x1  }
0x463: {  	(v2sf) =	vpush v8, $0x0;
	_ =	sdelay $0x5  }
0x464: {  	s8 =	spop (v2sf)  }
0x465: {  	s13 =	sadd.s32 $0xFFFFFFA0, s0;
	s2 =	sadd.s32 s3, s8  }
0x466: {  	v8 =	vor.u32 s13, v1;
	[tilespmem:s2+$0x13080] =	vst.msk vm0, v9  }
0x467: {  	[tilespmem:s2+$0x13700] =	vst.msk vm0, v8  }
0x468: {  	v8 =	vld [tilespmem:s9+$0xFFFFFFE0];
	_ =	sdelay $0x4  }
0x469: {  	vm0 =	vge.s32 v8, v0;
	vm1 =	vlt.s32 v8, v2;
	s23 =	spop (v2sf)  }
0x46a: {  	s25 =	sadd.s32 $0xFFFFFFB0, s0;
	s2 =	sadd.s32 s2, s23;
	vm0 =	vmand vm0, vm1  }
0x46b: {  	v9 =	vor.u32 s25, v1;
	[tilespmem:s2+$0x13080] =	vst.msk vm0, v8;
	v8 =	vmpcnt.ones.xlane vm0  }
0x46c: {  	[tilespmem:s2+$0x13700] =	vst.msk vm0, v9  }
0x46d: {  	v9 =	vld [tilespmem:s9+$0xFFFFFFF0];
	(v2sf) =	vpush v8, $0x0;
	_ =	sdelay $0x4  }
0x46e: {  	vm0 =	vge.s32 v9, v0;
	vm1 =	vlt.s32 v9, v2  }
0x46f: {  	vm0 =	vmand vm0, vm1  }
0x470: {  	v8 =	vmpcnt.ones.xlane vm0;
	_ =	sdelay $0x1  }
0x471: {  	(v2sf) =	vpush v8, $0x0;
	_ =	sdelay $0x5  }
0x472: {  	s26 =	spop (v2sf)  }
0x473: {  	s28 =	sadd.s32 $0xFFFFFFC0, s0;
	s2 =	sadd.s32 s2, s26  }
0x474: {  	v8 =	vor.u32 s28, v1;
	[tilespmem:s2+$0x13080] =	vst.msk vm0, v9  }
0x475: {  	[tilespmem:s2+$0x13700] =	vst.msk vm0, v8  }
0x476: {  	v8 =	vld [tilespmem:s9+$0x0];
	_ =	sdelay $0x4  }
0x477: {  	vm0 =	vge.s32 v8, v0;
	vm1 =	vlt.s32 v8, v2;
	s29 =	spop (v2sf)  }
0x478: {  	s8 =	sadd.s32 $0xFFFFFFD0, s0;
	s2 =	sadd.s32 s2, s29;
	vm0 =	vmand vm0, vm1  }
0x479: {  	v9 =	vor.u32 s8, v1;
	[tilespmem:s2+$0x13080] =	vst.msk vm0, v8;
	v8 =	vmpcnt.ones.xlane vm0  }
0x47a: {  	[tilespmem:s2+$0x13700] =	vst.msk vm0, v9  }
0x47b: {  	v9 =	vld [tilespmem:s9+$0x10];
	(v2sf) =	vpush v8, $0x0;
	_ =	sdelay $0x4  }
0x47c: {  	vm0 =	vge.s32 v9, v0;
	vm1 =	vlt.s32 v9, v2  }
0x47d: {  	vm0 =	vmand vm0, vm1  }
0x47e: {  	v8 =	vmpcnt.ones.xlane vm0;
	_ =	sdelay $0x1  }
0x47f: {  	(v2sf) =	vpush v8, $0x0;
	_ =	sdelay $0x5  }
0x480: {  	s13 =	spop (v2sf)  }
0x481: {  	s23 =	sadd.s32 $0xFFFFFFE0, s0;
	s2 =	sadd.s32 s2, s13  }
0x482: {  	v8 =	vor.u32 s23, v1;
	[tilespmem:s2+$0x13080] =	vst.msk vm0, v9  }
0x483: {  	[tilespmem:s2+$0x13700] =	vst.msk vm0, v8  }
0x484: {  	v8 =	vld [tilespmem:s9+$0x20];
	_ =	sdelay $0x4  }
0x485: {  	vm0 =	vge.s32 v8, v0;
	vm1 =	vlt.s32 v8, v2;
	s25 =	spop (v2sf)  }
0x486: {  	s26 =	sadd.s32 $0xFFFFFFF0, s0;
	s2 =	sadd.s32 s2, s25;
	vm0 =	vmand vm0, vm1  }
0x487: {  	v9 =	vor.u32 s26, v1;
	[tilespmem:s2+$0x13080] =	vst.msk vm0, v8  }
0x488: {  	[tilespmem:s2+$0x13700] =	vst.msk vm0, v9  }
0x489: {  	v8 =	vld [tilespmem:s9+$0x30];
	_ =	sdelay $0x1  }
0x48a: {  	v9 =	vmpcnt.ones.xlane vm0;
	_ =	sdelay $0x1  }
0x48b: {  	(v2sf) =	vpush v9, $0x0  }
0x48c: {  	vm0 =	vge.s32 v8, v0;
	vm1 =	vlt.s32 v8, v2  }
0x48d: {  	vm0 =	vmand vm0, vm1  }
0x48e: {  	v9 =	vmpcnt.ones.xlane vm0;
	_ =	sdelay $0x1  }
0x48f: {  	(v2sf) =	vpush v9, $0x0;
	_ =	sdelay $0x9  }
0x490: {  	s28 =	spop (v2sf)  }
0x491: {  	s2 =	sadd.s32 s2, s28  }
0x492: {  	v9 =	vor.u32 s0, v1;
	[tilespmem:s2+$0x13080] =	vst.msk vm0, v8  }
0x493: {  	s8 =	rddreg [dreg:$0x9];
	[tilespmem:s2+$0x13700] =	vst.msk vm0, v9  }
0x494: {  	[tilespmem:s10], [sflag:$0x3] =	stream.linear.gather [hbm4b:s8+s10], $0x1000, $0x38;
	[tilespmem:$0x17F80] =	vst v63  }
0x495: {  	s29 =	spop (v2sf)  }
0x496: {  	_ =	swait.ge [sflag:s24], $0x1000  }
0x497: {  	[sflag:s24] =	ssyncset.done $0x0  }
0x498: {  	s0 =	simm.s32 $0x40;
	[sflag:s24] =	ssyncadd.s32 $0xFFFFF000  }
0x499: {  	v8 =	vld [tilespmem:s0+$0xFFFFFFC0];
	_ =	sdelay $0x4  }
0x49a: {  	vm0 =	vge.s32 v8, v0;
	vm1 =	vlt.s32 v8, v2  }
0x49b: {  	s9 =	simm.s32 $0x1000;
	s2 =	sadd.s32 s2, s29;
	vm0 =	vmand vm0, vm1  }
0x49c: {  	v9 =	vor.u32 s9, v1;
	[tilespmem:s2+$0x13080] =	vst.msk vm0, v8;
	v8 =	vmpcnt.ones.xlane vm0  }
0x49d: {  	[tilespmem:s2+$0x13700] =	vst.msk vm0, v9  }
0x49e: {  	v9 =	vld [tilespmem:s0+$0xFFFFFFD0];
	(v2sf) =	vpush v8, $0x0;
	_ =	sdelay $0x4  }
0x49f: {  	vm0 =	vge.s32 v9, v0;
	vm1 =	vlt.s32 v9, v2  }
0x4a0: {  	vm0 =	vmand vm0, vm1  }
0x4a1: {  	v8 =	vmpcnt.ones.xlane vm0;
	_ =	sdelay $0x1  }
0x4a2: {  	(v2sf) =	vpush v8, $0x0;
	_ =	sdelay $0x5  }
0x4a3: {  	s13 =	spop (v2sf)  }
0x4a4: {  	s23 =	simm.s32 $0x1010;
	s2 =	sadd.s32 s2, s13  }
0x4a5: {  	v8 =	vor.u32 s23, v1;
	[tilespmem:s2+$0x13080] =	vst.msk vm0, v9  }
0x4a6: {  	[tilespmem:s2+$0x13700] =	vst.msk vm0, v8  }
0x4a7: {  	v8 =	vld [tilespmem:s0+$0xFFFFFFE0];
	_ =	sdelay $0x4  }
0x4a8: {  	vm0 =	vge.s32 v8, v0;
	vm1 =	vlt.s32 v8, v2;
	s25 =	spop (v2sf)  }
0x4a9: {  	s26 =	simm.s32 $0x1020;
	s2 =	sadd.s32 s2, s25;
	vm0 =	vmand vm0, vm1  }
0x4aa: {  	v9 =	vor.u32 s26, v1;
	[tilespmem:s2+$0x13080] =	vst.msk vm0, v8;
	v8 =	vmpcnt.ones.xlane vm0  }
0x4ab: {  	[tilespmem:s2+$0x13700] =	vst.msk vm0, v9  }
0x4ac: {  	v9 =	vld [tilespmem:s0+$0xFFFFFFF0];
	(v2sf) =	vpush v8, $0x0;
	_ =	sdelay $0x4  }
0x4ad: {  	vm0 =	vge.s32 v9, v0;
	vm1 =	vlt.s32 v9, v2  }
0x4ae: {  	vm0 =	vmand vm0, vm1  }
0x4af: {  	v8 =	vmpcnt.ones.xlane vm0;
	_ =	sdelay $0x1  }
0x4b0: {  	(v2sf) =	vpush v8, $0x0;
	_ =	sdelay $0x5  }
0x4b1: {  	s28 =	spop (v2sf)  }
0x4b2: {  	s29 =	simm.s32 $0x1030;
	s2 =	sadd.s32 s2, s28  }
0x4b3: {  	v8 =	vor.u32 s29, v1;
	[tilespmem:s2+$0x13080] =	vst.msk vm0, v9  }
0x4b4: {  	[tilespmem:s2+$0x13700] =	vst.msk vm0, v8  }
0x4b5: {  	v8 =	vld [tilespmem:s0+$0x0];
	_ =	sdelay $0x4  }
0x4b6: {  	vm0 =	vge.s32 v8, v0;
	vm1 =	vlt.s32 v8, v2;
	s8 =	spop (v2sf)  }
0x4b7: {  	s9 =	simm.s32 $0x1040;
	s2 =	sadd.s32 s2, s8;
	vm0 =	vmand vm0, vm1  }
0x4b8: {  	v9 =	vor.u32 s9, v1;
	[tilespmem:s2+$0x13080] =	vst.msk vm0, v8;
	v8 =	vmpcnt.ones.xlane vm0  }
0x4b9: {  	[tilespmem:s2+$0x13700] =	vst.msk vm0, v9  }
0x4ba: {  	v9 =	vld [tilespmem:s0+$0x10];
	(v2sf) =	vpush v8, $0x0;
	_ =	sdelay $0x4  }
0x4bb: {  	vm0 =	vge.s32 v9, v0;
	vm1 =	vlt.s32 v9, v2  }
0x4bc: {  	vm0 =	vmand vm0, vm1  }
0x4bd: {  	v8 =	vmpcnt.ones.xlane vm0;
	_ =	sdelay $0x1  }
0x4be: {  	(v2sf) =	vpush v8, $0x0;
	_ =	sdelay $0x5  }
0x4bf: {  	s13 =	spop (v2sf)  }
0x4c0: {  	s23 =	simm.s32 $0x1050;
	s2 =	sadd.s32 s2, s13  }
0x4c1: {  	v8 =	vor.u32 s23, v1;
	[tilespmem:s2+$0x13080] =	vst.msk vm0, v9  }
0x4c2: {  	[tilespmem:s2+$0x13700] =	vst.msk vm0, v8  }
0x4c3: {  	v8 =	vld [tilespmem:s0+$0x20];
	_ =	sdelay $0x4  }
0x4c4: {  	vm0 =	vge.s32 v8, v0;
	vm1 =	vlt.s32 v8, v2;
	s25 =	spop (v2sf)  }
0x4c5: {  	s26 =	simm.s32 $0x1060;
	s2 =	sadd.s32 s2, s25;
	vm0 =	vmand vm0, vm1  }
0x4c6: {  	v9 =	vor.u32 s26, v1;
	[tilespmem:s2+$0x13080] =	vst.msk vm0, v8;
	v8 =	vmpcnt.ones.xlane vm0  }
0x4c7: {  	[tilespmem:s2+$0x13700] =	vst.msk vm0, v9  }
0x4c8: {  	v9 =	vld [tilespmem:s0+$0x30];
	(v2sf) =	vpush v8, $0x0;
	_ =	sdelay $0x4  }
0x4c9: {  	vm0 =	vge.s32 v9, v0;
	vm1 =	vlt.s32 v9, v2  }
0x4ca: {  	vm0 =	vmand vm0, vm1  }
0x4cb: {  	v8 =	vmpcnt.ones.xlane vm0;
	_ =	sdelay $0x1  }
0x4cc: {  	(v2sf) =	vpush v8, $0x0;
	_ =	sdelay $0x5  }
0x4cd: {  	s28 =	spop (v2sf)  }
0x4ce: {  	s29 =	simm.s32 $0x1070;
	s3 =	sadd.s32 s2, s28  }
0x4cf: {  	v8 =	vor.u32 s29, v1;
	[tilespmem:s3+$0x13080] =	vst.msk vm0, v9  }
0x4d0: {  	s9 =	simm.s32 $0xC0;
	[tilespmem:s3+$0x13700] =	vst.msk vm0, v8  }
0x4d1: {  	v8 =	vld [tilespmem:s9+$0xFFFFFFC0];
	_ =	sdelay $0x4  }
0x4d2: {  	s0 =	simm.s32 $0x10F0;
	s2 =	simm.s32 $0x8;
	vm0 =	vge.s32 v8, v0;
	vm1 =	vlt.s32 v8, v2;
	s8 =	spop (v2sf)  }
.LBB2_7:
0x4d3: {  	s2 =	sadd.s32 $0x8, s2;
	s23 =	sadd.s32 $0xFFFFFF90, s0;
	vm0 =	vmand vm0, vm1;
	s3 =	sadd.s32 s3, s8  }
0x4d4: {  	p2 =	slt.u32 s2, $0xF8;
	v9 =	vor.u32 s23, v1;
	[tilespmem:s3+$0x13080] =	vst.msk vm0, v8;
	v8 =	vmpcnt.ones.xlane vm0  }
0x4d5: {  	[tilespmem:s3+$0x13700] =	vst.msk vm0, v9  }
0x4d6: {  	v9 =	vld [tilespmem:s9+$0xFFFFFFD0];
	(v2sf) =	vpush v8, $0x0;
	_ =	sdelay $0x4  }
0x4d7: {  	vm0 =	vge.s32 v9, v0;
	vm1 =	vlt.s32 v9, v2  }
0x4d8: {  	vm0 =	vmand vm0, vm1  }
0x4d9: {  	v8 =	vmpcnt.ones.xlane vm0;
	_ =	sdelay $0x1  }
0x4da: {  	(v2sf) =	vpush v8, $0x0;
	_ =	sdelay $0x5  }
0x4db: {  	s8 =	spop (v2sf)  }
0x4dc: {  	s3 =	sadd.s32 s3, s8;
	s8 =	sadd.s32 $0xFFFFFFA0, s0  }
0x4dd: {  	v8 =	vor.u32 s8, v1;
	[tilespmem:s3+$0x13080] =	vst.msk vm0, v9  }
0x4de: {  	[tilespmem:s3+$0x13700] =	vst.msk vm0, v8  }
0x4df: {  	v8 =	vld [tilespmem:s9+$0xFFFFFFE0];
	_ =	sdelay $0x4  }
0x4e0: {  	vm0 =	vge.s32 v8, v0;
	vm1 =	vlt.s32 v8, v2;
	s8 =	spop (v2sf)  }
0x4e1: {  	s3 =	sadd.s32 s3, s8;
	s8 =	sadd.s32 $0xFFFFFFB0, s0;
	vm0 =	vmand vm0, vm1  }
0x4e2: {  	v9 =	vor.u32 s8, v1;
	[tilespmem:s3+$0x13080] =	vst.msk vm0, v8;
	v8 =	vmpcnt.ones.xlane vm0  }
0x4e3: {  	[tilespmem:s3+$0x13700] =	vst.msk vm0, v9  }
0x4e4: {  	v9 =	vld [tilespmem:s9+$0xFFFFFFF0];
	(v2sf) =	vpush v8, $0x0;
	_ =	sdelay $0x4  }
0x4e5: {  	vm0 =	vge.s32 v9, v0;
	vm1 =	vlt.s32 v9, v2  }
0x4e6: {  	vm0 =	vmand vm0, vm1  }
0x4e7: {  	v8 =	vmpcnt.ones.xlane vm0;
	_ =	sdelay $0x1  }
0x4e8: {  	(v2sf) =	vpush v8, $0x0;
	_ =	sdelay $0x5  }
0x4e9: {  	s8 =	spop (v2sf)  }
0x4ea: {  	s3 =	sadd.s32 s3, s8;
	s8 =	sadd.s32 $0xFFFFFFC0, s0  }
0x4eb: {  	v8 =	vor.u32 s8, v1;
	[tilespmem:s3+$0x13080] =	vst.msk vm0, v9  }
0x4ec: {  	[tilespmem:s3+$0x13700] =	vst.msk vm0, v8  }
0x4ed: {  	v8 =	vld [tilespmem:s9+$0x0];
	_ =	sdelay $0x4  }
0x4ee: {  	vm0 =	vge.s32 v8, v0;
	vm1 =	vlt.s32 v8, v2;
	s8 =	spop (v2sf)  }
0x4ef: {  	s3 =	sadd.s32 s3, s8;
	s8 =	sadd.s32 $0xFFFFFFD0, s0;
	vm0 =	vmand vm0, vm1  }
0x4f0: {  	v9 =	vor.u32 s8, v1;
	[tilespmem:s3+$0x13080] =	vst.msk vm0, v8;
	v8 =	vmpcnt.ones.xlane vm0  }
0x4f1: {  	[tilespmem:s3+$0x13700] =	vst.msk vm0, v9  }
0x4f2: {  	v9 =	vld [tilespmem:s9+$0x10];
	(v2sf) =	vpush v8, $0x0;
	_ =	sdelay $0x4  }
0x4f3: {  	vm0 =	vge.s32 v9, v0;
	vm1 =	vlt.s32 v9, v2  }
0x4f4: {  	vm0 =	vmand vm0, vm1  }
0x4f5: {  	v8 =	vmpcnt.ones.xlane vm0;
	_ =	sdelay $0x1  }
0x4f6: {  	(v2sf) =	vpush v8, $0x0;
	_ =	sdelay $0x5  }
0x4f7: {  	s8 =	spop (v2sf)  }
0x4f8: {  	s3 =	sadd.s32 s3, s8;
	s8 =	sadd.s32 $0xFFFFFFE0, s0  }
0x4f9: {  	v8 =	vor.u32 s8, v1;
	[tilespmem:s3+$0x13080] =	vst.msk vm0, v9  }
0x4fa: {  	[tilespmem:s3+$0x13700] =	vst.msk vm0, v8  }
0x4fb: {  	v8 =	vld [tilespmem:s9+$0x20];
	_ =	sdelay $0x4  }
0x4fc: {  	vm0 =	vge.s32 v8, v0;
	vm1 =	vlt.s32 v8, v2;
	s8 =	spop (v2sf)  }
0x4fd: {  	s3 =	sadd.s32 s3, s8;
	s8 =	sadd.s32 $0xFFFFFFF0, s0;
	vm0 =	vmand vm0, vm1  }
0x4fe: {  	v9 =	vor.u32 s8, v1;
	[tilespmem:s3+$0x13080] =	vst.msk vm0, v8;
	v8 =	vmpcnt.ones.xlane vm0  }
0x4ff: {  	[tilespmem:s3+$0x13700] =	vst.msk vm0, v9  }
0x500: {  	v9 =	vld [tilespmem:s9+$0x30];
	(v2sf) =	vpush v8, $0x0;
	_ =	sdelay $0x4  }
0x501: {  	vm0 =	vge.s32 v9, v0;
	vm1 =	vlt.s32 v9, v2  }
0x502: {  	vm0 =	vmand vm0, vm1  }
0x503: {  	v8 =	vmpcnt.ones.xlane vm0;
	_ =	sdelay $0x1  }
0x504: {  	(v2sf) =	vpush v8, $0x0;
	_ =	sdelay $0x5  }
0x505: {  	s8 =	spop (v2sf)  }
0x506: {  	s3 =	sadd.s32 s3, s8  }
0x507: {  	v8 =	vor.u32 s0, v1;
	[tilespmem:s3+$0x13080] =	vst.msk vm0, v9  }
0x508: {  	s9 =	sadd.s32 $0x80, s9;
	[tilespmem:s3+$0x13700] =	vst.msk vm0, v8  }
0x509: {  	v8 =	vld [tilespmem:s9+$0xFFFFFFC0]  }
.Ltmp27:
0x50a: {  	(pc) =	sbr.rel @p2 .LBB2_7-.Ltmp27, $2  }
0x50b: {  	_ =	sdelay $0x2  }
0x50c: {  	s0 =	sadd.s32 $0x80, s0;
	vm0 =	vge.s32 v8, v0;
	vm1 =	vlt.s32 v8, v2;
	s8 =	spop (v2sf)  }
0x50d: {  	s2 =	sadd.s32 $0xFFFFFF90, s0;
	vm0 =	vmand vm0, vm1;
	s3 =	sadd.s32 s3, s8  }
0x50e: {  	v9 =	vor.u32 s2, v1;
	[tilespmem:s3+$0x13080] =	vst.msk vm0, v8;
	v8 =	vmpcnt.ones.xlane vm0  }
0x50f: {  	[tilespmem:s3+$0x13700] =	vst.msk vm0, v9  }
0x510: {  	v9 =	vld [tilespmem:s9+$0xFFFFFFD0];
	(v2sf) =	vpush v8, $0x0;
	_ =	sdelay $0x4  }
0x511: {  	vm0 =	vge.s32 v9, v0;
	vm1 =	vlt.s32 v9, v2  }
0x512: {  	vm0 =	vmand vm0, vm1  }
0x513: {  	v8 =	vmpcnt.ones.xlane vm0;
	_ =	sdelay $0x1  }
0x514: {  	(v2sf) =	vpush v8, $0x0;
	_ =	sdelay $0x5  }
0x515: {  	s13 =	spop (v2sf)  }
0x516: {  	s23 =	sadd.s32 $0xFFFFFFA0, s0;
	s2 =	sadd.s32 s3, s13  }
0x517: {  	v8 =	vor.u32 s23, v1;
	[tilespmem:s2+$0x13080] =	vst.msk vm0, v9  }
0x518: {  	[tilespmem:s2+$0x13700] =	vst.msk vm0, v8  }
0x519: {  	v8 =	vld [tilespmem:s9+$0xFFFFFFE0];
	_ =	sdelay $0x4  }
0x51a: {  	vm0 =	vge.s32 v8, v0;
	vm1 =	vlt.s32 v8, v2;
	s25 =	spop (v2sf)  }
0x51b: {  	s26 =	sadd.s32 $0xFFFFFFB0, s0;
	s2 =	sadd.s32 s2, s25;
	vm0 =	vmand vm0, vm1  }
0x51c: {  	v9 =	vor.u32 s26, v1;
	[tilespmem:s2+$0x13080] =	vst.msk vm0, v8;
	v8 =	vmpcnt.ones.xlane vm0  }
0x51d: {  	[tilespmem:s2+$0x13700] =	vst.msk vm0, v9  }
0x51e: {  	v9 =	vld [tilespmem:s9+$0xFFFFFFF0];
	(v2sf) =	vpush v8, $0x0;
	_ =	sdelay $0x4  }
0x51f: {  	vm0 =	vge.s32 v9, v0;
	vm1 =	vlt.s32 v9, v2  }
0x520: {  	vm0 =	vmand vm0, vm1  }
0x521: {  	v8 =	vmpcnt.ones.xlane vm0;
	_ =	sdelay $0x1  }
0x522: {  	(v2sf) =	vpush v8, $0x0;
	_ =	sdelay $0x5  }
0x523: {  	s28 =	spop (v2sf)  }
0x524: {  	s29 =	sadd.s32 $0xFFFFFFC0, s0;
	s2 =	sadd.s32 s2, s28  }
0x525: {  	v8 =	vor.u32 s29, v1;
	[tilespmem:s2+$0x13080] =	vst.msk vm0, v9  }
0x526: {  	[tilespmem:s2+$0x13700] =	vst.msk vm0, v8  }
0x527: {  	v8 =	vld [tilespmem:s9+$0x0];
	_ =	sdelay $0x4  }
0x528: {  	vm0 =	vge.s32 v8, v0;
	vm1 =	vlt.s32 v8, v2;
	s8 =	spop (v2sf)  }
0x529: {  	s13 =	sadd.s32 $0xFFFFFFD0, s0;
	s2 =	sadd.s32 s2, s8;
	vm0 =	vmand vm0, vm1  }
0x52a: {  	v9 =	vor.u32 s13, v1;
	[tilespmem:s2+$0x13080] =	vst.msk vm0, v8;
	v8 =	vmpcnt.ones.xlane vm0  }
0x52b: {  	[tilespmem:s2+$0x13700] =	vst.msk vm0, v9  }
0x52c: {  	v9 =	vld [tilespmem:s9+$0x10];
	(v2sf) =	vpush v8, $0x0;
	_ =	sdelay $0x4  }
0x52d: {  	vm0 =	vge.s32 v9, v0;
	vm1 =	vlt.s32 v9, v2  }
0x52e: {  	vm0 =	vmand vm0, vm1  }
0x52f: {  	v8 =	vmpcnt.ones.xlane vm0;
	_ =	sdelay $0x1  }
0x530: {  	(v2sf) =	vpush v8, $0x0;
	_ =	sdelay $0x5  }
0x531: {  	s23 =	spop (v2sf)  }
0x532: {  	s25 =	sadd.s32 $0xFFFFFFE0, s0;
	s2 =	sadd.s32 s2, s23  }
0x533: {  	v8 =	vor.u32 s25, v1;
	[tilespmem:s2+$0x13080] =	vst.msk vm0, v9  }
0x534: {  	[tilespmem:s2+$0x13700] =	vst.msk vm0, v8  }
0x535: {  	v8 =	vld [tilespmem:s9+$0x20];
	_ =	sdelay $0x4  }
0x536: {  	vm0 =	vge.s32 v8, v0;
	vm1 =	vlt.s32 v8, v2;
	s26 =	spop (v2sf)  }
0x537: {  	s28 =	sadd.s32 $0xFFFFFFF0, s0;
	s2 =	sadd.s32 s2, s26;
	vm0 =	vmand vm0, vm1  }
0x538: {  	v9 =	vor.u32 s28, v1;
	[tilespmem:s2+$0x13080] =	vst.msk vm0, v8  }
0x539: {  	[tilespmem:s2+$0x13700] =	vst.msk vm0, v9  }
0x53a: {  	v8 =	vld [tilespmem:s9+$0x30];
	_ =	sdelay $0x1  }
0x53b: {  	v9 =	vmpcnt.ones.xlane vm0;
	_ =	sdelay $0x1  }
0x53c: {  	(v2sf) =	vpush v9, $0x0  }
0x53d: {  	vm0 =	vge.s32 v8, v0;
	vm1 =	vlt.s32 v8, v2  }
0x53e: {  	vm0 =	vmand vm0, vm1  }
0x53f: {  	v9 =	vmpcnt.ones.xlane vm0;
	_ =	sdelay $0x1  }
0x540: {  	(v2sf) =	vpush v9, $0x0;
	_ =	sdelay $0x9  }
0x541: {  	s29 =	spop (v2sf)  }
0x542: {  	s2 =	sadd.s32 s2, s29  }
0x543: {  	v9 =	vor.u32 s0, v1;
	[tilespmem:s2+$0x13080] =	vst.msk vm0, v8  }
0x544: {  	[tilespmem:s2+$0x13700] =	vst.msk vm0, v9  }
0x545: {  	[tilespmem:s10], [sflag:$0x3] =	stream.linear.gather [hbm4b:s14+s10], $0x1000, $0x38;
	[tilespmem:$0x17F80] =	vst v63  }
0x546: {  	s8 =	spop (v2sf)  }
0x547: {  	_ =	swait.ge [sflag:s24], $0x1000  }
0x548: {  	[sflag:s24] =	ssyncset.done $0x0  }
0x549: {  	s0 =	simm.s32 $0x40;
	[sflag:s24] =	ssyncadd.s32 $0xFFFFF000  }
0x54a: {  	v8 =	vld [tilespmem:s0+$0xFFFFFFC0];
	_ =	sdelay $0x4  }
0x54b: {  	vm0 =	vge.s32 v8, v0;
	vm1 =	vlt.s32 v8, v2  }
0x54c: {  	s9 =	simm.s32 $0x2000;
	s2 =	sadd.s32 s2, s8;
	vm0 =	vmand vm0, vm1  }
0x54d: {  	v9 =	vor.u32 s9, v1;
	[tilespmem:s2+$0x13080] =	vst.msk vm0, v8;
	v8 =	vmpcnt.ones.xlane vm0  }
0x54e: {  	[tilespmem:s2+$0x13700] =	vst.msk vm0, v9  }
0x54f: {  	v9 =	vld [tilespmem:s0+$0xFFFFFFD0];
	(v2sf) =	vpush v8, $0x0;
	_ =	sdelay $0x4  }
0x550: {  	vm0 =	vge.s32 v9, v0;
	vm1 =	vlt.s32 v9, v2  }
0x551: {  	vm0 =	vmand vm0, vm1  }
0x552: {  	v8 =	vmpcnt.ones.xlane vm0;
	_ =	sdelay $0x1  }
0x553: {  	(v2sf) =	vpush v8, $0x0;
	_ =	sdelay $0x5  }
0x554: {  	s13 =	spop (v2sf)  }
0x555: {  	s23 =	simm.s32 $0x2010;
	s2 =	sadd.s32 s2, s13  }
0x556: {  	v8 =	vor.u32 s23, v1;
	[tilespmem:s2+$0x13080] =	vst.msk vm0, v9  }
0x557: {  	[tilespmem:s2+$0x13700] =	vst.msk vm0, v8  }
0x558: {  	v8 =	vld [tilespmem:s0+$0xFFFFFFE0];
	_ =	sdelay $0x4  }
0x559: {  	vm0 =	vge.s32 v8, v0;
	vm1 =	vlt.s32 v8, v2;
	s25 =	spop (v2sf)  }
0x55a: {  	s26 =	simm.s32 $0x2020;
	s2 =	sadd.s32 s2, s25;
	vm0 =	vmand vm0, vm1  }
0x55b: {  	v9 =	vor.u32 s26, v1;
	[tilespmem:s2+$0x13080] =	vst.msk vm0, v8;
	v8 =	vmpcnt.ones.xlane vm0  }
0x55c: {  	[tilespmem:s2+$0x13700] =	vst.msk vm0, v9  }
0x55d: {  	v9 =	vld [tilespmem:s0+$0xFFFFFFF0];
	(v2sf) =	vpush v8, $0x0;
	_ =	sdelay $0x4  }
0x55e: {  	vm0 =	vge.s32 v9, v0;
	vm1 =	vlt.s32 v9, v2  }
0x55f: {  	vm0 =	vmand vm0, vm1  }
0x560: {  	v8 =	vmpcnt.ones.xlane vm0;
	_ =	sdelay $0x1  }
0x561: {  	(v2sf) =	vpush v8, $0x0;
	_ =	sdelay $0x5  }
0x562: {  	s28 =	spop (v2sf)  }
0x563: {  	s29 =	simm.s32 $0x2030;
	s2 =	sadd.s32 s2, s28  }
0x564: {  	v8 =	vor.u32 s29, v1;
	[tilespmem:s2+$0x13080] =	vst.msk vm0, v9  }
0x565: {  	[tilespmem:s2+$0x13700] =	vst.msk vm0, v8  }
0x566: {  	v8 =	vld [tilespmem:s0+$0x0];
	_ =	sdelay $0x4  }
0x567: {  	vm0 =	vge.s32 v8, v0;
	vm1 =	vlt.s32 v8, v2;
	s8 =	spop (v2sf)  }
0x568: {  	s9 =	simm.s32 $0x2040;
	s2 =	sadd.s32 s2, s8;
	vm0 =	vmand vm0, vm1  }
0x569: {  	v9 =	vor.u32 s9, v1;
	[tilespmem:s2+$0x13080] =	vst.msk vm0, v8;
	v8 =	vmpcnt.ones.xlane vm0  }
0x56a: {  	[tilespmem:s2+$0x13700] =	vst.msk vm0, v9  }
0x56b: {  	v9 =	vld [tilespmem:s0+$0x10];
	(v2sf) =	vpush v8, $0x0;
	_ =	sdelay $0x4  }
0x56c: {  	vm0 =	vge.s32 v9, v0;
	vm1 =	vlt.s32 v9, v2  }
0x56d: {  	vm0 =	vmand vm0, vm1  }
0x56e: {  	v8 =	vmpcnt.ones.xlane vm0;
	_ =	sdelay $0x1  }
0x56f: {  	(v2sf) =	vpush v8, $0x0;
	_ =	sdelay $0x5  }
0x570: {  	s13 =	spop (v2sf)  }
0x571: {  	s23 =	simm.s32 $0x2050;
	s2 =	sadd.s32 s2, s13  }
0x572: {  	v8 =	vor.u32 s23, v1;
	[tilespmem:s2+$0x13080] =	vst.msk vm0, v9  }
0x573: {  	[tilespmem:s2+$0x13700] =	vst.msk vm0, v8  }
0x574: {  	v8 =	vld [tilespmem:s0+$0x20];
	_ =	sdelay $0x4  }
0x575: {  	vm0 =	vge.s32 v8, v0;
	vm1 =	vlt.s32 v8, v2;
	s25 =	spop (v2sf)  }
0x576: {  	s26 =	simm.s32 $0x2060;
	s2 =	sadd.s32 s2, s25;
	vm0 =	vmand vm0, vm1  }
0x577: {  	v9 =	vor.u32 s26, v1;
	[tilespmem:s2+$0x13080] =	vst.msk vm0, v8;
	v8 =	vmpcnt.ones.xlane vm0  }
0x578: {  	[tilespmem:s2+$0x13700] =	vst.msk vm0, v9  }
0x579: {  	v9 =	vld [tilespmem:s0+$0x30];
	(v2sf) =	vpush v8, $0x0;
	_ =	sdelay $0x4  }
0x57a: {  	vm0 =	vge.s32 v9, v0;
	vm1 =	vlt.s32 v9, v2  }
0x57b: {  	vm0 =	vmand vm0, vm1  }
0x57c: {  	v8 =	vmpcnt.ones.xlane vm0;
	_ =	sdelay $0x1  }
0x57d: {  	(v2sf) =	vpush v8, $0x0;
	_ =	sdelay $0x5  }
0x57e: {  	s28 =	spop (v2sf)  }
0x57f: {  	s29 =	simm.s32 $0x2070;
	s3 =	sadd.s32 s2, s28  }
0x580: {  	v8 =	vor.u32 s29, v1;
	[tilespmem:s3+$0x13080] =	vst.msk vm0, v9  }
0x581: {  	s9 =	simm.s32 $0xC0;
	[tilespmem:s3+$0x13700] =	vst.msk vm0, v8  }
0x582: {  	v8 =	vld [tilespmem:s9+$0xFFFFFFC0];
	_ =	sdelay $0x4  }
0x583: {  	s0 =	simm.s32 $0x20F0;
	s2 =	simm.s32 $0x8;
	vm0 =	vge.s32 v8, v0;
	vm1 =	vlt.s32 v8, v2;
	s8 =	spop (v2sf)  }
.LBB2_9:
0x584: {  	s2 =	sadd.s32 $0x8, s2;
	s23 =	sadd.s32 $0xFFFFFF90, s0;
	vm0 =	vmand vm0, vm1;
	s3 =	sadd.s32 s3, s8  }
0x585: {  	p2 =	slt.u32 s2, $0xF8;
	v9 =	vor.u32 s23, v1;
	[tilespmem:s3+$0x13080] =	vst.msk vm0, v8;
	v8 =	vmpcnt.ones.xlane vm0  }
0x586: {  	[tilespmem:s3+$0x13700] =	vst.msk vm0, v9  }
0x587: {  	v9 =	vld [tilespmem:s9+$0xFFFFFFD0];
	(v2sf) =	vpush v8, $0x0;
	_ =	sdelay $0x4  }
0x588: {  	vm0 =	vge.s32 v9, v0;
	vm1 =	vlt.s32 v9, v2  }
0x589: {  	vm0 =	vmand vm0, vm1  }
0x58a: {  	v8 =	vmpcnt.ones.xlane vm0;
	_ =	sdelay $0x1  }
0x58b: {  	(v2sf) =	vpush v8, $0x0;
	_ =	sdelay $0x5  }
0x58c: {  	s8 =	spop (v2sf)  }
0x58d: {  	s3 =	sadd.s32 s3, s8;
	s8 =	sadd.s32 $0xFFFFFFA0, s0  }
0x58e: {  	v8 =	vor.u32 s8, v1;
	[tilespmem:s3+$0x13080] =	vst.msk vm0, v9  }
0x58f: {  	[tilespmem:s3+$0x13700] =	vst.msk vm0, v8  }
0x590: {  	v8 =	vld [tilespmem:s9+$0xFFFFFFE0];
	_ =	sdelay $0x4  }
0x591: {  	vm0 =	vge.s32 v8, v0;
	vm1 =	vlt.s32 v8, v2;
	s8 =	spop (v2sf)  }
0x592: {  	s3 =	sadd.s32 s3, s8;
	s8 =	sadd.s32 $0xFFFFFFB0, s0;
	vm0 =	vmand vm0, vm1  }
0x593: {  	v9 =	vor.u32 s8, v1;
	[tilespmem:s3+$0x13080] =	vst.msk vm0, v8;
	v8 =	vmpcnt.ones.xlane vm0  }
0x594: {  	[tilespmem:s3+$0x13700] =	vst.msk vm0, v9  }
0x595: {  	v9 =	vld [tilespmem:s9+$0xFFFFFFF0];
	(v2sf) =	vpush v8, $0x0;
	_ =	sdelay $0x4  }
0x596: {  	vm0 =	vge.s32 v9, v0;
	vm1 =	vlt.s32 v9, v2  }
0x597: {  	vm0 =	vmand vm0, vm1  }
0x598: {  	v8 =	vmpcnt.ones.xlane vm0;
	_ =	sdelay $0x1  }
0x599: {  	(v2sf) =	vpush v8, $0x0;
	_ =	sdelay $0x5  }
0x59a: {  	s8 =	spop (v2sf)  }
0x59b: {  	s3 =	sadd.s32 s3, s8;
	s8 =	sadd.s32 $0xFFFFFFC0, s0  }
0x59c: {  	v8 =	vor.u32 s8, v1;
	[tilespmem:s3+$0x13080] =	vst.msk vm0, v9  }
0x59d: {  	[tilespmem:s3+$0x13700] =	vst.msk vm0, v8  }
0x59e: {  	v8 =	vld [tilespmem:s9+$0x0];
	_ =	sdelay $0x4  }
0x59f: {  	vm0 =	vge.s32 v8, v0;
	vm1 =	vlt.s32 v8, v2;
	s8 =	spop (v2sf)  }
0x5a0: {  	s3 =	sadd.s32 s3, s8;
	s8 =	sadd.s32 $0xFFFFFFD0, s0;
	vm0 =	vmand vm0, vm1  }
0x5a1: {  	v9 =	vor.u32 s8, v1;
	[tilespmem:s3+$0x13080] =	vst.msk vm0, v8;
	v8 =	vmpcnt.ones.xlane vm0  }
0x5a2: {  	[tilespmem:s3+$0x13700] =	vst.msk vm0, v9  }
0x5a3: {  	v9 =	vld [tilespmem:s9+$0x10];
	(v2sf) =	vpush v8, $0x0;
	_ =	sdelay $0x4  }
0x5a4: {  	vm0 =	vge.s32 v9, v0;
	vm1 =	vlt.s32 v9, v2  }
0x5a5: {  	vm0 =	vmand vm0, vm1  }
0x5a6: {  	v8 =	vmpcnt.ones.xlane vm0;
	_ =	sdelay $0x1  }
0x5a7: {  	(v2sf) =	vpush v8, $0x0;
	_ =	sdelay $0x5  }
0x5a8: {  	s8 =	spop (v2sf)  }
0x5a9: {  	s3 =	sadd.s32 s3, s8;
	s8 =	sadd.s32 $0xFFFFFFE0, s0  }
0x5aa: {  	v8 =	vor.u32 s8, v1;
	[tilespmem:s3+$0x13080] =	vst.msk vm0, v9  }
0x5ab: {  	[tilespmem:s3+$0x13700] =	vst.msk vm0, v8  }
0x5ac: {  	v8 =	vld [tilespmem:s9+$0x20];
	_ =	sdelay $0x4  }
0x5ad: {  	vm0 =	vge.s32 v8, v0;
	vm1 =	vlt.s32 v8, v2;
	s8 =	spop (v2sf)  }
0x5ae: {  	s3 =	sadd.s32 s3, s8;
	s8 =	sadd.s32 $0xFFFFFFF0, s0;
	vm0 =	vmand vm0, vm1  }
0x5af: {  	v9 =	vor.u32 s8, v1;
	[tilespmem:s3+$0x13080] =	vst.msk vm0, v8;
	v8 =	vmpcnt.ones.xlane vm0  }
0x5b0: {  	[tilespmem:s3+$0x13700] =	vst.msk vm0, v9  }
0x5b1: {  	v9 =	vld [tilespmem:s9+$0x30];
	(v2sf) =	vpush v8, $0x0;
	_ =	sdelay $0x4  }
0x5b2: {  	vm0 =	vge.s32 v9, v0;
	vm1 =	vlt.s32 v9, v2  }
0x5b3: {  	vm0 =	vmand vm0, vm1  }
0x5b4: {  	v8 =	vmpcnt.ones.xlane vm0;
	_ =	sdelay $0x1  }
0x5b5: {  	(v2sf) =	vpush v8, $0x0;
	_ =	sdelay $0x5  }
0x5b6: {  	s8 =	spop (v2sf)  }
0x5b7: {  	s3 =	sadd.s32 s3, s8  }
0x5b8: {  	v8 =	vor.u32 s0, v1;
	[tilespmem:s3+$0x13080] =	vst.msk vm0, v9  }
0x5b9: {  	s9 =	sadd.s32 $0x80, s9;
	[tilespmem:s3+$0x13700] =	vst.msk vm0, v8  }
0x5ba: {  	v8 =	vld [tilespmem:s9+$0xFFFFFFC0]  }
.Ltmp28:
0x5bb: {  	(pc) =	sbr.rel @p2 .LBB2_9-.Ltmp28, $2  }
0x5bc: {  	_ =	sdelay $0x2  }
0x5bd: {  	s0 =	sadd.s32 $0x80, s0;
	vm0 =	vge.s32 v8, v0;
	vm1 =	vlt.s32 v8, v2;
	s8 =	spop (v2sf)  }
0x5be: {  	s2 =	sadd.s32 $0xFFFFFF90, s0;
	vm0 =	vmand vm0, vm1;
	s3 =	sadd.s32 s3, s8  }
0x5bf: {  	v9 =	vor.u32 s2, v1;
	[tilespmem:s3+$0x13080] =	vst.msk vm0, v8;
	v8 =	vmpcnt.ones.xlane vm0  }
0x5c0: {  	[tilespmem:s3+$0x13700] =	vst.msk vm0, v9  }
0x5c1: {  	v9 =	vld [tilespmem:s9+$0xFFFFFFD0];
	(v2sf) =	vpush v8, $0x0;
	_ =	sdelay $0x4  }
0x5c2: {  	vm0 =	vge.s32 v9, v0;
	vm1 =	vlt.s32 v9, v2  }
0x5c3: {  	vm0 =	vmand vm0, vm1  }
0x5c4: {  	v8 =	vmpcnt.ones.xlane vm0;
	_ =	sdelay $0x1  }
0x5c5: {  	(v2sf) =	vpush v8, $0x0;
	_ =	sdelay $0x5  }
0x5c6: {  	s13 =	spop (v2sf)  }
0x5c7: {  	s23 =	sadd.s32 $0xFFFFFFA0, s0;
	s2 =	sadd.s32 s3, s13  }
0x5c8: {  	v8 =	vor.u32 s23, v1;
	[tilespmem:s2+$0x13080] =	vst.msk vm0, v9  }
0x5c9: {  	[tilespmem:s2+$0x13700] =	vst.msk vm0, v8  }
0x5ca: {  	v8 =	vld [tilespmem:s9+$0xFFFFFFE0];
	_ =	sdelay $0x4  }
0x5cb: {  	vm0 =	vge.s32 v8, v0;
	vm1 =	vlt.s32 v8, v2;
	s25 =	spop (v2sf)  }
0x5cc: {  	s26 =	sadd.s32 $0xFFFFFFB0, s0;
	s2 =	sadd.s32 s2, s25;
	vm0 =	vmand vm0, vm1  }
0x5cd: {  	v9 =	vor.u32 s26, v1;
	[tilespmem:s2+$0x13080] =	vst.msk vm0, v8;
	v8 =	vmpcnt.ones.xlane vm0  }
0x5ce: {  	[tilespmem:s2+$0x13700] =	vst.msk vm0, v9  }
0x5cf: {  	v9 =	vld [tilespmem:s9+$0xFFFFFFF0];
	(v2sf) =	vpush v8, $0x0;
	_ =	sdelay $0x4  }
0x5d0: {  	vm0 =	vge.s32 v9, v0;
	vm1 =	vlt.s32 v9, v2  }
0x5d1: {  	vm0 =	vmand vm0, vm1  }
0x5d2: {  	v8 =	vmpcnt.ones.xlane vm0;
	_ =	sdelay $0x1  }
0x5d3: {  	(v2sf) =	vpush v8, $0x0;
	_ =	sdelay $0x5  }
0x5d4: {  	s28 =	spop (v2sf)  }
0x5d5: {  	s29 =	sadd.s32 $0xFFFFFFC0, s0;
	s2 =	sadd.s32 s2, s28  }
0x5d6: {  	v8 =	vor.u32 s29, v1;
	[tilespmem:s2+$0x13080] =	vst.msk vm0, v9  }
0x5d7: {  	[tilespmem:s2+$0x13700] =	vst.msk vm0, v8  }
0x5d8: {  	v8 =	vld [tilespmem:s9+$0x0];
	_ =	sdelay $0x4  }
0x5d9: {  	vm0 =	vge.s32 v8, v0;
	vm1 =	vlt.s32 v8, v2;
	s8 =	spop (v2sf)  }
0x5da: {  	s13 =	sadd.s32 $0xFFFFFFD0, s0;
	s2 =	sadd.s32 s2, s8;
	vm0 =	vmand vm0, vm1  }
0x5db: {  	v9 =	vor.u32 s13, v1;
	[tilespmem:s2+$0x13080] =	vst.msk vm0, v8;
	v8 =	vmpcnt.ones.xlane vm0  }
0x5dc: {  	[tilespmem:s2+$0x13700] =	vst.msk vm0, v9  }
0x5dd: {  	v9 =	vld [tilespmem:s9+$0x10];
	(v2sf) =	vpush v8, $0x0;
	_ =	sdelay $0x4  }
0x5de: {  	vm0 =	vge.s32 v9, v0;
	vm1 =	vlt.s32 v9, v2  }
0x5df: {  	vm0 =	vmand vm0, vm1  }
0x5e0: {  	v8 =	vmpcnt.ones.xlane vm0;
	_ =	sdelay $0x1  }
0x5e1: {  	(v2sf) =	vpush v8, $0x0;
	_ =	sdelay $0x5  }
0x5e2: {  	s23 =	spop (v2sf)  }
0x5e3: {  	s25 =	sadd.s32 $0xFFFFFFE0, s0;
	s2 =	sadd.s32 s2, s23  }
0x5e4: {  	v8 =	vor.u32 s25, v1;
	[tilespmem:s2+$0x13080] =	vst.msk vm0, v9  }
0x5e5: {  	[tilespmem:s2+$0x13700] =	vst.msk vm0, v8  }
0x5e6: {  	v8 =	vld [tilespmem:s9+$0x20];
	_ =	sdelay $0x4  }
0x5e7: {  	vm0 =	vge.s32 v8, v0;
	vm1 =	vlt.s32 v8, v2;
	s26 =	spop (v2sf)  }
0x5e8: {  	s28 =	sadd.s32 $0xFFFFFFF0, s0;
	s2 =	sadd.s32 s2, s26;
	vm0 =	vmand vm0, vm1  }
0x5e9: {  	v9 =	vor.u32 s28, v1;
	[tilespmem:s2+$0x13080] =	vst.msk vm0, v8  }
0x5ea: {  	[tilespmem:s2+$0x13700] =	vst.msk vm0, v9  }
0x5eb: {  	v8 =	vld [tilespmem:s9+$0x30];
	_ =	sdelay $0x1  }
0x5ec: {  	v9 =	vmpcnt.ones.xlane vm0;
	_ =	sdelay $0x1  }
0x5ed: {  	(v2sf) =	vpush v9, $0x0  }
0x5ee: {  	vm0 =	vge.s32 v8, v0;
	vm1 =	vlt.s32 v8, v2  }
0x5ef: {  	vm0 =	vmand vm0, vm1  }
0x5f0: {  	v9 =	vmpcnt.ones.xlane vm0;
	_ =	sdelay $0x1  }
0x5f1: {  	(v2sf) =	vpush v9, $0x0;
	_ =	sdelay $0x9  }
0x5f2: {  	s29 =	spop (v2sf)  }
0x5f3: {  	s2 =	sadd.s32 s2, s29  }
0x5f4: {  	v9 =	vor.u32 s0, v1;
	[tilespmem:s2+$0x13080] =	vst.msk vm0, v8  }
0x5f5: {  	[tilespmem:s2+$0x13700] =	vst.msk vm0, v9  }
0x5f6: {  	[tilespmem:s10], [sflag:$0x3] =	stream.linear.gather [hbm4b:s15+s10], $0x1000, $0x38;
	[tilespmem:$0x17F80] =	vst v63  }
0x5f7: {  	s8 =	spop (v2sf)  }
0x5f8: {  	_ =	swait.ge [sflag:s24], $0x1000  }
0x5f9: {  	[sflag:s24] =	ssyncset.done $0x0  }
0x5fa: {  	s0 =	simm.s32 $0x40;
	[sflag:s24] =	ssyncadd.s32 $0xFFFFF000  }
0x5fb: {  	v8 =	vld [tilespmem:s0+$0xFFFFFFC0];
	_ =	sdelay $0x4  }
0x5fc: {  	vm0 =	vge.s32 v8, v0;
	vm1 =	vlt.s32 v8, v2  }
0x5fd: {  	s9 =	simm.s32 $0x3000;
	s2 =	sadd.s32 s2, s8;
	vm0 =	vmand vm0, vm1  }
0x5fe: {  	v9 =	vor.u32 s9, v1;
	[tilespmem:s2+$0x13080] =	vst.msk vm0, v8;
	v8 =	vmpcnt.ones.xlane vm0  }
0x5ff: {  	[tilespmem:s2+$0x13700] =	vst.msk vm0, v9  }
0x600: {  	v9 =	vld [tilespmem:s0+$0xFFFFFFD0];
	(v2sf) =	vpush v8, $0x0;
	_ =	sdelay $0x4  }
0x601: {  	vm0 =	vge.s32 v9, v0;
	vm1 =	vlt.s32 v9, v2  }
0x602: {  	vm0 =	vmand vm0, vm1  }
0x603: {  	v8 =	vmpcnt.ones.xlane vm0;
	_ =	sdelay $0x1  }
0x604: {  	(v2sf) =	vpush v8, $0x0;
	_ =	sdelay $0x5  }
0x605: {  	s13 =	spop (v2sf)  }
0x606: {  	s23 =	simm.s32 $0x3010;
	s2 =	sadd.s32 s2, s13  }
0x607: {  	v8 =	vor.u32 s23, v1;
	[tilespmem:s2+$0x13080] =	vst.msk vm0, v9  }
0x608: {  	[tilespmem:s2+$0x13700] =	vst.msk vm0, v8  }
0x609: {  	v8 =	vld [tilespmem:s0+$0xFFFFFFE0];
	_ =	sdelay $0x4  }
0x60a: {  	vm0 =	vge.s32 v8, v0;
	vm1 =	vlt.s32 v8, v2;
	s25 =	spop (v2sf)  }
0x60b: {  	s26 =	simm.s32 $0x3020;
	s2 =	sadd.s32 s2, s25;
	vm0 =	vmand vm0, vm1  }
0x60c: {  	v9 =	vor.u32 s26, v1;
	[tilespmem:s2+$0x13080] =	vst.msk vm0, v8;
	v8 =	vmpcnt.ones.xlane vm0  }
0x60d: {  	[tilespmem:s2+$0x13700] =	vst.msk vm0, v9  }
0x60e: {  	v9 =	vld [tilespmem:s0+$0xFFFFFFF0];
	(v2sf) =	vpush v8, $0x0;
	_ =	sdelay $0x4  }
0x60f: {  	vm0 =	vge.s32 v9, v0;
	vm1 =	vlt.s32 v9, v2  }
0x610: {  	vm0 =	vmand vm0, vm1  }
0x611: {  	v8 =	vmpcnt.ones.xlane vm0;
	_ =	sdelay $0x1  }
0x612: {  	(v2sf) =	vpush v8, $0x0;
	_ =	sdelay $0x5  }
0x613: {  	s28 =	spop (v2sf)  }
0x614: {  	s29 =	simm.s32 $0x3030;
	s2 =	sadd.s32 s2, s28  }
0x615: {  	v8 =	vor.u32 s29, v1;
	[tilespmem:s2+$0x13080] =	vst.msk vm0, v9  }
0x616: {  	[tilespmem:s2+$0x13700] =	vst.msk vm0, v8  }
0x617: {  	v8 =	vld [tilespmem:s0+$0x0];
	_ =	sdelay $0x4  }
0x618: {  	vm0 =	vge.s32 v8, v0;
	vm1 =	vlt.s32 v8, v2;
	s8 =	spop (v2sf)  }
0x619: {  	s9 =	simm.s32 $0x3040;
	s2 =	sadd.s32 s2, s8;
	vm0 =	vmand vm0, vm1  }
0x61a: {  	v9 =	vor.u32 s9, v1;
	[tilespmem:s2+$0x13080] =	vst.msk vm0, v8;
	v8 =	vmpcnt.ones.xlane vm0  }
0x61b: {  	[tilespmem:s2+$0x13700] =	vst.msk vm0, v9  }
0x61c: {  	v9 =	vld [tilespmem:s0+$0x10];
	(v2sf) =	vpush v8, $0x0;
	_ =	sdelay $0x4  }
0x61d: {  	vm0 =	vge.s32 v9, v0;
	vm1 =	vlt.s32 v9, v2  }
0x61e: {  	vm0 =	vmand vm0, vm1  }
0x61f: {  	v8 =	vmpcnt.ones.xlane vm0;
	_ =	sdelay $0x1  }
0x620: {  	(v2sf) =	vpush v8, $0x0;
	_ =	sdelay $0x5  }
0x621: {  	s13 =	spop (v2sf)  }
0x622: {  	s23 =	simm.s32 $0x3050;
	s2 =	sadd.s32 s2, s13  }
0x623: {  	v8 =	vor.u32 s23, v1;
	[tilespmem:s2+$0x13080] =	vst.msk vm0, v9  }
0x624: {  	[tilespmem:s2+$0x13700] =	vst.msk vm0, v8  }
0x625: {  	v8 =	vld [tilespmem:s0+$0x20];
	_ =	sdelay $0x4  }
0x626: {  	vm0 =	vge.s32 v8, v0;
	vm1 =	vlt.s32 v8, v2;
	s25 =	spop (v2sf)  }
0x627: {  	s26 =	simm.s32 $0x3060;
	s2 =	sadd.s32 s2, s25;
	vm0 =	vmand vm0, vm1  }
0x628: {  	v9 =	vor.u32 s26, v1;
	[tilespmem:s2+$0x13080] =	vst.msk vm0, v8;
	v8 =	vmpcnt.ones.xlane vm0  }
0x629: {  	[tilespmem:s2+$0x13700] =	vst.msk vm0, v9  }
0x62a: {  	v9 =	vld [tilespmem:s0+$0x30];
	(v2sf) =	vpush v8, $0x0;
	_ =	sdelay $0x4  }
0x62b: {  	vm0 =	vge.s32 v9, v0;
	vm1 =	vlt.s32 v9, v2  }
0x62c: {  	vm0 =	vmand vm0, vm1  }
0x62d: {  	v8 =	vmpcnt.ones.xlane vm0;
	_ =	sdelay $0x1  }
0x62e: {  	(v2sf) =	vpush v8, $0x0;
	_ =	sdelay $0x5  }
0x62f: {  	s28 =	spop (v2sf)  }
0x630: {  	s29 =	simm.s32 $0x3070;
	s3 =	sadd.s32 s2, s28  }
0x631: {  	v8 =	vor.u32 s29, v1;
	[tilespmem:s3+$0x13080] =	vst.msk vm0, v9  }
0x632: {  	s9 =	simm.s32 $0xC0;
	[tilespmem:s3+$0x13700] =	vst.msk vm0, v8  }
0x633: {  	v8 =	vld [tilespmem:s9+$0xFFFFFFC0];
	_ =	sdelay $0x4  }
0x634: {  	s0 =	simm.s32 $0x30F0;
	s2 =	simm.s32 $0x8;
	vm0 =	vge.s32 v8, v0;
	vm1 =	vlt.s32 v8, v2;
	s8 =	spop (v2sf)  }
.LBB2_11:
0x635: {  	s2 =	sadd.s32 $0x8, s2;
	s23 =	sadd.s32 $0xFFFFFF90, s0;
	vm0 =	vmand vm0, vm1;
	s3 =	sadd.s32 s3, s8  }
0x636: {  	p2 =	slt.u32 s2, $0xF8;
	v9 =	vor.u32 s23, v1;
	[tilespmem:s3+$0x13080] =	vst.msk vm0, v8;
	v8 =	vmpcnt.ones.xlane vm0  }
0x637: {  	[tilespmem:s3+$0x13700] =	vst.msk vm0, v9  }
0x638: {  	v9 =	vld [tilespmem:s9+$0xFFFFFFD0];
	(v2sf) =	vpush v8, $0x0;
	_ =	sdelay $0x4  }
0x639: {  	vm0 =	vge.s32 v9, v0;
	vm1 =	vlt.s32 v9, v2  }
0x63a: {  	vm0 =	vmand vm0, vm1  }
0x63b: {  	v8 =	vmpcnt.ones.xlane vm0;
	_ =	sdelay $0x1  }
0x63c: {  	(v2sf) =	vpush v8, $0x0;
	_ =	sdelay $0x5  }
0x63d: {  	s8 =	spop (v2sf)  }
0x63e: {  	s3 =	sadd.s32 s3, s8;
	s8 =	sadd.s32 $0xFFFFFFA0, s0  }
0x63f: {  	v8 =	vor.u32 s8, v1;
	[tilespmem:s3+$0x13080] =	vst.msk vm0, v9  }
0x640: {  	[tilespmem:s3+$0x13700] =	vst.msk vm0, v8  }
0x641: {  	v8 =	vld [tilespmem:s9+$0xFFFFFFE0];
	_ =	sdelay $0x4  }
0x642: {  	vm0 =	vge.s32 v8, v0;
	vm1 =	vlt.s32 v8, v2;
	s8 =	spop (v2sf)  }
0x643: {  	s3 =	sadd.s32 s3, s8;
	s8 =	sadd.s32 $0xFFFFFFB0, s0;
	vm0 =	vmand vm0, vm1  }
0x644: {  	v9 =	vor.u32 s8, v1;
	[tilespmem:s3+$0x13080] =	vst.msk vm0, v8;
	v8 =	vmpcnt.ones.xlane vm0  }
0x645: {  	[tilespmem:s3+$0x13700] =	vst.msk vm0, v9  }
0x646: {  	v9 =	vld [tilespmem:s9+$0xFFFFFFF0];
	(v2sf) =	vpush v8, $0x0;
	_ =	sdelay $0x4  }
0x647: {  	vm0 =	vge.s32 v9, v0;
	vm1 =	vlt.s32 v9, v2  }
0x648: {  	vm0 =	vmand vm0, vm1  }
0x649: {  	v8 =	vmpcnt.ones.xlane vm0;
	_ =	sdelay $0x1  }
0x64a: {  	(v2sf) =	vpush v8, $0x0;
	_ =	sdelay $0x5  }
0x64b: {  	s8 =	spop (v2sf)  }
0x64c: {  	s3 =	sadd.s32 s3, s8;
	s8 =	sadd.s32 $0xFFFFFFC0, s0  }
0x64d: {  	v8 =	vor.u32 s8, v1;
	[tilespmem:s3+$0x13080] =	vst.msk vm0, v9  }
0x64e: {  	[tilespmem:s3+$0x13700] =	vst.msk vm0, v8  }
0x64f: {  	v8 =	vld [tilespmem:s9+$0x0];
	_ =	sdelay $0x4  }
0x650: {  	vm0 =	vge.s32 v8, v0;
	vm1 =	vlt.s32 v8, v2;
	s8 =	spop (v2sf)  }
0x651: {  	s3 =	sadd.s32 s3, s8;
	s8 =	sadd.s32 $0xFFFFFFD0, s0;
	vm0 =	vmand vm0, vm1  }
0x652: {  	v9 =	vor.u32 s8, v1;
	[tilespmem:s3+$0x13080] =	vst.msk vm0, v8;
	v8 =	vmpcnt.ones.xlane vm0  }
0x653: {  	[tilespmem:s3+$0x13700] =	vst.msk vm0, v9  }
0x654: {  	v9 =	vld [tilespmem:s9+$0x10];
	(v2sf) =	vpush v8, $0x0;
	_ =	sdelay $0x4  }
0x655: {  	vm0 =	vge.s32 v9, v0;
	vm1 =	vlt.s32 v9, v2  }
0x656: {  	vm0 =	vmand vm0, vm1  }
0x657: {  	v8 =	vmpcnt.ones.xlane vm0;
	_ =	sdelay $0x1  }
0x658: {  	(v2sf) =	vpush v8, $0x0;
	_ =	sdelay $0x5  }
0x659: {  	s8 =	spop (v2sf)  }
0x65a: {  	s3 =	sadd.s32 s3, s8;
	s8 =	sadd.s32 $0xFFFFFFE0, s0  }
0x65b: {  	v8 =	vor.u32 s8, v1;
	[tilespmem:s3+$0x13080] =	vst.msk vm0, v9  }
0x65c: {  	[tilespmem:s3+$0x13700] =	vst.msk vm0, v8  }
0x65d: {  	v8 =	vld [tilespmem:s9+$0x20];
	_ =	sdelay $0x4  }
0x65e: {  	vm0 =	vge.s32 v8, v0;
	vm1 =	vlt.s32 v8, v2;
	s8 =	spop (v2sf)  }
0x65f: {  	s3 =	sadd.s32 s3, s8;
	s8 =	sadd.s32 $0xFFFFFFF0, s0;
	vm0 =	vmand vm0, vm1  }
0x660: {  	v9 =	vor.u32 s8, v1;
	[tilespmem:s3+$0x13080] =	vst.msk vm0, v8;
	v8 =	vmpcnt.ones.xlane vm0  }
0x661: {  	[tilespmem:s3+$0x13700] =	vst.msk vm0, v9  }
0x662: {  	v9 =	vld [tilespmem:s9+$0x30];
	(v2sf) =	vpush v8, $0x0;
	_ =	sdelay $0x4  }
0x663: {  	vm0 =	vge.s32 v9, v0;
	vm1 =	vlt.s32 v9, v2  }
0x664: {  	vm0 =	vmand vm0, vm1  }
0x665: {  	v8 =	vmpcnt.ones.xlane vm0;
	_ =	sdelay $0x1  }
0x666: {  	(v2sf) =	vpush v8, $0x0;
	_ =	sdelay $0x5  }
0x667: {  	s8 =	spop (v2sf)  }
0x668: {  	s3 =	sadd.s32 s3, s8  }
0x669: {  	v8 =	vor.u32 s0, v1;
	[tilespmem:s3+$0x13080] =	vst.msk vm0, v9  }
0x66a: {  	s9 =	sadd.s32 $0x80, s9;
	[tilespmem:s3+$0x13700] =	vst.msk vm0, v8  }
0x66b: {  	v8 =	vld [tilespmem:s9+$0xFFFFFFC0]  }
.Ltmp29:
0x66c: {  	(pc) =	sbr.rel @p2 .LBB2_11-.Ltmp29, $2  }
0x66d: {  	_ =	sdelay $0x2  }
0x66e: {  	s0 =	sadd.s32 $0x80, s0;
	vm0 =	vge.s32 v8, v0;
	vm1 =	vlt.s32 v8, v2;
	s8 =	spop (v2sf)  }
0x66f: {  	s2 =	sadd.s32 $0xFFFFFF90, s0;
	vm0 =	vmand vm0, vm1;
	s3 =	sadd.s32 s3, s8  }
0x670: {  	v9 =	vor.u32 s2, v1;
	[tilespmem:s3+$0x13080] =	vst.msk vm0, v8;
	v8 =	vmpcnt.ones.xlane vm0  }
0x671: {  	[tilespmem:s3+$0x13700] =	vst.msk vm0, v9  }
0x672: {  	v9 =	vld [tilespmem:s9+$0xFFFFFFD0];
	(v2sf) =	vpush v8, $0x0;
	_ =	sdelay $0x4  }
0x673: {  	vm14 =	vge.s32 v9, v0;
	vm15 =	vlt.s32 v9, v2  }
0x674: {  	vm0 =	vmand vm14, vm15  }
0x675: {  	v8 =	vmpcnt.ones.xlane vm0;
	_ =	sdelay $0x1  }
0x676: {  	(v2sf) =	vpush v8, $0x0;
	_ =	sdelay $0x5  }
0x677: {  	s26 =	spop (v2sf)  }
0x678: {  	s28 =	sadd.s32 $0xFFFFFFA0, s0;
	s2 =	sadd.s32 s3, s26  }
0x679: {  	v8 =	vor.u32 s28, v1;
	[tilespmem:s2+$0x13080] =	vst.msk vm0, v9  }
0x67a: {  	[tilespmem:s2+$0x13700] =	vst.msk vm0, v8  }
0x67b: {  	v8 =	vld [tilespmem:s9+$0xFFFFFFE0];
	_ =	sdelay $0x4  }
0x67c: {  	vm4 =	vge.s32 v8, v0;
	vm5 =	vlt.s32 v8, v2;
	s29 =	spop (v2sf)  }
0x67d: {  	s8 =	sadd.s32 $0xFFFFFFB0, s0;
	s2 =	sadd.s32 s2, s29;
	vm0 =	vmand vm4, vm5  }
0x67e: {  	v61 =	vor.u32 s8, v1;
	[tilespmem:s2+$0x13080] =	vst.msk vm0, v8;
	v8 =	vmpcnt.ones.xlane vm0  }
0x67f: {  	[tilespmem:s2+$0x13700] =	vst.msk vm0, v61  }
0x680: {  	v9 =	vld [tilespmem:s9+$0xFFFFFFF0];
	(v2sf) =	vpush v8, $0x0;
	_ =	sdelay $0x4  }
0x681: {  	vm6 =	vge.s32 v9, v0;
	vm7 =	vlt.s32 v9, v2  }
0x682: {  	vm0 =	vmand vm6, vm7  }
0x683: {  	v8 =	vmpcnt.ones.xlane vm0;
	_ =	sdelay $0x1  }
0x684: {  	(v2sf) =	vpush v8, $0x0;
	_ =	sdelay $0x5  }
0x685: {  	s13 =	spop (v2sf)  }
0x686: {  	s23 =	sadd.s32 $0xFFFFFFC0, s0;
	s2 =	sadd.s32 s2, s13  }
0x687: {  	v8 =	vor.u32 s23, v1;
	[tilespmem:s2+$0x13080] =	vst.msk vm0, v9  }
0x688: {  	[tilespmem:s2+$0x13700] =	vst.msk vm0, v8  }
0x689: {  	v8 =	vld [tilespmem:s9+$0x0];
	_ =	sdelay $0x4  }
0x68a: {  	vm8 =	vge.s32 v8, v0;
	vm9 =	vlt.s32 v8, v2;
	s25 =	spop (v2sf)  }
0x68b: {  	s26 =	sadd.s32 $0xFFFFFFD0, s0;
	s2 =	sadd.s32 s2, s25;
	vm0 =	vmand vm8, vm9  }
0x68c: {  	v62 =	vor.u32 s26, v1;
	[tilespmem:s2+$0x13080] =	vst.msk vm0, v8;
	v8 =	vmpcnt.ones.xlane vm0  }
0x68d: {  	[tilespmem:s2+$0x13700] =	vst.msk vm0, v62  }
0x68e: {  	v9 =	vld [tilespmem:s9+$0x10];
	(v2sf) =	vpush v8, $0x0;
	_ =	sdelay $0x4  }
0x68f: {  	vm10 =	vge.s32 v9, v0;
	vm11 =	vlt.s32 v9, v2  }
0x690: {  	vm0 =	vmand vm10, vm11  }
0x691: {  	v8 =	vmpcnt.ones.xlane vm0;
	_ =	sdelay $0x1  }
0x692: {  	(v2sf) =	vpush v8, $0x0;
	_ =	sdelay $0x5  }
0x693: {  	s28 =	spop (v2sf)  }
0x694: {  	s29 =	sadd.s32 $0xFFFFFFE0, s0;
	s2 =	sadd.s32 s2, s28  }
0x695: {  	v8 =	vor.u32 s29, v1;
	[tilespmem:s2+$0x13080] =	vst.msk vm0, v9  }
0x696: {  	[tilespmem:s2+$0x13700] =	vst.msk vm0, v8  }
0x697: {  	v8 =	vld [tilespmem:s9+$0x20];
	_ =	sdelay $0x4  }
0x698: {  	vm12 =	vge.s32 v8, v0;
	vm13 =	vlt.s32 v8, v2;
	s8 =	spop (v2sf)  }
0x699: {  	s13 =	sadd.s32 $0xFFFFFFF0, s0;
	s2 =	sadd.s32 s2, s8;
	vm0 =	vmand vm12, vm13  }
0x69a: {  	v63 =	vor.u32 s13, v1;
	[tilespmem:s2+$0x13080] =	vst.msk vm0, v8;
	v8 =	vmpcnt.ones.xlane vm0  }
0x69b: {  	[tilespmem:s2+$0x13700] =	vst.msk vm0, v63  }
0x69c: {  	v9 =	vld [tilespmem:s9+$0x30];
	(v2sf) =	vpush v8, $0x0;
	_ =	sdelay $0x4  }
0x69d: {  	vm14 =	vge.s32 v9, v0;
	vm15 =	vlt.s32 v9, v2  }
0x69e: {  	vm0 =	vmand vm14, vm15  }
0x69f: {  	v8 =	vmpcnt.ones.xlane vm0;
	_ =	sdelay $0x1  }
0x6a0: {  	(v2sf) =	vpush v8, $0x0;
	_ =	sdelay $0x5  }
0x6a1: {  	s23 =	spop (v2sf)  }
0x6a2: {  	s2 =	sadd.s32 s2, s23  }
0x6a3: {  	v8 =	vor.u32 s0, v1;
	[tilespmem:s2+$0x13080] =	vst.msk vm0, v9  }
0x6a4: {  	s25 =	simm.s32 $0x1080;
	s9 =	simm.s32 $0x0;
	[tilespmem:s2+$0x13700] =	vst.msk vm0, v8  }
0x6a5: {  	[tilespmem:s25], [sflag:$0x1] =	stream.linear.gather [hbm4b:s16+s9], $0x2000, $0x38;
	[tilespmem:$0x17F80] =	vst v63  }
0x6a6: {  	s26 =	sadd.s32 $0xF4280, s16;
	s28 =	simm.s32 $0x3480  }
0x6a7: {  	[tilespmem:s28], [sflag:$0x1] =	stream.linear.gather [hbm4b:s26+s9], $0x2000, $0x38;
	[tilespmem:$0x17F80] =	vst v63  }
0x6a8: {  	s13 =	simm.s32 $0x5880;
	s8 =	sadd.s32 $0x1E8500, s16  }
0x6a9: {  	[tilespmem:s13], [sflag:$0x1] =	stream.linear.gather [hbm4b:s8+s9], $0x2000, $0x38;
	[tilespmem:$0x17F80] =	vst v63  }
0x6aa: {  	s29 =	spop (v2sf)  }
0x6ab: {  	s23 =	sadd.s32 $0x2DC780, s16;
	s25 =	simm.s32 $0x7C80;
	s0 =	sadd.s32 s2, s29  }
0x6ac: {  	[tilespmem:s25], [sflag:$0x1] =	stream.linear.gather [hbm4b:s23+s9], $0x2000, $0x38;
	[tilespmem:$0x17F80] =	vst v63  }
0x6ad: {  	s0 =	sadd.s32 $0xF, s0  }
0x6ae: {  	s26 =	sand.u32 $0xF, s0;
	s28 =	sshra.s32 s0, $0x1F  }
.Ltmp30:
0x6af: {  	p2 =	slt.s32 s0, $0x1;
	p3 =	sne.s32 s26, $0x0;
	(pc) =	sbr.rel .LBB2_13-.Ltmp30, $4  }
0x6b0: {  	s29 =	sshrl.u32 s28, $0x1C;
	p2 =	por !p2, !p3  }
0x6b1: {  	s2 =	simm.s32 $0x1;
	s0 =	sadd.s32 s29, s0;
	p2 =	por !p2, !p2  }
0x6b2: {  	s0 =	sshra.s32 s0, $0x4;
	s2 =	simm.s32 @!p2 $0x0  }
0x6b3: {  	s3 =	simm.s32 $0x0;
	p2 =	por $0x0, $0x0;
	s0 =	ssub.s32 s0, s2  }
.LBB2_24:
0x6b4: {  	s23 =	smov.u32 s26  }
.LBB2_28:
0x6b5: {  	v11 =	vshll.u32 v10, $0x3  }
0x6b6: {  	v63 =	vand.u32 $0x7F, v10;
	v11 =	vand.u32 $0xFFFFFC00, v11  }
0x6b7: {  	v10 =	vor.u32 v63, v11  }
0x6b8: {  	v11 =	vadd.s32 v6, v10;
	_ =	sdelay $0x4  }
0x6b9: {  	v11 =	vld.idx.msk [tilespmem:v11+s25+$0x0], $0xffff;
	_ =	sdelay $0x2  }
0x6ba: {  	v10 =	vadd.s32 v7, v10;
	_ =	sdelay $0x1  }
0x6bb: {  	s13 =	sadd.s32 @p3 $0x80, s23;
	v9 =	vmul.f32 v11, v9  }
0x6bc: {  	s26 =	smov.u32 @p3 s13  }
0x6bd: {  	[tilespmem:s26+$0xFFFFFFF0] =	vst v9  }
0x6be: {  	v9 =	vld.idx.msk [tilespmem:v10+s25+$0x0], $0xffff;
	_ =	sdelay $0x4  }
0x6bf: {  	v8 =	vmul.f32 v9, v8;
	_ =	sdelay $0x1  }
0x6c0: {  	[tilespmem:s26+$0x0] =	vst v8  }
.LBB2_29:
0x6c1: {  	p1 =	seq.s32 s2, $0x0  }
0x6c2: {  	v8 =	vld @!p1 [tilespmem:$0x13E00];
	_ =	sdelay $0x3  }
0x6c3: {  	s2 =	sshll.u32 @!p1 s8, $0x7  }
0x6c4: {  	[tilespmem:s2+$0x17E80] =	vst @!p1 v8  }
0x6c5: {  	v8 =	vld @!p1 [tilespmem:$0x13E10];
	_ =	sdelay $0x4  }
0x6c6: {  	[tilespmem:s2+$0x17E90] =	vst @!p1 v8  }
0x6c7: {  	v8 =	vld @!p1 [tilespmem:$0x13E20];
	_ =	sdelay $0x4  }
0x6c8: {  	[tilespmem:s2+$0x17EA0] =	vst @!p1 v8  }
0x6c9: {  	v8 =	vld @!p1 [tilespmem:$0x13E30];
	_ =	sdelay $0x3  }
0x6ca: {  	s8 =	sshll.u32 @!p1 s8, $0xD  }
0x6cb: {  	s13 =	sadd.s32 @!p1 $0x17E80, s2;
	[tilespmem:s2+$0x17EB0] =	vst @!p1 v8;
	s2 =	sadd.s32 @!p1 $0x13E80, s8;
	s8 =	simm.s32 @!p1 $0x40  }
0x6cc: {  	[hbm4b:s11+s8] =	stream.indirect.scatter @!p1 [tilespmem:s2], [sflag:$0x2], $0x80, s13, s8, $0xb8;
	[tilespmem:$0x17F80] =	vst v63  }
.LBB2_30:
0x6cd: {  	p1 =	seq.s32 s9, $0x7C  }
.Ltmp31:
0x6ce: {  	_ = 	snop;
	(pc) =	sbr.rel @p1 .LBB2_61-.Ltmp31, $2  }
0x6cf: {  	_ =	sdelay $0x2  }
0x6d0: {  	p2 =	por !p2, !p2  }
.LBB2_13:
0x6d1: {  	s23 =	smov.u32 s9;
	s9 =	sadd.s32 $0x1, s9  }
0x6d2: {  	s2 =	sshrl.u32 s9, $0x1;
	s8 =	sand.u32 $0x1, s9;
	p3 =	sgt.u32 s23, $0x78  }
0x6d3: {  	s25 =	smul.u32 @!p3 $0x1E85000, s8;
	s26 =	sshll.u32 @!p3 s2, $0xD  }
0x6d4: {  	s28 =	smul.u32 @!p3 $0x24000, s8;
	s26 =	sadd.s32 @!p3 s17, s26  }
0x6d5: {  	s25 =	sadd.s32 @!p3 s25, s26  }
0x6d6: {  	s26 =	sshrl.u32 @!p3 s28, $0x2;
	s25 =	sshrl.u32 @!p3 s25, $0x3  }
0x6d7: {  	s29 =	simm.s32 @!p3 $0x0;
	s28 =	sadd.s32 @!p3 $0x1080, s26;
	s25 =	sadd.s32 @!p3 s4, s25  }
0x6d8: {  	[tilespmem:s28], [sflag:$0x1] =	stream.linear.gather @!p3 [hbm4b:s25+s29], $0x2000, $0x38;
	[tilespmem:$0x17F80] =	vst v63  }
0x6d9: {  	p4 =	seq.s32 s2, $0x3D;
	s2 =	sadd.s32 @!p3 $0xF4280, s25;
	s28 =	sadd.s32 @!p3 $0x3480, s26  }
0x6da: {  	[tilespmem:s28], [sflag:$0x1] =	stream.linear.gather @!p3 [hbm4b:s2+s29], $0x2000, $0x38;
	[tilespmem:$0x17F80] =	vst v63  }
0x6db: {  	p4 =	por !p0, !p4;
	s2 =	sadd.s32 @!p3 $0x1E8500, s25;
	s28 =	sadd.s32 @!p3 $0x5880, s26  }
0x6dc: {  	[tilespmem:s28], [sflag:$0x1] =	stream.linear.gather @!p3 [hbm4b:s2+s29], $0x2000, $0x38;
	[tilespmem:$0x17F80] =	vst v63  }
0x6dd: {  	p4 =	por !p4, !p4;
	s2 =	sadd.s32 @!p3 $0x2DC780, s25;
	s25 =	sadd.s32 @!p3 $0x7C80, s26  }
0x6de: {  	[tilespmem:s25], [sflag:$0x1] =	stream.linear.gather @!p3 [hbm4b:s2+s29], $0x2000, $0x38;
	[tilespmem:$0x17F80] =	vst v63  }
0x6df: {  	s2 =	smul.u32 @p4 $0x24000, s8  }
0x6e0: {  	s8 =	smul.u32 @p4 $0xA00, s8  }
0x6e1: {  	s2 =	sshrl.u32 @p4 s2, $0x2  }
0x6e2: {  	s28 =	simm.s32 @p4 $0x0;
	s26 =	sadd.s32 @p4 s6, s8;
	s25 =	sadd.s32 @p4 $0x1080, s2  }
0x6e3: {  	[tilespmem:s25], [sflag:$0x1] =	stream.linear.gather @p4 [hbm4b:s26+s28], $0x1400, $0x38;
	[tilespmem:$0x17F80] =	vst v63  }
0x6e4: {  	s8 =	sadd.s32 @p4 $0x280, s26;
	s25 =	sadd.s32 @p4 $0x3480, s2  }
0x6e5: {  	[tilespmem:s25], [sflag:$0x1] =	stream.linear.gather @p4 [hbm4b:s8+s28], $0x1400, $0x38;
	[tilespmem:$0x17F80] =	vst v63  }
0x6e6: {  	s29 =	sadd.s32 @p4 $0x5880, s2;
	s8 =	sshrl.u32 s23, $0x1  }
0x6e7: {  	s2 =	sadd.s32 @p4 $0x7C80, s2;
	s25 =	sadd.s32 @p4 $0x500, s26;
	p5 =	seq.s32 s8, $0x3D  }
0x6e8: {  	[tilespmem:s29], [sflag:$0x1] =	stream.linear.gather @p4 [hbm4b:s25+s28], $0x1400, $0x38;
	[tilespmem:$0x17F80] =	vst v63  }
0x6e9: {  	s25 =	sadd.s32 @p4 $0x780, s26;
	p3 =	por !p0, !p5;
	p5 =	sgt.u32 s23, $0x79  }
0x6ea: {  	[tilespmem:s2], [sflag:$0x1] =	stream.linear.gather @p4 [hbm4b:s25+s28], $0x1400, $0x38;
	[tilespmem:$0x17F80] =	vst v63  }
0x6eb: {  	p6 =	slt.u32 s23, $0x7A;
	p4 =	por !p3, !p3;
	s25 =	simm.s32 @!p5 $0x1  }
0x6ec: {  	s2 =	sand.u32 $0x1, s23;
	p3 =	por p6, p4;
	_ =	swait.ge @!p5 [sflag:s25], $0x8000  }
0x6ed: {  	p6 =	sne.s32 s2, $0x0;
	[sflag:s25] =	ssyncset.done @!p5 $0x0;
	p1 =	por !p3, !p3  }
0x6ee: {  	[sflag:s25] =	ssyncadd.s32 @!p5 $0xFFFF8000;
	s25 =	simm.s32 @p4 $0x1;
	p5 =	por p6, p1  }
0x6ef: {  	_ =	swait.ge @p4 [sflag:s25], $0x5000;
	p1 =	slt.u32 @!p5 s23, $0x4  }
0x6f0: {  	[sflag:s25] =	ssyncset.done @p4 $0x0;
	p1 =	por p1, p5  }
0x6f1: {  	[sflag:s25] =	ssyncadd.s32 @p4 $0xFFFFB000;
	s23 =	simm.s32 @!p1 $0x2  }
0x6f2: {  	_ =	swait.ge @!p1 [sflag:s23], $0x2000  }
0x6f3: {  	[sflag:s23] =	ssyncset.done @!p1 $0x0  }
0x6f4: {  	v8 =	vimm.s32 @!p5 $0x0;
	v9 =	vlaneseq.u32 @!p5;
	[sflag:s23] =	ssyncadd.s32 @!p1 $0xFFFFE000  }
0x6f5: {  	v9 =	vor.u32 @!p5 $0x4000, v9;
	[tilespmem:$0x13D80] =	vst @!p5 v8  }
0x6f6: {  	p1 =	slt.s32 @!p5 s0, $0x1;
	[tilespmem:$0x13E00] =	vst @!p5 v9  }
0x6f7: {  	[tilespmem:$0x13D90] =	vst @!p5 v8;
	p1 =	por p5, p1  }
.Ltmp32:
0x6f8: {  	[tilespmem:$0x13E10] =	vst @!p5 v9;
	(pc) =	sbr.rel @p1 .LBB2_14-.Ltmp32, $4  }
0x6f9: {  	[tilespmem:$0x13DA0] =	vst @!p5 v8  }
0x6fa: {  	[tilespmem:$0x13E20] =	vst @!p5 v9  }
0x6fb: {  	[tilespmem:$0x13DB0] =	vst @!p5 v8  }
0x6fc: {  	[tilespmem:$0x13E30] =	vst @!p5 v9  }
0x6fd: {  	p1 =	sne.s32 s0, $0x1  }
.Ltmp33:
0x6fe: {  	s3 =	sshll.u32 s8, $0xA;
	(pc) =	sbr.rel @!p1 .LBB2_16-.Ltmp33, $4  }
0x6ff: {  	s23 =	sadd.s32 s1, s3  }
0x700: {  	s26 =	simm.s32 $0x13080;
	s25 =	sadd.s32 $0x400, s23  }
0x701: {  	s3 =	simm.s32 $0x0;
	s23 =	simm.s32 @p4 $0xF4000;
	s25 =	simm.s32 @p4 $0xF4240  }
0x702: {  	v10 =	vld [tilespmem:s26+$0x0];
	v8 =	vmov s23;
	s23 =	simm.s32 $0x13700;
	p4 =	por $0x0, $0x0;
	v9 =	vmov s25;
	s25 =	sadd.s32 $0xFFFFFFFF, s0  }
0x703: {  	_ =	sdelay $0x3  }
0x704: {  	vm0 =	vge.s32 v10, v8;
	vm1 =	vlt.s32 v10, v9  }
0x705: {  	vm0 =	vmand vm0, vm1  }
0x706: {  	v12 =	vmpcnt.ones.xlane vm0;
	_ =	sdelay $0x1  }
0x707: {  	(v2sf) =	vpush v12, $0x0  }
0x708: {  	v11 =	vld [tilespmem:s23+$0x0]  }
0x709: {  	p1 =	sne.s32 s25, $0x1  }
.Ltmp34:
0x70a: {  	_ = 	snop;
	(pc) =	sbr.rel @!p1 .LBB2_18-.Ltmp34, $4  }
0x70b: {  	v10 =	vsub.s32 v10, v8  }
0x70c: {  	[tilespmem:s3+$0x13D80] =	vst.msk vm0, v10  }
0x70d: {  	s28 =	simm.s32 $0x13090;
	s29 =	sadd.s32 $0xFFFFFFFF, s25;
	[tilespmem:s3+$0x13E00] =	vst.msk vm0, v11  }
0x70e: {  	p4 =	por $0x1, $0x1;
	s25 =	simm.s32 $0x13700;
	s26 =	simm.s32 $0x0;
	v10 =	vld [tilespmem:s28+$0x0]  }
.LBB2_19:
0x70f: {  	p5 =	sne.s32 s29, $0x1;
	_ =	sdelay $0x3  }
0x710: {  	s25 =	sadd.s32 $0x10, s25;
	vm0 =	vge.s32 v10, v8;
	vm1 =	vlt.s32 v10, v9;
	v10 =	vsub.s32 v10, v8  }
0x711: {  	v11 =	vld [tilespmem:s25+$0x0];
	vm0 =	vmand vm0, vm1  }
0x712: {  	v12 =	vmpcnt.ones.xlane vm0  }
0x713: {  	s13 =	spop (v2sf)  }
0x714: {  	(v2sf) =	vpush v12, $0x0;
	s26 =	sadd.s32 s26, s13  }
0x715: {  	[tilespmem:s26+$0x13D80] =	vst.msk vm0, v10  }
0x716: {  	[tilespmem:s26+$0x13E00] =	vst.msk vm0, v11  }
.Ltmp35:
0x717: {  	(pc) =	sbr.rel @p5 .LBB2_19-.Ltmp35, $3  }
0x718: {  	_ =	sdelay $0x1  }
0x719: {  	s28 =	sadd.s32 $0x10, s28  }
0x71a: {  	s29 =	sadd.s32 $0xFFFFFFFF, s29;
	v10 =	vld [tilespmem:s28+$0x0]  }
.LBB2_20:
0x71b: {  	_ =	sdelay $0x3  }
0x71c: {  	vm0 =	vge.s32 v10, v8;
	vm1 =	vlt.s32 v10, v9  }
0x71d: {  	vm0 =	vmand vm0, vm1  }
0x71e: {  	v62 =	vmpcnt.ones.xlane vm0;
	_ =	sdelay $0x1  }
0x71f: {  	(v2sf) =	vpush v62, $0x0;
	_ =	sdelay $0x8  }
0x720: {  	s13 =	sadd.s32 @p4 $0x10, s25  }
0x721: {  	s23 =	smov.u32 @p4 s13  }
0x722: {  	v63 =	vld [tilespmem:s23+$0x0]  }
.Ltmp36:
0x723: {  	s13 =	spop @p4 (v2sf);
	(pc) =	sbr.rel .LBB2_21-.Ltmp36, $4  }
0x724: {  	s13 =	sadd.s32 @p4 s26, s13  }
0x725: {  	v8 =	vsub.s32 v10, v8;
	s3 =	smov.u32 @p4 s13  }
0x726: {  	[tilespmem:s3+$0x13D80] =	vst.msk vm0, v8;
	s29 =	spop (v2sf)  }
0x727: {  	[tilespmem:s3+$0x13E00] =	vst.msk vm0, v63;
	s3 =	sadd.s32 s3, s29  }
.LBB2_14:
0x728: {  	s3 =	simm.s32 @!p5 $0x0  }
.LBB2_21:
.Ltmp37:
0x729: {  	(pc) =	sbr.rel @!p3 .LBB2_30-.Ltmp37, $1  }
0x72a: {  	_ =	sdelay $0x3  }
0x72b: {  	p1 =	slt.s32 s3, $0x1  }
.Ltmp38:
0x72c: {  	_ = 	snop;
	(pc) =	sbr.rel @p1 .LBB2_29-.Ltmp38, $2  }
0x72d: {  	_ =	sdelay $0x2  }
0x72e: {  	s8 =	sand.u32 $0x1, s8  }
0x72f: {  	s29 =	sshll.u32 s2, $0x5  }
0x730: {  	v9 =	vld [tilespmem:s29+$0x1000]  }
0x731: {  	s13 =	simm.s32 $0x1;
	p1 =	sne.s32 s3, $0x1;
	v8 =	vld [tilespmem:s29+$0x1010];
	s29 =	simm.s32 $0x13D80  }
.Ltmp39:
0x732: {  	s13 =	simm.s32 @!p2 $0x0;
	v10 =	vld.msk [tilespmem:s29+$0x0 ss:$0x0], $0xffff;
	(pc) =	sbr.rel @!p1 .LBB2_24-.Ltmp39, $4  }
0x733: {  	s23 =	sshll.u32 s8, $0xF;
	s25 =	smul.u32 $0x24000, s2;
	s13 =	sshll.u32 s13, $0x7  }
0x734: {  	s13 =	sor.u32 s13, s23  }
0x735: {  	p3 =	por $0x0, $0x0;
	s28 =	sshrl.u32 s25, $0x2;
	s13 =	sshrl.u32 s13, $0x2  }
0x736: {  	s25 =	sadd.s32 $0x1080, s28;
	s23 =	sadd.s32 $0xFFFFFFFF, s3;
	s26 =	sadd.s32 $0x13E90, s13  }
0x737: {  	v11 =	vshll.u32 v10, $0x3  }
0x738: {  	v10 =	vand.u32 $0x7F, v10;
	v11 =	vand.u32 $0xFFFFFC00, v11  }
0x739: {  	v10 =	vor.u32 v10, v11  }
0x73a: {  	v11 =	vadd.s32 v6, v10;
	_ =	sdelay $0x4  }
0x73b: {  	v11 =	vld.idx.msk [tilespmem:v11+s25+$0x0], $0xffff;
	_ =	sdelay $0x2  }
0x73c: {  	v10 =	vadd.s32 v7, v10;
	_ =	sdelay $0x1  }
0x73d: {  	v11 =	vmul.f32 v11, v9;
	_ =	sdelay $0x1  }
0x73e: {  	[tilespmem:s26+$0xFFFFFFF0] =	vst v11  }
0x73f: {  	v10 =	vld.idx.msk [tilespmem:v10+s25+$0x0], $0xffff;
	_ =	sdelay $0x4  }
0x740: {  	v10 =	vmul.f32 v10, v8;
	_ =	sdelay $0x1  }
0x741: {  	p1 =	sne.s32 s23, $0x1;
	s28 =	simm.s32 $0x13D81;
	[tilespmem:s26+$0x0] =	vst v10  }
.Ltmp40:
0x742: {  	v10 =	vld.msk [tilespmem:s28+$0x0 ss:$0x0], $0xffff;
	(pc) =	sbr.rel @!p1 .LBB2_26-.Ltmp40, $2  }
0x743: {  	_ =	sdelay $0x2  }
0x744: {  	s29 =	sadd.s32 $0xFFFFFFFF, s23;
	p3 =	por $0x1, $0x1;
	s23 =	smov.u32 s26  }
.LBB2_27:
0x745: {  	p4 =	sne.s32 s29, $0x1;
	_ =	sdelay $0x4  }
0x746: {  	v11 =	vshll.u32 v10, $0x3  }
0x747: {  	v10 =	vand.u32 $0x7F, v10;
	v11 =	vand.u32 $0xFFFFFC00, v11  }
0x748: {  	v10 =	vor.u32 v10, v11  }
0x749: {  	v11 =	vadd.s32 v6, v10;
	v10 =	vadd.s32 v7, v10;
	_ =	sdelay $0x4  }
0x74a: {  	v11 =	vld.idx.msk [tilespmem:v11+s25+$0x0], $0xffff;
	_ =	sdelay $0x5  }
0x74b: {  	v11 =	vmul.f32 v11, v9  }
0x74c: {  	s23 =	sadd.s32 $0x80, s23  }
0x74d: {  	[tilespmem:s23+$0xFFFFFFF0] =	vst v11  }
0x74e: {  	v10 =	vld.idx.msk [tilespmem:v10+s25+$0x0], $0xffff;
	_ =	sdelay $0x4  }
.Ltmp41:
0x74f: {  	(pc) =	sbr.rel @p4 .LBB2_27-.Ltmp41, $3  }
0x750: {  	v10 =	vmul.f32 v10, v8;
	_ =	sdelay $0x1  }
0x751: {  	s28 =	sadd.s32 $0x1, s28;
	[tilespmem:s23+$0x0] =	vst v10  }
0x752: {  	s29 =	sadd.s32 $0xFFFFFFFF, s29;
	v10 =	vld.msk [tilespmem:s28+$0x0 ss:$0x0], $0xffff  }
.Ltmp42:
0x753: {  	_ = 	snop;
	(pc) =	sbr.rel .LBB2_28-.Ltmp42, $1  }
0x754: {  	_ =	sdelay $0x3  }
.LBB2_16:
.Ltmp43:
0x755: {  	(pc) =	sbr.rel .LBB2_20-.Ltmp43, $2  }
0x756: {  	_ =	sdelay $0x2  }
0x757: {  	s25 =	simm.s32 $0x13700;
	s26 =	simm.s32 $0x0  }
.LBB2_18:
.Ltmp44:
0x758: {  	(pc) =	sbr.rel .LBB2_20-.Ltmp44, $2  }
0x759: {  	_ =	sdelay $0x2  }
0x75a: {  	s25 =	simm.s32 $0x13700;
	s26 =	simm.s32 $0x0  }
.LBB2_26:
.Ltmp45:
0x75b: {  	(pc) =	sbr.rel .LBB2_28-.Ltmp45, $2  }
0x75c: {  	_ =	sdelay $0x2  }
0x75d: {  	s23 =	smov.u32 s26  }
.LBB2_62:
0x75e: {  	_ =	sfence.sel $0x180000  }
0x75f: {  	[bflag:$0x0] =	sbarrier.arrive $0xFFFF  }
0x760: {  	_ =	strace $0x90000047  }
0x761: {  	s0 =	stileid.u32;
	[bflag:$0x2] =	sbarrier.arrive $0xFFFF  }
0x762: {  	p0 =	sne.s32 s0, $0x0;
	s0 =	rddreg [dreg:$0x8]  }
0x763: {  	s0 =	sadd.s32 @!p0 $0x100000, s0  }
0x764: {  	[sflag:s0] =	ssyncadd.tile.s32 @!p0 $0x1;
	_ =	shalt  }
.Lfunc_end2:
_tile_overlayer_lowered:
.L_overlay_start_2:
0x765: {  	(tag) =	ssettag $0x2  }
0x766: {  	s0 =	rddreg [dreg:$0x0];
	s2 =	stileid.u32  }
0x767: {  	s1 =	rddreg [dreg:$0x1];
	p0 =	sne.s32 s2, $0x0  }
0x768: {  	s3 =	rddreg [dreg:$0x2];
	[bflag:$0x3] =	sbarrier.arrive $0xFFFF;
	s2 =	simm.s32 @!p0 $0x1C03  }
0x769: {  	[timem:s3], [sflag:s2] =	dma.local @!p0 [hbm:s0], s1  }
0x76a: {  	s0 =	simm.s32 @!p0 $0x3  }
0x76b: {  	_ =	swait.ge @!p0 [sflag:s0], s1  }
0x76c: {  	s1 =	ssub.s32 @!p0 $0x0, s1;
	[sflag:s0] =	ssyncset.done @!p0 $0x0  }
0x76d: {  	[sflag:s0] =	ssyncadd.s32 @!p0 s1  }
0x76e: {  	[bflag:$0x3] =	sbarrier.arrive $0xFFFF  }
0x76f: {  	_ =	shalt  }

// kernel: _gmf_call.7.cloned.1.call-start
scs
__scs_entry_jumppad:
0x0: {  	(pc) =	sbr.rel $0x88, $3  }
0x1: {  	(tag) =	ssettag $0x0;
	lr =	simm.s32 $0x1  }
0x2: {  	[smem:$0x3F99] =	sst lr;
	_ =	strace $0xD0000000  }
0x3: {  	_ = 	snop  }
0x4: {  	_ = 	snop  }
0x5: {  	_ = 	snop  }
0x6: {  	_ = 	snop  }
0x7: {  	_ = 	snop  }
__scs_overlays_trampoline_lowered:
0x8: {  	[smem:$0x3FA8] =	sst s0  }
0x9: {  	[smem:$0x3FA9] =	sst s1  }
0xa: {  	[smem:$0x3FAA] =	sst s2  }
0xb: {  	[smem:$0x3FAB] =	sst s3  }
0xc: {  	[smem:$0x3FAC] =	sst s4  }
0xd: {  	[smem:$0x3FAD] =	sst s5  }
0xe: {  	[smem:$0x3FAE] =	sst s6  }
0xf: {  	[smem:$0x3FAF] =	sst s7  }
0x10: {  	[smem:$0x3FB0] =	sst s8  }
0x11: {  	[smem:$0x3FB1] =	sst s9;
	s0 =	simm.s32 @!p0 $0x0  }
0x12: {  	s1 =	sld [smem:$0x3F97];
	s0 =	simm.s32 @p0 $0x1  }
0x13: {  	[smem:$0x3FB2] =	sst s0;
	s0 =	simm.s32 @!p1 $0x0  }
0x14: {  	s2 =	sld [smem:$0x3F96];
	s0 =	simm.s32 @p1 $0x1  }
0x15: {  	[smem:$0x3FB3] =	sst s0;
	s0 =	simm.s32 @!p2 $0x0  }
0x16: {  	s3 =	sld [smem:$0x3FDB];
	s0 =	simm.s32 @p2 $0x1  }
0x17: {  	s4 =	simm.s32 $0x1BF5;
	[smem:$0x3FB5] =	sst s0  }
0x18: {  	s0 =	sld [smem:$0x3F98];
	_ =	swait.ge [sflag:s4], $0x0  }
0x19: {  	s7 =	sld [smem:$0x3F99]  }
0x1a: {  	s8 =	sadd.s32 $0xFFFFE003, lr  }
0x1b: {  	s9 =	sadd.s32 $0xFFFFFEF7, lr;
	s5 =	simm.s32 $0xFFFFFFFF;
	p2 =	slt.u32 s8, $0xFFFFF086  }
0x1c: {  	p1 =	slt.u32 s9, $0xF7A;
	s5 =	simm.s32 @!p2 $0x0  }
0x1d: {  	s5 =	simm.s32 @p1 $0x1;
	p0 =	seq.s32 s7, s2  }
0x1e: {  	s7 =	smul.u32 @!p0 $0xF7A, s2;
	p2 =	seq.s32 @!p0 s5, $0x0  }
0x1f: {  	s9 =	smul.u32 $0xF7A, s1;
	s8 =	simm.s32 @!p0 $0x1BF5;
	p2 =	por !p2, p0  }
0x20: {  	[sflag:s8] =	ssyncset.s32 @!p0 $0xFFFFF086;
	s6 =	sadd.s32 @!p0 s3, s7;
	s7 =	simm.s32 @!p0 $0x108  }
0x21: {  	s3 =	sadd.s32 s3, s9;
	s6 =	sadd.s32 @!p0 $0x88, s6;
	s7 =	simm.s32 @p2 $0x1082  }
0x22: {  	[simem:s7], [sflag:s8] =	dma.local @!p0 [hbm:s6], $0xF7A  }
0x23: {  	s9 =	sor.u32 $0xD0000000, s2;
	s6 =	simm.s32 $0x108;
	_ =	swait.ge @!p0 [sflag:s8], $0x0  }
0x24: {  	s3 =	sadd.s32 $0x88, s3;
	s6 =	simm.s32 @!p1 $0x1082;
	[sflag:s4] =	ssyncset.s32 $0xFFFFF086  }
0x25: {  	[simem:s6], [sflag:s4] =	dma.local [hbm:s3], $0xF7A  }
0x26: {  	[smem:$0x3F99] =	sst s1;
	(tag) =	ssettag s2;
	_ =	strace s9  }
0x27: {  	s1 =	sld [smem:$0x3FA9]  }
0x28: {  	s2 =	sld [smem:$0x3FAA]  }
0x29: {  	s4 =	sld [smem:$0x3FAC]  }
0x2a: {  	p0 =	seq.s32 s5, $0x0;
	s5 =	sld [smem:$0x3FAD]  }
0x2b: {  	s6 =	sld [smem:$0x3FAE]  }
0x2c: {  	s7 =	sld [smem:$0x3FAF]  }
0x2d: {  	s3 =	simm.s32 $0x108;
	s8 =	sld [smem:$0x3FB0]  }
0x2e: {  	s3 =	simm.s32 @!p0 $0x1082;
	s9 =	sld [smem:$0x3FB1]  }
0x2f: {  	lr =	sadd.s32 s0, s3;
	s0 =	sld [smem:$0x3FA8]  }
0x30: {  	s3 =	sld [smem:$0x3FAB]  }
0x31: {  	[smem:$0x3FB4] =	sst s10  }
0x32: {  	s10 =	sld [smem:$0x3FB2];
	_ =	sdelay $0x3  }
0x33: {  	p0 =	seq.s32 s10, $0x1;
	s10 =	sld [smem:$0x3FB4];
	_ =	sdelay $0x3  }
0x34: {  	[smem:$0x3FB4] =	sst s10  }
0x35: {  	s10 =	sld [smem:$0x3FB3];
	_ =	sdelay $0x3  }
0x36: {  	p1 =	seq.s32 s10, $0x1;
	s10 =	sld [smem:$0x3FB4];
	_ =	sdelay $0x3  }
0x37: {  	[smem:$0x3FB4] =	sst s10  }
0x38: {  	s10 =	sld [smem:$0x3FB5]  }
0x39: {  	_ = 	snop;
	(pc) =	sbr.ind lr, $3  }
0x3a: {  	_ = 	snop  }
0x3b: {  	_ = 	snop  }
0x3c: {  	p2 =	seq.s32 s10, $0x1;
	s10 =	sld [smem:$0x3FB4]  }
0x3d: {  	_ =	shalt  }
0x3e: {  	_ =	shalt  }
0x3f: {  	_ =	shalt  }
0x40: {  	_ =	shalt  }
0x41: {  	_ =	shalt  }
0x42: {  	_ =	shalt  }
0x43: {  	_ =	shalt  }
0x44: {  	_ =	shalt  }
0x45: {  	_ =	shalt  }
0x46: {  	_ =	shalt  }
0x47: {  	_ =	shalt  }
0x48: {  	_ =	shalt  }
0x49: {  	_ =	shalt  }
0x4a: {  	_ =	shalt  }
0x4b: {  	_ =	shalt  }
0x4c: {  	_ =	shalt  }
0x4d: {  	_ =	shalt  }
0x4e: {  	_ =	shalt  }
0x4f: {  	_ =	shalt  }
0x50: {  	_ =	shalt  }
0x51: {  	_ =	shalt  }
0x52: {  	_ =	shalt  }
0x53: {  	_ =	shalt  }
0x54: {  	_ =	shalt  }
0x55: {  	_ =	shalt  }
0x56: {  	_ =	shalt  }
0x57: {  	_ =	shalt  }
0x58: {  	_ =	shalt  }
0x59: {  	_ =	shalt  }
0x5a: {  	_ =	shalt  }
0x5b: {  	_ =	shalt  }
0x5c: {  	_ =	shalt  }
0x5d: {  	_ =	shalt  }
0x5e: {  	_ =	shalt  }
0x5f: {  	_ =	shalt  }
0x60: {  	_ =	shalt  }
0x61: {  	_ =	shalt  }
0x62: {  	_ =	shalt  }
0x63: {  	_ =	shalt  }
0x64: {  	_ =	shalt  }
0x65: {  	_ =	shalt  }
0x66: {  	_ =	shalt  }
0x67: {  	_ =	shalt  }
0x68: {  	_ =	shalt  }
0x69: {  	_ =	shalt  }
0x6a: {  	_ =	shalt  }
0x6b: {  	_ =	shalt  }
0x6c: {  	_ =	shalt  }
0x6d: {  	_ =	shalt  }
0x6e: {  	_ =	shalt  }
0x6f: {  	_ =	shalt  }
0x70: {  	_ =	shalt  }
0x71: {  	_ =	shalt  }
0x72: {  	_ =	shalt  }
0x73: {  	_ =	shalt  }
0x74: {  	_ =	shalt  }
0x75: {  	_ =	shalt  }
0x76: {  	_ =	shalt  }
0x77: {  	_ =	shalt  }
0x78: {  	_ =	shalt  }
0x79: {  	_ =	shalt  }
0x7a: {  	_ =	shalt  }
0x7b: {  	_ =	shalt  }
0x7c: {  	_ =	shalt  }
0x7d: {  	_ =	shalt  }
0x7e: {  	_ =	shalt  }
0x7f: {  	_ =	shalt  }
0x80: {  	_ =	shalt  }
0x81: {  	_ =	shalt  }
0x82: {  	_ =	shalt  }
0x83: {  	_ =	shalt  }
0x84: {  	_ =	shalt  }
0x85: {  	_ =	shalt  }
0x86: {  	_ =	shalt  }
0x87: {  	_ =	shalt  }
.Lfunc_end0:
.L_simem_size_0:
called_computation.1_lowered:
.L_overlay_start_0:
0x88: {  	s2 =	sld [smem:$0x3FD9]  }
0x89: {  	s3 =	sld [smem:$0x3FFE];
	_ =	sdelay $0x1  }
0x8a: {  	s1 =	srdreg.scid  }
0x8b: {  	s0 =	sand.u32 $0x1, s1  }
0x8c: {  	s17 =	sshll.u32 s0, $0xA;
	s2 =	sadd.s32 s3, s2  }
0x8d: {  	s2 =	sadd.s32 s2, s17  }
0x8e: {  	[smem:$0x3FC0] =	sst s2  }
0x8f: {  	_ = 	snop  }
0x90: {  	s2 =	sld [smem:$0x3FC2]  }
0x91: {  	s18 =	sld [smem:$0x3FD0];
	(tm) =	ssettm $0x1  }
0x92: {  	s4 =	sld [smem:$0x3FFB];
	_ =	sdelay $0x3  }
0x93: {  	_ =	strace s4  }
0x94: {  	s4 =	sld [smem:$0x3FFC];
	_ =	sdelay $0x3  }
0x95: {  	_ =	strace s4  }
0x96: {  	s4 =	sld [smem:$0x3FFD];
	_ =	sdelay $0x3  }
0x97: {  	_ =	strace s4  }
0x98: {  	_ =	strace $0x8FFFFFFF  }
0x99: {  	s19 =	sld [smem:$0x3FDB];
	_ =	sdelay $0x1  }
0x9a: {  	s5 =	simm.s32 $_scs_section_size  }
0x9b: {  	s6 =	simm.s32 $_size__tile_overlayer_lowered;
	s7 =	simm.s32 $_tile_overlayer_lowered  }
0x9c: {  	s22 =	simm.s32 $0x1BFF;
	s21 =	sshll.u32 s7, $0x1;
	s4 =	sadd.s32 s5, s19  }
0x9d: {  	s8 =	simm.s32 $0x0;
	s20 =	sshll.u32 s6, $0x1;
	s6 =	sadd.s32 s21, s4  }
0x9e: {  	[timem:s8], [sflag:s22] =	dma.local [hbm:s6], s20  }
0x9f: {  	_ =	swait.ge [sflag:s22], s20  }
0xa0: {  	s5 =	ssub.s32 $0x0, s20;
	[sflag:s22] =	ssyncset.done $0x0  }
0xa1: {  	[sflag:s22] =	ssyncadd.s32 s5;
	_ =	sdelay $0x1  }
0xa2: {  	s23 =	simm.s32 $0x1B8B  }
0xa3: {  	_ =	swait.ge [sflag:s23], $0x1  }
0xa4: {  	[sflag:s23] =	ssyncset.done $0x0  }
0xa5: {  	s25 =	simm.s32 $0x1B8E;
	s24 =	sld [smem:$0x3FFE];
	[sflag:s23] =	ssyncadd.s32 $0xFFFFFFFF  }
0xa6: {  	s26 =	simm.s32 $execute0_lowered;
	[smem:$0x3FD2] =	sst s25  }
0xa7: {  	s6 =	sshll.u32 s26, $0x1;
	_ =	strace $0x80000049;
	[dreg:$0x1] =	wrdreg $0xFFFFFFFF  }
0xa8: {  	s28 =	simm.s32 $_size_execute0_lowered;
	s4 =	sadd.s32 s4, s6;
	[dreg:$0x0] =	wrdreg $0x0  }
0xa9: {  	s6 =	sshll.u32 s28, $0x1;
	[dreg:$0x2] =	wrdreg s4  }
0xaa: {  	[dreg:$0x3] =	wrdreg s6  }
0xab: {  	[dreg:$0x4] =	wrdreg $0xC0  }
0xac: {  	_ =	task [dreg:s8], $0x5FFFF  }
0xad: {  	[dreg:$0x1] =	wrdreg $0xFFFFFFFF  }
0xae: {  	[dreg:$0x0] =	wrdreg $0x60  }
0xaf: {  	[dreg:$0x2] =	wrdreg s24  }
0xb0: {  	[dreg:$0x3] =	wrdreg s2  }
0xb1: {  	[dreg:$0x4] =	wrdreg s18  }
0xb2: {  	[dreg:$0x5] =	wrdreg $0x9  }
0xb3: {  	_ =	task.clear_ibuf [dreg:s8], $0x6FFFF;
	_ =	strace $0x90000049  }
0xb4: {  	s29 =	simm.s32 $0x9;
	_ =	strace $0x8000004B  }
0xb5: {  	_ =	swait.ge [sflag:s29], $0x1  }
0xb6: {  	[sflag:s29] =	ssyncadd.s32 $0xFFFFFFFF  }
0xb7: {  	_ =	strace $0x9000004B  }
0xb8: {  	_ =	sfence  }
0xb9: {  	s30 =	sld [smem:$0x0];
	_ =	sdelay $0x2  }
0xba: {  	s31 =	sshll.u32 s1, $0xD;
	s1 =	sshrl.u32 s1, $0x2  }
0xbb: {  	s3 =	sand.u32 $0x4000, s31;
	s1 =	sadd.s32 s1, s30  }
0xbc: {  	s0 =	sor.u32 s3, s0;
	s1 =	sshll.u32 s1, $0x11  }
0xbd: {  	s0 =	sor.u32 s1, s0  }
0xbe: {  	s0 =	sadd.s32 $0x8F2B, s0  }
0xbf: {  	[sflag:s0] =	ssyncadd.remote.s32 $0x1  }
0xc0: {  	_ =	sfence.sel $0xFFFF  }
0xc1: {  	[dreg:$0x0] =	wrdreg $0xFFFFFFFF;
	(pc) =	sbr.abs _section_cstart, $3  }
0xc2: {  	[dreg:$0x1] =	wrdreg $0xFFFFFFFF  }
0xc3: {  	_ =	task.clear_ibuf [dreg:s8], $0x2FFFF;
	_ =	strace $0x9FFFFFFF  }
0xc4: {  	(tm) =	ssettm $0x7FFFFFFF  }
0xc5: {  	_ =	shalt  }
tec
execute0_lowered:
.L_overlay_start_1:
0x0: {  	(tag) =	ssettag $0x1  }
0x1: {  	s5 =	rddreg [dreg:$0x0]  }
0x2: {  	s1 =	rddreg [dreg:$0x1]  }
0x3: {  	s6 =	rddreg [dreg:$0x2]  }
0x4: {  	s0 =	rddreg [dreg:$0x3]  }
0x5: {  	s2 =	simm.s32 $0x0;
	s4 =	srdreg.scid;
	v0 =	vlaneseq.u32;
	s3 =	stileid.u32  }
0x6: {  	s12 =	simm.s32 $0x8080;
	s13 =	simm.s32 $0xA280;
	s14 =	simm.s32 $0x0;
	v0 =	vmul.u32 $0x11, v0  }
0x7: {  	[smem:$0x7FF] =	sst s2;
	s4 =	sand.u32 $0x1, s4;
	s8 =	sshll.u32 s3, $0xA  }
0x8: {  	_ =	strace $0x8000004A;
	s7 =	ssub.s32 $0x2, s4;
	s9 =	sshll.u32 s4, $0x9;
	v1 =	vadd.s32 $0x1, v0;
	v2 =	vadd.s32 $0x2, v0;
	v3 =	vadd.s32 $0x3, v0  }
0x9: {  	s4 =	sadd.s32 $0xC00, s5;
	s5 =	sadd.s32 $0x40E00, s5;
	s10 =	sshrl.u32 s7, $0x1;
	v4 =	vadd.s32 $0x4, v0;
	v5 =	vadd.s32 $0x5, v0;
	v6 =	vadd.s32 $0x6, v0  }
0xa: {  	s11 =	sor.u32 s9, s8;
	v7 =	vadd.s32 $0x7, v0;
	v8 =	vadd.s32 $0x8, v0;
	v9 =	vadd.s32 $0x9, v0;
	s9 =	simm.s32 $0x1;
	s7 =	ssub.s32 s7, s10  }
0xb: {  	v10 =	vadd.s32 $0xA, v0;
	v11 =	vadd.s32 $0xB, v0;
	v12 =	vadd.s32 $0xC, v0;
	s8 =	sshrl.u32 s11, $0x3;
	s10 =	sshll.u32 s11, $0x4;
	s11 =	simm.s32 $0x4000  }
0xc: {  	v13 =	vadd.s32 $0xD, v0;
	v14 =	vadd.s32 $0xE, v0;
	v15 =	vadd.s32 $0xF, v0;
	s6 =	sadd.s32 s6, s8;
	s7 =	smax.u32 s7, $0x1;
	s8 =	simm.s32 $0x8000  }
.LBB2_1:
0xd: {  	[tilespmem:s8], [sflag:$0x1] =	stream.linear.gather [hbm4b:s1+s2], $0x80, $0x38;
	[tilespmem:$0xA480] =	vst v63  }
0xe: {  	_ =	swait.ge [sflag:s9], $0x80  }
0xf: {  	[sflag:s9] =	ssyncset.done $0x0  }
0x10: {  	[sflag:s9] =	ssyncadd.s32 $0xFFFFFF80  }
0x11: {  	s15 =	simm.s32 $0x80A2;
	s16 =	simm.s32 $0x0;
	v16 =	vld [tilespmem:$0x8000]  }
.LBB2_2:
0x12: {  	s17 =	sshll.u32 s16, $0xB  }
0x13: {  	s17 =	sor.u32 s10, s17  }
0x14: {  	s18 =	sadd.s32 s4, s17  }
0x15: {  	[tilespmem:s2], [sflag:$0x1] =	stream.linear.gather [hbm4b:s18+s2], $0x4000, $0x38;
	[tilespmem:$0xA480] =	vst v63  }
0x16: {  	_ =	swait.ge [sflag:s9], $0x4000  }
0x17: {  	[sflag:s9] =	ssyncset.done $0x0  }
0x18: {  	s17 =	sadd.s32 s5, s17;
	[sflag:s9] =	ssyncadd.s32 $0xFFFFC000  }
0x19: {  	[tilespmem:s11], [sflag:$0x1] =	stream.linear.gather [hbm4b:s17+s2], $0x4000, $0x38;
	[tilespmem:$0xA480] =	vst v63  }
0x1a: {  	_ =	swait.ge [sflag:s9], $0x4000  }
0x1b: {  	[sflag:s9] =	ssyncset.done $0x0  }
0x1c: {  	s17 =	simm.s32 $0x100;
	[sflag:s9] =	ssyncadd.s32 $0xFFFFC000  }
0x1d: {  	s18 =	simm.s32 $0x4100;
	v17 =	vld [tilespmem:s17+$0xFFFFFF00]  }
0x1e: {  	v18 =	vld [tilespmem:s18+$0xFFFFFF00]  }
0x1f: {  	v19 =	vld [tilespmem:s17+$0xFFFFFF10]  }
0x20: {  	v20 =	vld [tilespmem:s18+$0xFFFFFF10]  }
0x21: {  	v21 =	vld [tilespmem:s18+$0xFFFFFF20]  }
0x22: {  	v22 =	vld [tilespmem:s17+$0xFFFFFF20]  }
0x23: {  	v23 =	vld [tilespmem:s18+$0xFFFFFF30]  }
0x24: {  	v24 =	vld [tilespmem:s17+$0xFFFFFF30]  }
0x25: {  	v17 =	vmul.f32 v18, v17;
	v18 =	vmul.f32 v20, v19;
	_ =	sdelay $0x1  }
0x26: {  	v17 =	vadd.f32 v18, v17;
	v18 =	vmul.f32 v21, v22;
	_ =	sdelay $0x1  }
0x27: {  	v17 =	vadd.f32 v18, v17;
	v18 =	vmul.f32 v23, v24;
	_ =	sdelay $0x1  }
0x28: {  	v17 =	vadd.f32 v18, v17;
	_ =	sdelay $0x1  }
0x29: {  	[tilespmem:s15+$0xFFFFFFDE] =	vst v17  }
0x2a: {  	v17 =	vld [tilespmem:s17+$0xFFFFFF80]  }
0x2b: {  	v18 =	vld [tilespmem:s18+$0xFFFFFF80]  }
0x2c: {  	v19 =	vld [tilespmem:s18+$0xFFFFFF90]  }
0x2d: {  	v20 =	vld [tilespmem:s17+$0xFFFFFF90]  }
0x2e: {  	v21 =	vld [tilespmem:s18+$0xFFFFFFA0]  }
0x2f: {  	v22 =	vld [tilespmem:s17+$0xFFFFFFA0]  }
0x30: {  	v23 =	vld [tilespmem:s18+$0xFFFFFFB0]  }
0x31: {  	v62 =	vld [tilespmem:s17+$0xFFFFFFB0]  }
0x32: {  	v17 =	vmul.f32 v18, v17;
	v18 =	vmul.f32 v19, v20;
	_ =	sdelay $0x1  }
0x33: {  	v17 =	vadd.f32 v18, v17;
	v18 =	vmul.f32 v21, v22;
	_ =	sdelay $0x1  }
0x34: {  	v17 =	vadd.f32 v18, v17;
	v18 =	vmul.f32 v23, v62;
	_ =	sdelay $0x1  }
0x35: {  	v17 =	vadd.f32 v18, v17;
	_ =	sdelay $0x1  }
0x36: {  	[tilespmem:s15+$0xFFFFFFEF] =	vst v17  }
0x37: {  	v17 =	vld [tilespmem:s17+$0x0]  }
0x38: {  	v18 =	vld [tilespmem:s18+$0x0]  }
0x39: {  	v19 =	vld [tilespmem:s18+$0x10]  }
0x3a: {  	v20 =	vld [tilespmem:s17+$0x10]  }
0x3b: {  	v21 =	vld [tilespmem:s18+$0x20]  }
0x3c: {  	v22 =	vld [tilespmem:s17+$0x20]  }
0x3d: {  	v23 =	vld [tilespmem:s18+$0x30]  }
0x3e: {  	v63 =	vld [tilespmem:s17+$0x30]  }
0x3f: {  	v17 =	vmul.f32 v18, v17;
	v18 =	vmul.f32 v19, v20;
	_ =	sdelay $0x1  }
0x40: {  	v17 =	vadd.f32 v18, v17;
	v18 =	vmul.f32 v21, v22;
	_ =	sdelay $0x1  }
0x41: {  	v17 =	vadd.f32 v18, v17;
	v18 =	vmul.f32 v23, v63;
	_ =	sdelay $0x1  }
0x42: {  	v17 =	vadd.f32 v18, v17;
	_ =	sdelay $0x1  }
0x43: {  	[tilespmem:s15+$0x0] =	vst v17  }
0x44: {  	v17 =	vld [tilespmem:s17+$0x80]  }
0x45: {  	v18 =	vld [tilespmem:s18+$0x90]  }
0x46: {  	s20 =	simm.s32 $0x0;
	s21 =	simm.s32 $0x4300;
	v20 =	vld [tilespmem:s17+$0x90]  }
0x47: {  	s22 =	smov.u32 s15;
	s23 =	simm.s32 $0x100;
	s19 =	smov.u32 s15;
	v19 =	vld [tilespmem:s18+$0x80]  }
.LBB2_3:
0x48: {  	s20 =	sadd.s32 $0x4, s20;
	v21 =	vld [tilespmem:s17+$0xA0];
	s22 =	sadd.s32 $0x44, s22;
	s23 =	sadd.s32 $0x200, s23  }
0x49: {  	p0 =	slt.u32 s20, $0x7C;
	v22 =	vld [tilespmem:s18+$0xA0]  }
0x4a: {  	v23 =	vld [tilespmem:s17+$0xB0];
	s17 =	smov.u32 s23  }
0x4b: {  	v18 =	vmul.f32 v18, v20;
	v20 =	vld [tilespmem:s18+$0xB0];
	s18 =	smov.u32 s21  }
0x4c: {  	v17 =	vmul.f32 v19, v17;
	_ =	sdelay $0x1  }
0x4d: {  	v17 =	vadd.f32 v18, v17;
	v18 =	vmul.f32 v22, v21;
	_ =	sdelay $0x1  }
0x4e: {  	v17 =	vadd.f32 v18, v17;
	v18 =	vmul.f32 v20, v23;
	_ =	sdelay $0x1  }
0x4f: {  	v17 =	vadd.f32 v18, v17;
	_ =	sdelay $0x1  }
0x50: {  	[tilespmem:s19+$0x11] =	vst v17;
	s19 =	smov.u32 s22  }
0x51: {  	v17 =	vld [tilespmem:s23+$0xFFFFFF00]  }
0x52: {  	v18 =	vld [tilespmem:s21+$0xFFFFFF00]  }
0x53: {  	v19 =	vld [tilespmem:s23+$0xFFFFFF10]  }
0x54: {  	v20 =	vld [tilespmem:s21+$0xFFFFFF10]  }
0x55: {  	v21 =	vld [tilespmem:s21+$0xFFFFFF20]  }
0x56: {  	v22 =	vld [tilespmem:s23+$0xFFFFFF20]  }
0x57: {  	v23 =	vld [tilespmem:s21+$0xFFFFFF30]  }
0x58: {  	v24 =	vld [tilespmem:s23+$0xFFFFFF30]  }
0x59: {  	v17 =	vmul.f32 v18, v17;
	v18 =	vmul.f32 v20, v19;
	_ =	sdelay $0x1  }
0x5a: {  	v17 =	vadd.f32 v18, v17;
	v18 =	vmul.f32 v21, v22;
	_ =	sdelay $0x1  }
0x5b: {  	v17 =	vadd.f32 v18, v17;
	v18 =	vmul.f32 v23, v24;
	_ =	sdelay $0x1  }
0x5c: {  	v17 =	vadd.f32 v18, v17;
	_ =	sdelay $0x1  }
0x5d: {  	[tilespmem:s22+$0xFFFFFFDE] =	vst v17  }
0x5e: {  	v17 =	vld [tilespmem:s23+$0xFFFFFF80]  }
0x5f: {  	v18 =	vld [tilespmem:s21+$0xFFFFFF80]  }
0x60: {  	v19 =	vld [tilespmem:s21+$0xFFFFFFA0];
	_ =	sdelay $0x1  }
0x61: {  	v20 =	vld [tilespmem:s21+$0xFFFFFF90]  }
0x62: {  	v21 =	vld [tilespmem:s23+$0xFFFFFF90]  }
0x63: {  	v17 =	vmul.f32 v18, v17  }
0x64: {  	v18 =	vld [tilespmem:s23+$0xFFFFFFA0]  }
0x65: {  	v22 =	vld [tilespmem:s21+$0xFFFFFFB0]  }
0x66: {  	v23 =	vld [tilespmem:s23+$0xFFFFFFB0]  }
0x67: {  	v20 =	vmul.f32 v20, v21;
	_ =	sdelay $0x1  }
0x68: {  	v17 =	vadd.f32 v20, v17;
	v18 =	vmul.f32 v19, v18;
	_ =	sdelay $0x1  }
0x69: {  	v17 =	vadd.f32 v18, v17;
	v18 =	vmul.f32 v22, v23;
	_ =	sdelay $0x1  }
0x6a: {  	v17 =	vadd.f32 v18, v17;
	_ =	sdelay $0x1  }
0x6b: {  	[tilespmem:s22+$0xFFFFFFEF] =	vst v17  }
0x6c: {  	v17 =	vld [tilespmem:s23+$0x0]  }
0x6d: {  	v18 =	vld [tilespmem:s21+$0x0]  }
0x6e: {  	v19 =	vld [tilespmem:s21+$0x10];
	_ =	sdelay $0x1  }
0x6f: {  	v20 =	vld [tilespmem:s23+$0x10]  }
0x70: {  	v21 =	vld [tilespmem:s21+$0x20]  }
0x71: {  	v17 =	vmul.f32 v18, v17;
	v18 =	vld [tilespmem:s23+$0x20]  }
0x72: {  	v22 =	vld [tilespmem:s21+$0x30]  }
0x73: {  	v23 =	vld [tilespmem:s23+$0x30]  }
0x74: {  	v19 =	vmul.f32 v19, v20;
	_ =	sdelay $0x1  }
0x75: {  	v17 =	vadd.f32 v19, v17;
	v18 =	vmul.f32 v21, v18;
	_ =	sdelay $0x1  }
0x76: {  	v17 =	vadd.f32 v18, v17;
	v18 =	vmul.f32 v22, v23;
	_ =	sdelay $0x1  }
0x77: {  	v17 =	vadd.f32 v18, v17;
	_ =	sdelay $0x1  }
.Ltmp0:
0x78: {  	[tilespmem:s22+$0x0] =	vst v17;
	(pc) =	sbr.rel @p0 .LBB2_3-.Ltmp0, $4  }
0x79: {  	v17 =	vld [tilespmem:s23+$0x80]  }
0x7a: {  	v18 =	vld [tilespmem:s21+$0x90]  }
0x7b: {  	v20 =	vld [tilespmem:s23+$0x90]  }
0x7c: {  	s21 =	sadd.s32 $0x200, s21;
	v19 =	vld [tilespmem:s18+$0x80]  }
0x7d: {  	v21 =	vld [tilespmem:s17+$0xA0]  }
0x7e: {  	v22 =	vld [tilespmem:s18+$0xA0]  }
0x7f: {  	v23 =	vld [tilespmem:s17+$0xB0]  }
0x80: {  	v24 =	vld [tilespmem:s18+$0xB0]  }
0x81: {  	v18 =	vmul.f32 v18, v20;
	v17 =	vmul.f32 v19, v17;
	_ =	sdelay $0x1  }
0x82: {  	s16 =	sadd.s32 $0x1, s16;
	v17 =	vadd.f32 v18, v17;
	v18 =	vmul.f32 v22, v21  }
0x83: {  	p0 =	sne.s32 s16, $0x4  }
.Ltmp1:
0x84: {  	v17 =	vadd.f32 v18, v17;
	v18 =	vmul.f32 v24, v23;
	(pc) =	sbr.rel @p0 .LBB2_2-.Ltmp1, $3  }
0x85: {  	_ = 	snop  }
0x86: {  	v17 =	vadd.f32 v18, v17;
	_ =	sdelay $0x1  }
0x87: {  	s15 =	sadd.s32 $0x880, s15;
	[tilespmem:s19+$0x11] =	vst v17  }
0x88: {  	s15 =	simm.s32 $0x0  }
0x89: {  	v17 =	vadd.s32 s15, v0;
	_ =	sdelay $0x1  }
0x8a: {  	v18 =	vadd.s32 s15, v1;
	_ =	sdelay $0x1  }
0x8b: {  	v19 =	vadd.s32 s15, v2  }
0x8c: {  	v17 =	vld.idx.msk [tilespmem:v17+s12+$0x0], $0xffff  }
0x8d: {  	v20 =	vadd.s32 s15, v3  }
0x8e: {  	v18 =	vld.idx.msk [tilespmem:v18+s12+$0x0], $0xffff  }
0x8f: {  	v21 =	vadd.s32 s15, v4  }
0x90: {  	v19 =	vld.idx.msk [tilespmem:v19+s12+$0x0], $0xffff  }
0x91: {  	v22 =	vadd.s32 s15, v5;
	v17 =	vadd.f32 v17, v16  }
0x92: {  	v20 =	vld.idx.msk [tilespmem:v20+s12+$0x0], $0xffff  }
0x93: {  	v23 =	vadd.s32 s15, v6;
	v17 =	vadd.f32 v18, v17  }
0x94: {  	v18 =	vld.idx.msk [tilespmem:v21+s12+$0x0], $0xffff  }
0x95: {  	v34 =	vadd.s32 s15, v7;
	v17 =	vadd.f32 v19, v17  }
0x96: {  	v19 =	vld.idx.msk [tilespmem:v22+s12+$0x0], $0xffff  }
0x97: {  	v35 =	vadd.s32 s15, v8;
	v17 =	vadd.f32 v20, v17  }
0x98: {  	v36 =	vld.idx.msk [tilespmem:v23+s12+$0x0], $0xffff  }
0x99: {  	v37 =	vadd.s32 s15, v9;
	v17 =	vadd.f32 v18, v17  }
0x9a: {  	v18 =	vld.idx.msk [tilespmem:v34+s12+$0x0], $0xffff  }
0x9b: {  	v38 =	vadd.s32 s15, v10;
	v17 =	vadd.f32 v19, v17  }
0x9c: {  	v19 =	vld.idx.msk [tilespmem:v35+s12+$0x0], $0xffff  }
0x9d: {  	v39 =	vadd.s32 s15, v11;
	v17 =	vadd.f32 v36, v17  }
0x9e: {  	v40 =	vld.idx.msk [tilespmem:v37+s12+$0x0], $0xffff  }
0x9f: {  	v41 =	vadd.s32 s15, v12;
	v17 =	vadd.f32 v18, v17  }
0xa0: {  	v18 =	vld.idx.msk [tilespmem:v38+s12+$0x0], $0xffff  }
0xa1: {  	v42 =	vadd.s32 s15, v13;
	v17 =	vadd.f32 v19, v17  }
0xa2: {  	v19 =	vld.idx.msk [tilespmem:v39+s12+$0x0], $0xffff  }
0xa3: {  	v43 =	vadd.s32 s15, v14;
	v17 =	vadd.f32 v40, v17  }
0xa4: {  	v44 =	vld.idx.msk [tilespmem:v41+s12+$0x0], $0xffff  }
0xa5: {  	v45 =	vadd.s32 s15, v15;
	v17 =	vadd.f32 v18, v17  }
0xa6: {  	v18 =	vld.idx.msk [tilespmem:v42+s12+$0x0], $0xffff  }
0xa7: {  	v17 =	vadd.f32 v19, v17  }
0xa8: {  	v19 =	vld.idx.msk [tilespmem:v43+s12+$0x0], $0xffff  }
0xa9: {  	v17 =	vadd.f32 v44, v17  }
0xaa: {  	v46 =	vld.idx.msk [tilespmem:v45+s12+$0x0], $0xffff  }
0xab: {  	v17 =	vadd.f32 v18, v17;
	_ =	sdelay $0x1  }
0xac: {  	v17 =	vadd.f32 v19, v17;
	_ =	sdelay $0x1  }
0xad: {  	v17 =	vadd.f32 v46, v17;
	_ =	sdelay $0x1  }
0xae: {  	v17 =	vsub.f32 $0.0e+00, v17;
	_ =	sdelay $0x1  }
0xaf: {  	v17 =	vmul.f32 $1.442695020e+00, v17;
	_ =	sdelay $0x1  }
0xb0: {  	(erf) = vpow2.f32 v17;
	_ =	sdelay $0x8  }
0xb1: {  	v17 =	vpop (erf)  }
0xb2: {  	v17 =	vadd.f32 $1.000000000e+00, v17;
	_ =	sdelay $0x1  }
0xb3: {  	(erf) = vrcp.f32 v17;
	_ =	sdelay $0x4  }
0xb4: {  	s16 =	simm.s32 $0x110  }
0xb5: {  	v17 =	vadd.s32 s16, v0;
	_ =	sdelay $0x1  }
0xb6: {  	v18 =	vadd.s32 s16, v1  }
0xb7: {  	s15 =	simm.s32 $0xA280;
	v19 =	vpop (erf)  }
0xb8: {  	v47 =	vadd.s32 s16, v2;
	[tilespmem:s15+$0x0] =	vst v19  }
0xb9: {  	v17 =	vld.idx.msk [tilespmem:v17+s12+$0x0], $0xffff  }
0xba: {  	v19 =	vadd.s32 s16, v3  }
0xbb: {  	v18 =	vld.idx.msk [tilespmem:v18+s12+$0x0], $0xffff  }
0xbc: {  	v48 =	vadd.s32 s16, v4  }
0xbd: {  	v20 =	vld.idx.msk [tilespmem:v47+s12+$0x0], $0xffff  }
0xbe: {  	v49 =	vadd.s32 s16, v5;
	v17 =	vadd.f32 v17, v16  }
0xbf: {  	v19 =	vld.idx.msk [tilespmem:v19+s12+$0x0], $0xffff  }
0xc0: {  	v50 =	vadd.s32 s16, v6;
	v17 =	vadd.f32 v18, v17  }
0xc1: {  	v18 =	vld.idx.msk [tilespmem:v48+s12+$0x0], $0xffff  }
0xc2: {  	v51 =	vadd.s32 s16, v7;
	v17 =	vadd.f32 v20, v17  }
0xc3: {  	v52 =	vld.idx.msk [tilespmem:v49+s12+$0x0], $0xffff  }
0xc4: {  	v53 =	vadd.s32 s16, v8;
	v17 =	vadd.f32 v19, v17  }
0xc5: {  	v19 =	vld.idx.msk [tilespmem:v50+s12+$0x0], $0xffff  }
0xc6: {  	v54 =	vadd.s32 s16, v9;
	v17 =	vadd.f32 v18, v17  }
0xc7: {  	v18 =	vld.idx.msk [tilespmem:v51+s12+$0x0], $0xffff  }
0xc8: {  	v55 =	vadd.s32 s16, v10;
	v17 =	vadd.f32 v52, v17  }
0xc9: {  	v56 =	vld.idx.msk [tilespmem:v53+s12+$0x0], $0xffff  }
0xca: {  	v57 =	vadd.s32 s16, v11;
	v17 =	vadd.f32 v19, v17  }
0xcb: {  	v19 =	vld.idx.msk [tilespmem:v54+s12+$0x0], $0xffff  }
0xcc: {  	v58 =	vadd.s32 s16, v12;
	v17 =	vadd.f32 v18, v17  }
0xcd: {  	v18 =	vld.idx.msk [tilespmem:v55+s12+$0x0], $0xffff  }
0xce: {  	v59 =	vadd.s32 s16, v13;
	v17 =	vadd.f32 v56, v17  }
0xcf: {  	v60 =	vld.idx.msk [tilespmem:v57+s12+$0x0], $0xffff  }
0xd0: {  	v61 =	vadd.s32 s16, v14;
	v17 =	vadd.f32 v19, v17  }
0xd1: {  	v19 =	vld.idx.msk [tilespmem:v58+s12+$0x0], $0xffff  }
0xd2: {  	v62 =	vadd.s32 s16, v15;
	v17 =	vadd.f32 v18, v17  }
0xd3: {  	v18 =	vld.idx.msk [tilespmem:v59+s12+$0x0], $0xffff  }
0xd4: {  	v17 =	vadd.f32 v60, v17  }
0xd5: {  	v63 =	vld.idx.msk [tilespmem:v61+s12+$0x0], $0xffff  }
0xd6: {  	v17 =	vadd.f32 v19, v17  }
0xd7: {  	v19 =	vld.idx.msk [tilespmem:v62+s12+$0x0], $0xffff  }
0xd8: {  	v17 =	vadd.f32 v18, v17;
	_ =	sdelay $0x1  }
0xd9: {  	v17 =	vadd.f32 v63, v17;
	_ =	sdelay $0x1  }
0xda: {  	v17 =	vadd.f32 v19, v17;
	_ =	sdelay $0x1  }
0xdb: {  	v17 =	vsub.f32 $0.0e+00, v17;
	_ =	sdelay $0x1  }
0xdc: {  	v17 =	vmul.f32 $1.442695020e+00, v17;
	_ =	sdelay $0x1  }
0xdd: {  	(erf) = vpow2.f32 v17;
	_ =	sdelay $0x8  }
0xde: {  	v17 =	vpop (erf)  }
0xdf: {  	v17 =	vadd.f32 $1.000000000e+00, v17;
	_ =	sdelay $0x1  }
0xe0: {  	(erf) = vrcp.f32 v17;
	_ =	sdelay $0x4  }
0xe1: {  	s16 =	simm.s32 $0x220  }
0xe2: {  	s17 =	simm.s32 $0x330;
	v17 =	vadd.s32 s16, v0  }
.LBB2_6:
0xe3: {  	p0 =	sne.s32 s17, $0x20F0  }
0xe4: {  	v18 =	vadd.s32 s16, v1  }
0xe5: {  	s15 =	sadd.s32 $0x10, s15;
	v19 =	vpop (erf)  }
0xe6: {  	v20 =	vadd.s32 s16, v2;
	[tilespmem:s15+$0x0] =	vst v19  }
0xe7: {  	v17 =	vld.idx.msk [tilespmem:v17+s12+$0x0], $0xffff  }
0xe8: {  	v19 =	vadd.s32 s16, v3  }
0xe9: {  	v18 =	vld.idx.msk [tilespmem:v18+s12+$0x0], $0xffff  }
0xea: {  	v21 =	vadd.s32 s16, v4  }
0xeb: {  	v20 =	vld.idx.msk [tilespmem:v20+s12+$0x0], $0xffff  }
0xec: {  	v22 =	vadd.s32 s16, v5  }
0xed: {  	v17 =	vadd.f32 v17, v16;
	v19 =	vld.idx.msk [tilespmem:v19+s12+$0x0], $0xffff  }
0xee: {  	v23 =	vadd.s32 s16, v6  }
0xef: {  	v17 =	vadd.f32 v18, v17;
	v18 =	vld.idx.msk [tilespmem:v21+s12+$0x0], $0xffff  }
0xf0: {  	v21 =	vadd.s32 s16, v7  }
0xf1: {  	v17 =	vadd.f32 v20, v17;
	v20 =	vld.idx.msk [tilespmem:v22+s12+$0x0], $0xffff  }
0xf2: {  	v22 =	vadd.s32 s16, v8  }
0xf3: {  	v17 =	vadd.f32 v19, v17;
	v19 =	vld.idx.msk [tilespmem:v23+s12+$0x0], $0xffff  }
0xf4: {  	v23 =	vadd.s32 s16, v9  }
0xf5: {  	v17 =	vadd.f32 v18, v17;
	v18 =	vld.idx.msk [tilespmem:v21+s12+$0x0], $0xffff  }
0xf6: {  	v21 =	vadd.s32 s16, v10  }
0xf7: {  	v17 =	vadd.f32 v20, v17;
	v20 =	vld.idx.msk [tilespmem:v22+s12+$0x0], $0xffff  }
0xf8: {  	v22 =	vadd.s32 s16, v11  }
0xf9: {  	v17 =	vadd.f32 v19, v17;
	v19 =	vld.idx.msk [tilespmem:v23+s12+$0x0], $0xffff  }
0xfa: {  	v23 =	vadd.s32 s16, v12  }
0xfb: {  	v17 =	vadd.f32 v18, v17;
	v18 =	vld.idx.msk [tilespmem:v21+s12+$0x0], $0xffff  }
0xfc: {  	v21 =	vadd.s32 s16, v13  }
0xfd: {  	v17 =	vadd.f32 v20, v17;
	v20 =	vld.idx.msk [tilespmem:v22+s12+$0x0], $0xffff  }
0xfe: {  	v22 =	vadd.s32 s16, v14  }
0xff: {  	v17 =	vadd.f32 v19, v17;
	v19 =	vld.idx.msk [tilespmem:v23+s12+$0x0], $0xffff  }
0x100: {  	v23 =	vadd.s32 s16, v15;
	s16 =	smov.u32 s17  }
0x101: {  	v17 =	vadd.f32 v18, v17;
	v18 =	vld.idx.msk [tilespmem:v21+s12+$0x0], $0xffff;
	_ =	sdelay $0x1  }
0x102: {  	v17 =	vadd.f32 v20, v17;
	v20 =	vld.idx.msk [tilespmem:v22+s12+$0x0], $0xffff;
	_ =	sdelay $0x1  }
0x103: {  	v17 =	vadd.f32 v19, v17;
	v19 =	vld.idx.msk [tilespmem:v23+s12+$0x0], $0xffff;
	_ =	sdelay $0x1  }
0x104: {  	v17 =	vadd.f32 v18, v17;
	_ =	sdelay $0x1  }
0x105: {  	v17 =	vadd.f32 v20, v17;
	_ =	sdelay $0x1  }
0x106: {  	v17 =	vadd.f32 v19, v17;
	_ =	sdelay $0x1  }
0x107: {  	v17 =	vsub.f32 $0.0e+00, v17;
	_ =	sdelay $0x1  }
0x108: {  	v17 =	vmul.f32 $1.442695020e+00, v17;
	_ =	sdelay $0x1  }
0x109: {  	(erf) = vpow2.f32 v17;
	_ =	sdelay $0x8  }
0x10a: {  	v17 =	vpop (erf)  }
0x10b: {  	v17 =	vadd.f32 $1.000000000e+00, v17;
	_ =	sdelay $0x1  }
0x10c: {  	(erf) = vrcp.f32 v17;
	_ =	sdelay $0x1  }
.Ltmp2:
0x10d: {  	(pc) =	sbr.rel @p0 .LBB2_6-.Ltmp2, $2  }
0x10e: {  	_ =	sdelay $0x2  }
0x10f: {  	s17 =	sadd.s32 $0x110, s17;
	v17 =	vadd.s32 s16, v0  }
0x110: {  	_ = 	snop  }
0x111: {  	v18 =	vadd.s32 s16, v1  }
0x112: {  	s15 =	sadd.s32 $0x10, s15;
	v19 =	vpop (erf)  }
0x113: {  	v20 =	vadd.s32 s16, v2;
	[tilespmem:s15+$0x0] =	vst v19  }
0x114: {  	v17 =	vld.idx.msk [tilespmem:v17+s12+$0x0], $0xffff  }
0x115: {  	v45 =	vadd.s32 s16, v3  }
0x116: {  	v18 =	vld.idx.msk [tilespmem:v18+s12+$0x0], $0xffff  }
0x117: {  	v21 =	vadd.s32 s16, v4  }
0x118: {  	v20 =	vld.idx.msk [tilespmem:v20+s12+$0x0], $0xffff  }
0x119: {  	v22 =	vadd.s32 s16, v5;
	v16 =	vadd.f32 v17, v16  }
0x11a: {  	v17 =	vld.idx.msk [tilespmem:v45+s12+$0x0], $0xffff  }
0x11b: {  	v46 =	vadd.s32 s16, v6;
	v16 =	vadd.f32 v18, v16  }
0x11c: {  	v47 =	vld.idx.msk [tilespmem:v21+s12+$0x0], $0xffff  }
0x11d: {  	v48 =	vadd.s32 s16, v7;
	v16 =	vadd.f32 v20, v16  }
0x11e: {  	v49 =	vld.idx.msk [tilespmem:v22+s12+$0x0], $0xffff  }
0x11f: {  	v50 =	vadd.s32 s16, v8;
	v16 =	vadd.f32 v17, v16  }
0x120: {  	v17 =	vld.idx.msk [tilespmem:v46+s12+$0x0], $0xffff  }
0x121: {  	v51 =	vadd.s32 s16, v9;
	v16 =	vadd.f32 v47, v16  }
0x122: {  	v52 =	vld.idx.msk [tilespmem:v48+s12+$0x0], $0xffff  }
0x123: {  	v53 =	vadd.s32 s16, v10;
	v16 =	vadd.f32 v49, v16  }
0x124: {  	v54 =	vld.idx.msk [tilespmem:v50+s12+$0x0], $0xffff  }
0x125: {  	v55 =	vadd.s32 s16, v11;
	v16 =	vadd.f32 v17, v16  }
0x126: {  	v17 =	vld.idx.msk [tilespmem:v51+s12+$0x0], $0xffff  }
0x127: {  	v56 =	vadd.s32 s16, v12;
	v16 =	vadd.f32 v52, v16  }
0x128: {  	v57 =	vld.idx.msk [tilespmem:v53+s12+$0x0], $0xffff  }
0x129: {  	v58 =	vadd.s32 s16, v13;
	v16 =	vadd.f32 v54, v16  }
0x12a: {  	v59 =	vld.idx.msk [tilespmem:v55+s12+$0x0], $0xffff  }
0x12b: {  	v60 =	vadd.s32 s16, v14;
	v16 =	vadd.f32 v17, v16  }
0x12c: {  	v17 =	vld.idx.msk [tilespmem:v56+s12+$0x0], $0xffff  }
0x12d: {  	v61 =	vadd.s32 s16, v15;
	v16 =	vadd.f32 v57, v16  }
0x12e: {  	v62 =	vld.idx.msk [tilespmem:v58+s12+$0x0], $0xffff  }
0x12f: {  	v16 =	vadd.f32 v59, v16  }
0x130: {  	v63 =	vld.idx.msk [tilespmem:v60+s12+$0x0], $0xffff  }
0x131: {  	v16 =	vadd.f32 v17, v16  }
0x132: {  	v17 =	vld.idx.msk [tilespmem:v61+s12+$0x0], $0xffff  }
0x133: {  	v16 =	vadd.f32 v62, v16;
	_ =	sdelay $0x1  }
0x134: {  	v16 =	vadd.f32 v63, v16;
	_ =	sdelay $0x1  }
0x135: {  	v16 =	vadd.f32 v17, v16;
	_ =	sdelay $0x1  }
0x136: {  	v16 =	vsub.f32 $0.0e+00, v16;
	_ =	sdelay $0x1  }
0x137: {  	v16 =	vmul.f32 $1.442695020e+00, v16;
	_ =	sdelay $0x1  }
0x138: {  	(erf) = vpow2.f32 v16;
	_ =	sdelay $0x8  }
0x139: {  	v16 =	vpop (erf)  }
0x13a: {  	v16 =	vadd.f32 $1.000000000e+00, v16;
	_ =	sdelay $0x1  }
0x13b: {  	(erf) = vrcp.f32 v16;
	_ =	sdelay $0x7  }
0x13c: {  	s14 =	sadd.s32 $0x1, s14  }
0x13d: {  	p0 =	sne.s32 s14, s7;
	s15 =	sadd.s32 $0x10, s15;
	v16 =	vpop (erf)  }
.Ltmp3:
0x13e: {  	[tilespmem:s15+$0x0] =	vst v16;
	(pc) =	sbr.rel @p0 .LBB2_1-.Ltmp3, $4  }
0x13f: {  	[hbm4b:s6+s2] =	stream.linear.scatter [tilespmem:s13], [sflag:$0x1], $0x200, $0x38;
	[tilespmem:$0xA480] =	vst v63  }
0x140: {  	_ =	swait.ge [sflag:s9], $0x200  }
0x141: {  	[sflag:s9] =	ssyncset.done $0x0  }
0x142: {  	[sflag:s9] =	ssyncadd.s32 $0xFFFFFE00  }
0x143: {  	_ =	sfence.sel $0x180000  }
0x144: {  	[bflag:$0x0] =	sbarrier.arrive $0xFFFF  }
0x145: {  	p0 =	sne.s32 s3, $0x0;
	_ =	strace $0x9000004A  }
0x146: {  	s0 =	sadd.s32 @!p0 $0x100000, s0;
	[bflag:$0x2] =	sbarrier.arrive $0xFFFF  }
0x147: {  	[sflag:s0] =	ssyncadd.tile.s32 @!p0 $0x1;
	_ =	shalt  }
.Lfunc_end2:
_tile_overlayer_lowered:
.L_overlay_start_2:
0x148: {  	(tag) =	ssettag $0x2  }
0x149: {  	s0 =	rddreg [dreg:$0x0];
	s2 =	stileid.u32  }
0x14a: {  	s1 =	rddreg [dreg:$0x1];
	p0 =	sne.s32 s2, $0x0  }
0x14b: {  	s3 =	rddreg [dreg:$0x2];
	[bflag:$0x3] =	sbarrier.arrive $0xFFFF;
	s2 =	simm.s32 @!p0 $0x1C01  }
0x14c: {  	[timem:s3], [sflag:s2] =	dma.local @!p0 [hbm:s0], s1  }
0x14d: {  	s0 =	simm.s32 @!p0 $0x1  }
0x14e: {  	_ =	swait.ge @!p0 [sflag:s0], s1  }
0x14f: {  	s1 =	ssub.s32 @!p0 $0x0, s1;
	[sflag:s0] =	ssyncset.done @!p0 $0x0  }
0x150: {  	[sflag:s0] =	ssyncadd.s32 @!p0 s1  }
0x151: {  	[bflag:$0x3] =	sbarrier.arrive $0xFFFF  }
0x152: {  	_ =	shalt  }

</sc_bundles>
